<compile_context>
chip_gen: v7x
topology: tpu7x:2x2x1
jax: 0.10.2.dev20260603
libtpu: 0.0.44.dev20260713+nightly
codegen_flags: <defaults>
</compile_context>

<pallas_src>
import functools

import jax
import jax.numpy as jnp
import numpy as np
from jax import lax
from jax.experimental import pallas as pl
from jax.experimental.pallas import tpu as pltpu
from jax.experimental.pallas import tpu_sc as plsc

_BATCH = 65536
_N_PRED = 256
_COLS = (0, 3, 17, 42, 97, 128, 200, 255)
_SIGNS = (-1.0, 1.0, -1.0, 1.0, 1.0, -1.0, 1.0, -1.0)
_L = len(_COLS)
_MIN_W = 0.0
_MAX_W = 500.0

_IDX_CONST = np.asarray(_COLS, dtype=np.int32).reshape(-1, 1)

_BSC = 16384
_LANES = 16
_NUM_CORES = 2
_NUM_SUBCORES = 16
_NW = _NUM_CORES * _NUM_SUBCORES
_RPW = _BSC // _NW
_WPW = _RPW * _L
_CHUNK = 128
_CHUNK_W = _CHUNK * _N_PRED
_NCHUNK = _RPW // _CHUNK
_GROUPS = _CHUNK // _LANES

_COLTERM = tuple(((c >> 7) * 1024 + (c & 127)) for c in _COLS)


def _tec_body(ga_hbm, w_hbm, out_hbm, sa, sb, outv, wv, sema, semb):
    wid = lax.axis_index("s") * _NUM_CORES + lax.axis_index("c")
    wbase = wid * (_RPW * _N_PRED)

    pltpu.sync_copy(w_hbm, wv)
    w16 = wv[...]
    w16 = jnp.minimum(jnp.maximum(w16, _MIN_W), _MAX_W)

    lane = lax.broadcasted_iota(jnp.int32, (_LANES,), 0)
    laneoff = (lane >> 3) * 2048 + (lane & 7) * 128

    pltpu.make_async_copy(
        ga_hbm.at[pl.ds(wbase, _CHUNK_W)], sa, sema).start()
    pltpu.make_async_copy(
        ga_hbm.at[pl.ds(wbase + _CHUNK_W, _CHUNK_W)], sb, semb).start()

    def body(g, carry):
        for b, (buf, sem) in enumerate(((sa, sema), (sb, semb))):
            c = 2 * g + b
            slab0 = wbase + c * _CHUNK_W
            pltpu.make_async_copy(
                ga_hbm.at[pl.ds(slab0, _CHUNK_W)], buf, sem).wait()

            for s in range(_GROUPS):
                ivec = laneoff + (s * 4096)
                xs = []
                for j, sg in enumerate(_SIGNS):
                    x = plsc.load_gather(buf, [ivec + _COLTERM[j]])
                    xs.append(-x if sg < 0 else x)
                m = xs[0]
                for x in xs[1:]:
                    m = jnp.maximum(m, x)
                es = [jnp.exp(x - m) for x in xs]
                tot = es[0]
                for e in es[1:]:
                    tot = tot + e
                scale = w16 / tot
                off = c * 1024 + s * _LANES
                for j, sg in enumerate(_SIGNS):
                    d = es[j] * scale
                    if sg < 0:
                        d = -d
                    outv[pl.ds(off + j * 128, _LANES)] = d

            @pl.when(g < _NCHUNK // 2 - 1)
            def _prefetch():
                pltpu.make_async_copy(
                    ga_hbm.at[pl.ds(slab0 + 2 * _CHUNK_W, _CHUNK_W)], buf,
                    sem).start()
        return carry

    lax.fori_loop(0, _NCHUNK // 2, body, 0)
    pltpu.sync_copy(outv, out_hbm.at[pl.ds(wid * _WPW, _WPW)])


def _delta_sc(ga_lin, wvec):
    mesh = plsc.VectorSubcoreMesh(core_axis_name="c", subcore_axis_name="s")
    k = functools.partial(
        pl.kernel,
        mesh=mesh,
        compiler_params=pltpu.CompilerParams(
            use_tc_tiling_on_sc=False, needs_layout_passes=False),
        out_type=jax.ShapeDtypeStruct((_BSC * _L,), jnp.float32),
        scratch_types=[
            pltpu.VMEM((_CHUNK_W,), jnp.float32),
            pltpu.VMEM((_CHUNK_W,), jnp.float32),
            pltpu.VMEM((_WPW,), jnp.float32),
            pltpu.VMEM((_LANES,), jnp.float32),
            pltpu.SemaphoreType.DMA,
            pltpu.SemaphoreType.DMA,
        ],
    )(_tec_body)
    return k(ga_lin, wvec)


_BTC = _BATCH - _BSC
_RB = 8192

_G = np.zeros((_L, _N_PRED), dtype=np.float32)
for _j, (_c, _s) in enumerate(zip(_COLS, _SIGNS)):
    _G[_j, _c] = _s


def _tc_body(w_ref, x_ref, g_ref, out_ref):
    x = x_ref[...]
    g = g_ref[...]
    sel = jax.lax.dot_general(
        g, x, (((1,), (1,)), ((), ())),
        preferred_element_type=jnp.float32)
    m = jnp.max(sel, axis=0, keepdims=True)
    e = jnp.exp(sel - m)
    tot = jnp.sum(e, axis=0, keepdims=True)
    w = jnp.minimum(jnp.maximum(w_ref[0, 0], _MIN_W), _MAX_W)
    rid = lax.broadcasted_iota(jnp.int32, (_L, 1), 0)
    neg = jnp.zeros((), jnp.bool_)
    for j, s in enumerate(_SIGNS):
        if s < 0:
            neg = neg | (rid == j)
    sgn = jnp.where(neg, -1.0, 1.0).astype(jnp.float32)
    out_ref[...] = e * (w / tot) * sgn


def _delta_tc(ground_atoms, w11):
    return pl.pallas_call(
        _tc_body,
        grid=(_BTC // _RB,),
        in_specs=[
            pl.BlockSpec(memory_space=pltpu.SMEM),
            pl.BlockSpec((_RB, _N_PRED), lambda i: (i + _BSC // _RB, 0)),
            pl.BlockSpec((_L, _N_PRED), lambda i: (0, 0)),
        ],
        out_specs=pl.BlockSpec((_L, _RB), lambda i: (0, i)),
        out_shape=jax.ShapeDtypeStruct((_L, _BTC), jnp.float32),
        compiler_params=pltpu.CompilerParams(
            dimension_semantics=("arbitrary",)),
    )(w11, ground_atoms, jnp.asarray(_G))


@jax.jit
def _delta(ground_atoms, wvec, w11):
    ga_lin = (
        ground_atoms.reshape(_BATCH // 8, 8, _N_PRED // 128, 128)
        .transpose(0, 2, 1, 3)
        .reshape(-1)
    )
    flat_sc = _delta_sc(ga_lin, wvec)
    delta_tc_t = _delta_tc(ground_atoms, w11)
    delta_sc = (
        flat_sc.reshape(_BSC // 128, _L, 128)
        .transpose(0, 2, 1)
        .reshape(_BSC, _L)
    )
    return jnp.concatenate([delta_sc, delta_tc_t.T], axis=0)


def kernel(ground_atoms, clause_weight):
    wvec = jnp.broadcast_to(jnp.reshape(clause_weight, (1,)), (_LANES,))
    w11 = jnp.reshape(clause_weight, (1, 1))
    delta = _delta(ground_atoms, wvec, w11)
    return (delta, jnp.asarray(_IDX_CONST))

# --- scband reference (transcript-rebuilt; emitter-appended) ---
"""Pipeline reference for scband-clause-enhancer-7198365188234 (READ-ONLY COPY).

The authoritative reference and input builder live on the scoring server;
editing this copy changes nothing except your own understanding.
"""

import jax, jax.numpy as jnp
import numpy as np

BATCH = 65536
N_PRED = 256
GATHER_IDX = np.array([0, 3, 17, 42, 97, 128, 200, 255], dtype=np.int64)
SIGNS = np.array([-1.0, 1.0, -1.0, 1.0, 1.0, -1.0, 1.0, -1.0], dtype=np.float32)
MIN_W = 0.0
MAX_W = 500.0


def setup_inputs(seed: int = 0) -> dict:
    key = jax.random.key(seed)
    ground_atoms = jax.random.normal(key, (BATCH, N_PRED), dtype=jnp.float32)
    # learned clause weight (initial_clause_weight = 0.5, learned since weight string is '_')
    clause_weight = jnp.asarray(0.5, dtype=jnp.float32)
    return {"ground_atoms": ground_atoms, "clause_weight": clause_weight}


def reference(ground_atoms, clause_weight):
    gidx = jnp.asarray(GATHER_IDX)
    signs = jnp.asarray(SIGNS)
    # GodelBoostConormApprox: clip weight, then delta = signs * w * softmax(signs * selected)
    w = jnp.clip(clause_weight, MIN_W, MAX_W)
    selected = jnp.take(ground_atoms, gidx, axis=-1)  # gather literal columns [B, L]
    delta = signs * w * jax.nn.softmax(signs * selected, axis=-1)
    # scatter-overwrite into a zeros tensor (computed in the torch forward, though unused in the return)
    scattered_delta = jnp.zeros_like(ground_atoms).at[:, gidx].set(delta)
    scatter_literal_indices = gidx.reshape(-1, 1)
    return (delta, scatter_literal_indices)

if __name__ == "__main__":
    import jax
    _d = setup_inputs()
    print(jax.jit(kernel)(*tuple(_d.values())))

</pallas_src>

<mosaic_0001>
#map = affine_map<(d0, d1) -> (0)>
module attributes {stable_mosaic.version = 14 : i64} {
  func.func @_tec_body(%arg0: i32, %arg1: i32, %arg2: memref<16777216xf32, #tpu.memory_space<hbm>>, %arg3: memref<16xf32, #tpu.memory_space<hbm>>, %arg4: memref<131072xf32, #tpu.memory_space<hbm>>, %arg5: memref<32768xf32, #tpu.memory_space<vmem>>, %arg6: memref<32768xf32, #tpu.memory_space<vmem>>, %arg7: memref<4096xf32, #tpu.memory_space<vmem>>, %arg8: memref<16xf32, #tpu.memory_space<vmem>>, %arg9: memref<!tpu.dma_semaphore, #tpu.memory_space<semaphore_mem>>, %arg10: memref<!tpu.dma_semaphore, #tpu.memory_space<semaphore_mem>>) attributes {dimension_semantics = [#tpu.dimension_semantics<core_parallel>, #tpu.dimension_semantics<subcore_parallel>], iteration_bounds = array<i64: 2, 16>, scalar_prefetch = 0 : i64, scratch_operands = 6 : i64, tpu.core_type = #tpu.core_type<sc_vector_subcore>, window_params = [{transform_indices = #map}, {transform_indices = #map}, {transform_indices = #map}]} {
    %mul3A = arith.constant 2 : i32
    %mul3A_0 = arith.muli %arg1, %mul3A : i32
    %add3A = arith.addi %mul3A_0, %arg0 : i32
    %mul3A_1 = arith.constant 131072 : i32
    %mul3A_2 = arith.muli %add3A, %mul3A_1 : i32
    "tpu.region"() ({
      %run_scoped3A = tpu.sem_alloc : memref<!tpu.dma_semaphore, #tpu.memory_space<semaphore_mem>>
      tpu.enqueue_dma source(%arg3 : memref<16xf32, #tpu.memory_space<hbm>>) target(%arg8 : memref<16xf32, #tpu.memory_space<vmem>>) target_semaphore(%run_scoped3A : memref<!tpu.dma_semaphore, #tpu.memory_space<semaphore_mem>>)
      tpu.wait_dma2 semaphore(%run_scoped3A : memref<!tpu.dma_semaphore, #tpu.memory_space<semaphore_mem>>) src(%arg3 : memref<16xf32, #tpu.memory_space<hbm>>) dst(%arg8 : memref<16xf32, #tpu.memory_space<vmem>>)
      tpu.yield
    }) : () -> ()
    %get3A = arith.constant 0 : index
    %get3A_3 = tpu.vector_load %arg8[%get3A] {strides = array<i32>} : memref<16xf32, #tpu.memory_space<vmem>>, vector<16xf32>,
    %max3A = arith.constant 0.000000e+00 : f32
    %max3A_4 = vector.broadcast %max3A : f32 to vector<16xf32>
    %max3A_5 = arith.maximumf %get3A_3, %max3A_4 : vector<16xf32>
    %min3A = arith.constant 5.000000e+02 : f32
    %min3A_6 = vector.broadcast %min3A : f32 to vector<16xf32>
    %min3A_7 = arith.minimumf %max3A_5, %min3A_6 : vector<16xf32>
    %iota3A = tpu.iota {dimensions = array<i32: 0>} : vector<16xi32>
    %shift_right_arithmetic3A = arith.constant 3 : i32
    %shift_right_arithmetic3A_8 = vector.broadcast %shift_right_arithmetic3A : i32 to vector<16xi32>
    %shift_right_arithmetic3A_9 = arith.shrsi %iota3A, %shift_right_arithmetic3A_8 : vector<16xi32>
    %mul3A_10 = arith.constant 2048 : i32
    %mul3A_11 = vector.broadcast %mul3A_10 : i32 to vector<16xi32>
    %mul3A_12 = arith.muli %shift_right_arithmetic3A_9, %mul3A_11 : vector<16xi32>
    %and3A = arith.constant 7 : i32
    %and3A_13 = vector.broadcast %and3A : i32 to vector<16xi32>
    %and3A_14 = arith.andi %iota3A, %and3A_13 : vector<16xi32>
    %mul3A_15 = arith.constant 128 : i32
    %mul3A_16 = vector.broadcast %mul3A_15 : i32 to vector<16xi32>
    %mul3A_17 = arith.muli %and3A_14, %mul3A_16 : vector<16xi32>
    %add3A_18 = arith.addi %mul3A_12, %mul3A_17 : vector<16xi32>
    %dma_start3A = tpu.memref_slice %arg2[%mul3A_2] : memref<16777216xf32, #tpu.memory_space<hbm>> -> memref<32768xf32, #tpu.memory_space<hbm>>
    %dma_start3A_19 = tpu.memref_slice %arg2[%mul3A_2] : memref<16777216xf32, #tpu.memory_space<hbm>> -> memref<32768xf32, #tpu.memory_space<hbm>>
    tpu.enqueue_dma source(%dma_start3A_19 : memref<32768xf32, #tpu.memory_space<hbm>>) target(%arg5 : memref<32768xf32, #tpu.memory_space<vmem>>) target_semaphore(%arg9 : memref<!tpu.dma_semaphore, #tpu.memory_space<semaphore_mem>>)
    %add3A_20 = arith.constant 32768 : i32
    %add3A_21 = arith.addi %mul3A_2, %add3A_20 : i32
    %dma_start3A_22 = tpu.memref_slice %arg2[%add3A_21] : memref<16777216xf32, #tpu.memory_space<hbm>> -> memref<32768xf32, #tpu.memory_space<hbm>>
    %dma_start3A_23 = tpu.memref_slice %arg2[%add3A_21] : memref<16777216xf32, #tpu.memory_space<hbm>> -> memref<32768xf32, #tpu.memory_space<hbm>>
    tpu.enqueue_dma source(%dma_start3A_23 : memref<32768xf32, #tpu.memory_space<hbm>>) target(%arg6 : memref<32768xf32, #tpu.memory_space<vmem>>) target_semaphore(%arg10 : memref<!tpu.dma_semaphore, #tpu.memory_space<semaphore_mem>>)
    %scan3A = arith.constant 0 : i32
    %scan3A_24 = arith.constant 0 : i32
    %scan3A_25 = arith.constant 2 : i32
    %scan3A_26 = arith.addi %scan3A_24, %scan3A_25 : i32
    %scan3A_27 = arith.constant 1 : i32
    scf.for %scan3A_31 = %scan3A_24 to %scan3A_26 step %scan3A_27  : i32 {
      %mul3A_32 = arith.constant 2 : i32
      %mul3A_33 = arith.muli %mul3A_32, %scan3A_31 : i32
      %add3A_34 = arith.constant 0 : i32
      %add3A_35 = arith.addi %mul3A_33, %add3A_34 : i32
      %mul3A_36 = arith.constant 32768 : i32
      %mul3A_37 = arith.muli %add3A_35, %mul3A_36 : i32
      %add3A_38 = arith.addi %mul3A_2, %mul3A_37 : i32
      %dma_wait3A = tpu.memref_slice %arg2[%add3A_38] : memref<16777216xf32, #tpu.memory_space<hbm>> -> memref<32768xf32, #tpu.memory_space<hbm>>
      %dma_wait3A_39 = tpu.memref_slice %arg2[%add3A_38] : memref<16777216xf32, #tpu.memory_space<hbm>> -> memref<32768xf32, #tpu.memory_space<hbm>>
      tpu.wait_dma2 semaphore(%arg9 : memref<!tpu.dma_semaphore, #tpu.memory_space<semaphore_mem>>) src(%dma_wait3A_39 : memref<32768xf32, #tpu.memory_space<hbm>>) dst(%arg5 : memref<32768xf32, #tpu.memory_space<vmem>>)
      %add3A_40 = arith.constant 0 : i32
      %add3A_41 = vector.broadcast %add3A_40 : i32 to vector<16xi32>
      %add3A_42 = arith.addi %add3A_18, %add3A_41 : vector<16xi32>
      %add3A_43 = arith.constant 0 : i32
      %add3A_44 = vector.broadcast %add3A_43 : i32 to vector<16xi32>
      %add3A_45 = arith.addi %add3A_42, %add3A_44 : vector<16xi32>
      %gather3A = tpu.vector_load_idx %arg5[%add3A_45] : memref<32768xf32, #tpu.memory_space<vmem>>[vector<16xi32>], vector<16xf32>,
      %neg3A = arith.constant 0.000000e+00 : f32
      %neg3A_46 = vector.broadcast %neg3A : f32 to vector<16xf32>
      %neg3A_47 = arith.subf %neg3A_46, %gather3A : vector<16xf32>
      %add3A_48 = arith.constant 3 : i32
      %add3A_49 = vector.broadcast %add3A_48 : i32 to vector<16xi32>
      %add3A_50 = arith.addi %add3A_42, %add3A_49 : vector<16xi32>
      %gather3A_51 = tpu.vector_load_idx %arg5[%add3A_50] : memref<32768xf32, #tpu.memory_space<vmem>>[vector<16xi32>], vector<16xf32>,
      %add3A_52 = arith.constant 17 : i32
      %add3A_53 = vector.broadcast %add3A_52 : i32 to vector<16xi32>
      %add3A_54 = arith.addi %add3A_42, %add3A_53 : vector<16xi32>
      %gather3A_55 = tpu.vector_load_idx %arg5[%add3A_54] : memref<32768xf32, #tpu.memory_space<vmem>>[vector<16xi32>], vector<16xf32>,
      %neg3A_56 = arith.constant 0.000000e+00 : f32
      %neg3A_57 = vector.broadcast %neg3A_56 : f32 to vector<16xf32>
      %neg3A_58 = arith.subf %neg3A_57, %gather3A_55 : vector<16xf32>
      %add3A_59 = arith.constant 42 : i32
      %add3A_60 = vector.broadcast %add3A_59 : i32 to vector<16xi32>
      %add3A_61 = arith.addi %add3A_42, %add3A_60 : vector<16xi32>
      %gather3A_62 = tpu.vector_load_idx %arg5[%add3A_61] : memref<32768xf32, #tpu.memory_space<vmem>>[vector<16xi32>], vector<16xf32>,
      %add3A_63 = arith.constant 97 : i32
      %add3A_64 = vector.broadcast %add3A_63 : i32 to vector<16xi32>
      %add3A_65 = arith.addi %add3A_42, %add3A_64 : vector<16xi32>
      %gather3A_66 = tpu.vector_load_idx %arg5[%add3A_65] : memref<32768xf32, #tpu.memory_space<vmem>>[vector<16xi32>], vector<16xf32>,
      %add3A_67 = arith.constant 1024 : i32
      %add3A_68 = vector.broadcast %add3A_67 : i32 to vector<16xi32>
      %add3A_69 = arith.addi %add3A_42, %add3A_68 : vector<16xi32>
      %gather3A_70 = tpu.vector_load_idx %arg5[%add3A_69] : memref<32768xf32, #tpu.memory_space<vmem>>[vector<16xi32>], vector<16xf32>,
      %neg3A_71 = arith.constant 0.000000e+00 : f32
      %neg3A_72 = vector.broadcast %neg3A_71 : f32 to vector<16xf32>
      %neg3A_73 = arith.subf %neg3A_72, %gather3A_70 : vector<16xf32>
      %add3A_74 = arith.constant 1096 : i32
      %add3A_75 = vector.broadcast %add3A_74 : i32 to vector<16xi32>
      %add3A_76 = arith.addi %add3A_42, %add3A_75 : vector<16xi32>
      %gather3A_77 = tpu.vector_load_idx %arg5[%add3A_76] : memref<32768xf32, #tpu.memory_space<vmem>>[vector<16xi32>], vector<16xf32>,
      %add3A_78 = arith.constant 1151 : i32
      %add3A_79 = vector.broadcast %add3A_78 : i32 to vector<16xi32>
      %add3A_80 = arith.addi %add3A_42, %add3A_79 : vector<16xi32>
      %gather3A_81 = tpu.vector_load_idx %arg5[%add3A_80] : memref<32768xf32, #tpu.memory_space<vmem>>[vector<16xi32>], vector<16xf32>,
      %neg3A_82 = arith.constant 0.000000e+00 : f32
      %neg3A_83 = vector.broadcast %neg3A_82 : f32 to vector<16xf32>
      %neg3A_84 = arith.subf %neg3A_83, %gather3A_81 : vector<16xf32>
      %max3A_85 = arith.maximumf %neg3A_47, %gather3A_51 : vector<16xf32>
      %max3A_86 = arith.maximumf %max3A_85, %neg3A_58 : vector<16xf32>
      %max3A_87 = arith.maximumf %max3A_86, %gather3A_62 : vector<16xf32>
      %max3A_88 = arith.maximumf %max3A_87, %gather3A_66 : vector<16xf32>
      %max3A_89 = arith.maximumf %max3A_88, %neg3A_73 : vector<16xf32>
      %max3A_90 = arith.maximumf %max3A_89, %gather3A_77 : vector<16xf32>
      %max3A_91 = arith.maximumf %max3A_90, %neg3A_84 : vector<16xf32>
      %sub3A = arith.subf %neg3A_47, %max3A_91 : vector<16xf32>
      %exp3A = math.exp %sub3A : vector<16xf32>
      %sub3A_92 = arith.subf %gather3A_51, %max3A_91 : vector<16xf32>
      %exp3A_93 = math.exp %sub3A_92 : vector<16xf32>
      %sub3A_94 = arith.subf %neg3A_58, %max3A_91 : vector<16xf32>
      %exp3A_95 = math.exp %sub3A_94 : vector<16xf32>
      %sub3A_96 = arith.subf %gather3A_62, %max3A_91 : vector<16xf32>
      %exp3A_97 = math.exp %sub3A_96 : vector<16xf32>
      %sub3A_98 = arith.subf %gather3A_66, %max3A_91 : vector<16xf32>
      %exp3A_99 = math.exp %sub3A_98 : vector<16xf32>
      %sub3A_100 = arith.subf %neg3A_73, %max3A_91 : vector<16xf32>
      %exp3A_101 = math.exp %sub3A_100 : vector<16xf32>
      %sub3A_102 = arith.subf %gather3A_77, %max3A_91 : vector<16xf32>
      %exp3A_103 = math.exp %sub3A_102 : vector<16xf32>
      %sub3A_104 = arith.subf %neg3A_84, %max3A_91 : vector<16xf32>
      %exp3A_105 = math.exp %sub3A_104 : vector<16xf32>
      %add3A_106 = arith.addf %exp3A, %exp3A_93 : vector<16xf32>
      %add3A_107 = arith.addf %add3A_106, %exp3A_95 : vector<16xf32>
      %add3A_108 = arith.addf %add3A_107, %exp3A_97 : vector<16xf32>
      %add3A_109 = arith.addf %add3A_108, %exp3A_99 : vector<16xf32>
      %add3A_110 = arith.addf %add3A_109, %exp3A_101 : vector<16xf32>
      %add3A_111 = arith.addf %add3A_110, %exp3A_103 : vector<16xf32>
      %add3A_112 = arith.addf %add3A_111, %exp3A_105 : vector<16xf32>
      %div3A = arith.divf %min3A_7, %add3A_112 : vector<16xf32>
      %mul3A_113 = arith.constant 1024 : i32
      %mul3A_114 = arith.muli %add3A_35, %mul3A_113 : i32
      %add3A_115 = arith.constant 0 : i32
      %add3A_116 = arith.addi %mul3A_114, %add3A_115 : i32
      %mul3A_117 = arith.mulf %exp3A, %div3A : vector<16xf32>
      %neg3A_118 = arith.constant 0.000000e+00 : f32
      %neg3A_119 = vector.broadcast %neg3A_118 : f32 to vector<16xf32>
      %neg3A_120 = arith.subf %neg3A_119, %mul3A_117 : vector<16xf32>
      %add3A_121 = arith.constant 0 : i32
      %add3A_122 = arith.addi %add3A_116, %add3A_121 : i32
      %swap3A = arith.index_cast %add3A_122 : i32 to index
      %swap3A_123 = tpu.vector_load %arg7[%swap3A] {strides = array<i32>} : memref<4096xf32, #tpu.memory_space<vmem>>, vector<16xf32>,
      tpu.vector_store %arg7[%swap3A], %neg3A_120 {strides = array<i32>} : memref<4096xf32, #tpu.memory_space<vmem>>, vector<16xf32>,
      %mul3A_124 = arith.mulf %exp3A_93, %div3A : vector<16xf32>
      %add3A_125 = arith.constant 128 : i32
      %add3A_126 = arith.addi %add3A_116, %add3A_125 : i32
      %swap3A_127 = arith.index_cast %add3A_126 : i32 to index
      %swap3A_128 = tpu.vector_load %arg7[%swap3A_127] {strides = array<i32>} : memref<4096xf32, #tpu.memory_space<vmem>>, vector<16xf32>,
      tpu.vector_store %arg7[%swap3A_127], %mul3A_124 {strides = array<i32>} : memref<4096xf32, #tpu.memory_space<vmem>>, vector<16xf32>,
      %mul3A_129 = arith.mulf %exp3A_95, %div3A : vector<16xf32>
      %neg3A_130 = arith.constant 0.000000e+00 : f32
      %neg3A_131 = vector.broadcast %neg3A_130 : f32 to vector<16xf32>
      %neg3A_132 = arith.subf %neg3A_131, %mul3A_129 : vector<16xf32>
      %add3A_133 = arith.constant 256 : i32
      %add3A_134 = arith.addi %add3A_116, %add3A_133 : i32
      %swap3A_135 = arith.index_cast %add3A_134 : i32 to index
      %swap3A_136 = tpu.vector_load %arg7[%swap3A_135] {strides = array<i32>} : memref<4096xf32, #tpu.memory_space<vmem>>, vector<16xf32>,
      tpu.vector_store %arg7[%swap3A_135], %neg3A_132 {strides = array<i32>} : memref<4096xf32, #tpu.memory_space<vmem>>, vector<16xf32>,
      %mul3A_137 = arith.mulf %exp3A_97, %div3A : vector<16xf32>
      %add3A_138 = arith.constant 384 : i32
      %add3A_139 = arith.addi %add3A_116, %add3A_138 : i32
      %swap3A_140 = arith.index_cast %add3A_139 : i32 to index
      %swap3A_141 = tpu.vector_load %arg7[%swap3A_140] {strides = array<i32>} : memref<4096xf32, #tpu.memory_space<vmem>>, vector<16xf32>,
      tpu.vector_store %arg7[%swap3A_140], %mul3A_137 {strides = array<i32>} : memref<4096xf32, #tpu.memory_space<vmem>>, vector<16xf32>,
      %mul3A_142 = arith.mulf %exp3A_99, %div3A : vector<16xf32>
      %add3A_143 = arith.constant 512 : i32
      %add3A_144 = arith.addi %add3A_116, %add3A_143 : i32
      %swap3A_145 = arith.index_cast %add3A_144 : i32 to index
      %swap3A_146 = tpu.vector_load %arg7[%swap3A_145] {strides = array<i32>} : memref<4096xf32, #tpu.memory_space<vmem>>, vector<16xf32>,
      tpu.vector_store %arg7[%swap3A_145], %mul3A_142 {strides = array<i32>} : memref<4096xf32, #tpu.memory_space<vmem>>, vector<16xf32>,
      %mul3A_147 = arith.mulf %exp3A_101, %div3A : vector<16xf32>
      %neg3A_148 = arith.constant 0.000000e+00 : f32
      %neg3A_149 = vector.broadcast %neg3A_148 : f32 to vector<16xf32>
      %neg3A_150 = arith.subf %neg3A_149, %mul3A_147 : vector<16xf32>
      %add3A_151 = arith.constant 640 : i32
      %add3A_152 = arith.addi %add3A_116, %add3A_151 : i32
      %swap3A_153 = arith.index_cast %add3A_152 : i32 to index
      %swap3A_154 = tpu.vector_load %arg7[%swap3A_153] {strides = array<i32>} : memref<4096xf32, #tpu.memory_space<vmem>>, vector<16xf32>,
      tpu.vector_store %arg7[%swap3A_153], %neg3A_150 {strides = array<i32>} : memref<4096xf32, #tpu.memory_space<vmem>>, vector<16xf32>,
      %mul3A_155 = arith.mulf %exp3A_103, %div3A : vector<16xf32>
      %add3A_156 = arith.constant 768 : i32
      %add3A_157 = arith.addi %add3A_116, %add3A_156 : i32
      %swap3A_158 = arith.index_cast %add3A_157 : i32 to index
      %swap3A_159 = tpu.vector_load %arg7[%swap3A_158] {strides = array<i32>} : memref<4096xf32, #tpu.memory_space<vmem>>, vector<16xf32>,
      tpu.vector_store %arg7[%swap3A_158], %mul3A_155 {strides = array<i32>} : memref<4096xf32, #tpu.memory_space<vmem>>, vector<16xf32>,
      %mul3A_160 = arith.mulf %exp3A_105, %div3A : vector<16xf32>
      %neg3A_161 = arith.constant 0.000000e+00 : f32
      %neg3A_162 = vector.broadcast %neg3A_161 : f32 to vector<16xf32>
      %neg3A_163 = arith.subf %neg3A_162, %mul3A_160 : vector<16xf32>
      %add3A_164 = arith.constant 896 : i32
      %add3A_165 = arith.addi %add3A_116, %add3A_164 : i32
      %swap3A_166 = arith.index_cast %add3A_165 : i32 to index
      %swap3A_167 = tpu.vector_load %arg7[%swap3A_166] {strides = array<i32>} : memref<4096xf32, #tpu.memory_space<vmem>>, vector<16xf32>,
      tpu.vector_store %arg7[%swap3A_166], %neg3A_163 {strides = array<i32>} : memref<4096xf32, #tpu.memory_space<vmem>>, vector<16xf32>,
      %add3A_168 = arith.constant 4096 : i32
      %add3A_169 = vector.broadcast %add3A_168 : i32 to vector<16xi32>
      %add3A_170 = arith.addi %add3A_18, %add3A_169 : vector<16xi32>
      %add3A_171 = arith.constant 0 : i32
      %add3A_172 = vector.broadcast %add3A_171 : i32 to vector<16xi32>
      %add3A_173 = arith.addi %add3A_170, %add3A_172 : vector<16xi32>
      %gather3A_174 = tpu.vector_load_idx %arg5[%add3A_173] : memref<32768xf32, #tpu.memory_space<vmem>>[vector<16xi32>], vector<16xf32>,
      %neg3A_175 = arith.constant 0.000000e+00 : f32
      %neg3A_176 = vector.broadcast %neg3A_175 : f32 to vector<16xf32>
      %neg3A_177 = arith.subf %neg3A_176, %gather3A_174 : vector<16xf32>
      %add3A_178 = arith.constant 3 : i32
      %add3A_179 = vector.broadcast %add3A_178 : i32 to vector<16xi32>
      %add3A_180 = arith.addi %add3A_170, %add3A_179 : vector<16xi32>
      %gather3A_181 = tpu.vector_load_idx %arg5[%add3A_180] : memref<32768xf32, #tpu.memory_space<vmem>>[vector<16xi32>], vector<16xf32>,
      %add3A_182 = arith.constant 17 : i32
      %add3A_183 = vector.broadcast %add3A_182 : i32 to vector<16xi32>
      %add3A_184 = arith.addi %add3A_170, %add3A_183 : vector<16xi32>
      %gather3A_185 = tpu.vector_load_idx %arg5[%add3A_184] : memref<32768xf32, #tpu.memory_space<vmem>>[vector<16xi32>], vector<16xf32>,
      %neg3A_186 = arith.constant 0.000000e+00 : f32
      %neg3A_187 = vector.broadcast %neg3A_186 : f32 to vector<16xf32>
      %neg3A_188 = arith.subf %neg3A_187, %gather3A_185 : vector<16xf32>
      %add3A_189 = arith.constant 42 : i32
      %add3A_190 = vector.broadcast %add3A_189 : i32 to vector<16xi32>
      %add3A_191 = arith.addi %add3A_170, %add3A_190 : vector<16xi32>
      %gather3A_192 = tpu.vector_load_idx %arg5[%add3A_191] : memref<32768xf32, #tpu.memory_space<vmem>>[vector<16xi32>], vector<16xf32>,
      %add3A_193 = arith.constant 97 : i32
      %add3A_194 = vector.broadcast %add3A_193 : i32 to vector<16xi32>
      %add3A_195 = arith.addi %add3A_170, %add3A_194 : vector<16xi32>
      %gather3A_196 = tpu.vector_load_idx %arg5[%add3A_195] : memref<32768xf32, #tpu.memory_space<vmem>>[vector<16xi32>], vector<16xf32>,
      %add3A_197 = arith.constant 1024 : i32
      %add3A_198 = vector.broadcast %add3A_197 : i32 to vector<16xi32>
      %add3A_199 = arith.addi %add3A_170, %add3A_198 : vector<16xi32>
      %gather3A_200 = tpu.vector_load_idx %arg5[%add3A_199] : memref<32768xf32, #tpu.memory_space<vmem>>[vector<16xi32>], vector<16xf32>,
      %neg3A_201 = arith.constant 0.000000e+00 : f32
      %neg3A_202 = vector.broadcast %neg3A_201 : f32 to vector<16xf32>
      %neg3A_203 = arith.subf %neg3A_202, %gather3A_200 : vector<16xf32>
      %add3A_204 = arith.constant 1096 : i32
      %add3A_205 = vector.broadcast %add3A_204 : i32 to vector<16xi32>
      %add3A_206 = arith.addi %add3A_170, %add3A_205 : vector<16xi32>
      %gather3A_207 = tpu.vector_load_idx %arg5[%add3A_206] : memref<32768xf32, #tpu.memory_space<vmem>>[vector<16xi32>], vector<16xf32>,
      %add3A_208 = arith.constant 1151 : i32
      %add3A_209 = vector.broadcast %add3A_208 : i32 to vector<16xi32>
      %add3A_210 = arith.addi %add3A_170, %add3A_209 : vector<16xi32>
      %gather3A_211 = tpu.vector_load_idx %arg5[%add3A_210] : memref<32768xf32, #tpu.memory_space<vmem>>[vector<16xi32>], vector<16xf32>,
      %neg3A_212 = arith.constant 0.000000e+00 : f32
      %neg3A_213 = vector.broadcast %neg3A_212 : f32 to vector<16xf32>
      %neg3A_214 = arith.subf %neg3A_213, %gather3A_211 : vector<16xf32>
      %max3A_215 = arith.maximumf %neg3A_177, %gather3A_181 : vector<16xf32>
      %max3A_216 = arith.maximumf %max3A_215, %neg3A_188 : vector<16xf32>
      %max3A_217 = arith.maximumf %max3A_216, %gather3A_192 : vector<16xf32>
      %max3A_218 = arith.maximumf %max3A_217, %gather3A_196 : vector<16xf32>
      %max3A_219 = arith.maximumf %max3A_218, %neg3A_203 : vector<16xf32>
      %max3A_220 = arith.maximumf %max3A_219, %gather3A_207 : vector<16xf32>
      %max3A_221 = arith.maximumf %max3A_220, %neg3A_214 : vector<16xf32>
      %sub3A_222 = arith.subf %neg3A_177, %max3A_221 : vector<16xf32>
      %exp3A_223 = math.exp %sub3A_222 : vector<16xf32>
      %sub3A_224 = arith.subf %gather3A_181, %max3A_221 : vector<16xf32>
      %exp3A_225 = math.exp %sub3A_224 : vector<16xf32>
      %sub3A_226 = arith.subf %neg3A_188, %max3A_221 : vector<16xf32>
      %exp3A_227 = math.exp %sub3A_226 : vector<16xf32>
      %sub3A_228 = arith.subf %gather3A_192, %max3A_221 : vector<16xf32>
      %exp3A_229 = math.exp %sub3A_228 : vector<16xf32>
      %sub3A_230 = arith.subf %gather3A_196, %max3A_221 : vector<16xf32>
      %exp3A_231 = math.exp %sub3A_230 : vector<16xf32>
      %sub3A_232 = arith.subf %neg3A_203, %max3A_221 : vector<16xf32>
      %exp3A_233 = math.exp %sub3A_232 : vector<16xf32>
      %sub3A_234 = arith.subf %gather3A_207, %max3A_221 : vector<16xf32>
      %exp3A_235 = math.exp %sub3A_234 : vector<16xf32>
      %sub3A_236 = arith.subf %neg3A_214, %max3A_221 : vector<16xf32>
      %exp3A_237 = math.exp %sub3A_236 : vector<16xf32>
      %add3A_238 = arith.addf %exp3A_223, %exp3A_225 : vector<16xf32>
      %add3A_239 = arith.addf %add3A_238, %exp3A_227 : vector<16xf32>
      %add3A_240 = arith.addf %add3A_239, %exp3A_229 : vector<16xf32>
      %add3A_241 = arith.addf %add3A_240, %exp3A_231 : vector<16xf32>
      %add3A_242 = arith.addf %add3A_241, %exp3A_233 : vector<16xf32>
      %add3A_243 = arith.addf %add3A_242, %exp3A_235 : vector<16xf32>
      %add3A_244 = arith.addf %add3A_243, %exp3A_237 : vector<16xf32>
      %div3A_245 = arith.divf %min3A_7, %add3A_244 : vector<16xf32>
      %mul3A_246 = arith.constant 1024 : i32
      %mul3A_247 = arith.muli %add3A_35, %mul3A_246 : i32
      %add3A_248 = arith.constant 16 : i32
      %add3A_249 = arith.addi %mul3A_247, %add3A_248 : i32
      %mul3A_250 = arith.mulf %exp3A_223, %div3A_245 : vector<16xf32>
      %neg3A_251 = arith.constant 0.000000e+00 : f32
      %neg3A_252 = vector.broadcast %neg3A_251 : f32 to vector<16xf32>
      %neg3A_253 = arith.subf %neg3A_252, %mul3A_250 : vector<16xf32>
      %add3A_254 = arith.constant 0 : i32
      %add3A_255 = arith.addi %add3A_249, %add3A_254 : i32
      %swap3A_256 = arith.index_cast %add3A_255 : i32 to index
      %swap3A_257 = tpu.vector_load %arg7[%swap3A_256] {strides = array<i32>} : memref<4096xf32, #tpu.memory_space<vmem>>, vector<16xf32>,
      tpu.vector_store %arg7[%swap3A_256], %neg3A_253 {strides = array<i32>} : memref<4096xf32, #tpu.memory_space<vmem>>, vector<16xf32>,
      %mul3A_258 = arith.mulf %exp3A_225, %div3A_245 : vector<16xf32>
      %add3A_259 = arith.constant 128 : i32
      %add3A_260 = arith.addi %add3A_249, %add3A_259 : i32
      %swap3A_261 = arith.index_cast %add3A_260 : i32 to index
      %swap3A_262 = tpu.vector_load %arg7[%swap3A_261] {strides = array<i32>} : memref<4096xf32, #tpu.memory_space<vmem>>, vector<16xf32>,
      tpu.vector_store %arg7[%swap3A_261], %mul3A_258 {strides = array<i32>} : memref<4096xf32, #tpu.memory_space<vmem>>, vector<16xf32>,
      %mul3A_263 = arith.mulf %exp3A_227, %div3A_245 : vector<16xf32>
      %neg3A_264 = arith.constant 0.000000e+00 : f32
      %neg3A_265 = vector.broadcast %neg3A_264 : f32 to vector<16xf32>
      %neg3A_266 = arith.subf %neg3A_265, %mul3A_263 : vector<16xf32>
      %add3A_267 = arith.constant 256 : i32
      %add3A_268 = arith.addi %add3A_249, %add3A_267 : i32
      %swap3A_269 = arith.index_cast %add3A_268 : i32 to index
      %swap3A_270 = tpu.vector_load %arg7[%swap3A_269] {strides = array<i32>} : memref<4096xf32, #tpu.memory_space<vmem>>, vector<16xf32>,
      tpu.vector_store %arg7[%swap3A_269], %neg3A_266 {strides = array<i32>} : memref<4096xf32, #tpu.memory_space<vmem>>, vector<16xf32>,
      %mul3A_271 = arith.mulf %exp3A_229, %div3A_245 : vector<16xf32>
      %add3A_272 = arith.constant 384 : i32
      %add3A_273 = arith.addi %add3A_249, %add3A_272 : i32
      %swap3A_274 = arith.index_cast %add3A_273 : i32 to index
      %swap3A_275 = tpu.vector_load %arg7[%swap3A_274] {strides = array<i32>} : memref<4096xf32, #tpu.memory_space<vmem>>, vector<16xf32>,
      tpu.vector_store %arg7[%swap3A_274], %mul3A_271 {strides = array<i32>} : memref<4096xf32, #tpu.memory_space<vmem>>, vector<16xf32>,
      %mul3A_276 = arith.mulf %exp3A_231, %div3A_245 : vector<16xf32>
      %add3A_277 = arith.constant 512 : i32
      %add3A_278 = arith.addi %add3A_249, %add3A_277 : i32
      %swap3A_279 = arith.index_cast %add3A_278 : i32 to index
      %swap3A_280 = tpu.vector_load %arg7[%swap3A_279] {strides = array<i32>} : memref<4096xf32, #tpu.memory_space<vmem>>, vector<16xf32>,
      tpu.vector_store %arg7[%swap3A_279], %mul3A_276 {strides = array<i32>} : memref<4096xf32, #tpu.memory_space<vmem>>, vector<16xf32>,
      %mul3A_281 = arith.mulf %exp3A_233, %div3A_245 : vector<16xf32>
      %neg3A_282 = arith.constant 0.000000e+00 : f32
      %neg3A_283 = vector.broadcast %neg3A_282 : f32 to vector<16xf32>
      %neg3A_284 = arith.subf %neg3A_283, %mul3A_281 : vector<16xf32>
      %add3A_285 = arith.constant 640 : i32
      %add3A_286 = arith.addi %add3A_249, %add3A_285 : i32
      %swap3A_287 = arith.index_cast %add3A_286 : i32 to index
      %swap3A_288 = tpu.vector_load %arg7[%swap3A_287] {strides = array<i32>} : memref<4096xf32, #tpu.memory_space<vmem>>, vector<16xf32>,
      tpu.vector_store %arg7[%swap3A_287], %neg3A_284 {strides = array<i32>} : memref<4096xf32, #tpu.memory_space<vmem>>, vector<16xf32>,
      %mul3A_289 = arith.mulf %exp3A_235, %div3A_245 : vector<16xf32>
      %add3A_290 = arith.constant 768 : i32
      %add3A_291 = arith.addi %add3A_249, %add3A_290 : i32
      %swap3A_292 = arith.index_cast %add3A_291 : i32 to index
      %swap3A_293 = tpu.vector_load %arg7[%swap3A_292] {strides = array<i32>} : memref<4096xf32, #tpu.memory_space<vmem>>, vector<16xf32>,
      tpu.vector_store %arg7[%swap3A_292], %mul3A_289 {strides = array<i32>} : memref<4096xf32, #tpu.memory_space<vmem>>, vector<16xf32>,
      %mul3A_294 = arith.mulf %exp3A_237, %div3A_245 : vector<16xf32>
      %neg3A_295 = arith.constant 0.000000e+00 : f32
      %neg3A_296 = vector.broadcast %neg3A_295 : f32 to vector<16xf32>
      %neg3A_297 = arith.subf %neg3A_296, %mul3A_294 : vector<16xf32>
      %add3A_298 = arith.constant 896 : i32
      %add3A_299 = arith.addi %add3A_249, %add3A_298 : i32
      %swap3A_300 = arith.index_cast %add3A_299 : i32 to index
      %swap3A_301 = tpu.vector_load %arg7[%swap3A_300] {strides = array<i32>} : memref<4096xf32, #tpu.memory_space<vmem>>, vector<16xf32>,
      tpu.vector_store %arg7[%swap3A_300], %neg3A_297 {strides = array<i32>} : memref<4096xf32, #tpu.memory_space<vmem>>, vector<16xf32>,
      %add3A_302 = arith.constant 8192 : i32
      %add3A_303 = vector.broadcast %add3A_302 : i32 to vector<16xi32>
      %add3A_304 = arith.addi %add3A_18, %add3A_303 : vector<16xi32>
      %add3A_305 = arith.constant 0 : i32
      %add3A_306 = vector.broadcast %add3A_305 : i32 to vector<16xi32>
      %add3A_307 = arith.addi %add3A_304, %add3A_306 : vector<16xi32>
      %gather3A_308 = tpu.vector_load_idx %arg5[%add3A_307] : memref<32768xf32, #tpu.memory_space<vmem>>[vector<16xi32>], vector<16xf32>,
      %neg3A_309 = arith.constant 0.000000e+00 : f32
      %neg3A_310 = vector.broadcast %neg3A_309 : f32 to vector<16xf32>
      %neg3A_311 = arith.subf %neg3A_310, %gather3A_308 : vector<16xf32>
      %add3A_312 = arith.constant 3 : i32
      %add3A_313 = vector.broadcast %add3A_312 : i32 to vector<16xi32>
      %add3A_314 = arith.addi %add3A_304, %add3A_313 : vector<16xi32>
      %gather3A_315 = tpu.vector_load_idx %arg5[%add3A_314] : memref<32768xf32, #tpu.memory_space<vmem>>[vector<16xi32>], vector<16xf32>,
      %add3A_316 = arith.constant 17 : i32
      %add3A_317 = vector.broadcast %add3A_316 : i32 to vector<16xi32>
      %add3A_318 = arith.addi %add3A_304, %add3A_317 : vector<16xi32>
      %gather3A_319 = tpu.vector_load_idx %arg5[%add3A_318] : memref<32768xf32, #tpu.memory_space<vmem>>[vector<16xi32>], vector<16xf32>,
      %neg3A_320 = arith.constant 0.000000e+00 : f32
      %neg3A_321 = vector.broadcast %neg3A_320 : f32 to vector<16xf32>
      %neg3A_322 = arith.subf %neg3A_321, %gather3A_319 : vector<16xf32>
      %add3A_323 = arith.constant 42 : i32
      %add3A_324 = vector.broadcast %add3A_323 : i32 to vector<16xi32>
      %add3A_325 = arith.addi %add3A_304, %add3A_324 : vector<16xi32>
      %gather3A_326 = tpu.vector_load_idx %arg5[%add3A_325] : memref<32768xf32, #tpu.memory_space<vmem>>[vector<16xi32>], vector<16xf32>,
      %add3A_327 = arith.constant 97 : i32
      %add3A_328 = vector.broadcast %add3A_327 : i32 to vector<16xi32>
      %add3A_329 = arith.addi %add3A_304, %add3A_328 : vector<16xi32>
      %gather3A_330 = tpu.vector_load_idx %arg5[%add3A_329] : memref<32768xf32, #tpu.memory_space<vmem>>[vector<16xi32>], vector<16xf32>,
      %add3A_331 = arith.constant 1024 : i32
      %add3A_332 = vector.broadcast %add3A_331 : i32 to vector<16xi32>
      %add3A_333 = arith.addi %add3A_304, %add3A_332 : vector<16xi32>
      %gather3A_334 = tpu.vector_load_idx %arg5[%add3A_333] : memref<32768xf32, #tpu.memory_space<vmem>>[vector<16xi32>], vector<16xf32>,
      %neg3A_335 = arith.constant 0.000000e+00 : f32
      %neg3A_336 = vector.broadcast %neg3A_335 : f32 to vector<16xf32>
      %neg3A_337 = arith.subf %neg3A_336, %gather3A_334 : vector<16xf32>
      %add3A_338 = arith.constant 1096 : i32
      %add3A_339 = vector.broadcast %add3A_338 : i32 to vector<16xi32>
      %add3A_340 = arith.addi %add3A_304, %add3A_339 : vector<16xi32>
      %gather3A_341 = tpu.vector_load_idx %arg5[%add3A_340] : memref<32768xf32, #tpu.memory_space<vmem>>[vector<16xi32>], vector<16xf32>,
      %add3A_342 = arith.constant 1151 : i32
      %add3A_343 = vector.broadcast %add3A_342 : i32 to vector<16xi32>
      %add3A_344 = arith.addi %add3A_304, %add3A_343 : vector<16xi32>
      %gather3A_345 = tpu.vector_load_idx %arg5[%add3A_344] : memref<32768xf32, #tpu.memory_space<vmem>>[vector<16xi32>], vector<16xf32>,
      %neg3A_346 = arith.constant 0.000000e+00 : f32
      %neg3A_347 = vector.broadcast %neg3A_346 : f32 to vector<16xf32>
      %neg3A_348 = arith.subf %neg3A_347, %gather3A_345 : vector<16xf32>
      %max3A_349 = arith.maximumf %neg3A_311, %gather3A_315 : vector<16xf32>
      %max3A_350 = arith.maximumf %max3A_349, %neg3A_322 : vector<16xf32>
      %max3A_351 = arith.maximumf %max3A_350, %gather3A_326 : vector<16xf32>
      %max3A_352 = arith.maximumf %max3A_351, %gather3A_330 : vector<16xf32>
      %max3A_353 = arith.maximumf %max3A_352, %neg3A_337 : vector<16xf32>
      %max3A_354 = arith.maximumf %max3A_353, %gather3A_341 : vector<16xf32>
      %max3A_355 = arith.maximumf %max3A_354, %neg3A_348 : vector<16xf32>
      %sub3A_356 = arith.subf %neg3A_311, %max3A_355 : vector<16xf32>
      %exp3A_357 = math.exp %sub3A_356 : vector<16xf32>
      %sub3A_358 = arith.subf %gather3A_315, %max3A_355 : vector<16xf32>
      %exp3A_359 = math.exp %sub3A_358 : vector<16xf32>
      %sub3A_360 = arith.subf %neg3A_322, %max3A_355 : vector<16xf32>
      %exp3A_361 = math.exp %sub3A_360 : vector<16xf32>
      %sub3A_362 = arith.subf %gather3A_326, %max3A_355 : vector<16xf32>
      %exp3A_363 = math.exp %sub3A_362 : vector<16xf32>
      %sub3A_364 = arith.subf %gather3A_330, %max3A_355 : vector<16xf32>
      %exp3A_365 = math.exp %sub3A_364 : vector<16xf32>
      %sub3A_366 = arith.subf %neg3A_337, %max3A_355 : vector<16xf32>
      %exp3A_367 = math.exp %sub3A_366 : vector<16xf32>
      %sub3A_368 = arith.subf %gather3A_341, %max3A_355 : vector<16xf32>
      %exp3A_369 = math.exp %sub3A_368 : vector<16xf32>
      %sub3A_370 = arith.subf %neg3A_348, %max3A_355 : vector<16xf32>
      %exp3A_371 = math.exp %sub3A_370 : vector<16xf32>
      %add3A_372 = arith.addf %exp3A_357, %exp3A_359 : vector<16xf32>
      %add3A_373 = arith.addf %add3A_372, %exp3A_361 : vector<16xf32>
      %add3A_374 = arith.addf %add3A_373, %exp3A_363 : vector<16xf32>
      %add3A_375 = arith.addf %add3A_374, %exp3A_365 : vector<16xf32>
      %add3A_376 = arith.addf %add3A_375, %exp3A_367 : vector<16xf32>
      %add3A_377 = arith.addf %add3A_376, %exp3A_369 : vector<16xf32>
      %add3A_378 = arith.addf %add3A_377, %exp3A_371 : vector<16xf32>
      %div3A_379 = arith.divf %min3A_7, %add3A_378 : vector<16xf32>
      %mul3A_380 = arith.constant 1024 : i32
      %mul3A_381 = arith.muli %add3A_35, %mul3A_380 : i32
      %add3A_382 = arith.constant 32 : i32
      %add3A_383 = arith.addi %mul3A_381, %add3A_382 : i32
      %mul3A_384 = arith.mulf %exp3A_357, %div3A_379 : vector<16xf32>
      %neg3A_385 = arith.constant 0.000000e+00 : f32
      %neg3A_386 = vector.broadcast %neg3A_385 : f32 to vector<16xf32>
      %neg3A_387 = arith.subf %neg3A_386, %mul3A_384 : vector<16xf32>
      %add3A_388 = arith.constant 0 : i32
      %add3A_389 = arith.addi %add3A_383, %add3A_388 : i32
      %swap3A_390 = arith.index_cast %add3A_389 : i32 to index
      %swap3A_391 = tpu.vector_load %arg7[%swap3A_390] {strides = array<i32>} : memref<4096xf32, #tpu.memory_space<vmem>>, vector<16xf32>,
      tpu.vector_store %arg7[%swap3A_390], %neg3A_387 {strides = array<i32>} : memref<4096xf32, #tpu.memory_space<vmem>>, vector<16xf32>,
      %mul3A_392 = arith.mulf %exp3A_359, %div3A_379 : vector<16xf32>
      %add3A_393 = arith.constant 128 : i32
      %add3A_394 = arith.addi %add3A_383, %add3A_393 : i32
      %swap3A_395 = arith.index_cast %add3A_394 : i32 to index
      %swap3A_396 = tpu.vector_load %arg7[%swap3A_395] {strides = array<i32>} : memref<4096xf32, #tpu.memory_space<vmem>>, vector<16xf32>,
      tpu.vector_store %arg7[%swap3A_395], %mul3A_392 {strides = array<i32>} : memref<4096xf32, #tpu.memory_space<vmem>>, vector<16xf32>,
      %mul3A_397 = arith.mulf %exp3A_361, %div3A_379 : vector<16xf32>
      %neg3A_398 = arith.constant 0.000000e+00 : f32
      %neg3A_399 = vector.broadcast %neg3A_398 : f32 to vector<16xf32>
      %neg3A_400 = arith.subf %neg3A_399, %mul3A_397 : vector<16xf32>
      %add3A_401 = arith.constant 256 : i32
      %add3A_402 = arith.addi %add3A_383, %add3A_401 : i32
      %swap3A_403 = arith.index_cast %add3A_402 : i32 to index
      %swap3A_404 = tpu.vector_load %arg7[%swap3A_403] {strides = array<i32>} : memref<4096xf32, #tpu.memory_space<vmem>>, vector<16xf32>,
      tpu.vector_store %arg7[%swap3A_403], %neg3A_400 {strides = array<i32>} : memref<4096xf32, #tpu.memory_space<vmem>>, vector<16xf32>,
      %mul3A_405 = arith.mulf %exp3A_363, %div3A_379 : vector<16xf32>
      %add3A_406 = arith.constant 384 : i32
      %add3A_407 = arith.addi %add3A_383, %add3A_406 : i32
      %swap3A_408 = arith.index_cast %add3A_407 : i32 to index
      %swap3A_409 = tpu.vector_load %arg7[%swap3A_408] {strides = array<i32>} : memref<4096xf32, #tpu.memory_space<vmem>>, vector<16xf32>,
      tpu.vector_store %arg7[%swap3A_408], %mul3A_405 {strides = array<i32>} : memref<4096xf32, #tpu.memory_space<vmem>>, vector<16xf32>,
      %mul3A_410 = arith.mulf %exp3A_365, %div3A_379 : vector<16xf32>
      %add3A_411 = arith.constant 512 : i32
      %add3A_412 = arith.addi %add3A_383, %add3A_411 : i32
      %swap3A_413 = arith.index_cast %add3A_412 : i32 to index
      %swap3A_414 = tpu.vector_load %arg7[%swap3A_413] {strides = array<i32>} : memref<4096xf32, #tpu.memory_space<vmem>>, vector<16xf32>,
      tpu.vector_store %arg7[%swap3A_413], %mul3A_410 {strides = array<i32>} : memref<4096xf32, #tpu.memory_space<vmem>>, vector<16xf32>,
      %mul3A_415 = arith.mulf %exp3A_367, %div3A_379 : vector<16xf32>
      %neg3A_416 = arith.constant 0.000000e+00 : f32
      %neg3A_417 = vector.broadcast %neg3A_416 : f32 to vector<16xf32>
      %neg3A_418 = arith.subf %neg3A_417, %mul3A_415 : vector<16xf32>
      %add3A_419 = arith.constant 640 : i32
      %add3A_420 = arith.addi %add3A_383, %add3A_419 : i32
      %swap3A_421 = arith.index_cast %add3A_420 : i32 to index
      %swap3A_422 = tpu.vector_load %arg7[%swap3A_421] {strides = array<i32>} : memref<4096xf32, #tpu.memory_space<vmem>>, vector<16xf32>,
      tpu.vector_store %arg7[%swap3A_421], %neg3A_418 {strides = array<i32>} : memref<4096xf32, #tpu.memory_space<vmem>>, vector<16xf32>,
      %mul3A_423 = arith.mulf %exp3A_369, %div3A_379 : vector<16xf32>
      %add3A_424 = arith.constant 768 : i32
      %add3A_425 = arith.addi %add3A_383, %add3A_424 : i32
      %swap3A_426 = arith.index_cast %add3A_425 : i32 to index
      %swap3A_427 = tpu.vector_load %arg7[%swap3A_426] {strides = array<i32>} : memref<4096xf32, #tpu.memory_space<vmem>>, vector<16xf32>,
      tpu.vector_store %arg7[%swap3A_426], %mul3A_423 {strides = array<i32>} : memref<4096xf32, #tpu.memory_space<vmem>>, vector<16xf32>,
      %mul3A_428 = arith.mulf %exp3A_371, %div3A_379 : vector<16xf32>
      %neg3A_429 = arith.constant 0.000000e+00 : f32
      %neg3A_430 = vector.broadcast %neg3A_429 : f32 to vector<16xf32>
      %neg3A_431 = arith.subf %neg3A_430, %mul3A_428 : vector<16xf32>
      %add3A_432 = arith.constant 896 : i32
      %add3A_433 = arith.addi %add3A_383, %add3A_432 : i32
      %swap3A_434 = arith.index_cast %add3A_433 : i32 to index
      %swap3A_435 = tpu.vector_load %arg7[%swap3A_434] {strides = array<i32>} : memref<4096xf32, #tpu.memory_space<vmem>>, vector<16xf32>,
      tpu.vector_store %arg7[%swap3A_434], %neg3A_431 {strides = array<i32>} : memref<4096xf32, #tpu.memory_space<vmem>>, vector<16xf32>,
      %add3A_436 = arith.constant 12288 : i32
      %add3A_437 = vector.broadcast %add3A_436 : i32 to vector<16xi32>
      %add3A_438 = arith.addi %add3A_18, %add3A_437 : vector<16xi32>
      %add3A_439 = arith.constant 0 : i32
      %add3A_440 = vector.broadcast %add3A_439 : i32 to vector<16xi32>
      %add3A_441 = arith.addi %add3A_438, %add3A_440 : vector<16xi32>
      %gather3A_442 = tpu.vector_load_idx %arg5[%add3A_441] : memref<32768xf32, #tpu.memory_space<vmem>>[vector<16xi32>], vector<16xf32>,
      %neg3A_443 = arith.constant 0.000000e+00 : f32
      %neg3A_444 = vector.broadcast %neg3A_443 : f32 to vector<16xf32>
      %neg3A_445 = arith.subf %neg3A_444, %gather3A_442 : vector<16xf32>
      %add3A_446 = arith.constant 3 : i32
      %add3A_447 = vector.broadcast %add3A_446 : i32 to vector<16xi32>
      %add3A_448 = arith.addi %add3A_438, %add3A_447 : vector<16xi32>
      %gather3A_449 = tpu.vector_load_idx %arg5[%add3A_448] : memref<32768xf32, #tpu.memory_space<vmem>>[vector<16xi32>], vector<16xf32>,
      %add3A_450 = arith.constant 17 : i32
      %add3A_451 = vector.broadcast %add3A_450 : i32 to vector<16xi32>
      %add3A_452 = arith.addi %add3A_438, %add3A_451 : vector<16xi32>
      %gather3A_453 = tpu.vector_load_idx %arg5[%add3A_452] : memref<32768xf32, #tpu.memory_space<vmem>>[vector<16xi32>], vector<16xf32>,
      %neg3A_454 = arith.constant 0.000000e+00 : f32
      %neg3A_455 = vector.broadcast %neg3A_454 : f32 to vector<16xf32>
      %neg3A_456 = arith.subf %neg3A_455, %gather3A_453 : vector<16xf32>
      %add3A_457 = arith.constant 42 : i32
      %add3A_458 = vector.broadcast %add3A_457 : i32 to vector<16xi32>
      %add3A_459 = arith.addi %add3A_438, %add3A_458 : vector<16xi32>
      %gather3A_460 = tpu.vector_load_idx %arg5[%add3A_459] : memref<32768xf32, #tpu.memory_space<vmem>>[vector<16xi32>], vector<16xf32>,
      %add3A_461 = arith.constant 97 : i32
      %add3A_462 = vector.broadcast %add3A_461 : i32 to vector<16xi32>
      %add3A_463 = arith.addi %add3A_438, %add3A_462 : vector<16xi32>
      %gather3A_464 = tpu.vector_load_idx %arg5[%add3A_463] : memref<32768xf32, #tpu.memory_space<vmem>>[vector<16xi32>], vector<16xf32>,
      %add3A_465 = arith.constant 1024 : i32
      %add3A_466 = vector.broadcast %add3A_465 : i32 to vector<16xi32>
      %add3A_467 = arith.addi %add3A_438, %add3A_466 : vector<16xi32>
      %gather3A_468 = tpu.vector_load_idx %arg5[%add3A_467] : memref<32768xf32, #tpu.memory_space<vmem>>[vector<16xi32>], vector<16xf32>,
      %neg3A_469 = arith.constant 0.000000e+00 : f32
      %neg3A_470 = vector.broadcast %neg3A_469 : f32 to vector<16xf32>
      %neg3A_471 = arith.subf %neg3A_470, %gather3A_468 : vector<16xf32>
      %add3A_472 = arith.constant 1096 : i32
      %add3A_473 = vector.broadcast %add3A_472 : i32 to vector<16xi32>
      %add3A_474 = arith.addi %add3A_438, %add3A_473 : vector<16xi32>
      %gather3A_475 = tpu.vector_load_idx %arg5[%add3A_474] : memref<32768xf32, #tpu.memory_space<vmem>>[vector<16xi32>], vector<16xf32>,
      %add3A_476 = arith.constant 1151 : i32
      %add3A_477 = vector.broadcast %add3A_476 : i32 to vector<16xi32>
      %add3A_478 = arith.addi %add3A_438, %add3A_477 : vector<16xi32>
      %gather3A_479 = tpu.vector_load_idx %arg5[%add3A_478] : memref<32768xf32, #tpu.memory_space<vmem>>[vector<16xi32>], vector<16xf32>,
      %neg3A_480 = arith.constant 0.000000e+00 : f32
      %neg3A_481 = vector.broadcast %neg3A_480 : f32 to vector<16xf32>
      %neg3A_482 = arith.subf %neg3A_481, %gather3A_479 : vector<16xf32>
      %max3A_483 = arith.maximumf %neg3A_445, %gather3A_449 : vector<16xf32>
      %max3A_484 = arith.maximumf %max3A_483, %neg3A_456 : vector<16xf32>
      %max3A_485 = arith.maximumf %max3A_484, %gather3A_460 : vector<16xf32>
      %max3A_486 = arith.maximumf %max3A_485, %gather3A_464 : vector<16xf32>
      %max3A_487 = arith.maximumf %max3A_486, %neg3A_471 : vector<16xf32>
      %max3A_488 = arith.maximumf %max3A_487, %gather3A_475 : vector<16xf32>
      %max3A_489 = arith.maximumf %max3A_488, %neg3A_482 : vector<16xf32>
      %sub3A_490 = arith.subf %neg3A_445, %max3A_489 : vector<16xf32>
      %exp3A_491 = math.exp %sub3A_490 : vector<16xf32>
      %sub3A_492 = arith.subf %gather3A_449, %max3A_489 : vector<16xf32>
      %exp3A_493 = math.exp %sub3A_492 : vector<16xf32>
      %sub3A_494 = arith.subf %neg3A_456, %max3A_489 : vector<16xf32>
      %exp3A_495 = math.exp %sub3A_494 : vector<16xf32>
      %sub3A_496 = arith.subf %gather3A_460, %max3A_489 : vector<16xf32>
      %exp3A_497 = math.exp %sub3A_496 : vector<16xf32>
      %sub3A_498 = arith.subf %gather3A_464, %max3A_489 : vector<16xf32>
      %exp3A_499 = math.exp %sub3A_498 : vector<16xf32>
      %sub3A_500 = arith.subf %neg3A_471, %max3A_489 : vector<16xf32>
      %exp3A_501 = math.exp %sub3A_500 : vector<16xf32>
      %sub3A_502 = arith.subf %gather3A_475, %max3A_489 : vector<16xf32>
      %exp3A_503 = math.exp %sub3A_502 : vector<16xf32>
      %sub3A_504 = arith.subf %neg3A_482, %max3A_489 : vector<16xf32>
      %exp3A_505 = math.exp %sub3A_504 : vector<16xf32>
      %add3A_506 = arith.addf %exp3A_491, %exp3A_493 : vector<16xf32>
      %add3A_507 = arith.addf %add3A_506, %exp3A_495 : vector<16xf32>
      %add3A_508 = arith.addf %add3A_507, %exp3A_497 : vector<16xf32>
      %add3A_509 = arith.addf %add3A_508, %exp3A_499 : vector<16xf32>
      %add3A_510 = arith.addf %add3A_509, %exp3A_501 : vector<16xf32>
      %add3A_511 = arith.addf %add3A_510, %exp3A_503 : vector<16xf32>
      %add3A_512 = arith.addf %add3A_511, %exp3A_505 : vector<16xf32>
      %div3A_513 = arith.divf %min3A_7, %add3A_512 : vector<16xf32>
      %mul3A_514 = arith.constant 1024 : i32
      %mul3A_515 = arith.muli %add3A_35, %mul3A_514 : i32
      %add3A_516 = arith.constant 48 : i32
      %add3A_517 = arith.addi %mul3A_515, %add3A_516 : i32
      %mul3A_518 = arith.mulf %exp3A_491, %div3A_513 : vector<16xf32>
      %neg3A_519 = arith.constant 0.000000e+00 : f32
      %neg3A_520 = vector.broadcast %neg3A_519 : f32 to vector<16xf32>
      %neg3A_521 = arith.subf %neg3A_520, %mul3A_518 : vector<16xf32>
      %add3A_522 = arith.constant 0 : i32
      %add3A_523 = arith.addi %add3A_517, %add3A_522 : i32
      %swap3A_524 = arith.index_cast %add3A_523 : i32 to index
      %swap3A_525 = tpu.vector_load %arg7[%swap3A_524] {strides = array<i32>} : memref<4096xf32, #tpu.memory_space<vmem>>, vector<16xf32>,
      tpu.vector_store %arg7[%swap3A_524], %neg3A_521 {strides = array<i32>} : memref<4096xf32, #tpu.memory_space<vmem>>, vector<16xf32>,
      %mul3A_526 = arith.mulf %exp3A_493, %div3A_513 : vector<16xf32>
      %add3A_527 = arith.constant 128 : i32
      %add3A_528 = arith.addi %add3A_517, %add3A_527 : i32
      %swap3A_529 = arith.index_cast %add3A_528 : i32 to index
      %swap3A_530 = tpu.vector_load %arg7[%swap3A_529] {strides = array<i32>} : memref<4096xf32, #tpu.memory_space<vmem>>, vector<16xf32>,
      tpu.vector_store %arg7[%swap3A_529], %mul3A_526 {strides = array<i32>} : memref<4096xf32, #tpu.memory_space<vmem>>, vector<16xf32>,
      %mul3A_531 = arith.mulf %exp3A_495, %div3A_513 : vector<16xf32>
      %neg3A_532 = arith.constant 0.000000e+00 : f32
      %neg3A_533 = vector.broadcast %neg3A_532 : f32 to vector<16xf32>
      %neg3A_534 = arith.subf %neg3A_533, %mul3A_531 : vector<16xf32>
      %add3A_535 = arith.constant 256 : i32
      %add3A_536 = arith.addi %add3A_517, %add3A_535 : i32
      %swap3A_537 = arith.index_cast %add3A_536 : i32 to index
      %swap3A_538 = tpu.vector_load %arg7[%swap3A_537] {strides = array<i32>} : memref<4096xf32, #tpu.memory_space<vmem>>, vector<16xf32>,
      tpu.vector_store %arg7[%swap3A_537], %neg3A_534 {strides = array<i32>} : memref<4096xf32, #tpu.memory_space<vmem>>, vector<16xf32>,
      %mul3A_539 = arith.mulf %exp3A_497, %div3A_513 : vector<16xf32>
      %add3A_540 = arith.constant 384 : i32
      %add3A_541 = arith.addi %add3A_517, %add3A_540 : i32
      %swap3A_542 = arith.index_cast %add3A_541 : i32 to index
      %swap3A_543 = tpu.vector_load %arg7[%swap3A_542] {strides = array<i32>} : memref<4096xf32, #tpu.memory_space<vmem>>, vector<16xf32>,
      tpu.vector_store %arg7[%swap3A_542], %mul3A_539 {strides = array<i32>} : memref<4096xf32, #tpu.memory_space<vmem>>, vector<16xf32>,
      %mul3A_544 = arith.mulf %exp3A_499, %div3A_513 : vector<16xf32>
      %add3A_545 = arith.constant 512 : i32
      %add3A_546 = arith.addi %add3A_517, %add3A_545 : i32
      %swap3A_547 = arith.index_cast %add3A_546 : i32 to index
      %swap3A_548 = tpu.vector_load %arg7[%swap3A_547] {strides = array<i32>} : memref<4096xf32, #tpu.memory_space<vmem>>, vector<16xf32>,
      tpu.vector_store %arg7[%swap3A_547], %mul3A_544 {strides = array<i32>} : memref<4096xf32, #tpu.memory_space<vmem>>, vector<16xf32>,
      %mul3A_549 = arith.mulf %exp3A_501, %div3A_513 : vector<16xf32>
      %neg3A_550 = arith.constant 0.000000e+00 : f32
      %neg3A_551 = vector.broadcast %neg3A_550 : f32 to vector<16xf32>
      %neg3A_552 = arith.subf %neg3A_551, %mul3A_549 : vector<16xf32>
      %add3A_553 = arith.constant 640 : i32
      %add3A_554 = arith.addi %add3A_517, %add3A_553 : i32
      %swap3A_555 = arith.index_cast %add3A_554 : i32 to index
      %swap3A_556 = tpu.vector_load %arg7[%swap3A_555] {strides = array<i32>} : memref<4096xf32, #tpu.memory_space<vmem>>, vector<16xf32>,
      tpu.vector_store %arg7[%swap3A_555], %neg3A_552 {strides = array<i32>} : memref<4096xf32, #tpu.memory_space<vmem>>, vector<16xf32>,
      %mul3A_557 = arith.mulf %exp3A_503, %div3A_513 : vector<16xf32>
      %add3A_558 = arith.constant 768 : i32
      %add3A_559 = arith.addi %add3A_517, %add3A_558 : i32
      %swap3A_560 = arith.index_cast %add3A_559 : i32 to index
      %swap3A_561 = tpu.vector_load %arg7[%swap3A_560] {strides = array<i32>} : memref<4096xf32, #tpu.memory_space<vmem>>, vector<16xf32>,
      tpu.vector_store %arg7[%swap3A_560], %mul3A_557 {strides = array<i32>} : memref<4096xf32, #tpu.memory_space<vmem>>, vector<16xf32>,
      %mul3A_562 = arith.mulf %exp3A_505, %div3A_513 : vector<16xf32>
      %neg3A_563 = arith.constant 0.000000e+00 : f32
      %neg3A_564 = vector.broadcast %neg3A_563 : f32 to vector<16xf32>
      %neg3A_565 = arith.subf %neg3A_564, %mul3A_562 : vector<16xf32>
      %add3A_566 = arith.constant 896 : i32
      %add3A_567 = arith.addi %add3A_517, %add3A_566 : i32
      %swap3A_568 = arith.index_cast %add3A_567 : i32 to index
      %swap3A_569 = tpu.vector_load %arg7[%swap3A_568] {strides = array<i32>} : memref<4096xf32, #tpu.memory_space<vmem>>, vector<16xf32>,
      tpu.vector_store %arg7[%swap3A_568], %neg3A_565 {strides = array<i32>} : memref<4096xf32, #tpu.memory_space<vmem>>, vector<16xf32>,
      %add3A_570 = arith.constant 16384 : i32
      %add3A_571 = vector.broadcast %add3A_570 : i32 to vector<16xi32>
      %add3A_572 = arith.addi %add3A_18, %add3A_571 : vector<16xi32>
      %add3A_573 = arith.constant 0 : i32
      %add3A_574 = vector.broadcast %add3A_573 : i32 to vector<16xi32>
      %add3A_575 = arith.addi %add3A_572, %add3A_574 : vector<16xi32>
      %gather3A_576 = tpu.vector_load_idx %arg5[%add3A_575] : memref<32768xf32, #tpu.memory_space<vmem>>[vector<16xi32>], vector<16xf32>,
      %neg3A_577 = arith.constant 0.000000e+00 : f32
      %neg3A_578 = vector.broadcast %neg3A_577 : f32 to vector<16xf32>
      %neg3A_579 = arith.subf %neg3A_578, %gather3A_576 : vector<16xf32>
      %add3A_580 = arith.constant 3 : i32
      %add3A_581 = vector.broadcast %add3A_580 : i32 to vector<16xi32>
      %add3A_582 = arith.addi %add3A_572, %add3A_581 : vector<16xi32>
      %gather3A_583 = tpu.vector_load_idx %arg5[%add3A_582] : memref<32768xf32, #tpu.memory_space<vmem>>[vector<16xi32>], vector<16xf32>,
      %add3A_584 = arith.constant 17 : i32
      %add3A_585 = vector.broadcast %add3A_584 : i32 to vector<16xi32>
      %add3A_586 = arith.addi %add3A_572, %add3A_585 : vector<16xi32>
      %gather3A_587 = tpu.vector_load_idx %arg5[%add3A_586] : memref<32768xf32, #tpu.memory_space<vmem>>[vector<16xi32>], vector<16xf32>,
      %neg3A_588 = arith.constant 0.000000e+00 : f32
      %neg3A_589 = vector.broadcast %neg3A_588 : f32 to vector<16xf32>
      %neg3A_590 = arith.subf %neg3A_589, %gather3A_587 : vector<16xf32>
      %add3A_591 = arith.constant 42 : i32
      %add3A_592 = vector.broadcast %add3A_591 : i32 to vector<16xi32>
      %add3A_593 = arith.addi %add3A_572, %add3A_592 : vector<16xi32>
      %gather3A_594 = tpu.vector_load_idx %arg5[%add3A_593] : memref<32768xf32, #tpu.memory_space<vmem>>[vector<16xi32>], vector<16xf32>,
      %add3A_595 = arith.constant 97 : i32
      %add3A_596 = vector.broadcast %add3A_595 : i32 to vector<16xi32>
      %add3A_597 = arith.addi %add3A_572, %add3A_596 : vector<16xi32>
      %gather3A_598 = tpu.vector_load_idx %arg5[%add3A_597] : memref<32768xf32, #tpu.memory_space<vmem>>[vector<16xi32>], vector<16xf32>,
      %add3A_599 = arith.constant 1024 : i32
      %add3A_600 = vector.broadcast %add3A_599 : i32 to vector<16xi32>
      %add3A_601 = arith.addi %add3A_572, %add3A_600 : vector<16xi32>
      %gather3A_602 = tpu.vector_load_idx %arg5[%add3A_601] : memref<32768xf32, #tpu.memory_space<vmem>>[vector<16xi32>], vector<16xf32>,
      %neg3A_603 = arith.constant 0.000000e+00 : f32
      %neg3A_604 = vector.broadcast %neg3A_603 : f32 to vector<16xf32>
      %neg3A_605 = arith.subf %neg3A_604, %gather3A_602 : vector<16xf32>
      %add3A_606 = arith.constant 1096 : i32
      %add3A_607 = vector.broadcast %add3A_606 : i32 to vector<16xi32>
      %add3A_608 = arith.addi %add3A_572, %add3A_607 : vector<16xi32>
      %gather3A_609 = tpu.vector_load_idx %arg5[%add3A_608] : memref<32768xf32, #tpu.memory_space<vmem>>[vector<16xi32>], vector<16xf32>,
      %add3A_610 = arith.constant 1151 : i32
      %add3A_611 = vector.broadcast %add3A_610 : i32 to vector<16xi32>
      %add3A_612 = arith.addi %add3A_572, %add3A_611 : vector<16xi32>
      %gather3A_613 = tpu.vector_load_idx %arg5[%add3A_612] : memref<32768xf32, #tpu.memory_space<vmem>>[vector<16xi32>], vector<16xf32>,
      %neg3A_614 = arith.constant 0.000000e+00 : f32
      %neg3A_615 = vector.broadcast %neg3A_614 : f32 to vector<16xf32>
      %neg3A_616 = arith.subf %neg3A_615, %gather3A_613 : vector<16xf32>
      %max3A_617 = arith.maximumf %neg3A_579, %gather3A_583 : vector<16xf32>
      %max3A_618 = arith.maximumf %max3A_617, %neg3A_590 : vector<16xf32>
      %max3A_619 = arith.maximumf %max3A_618, %gather3A_594 : vector<16xf32>
      %max3A_620 = arith.maximumf %max3A_619, %gather3A_598 : vector<16xf32>
      %max3A_621 = arith.maximumf %max3A_620, %neg3A_605 : vector<16xf32>
      %max3A_622 = arith.maximumf %max3A_621, %gather3A_609 : vector<16xf32>
      %max3A_623 = arith.maximumf %max3A_622, %neg3A_616 : vector<16xf32>
      %sub3A_624 = arith.subf %neg3A_579, %max3A_623 : vector<16xf32>
      %exp3A_625 = math.exp %sub3A_624 : vector<16xf32>
      %sub3A_626 = arith.subf %gather3A_583, %max3A_623 : vector<16xf32>
      %exp3A_627 = math.exp %sub3A_626 : vector<16xf32>
      %sub3A_628 = arith.subf %neg3A_590, %max3A_623 : vector<16xf32>
      %exp3A_629 = math.exp %sub3A_628 : vector<16xf32>
      %sub3A_630 = arith.subf %gather3A_594, %max3A_623 : vector<16xf32>
      %exp3A_631 = math.exp %sub3A_630 : vector<16xf32>
      %sub3A_632 = arith.subf %gather3A_598, %max3A_623 : vector<16xf32>
      %exp3A_633 = math.exp %sub3A_632 : vector<16xf32>
      %sub3A_634 = arith.subf %neg3A_605, %max3A_623 : vector<16xf32>
      %exp3A_635 = math.exp %sub3A_634 : vector<16xf32>
      %sub3A_636 = arith.subf %gather3A_609, %max3A_623 : vector<16xf32>
      %exp3A_637 = math.exp %sub3A_636 : vector<16xf32>
      %sub3A_638 = arith.subf %neg3A_616, %max3A_623 : vector<16xf32>
      %exp3A_639 = math.exp %sub3A_638 : vector<16xf32>
      %add3A_640 = arith.addf %exp3A_625, %exp3A_627 : vector<16xf32>
      %add3A_641 = arith.addf %add3A_640, %exp3A_629 : vector<16xf32>
      %add3A_642 = arith.addf %add3A_641, %exp3A_631 : vector<16xf32>
      %add3A_643 = arith.addf %add3A_642, %exp3A_633 : vector<16xf32>
      %add3A_644 = arith.addf %add3A_643, %exp3A_635 : vector<16xf32>
      %add3A_645 = arith.addf %add3A_644, %exp3A_637 : vector<16xf32>
      %add3A_646 = arith.addf %add3A_645, %exp3A_639 : vector<16xf32>
      %div3A_647 = arith.divf %min3A_7, %add3A_646 : vector<16xf32>
      %mul3A_648 = arith.constant 1024 : i32
      %mul3A_649 = arith.muli %add3A_35, %mul3A_648 : i32
      %add3A_650 = arith.constant 64 : i32
      %add3A_651 = arith.addi %mul3A_649, %add3A_650 : i32
      %mul3A_652 = arith.mulf %exp3A_625, %div3A_647 : vector<16xf32>
      %neg3A_653 = arith.constant 0.000000e+00 : f32
      %neg3A_654 = vector.broadcast %neg3A_653 : f32 to vector<16xf32>
      %neg3A_655 = arith.subf %neg3A_654, %mul3A_652 : vector<16xf32>
      %add3A_656 = arith.constant 0 : i32
      %add3A_657 = arith.addi %add3A_651, %add3A_656 : i32
      %swap3A_658 = arith.index_cast %add3A_657 : i32 to index
      %swap3A_659 = tpu.vector_load %arg7[%swap3A_658] {strides = array<i32>} : memref<4096xf32, #tpu.memory_space<vmem>>, vector<16xf32>,
      tpu.vector_store %arg7[%swap3A_658], %neg3A_655 {strides = array<i32>} : memref<4096xf32, #tpu.memory_space<vmem>>, vector<16xf32>,
      %mul3A_660 = arith.mulf %exp3A_627, %div3A_647 : vector<16xf32>
      %add3A_661 = arith.constant 128 : i32
      %add3A_662 = arith.addi %add3A_651, %add3A_661 : i32
      %swap3A_663 = arith.index_cast %add3A_662 : i32 to index
      %swap3A_664 = tpu.vector_load %arg7[%swap3A_663] {strides = array<i32>} : memref<4096xf32, #tpu.memory_space<vmem>>, vector<16xf32>,
      tpu.vector_store %arg7[%swap3A_663], %mul3A_660 {strides = array<i32>} : memref<4096xf32, #tpu.memory_space<vmem>>, vector<16xf32>,
      %mul3A_665 = arith.mulf %exp3A_629, %div3A_647 : vector<16xf32>
      %neg3A_666 = arith.constant 0.000000e+00 : f32
      %neg3A_667 = vector.broadcast %neg3A_666 : f32 to vector<16xf32>
      %neg3A_668 = arith.subf %neg3A_667, %mul3A_665 : vector<16xf32>
      %add3A_669 = arith.constant 256 : i32
      %add3A_670 = arith.addi %add3A_651, %add3A_669 : i32
      %swap3A_671 = arith.index_cast %add3A_670 : i32 to index
      %swap3A_672 = tpu.vector_load %arg7[%swap3A_671] {strides = array<i32>} : memref<4096xf32, #tpu.memory_space<vmem>>, vector<16xf32>,
      tpu.vector_store %arg7[%swap3A_671], %neg3A_668 {strides = array<i32>} : memref<4096xf32, #tpu.memory_space<vmem>>, vector<16xf32>,
      %mul3A_673 = arith.mulf %exp3A_631, %div3A_647 : vector<16xf32>
      %add3A_674 = arith.constant 384 : i32
      %add3A_675 = arith.addi %add3A_651, %add3A_674 : i32
      %swap3A_676 = arith.index_cast %add3A_675 : i32 to index
      %swap3A_677 = tpu.vector_load %arg7[%swap3A_676] {strides = array<i32>} : memref<4096xf32, #tpu.memory_space<vmem>>, vector<16xf32>,
      tpu.vector_store %arg7[%swap3A_676], %mul3A_673 {strides = array<i32>} : memref<4096xf32, #tpu.memory_space<vmem>>, vector<16xf32>,
      %mul3A_678 = arith.mulf %exp3A_633, %div3A_647 : vector<16xf32>
      %add3A_679 = arith.constant 512 : i32
      %add3A_680 = arith.addi %add3A_651, %add3A_679 : i32
      %swap3A_681 = arith.index_cast %add3A_680 : i32 to index
      %swap3A_682 = tpu.vector_load %arg7[%swap3A_681] {strides = array<i32>} : memref<4096xf32, #tpu.memory_space<vmem>>, vector<16xf32>,
      tpu.vector_store %arg7[%swap3A_681], %mul3A_678 {strides = array<i32>} : memref<4096xf32, #tpu.memory_space<vmem>>, vector<16xf32>,
      %mul3A_683 = arith.mulf %exp3A_635, %div3A_647 : vector<16xf32>
      %neg3A_684 = arith.constant 0.000000e+00 : f32
      %neg3A_685 = vector.broadcast %neg3A_684 : f32 to vector<16xf32>
      %neg3A_686 = arith.subf %neg3A_685, %mul3A_683 : vector<16xf32>
      %add3A_687 = arith.constant 640 : i32
      %add3A_688 = arith.addi %add3A_651, %add3A_687 : i32
      %swap3A_689 = arith.index_cast %add3A_688 : i32 to index
      %swap3A_690 = tpu.vector_load %arg7[%swap3A_689] {strides = array<i32>} : memref<4096xf32, #tpu.memory_space<vmem>>, vector<16xf32>,
      tpu.vector_store %arg7[%swap3A_689], %neg3A_686 {strides = array<i32>} : memref<4096xf32, #tpu.memory_space<vmem>>, vector<16xf32>,
      %mul3A_691 = arith.mulf %exp3A_637, %div3A_647 : vector<16xf32>
      %add3A_692 = arith.constant 768 : i32
      %add3A_693 = arith.addi %add3A_651, %add3A_692 : i32
      %swap3A_694 = arith.index_cast %add3A_693 : i32 to index
      %swap3A_695 = tpu.vector_load %arg7[%swap3A_694] {strides = array<i32>} : memref<4096xf32, #tpu.memory_space<vmem>>, vector<16xf32>,
      tpu.vector_store %arg7[%swap3A_694], %mul3A_691 {strides = array<i32>} : memref<4096xf32, #tpu.memory_space<vmem>>, vector<16xf32>,
      %mul3A_696 = arith.mulf %exp3A_639, %div3A_647 : vector<16xf32>
      %neg3A_697 = arith.constant 0.000000e+00 : f32
      %neg3A_698 = vector.broadcast %neg3A_697 : f32 to vector<16xf32>
      %neg3A_699 = arith.subf %neg3A_698, %mul3A_696 : vector<16xf32>
      %add3A_700 = arith.constant 896 : i32
      %add3A_701 = arith.addi %add3A_651, %add3A_700 : i32
      %swap3A_702 = arith.index_cast %add3A_701 : i32 to index
      %swap3A_703 = tpu.vector_load %arg7[%swap3A_702] {strides = array<i32>} : memref<4096xf32, #tpu.memory_space<vmem>>, vector<16xf32>,
      tpu.vector_store %arg7[%swap3A_702], %neg3A_699 {strides = array<i32>} : memref<4096xf32, #tpu.memory_space<vmem>>, vector<16xf32>,
      %add3A_704 = arith.constant 20480 : i32
      %add3A_705 = vector.broadcast %add3A_704 : i32 to vector<16xi32>
      %add3A_706 = arith.addi %add3A_18, %add3A_705 : vector<16xi32>
      %add3A_707 = arith.constant 0 : i32
      %add3A_708 = vector.broadcast %add3A_707 : i32 to vector<16xi32>
      %add3A_709 = arith.addi %add3A_706, %add3A_708 : vector<16xi32>
      %gather3A_710 = tpu.vector_load_idx %arg5[%add3A_709] : memref<32768xf32, #tpu.memory_space<vmem>>[vector<16xi32>], vector<16xf32>,
      %neg3A_711 = arith.constant 0.000000e+00 : f32
      %neg3A_712 = vector.broadcast %neg3A_711 : f32 to vector<16xf32>
      %neg3A_713 = arith.subf %neg3A_712, %gather3A_710 : vector<16xf32>
      %add3A_714 = arith.constant 3 : i32
      %add3A_715 = vector.broadcast %add3A_714 : i32 to vector<16xi32>
      %add3A_716 = arith.addi %add3A_706, %add3A_715 : vector<16xi32>
      %gather3A_717 = tpu.vector_load_idx %arg5[%add3A_716] : memref<32768xf32, #tpu.memory_space<vmem>>[vector<16xi32>], vector<16xf32>,
      %add3A_718 = arith.constant 17 : i32
      %add3A_719 = vector.broadcast %add3A_718 : i32 to vector<16xi32>
      %add3A_720 = arith.addi %add3A_706, %add3A_719 : vector<16xi32>
      %gather3A_721 = tpu.vector_load_idx %arg5[%add3A_720] : memref<32768xf32, #tpu.memory_space<vmem>>[vector<16xi32>], vector<16xf32>,
      %neg3A_722 = arith.constant 0.000000e+00 : f32
      %neg3A_723 = vector.broadcast %neg3A_722 : f32 to vector<16xf32>
      %neg3A_724 = arith.subf %neg3A_723, %gather3A_721 : vector<16xf32>
      %add3A_725 = arith.constant 42 : i32
      %add3A_726 = vector.broadcast %add3A_725 : i32 to vector<16xi32>
      %add3A_727 = arith.addi %add3A_706, %add3A_726 : vector<16xi32>
      %gather3A_728 = tpu.vector_load_idx %arg5[%add3A_727] : memref<32768xf32, #tpu.memory_space<vmem>>[vector<16xi32>], vector<16xf32>,
      %add3A_729 = arith.constant 97 : i32
      %add3A_730 = vector.broadcast %add3A_729 : i32 to vector<16xi32>
      %add3A_731 = arith.addi %add3A_706, %add3A_730 : vector<16xi32>
      %gather3A_732 = tpu.vector_load_idx %arg5[%add3A_731] : memref<32768xf32, #tpu.memory_space<vmem>>[vector<16xi32>], vector<16xf32>,
      %add3A_733 = arith.constant 1024 : i32
      %add3A_734 = vector.broadcast %add3A_733 : i32 to vector<16xi32>
      %add3A_735 = arith.addi %add3A_706, %add3A_734 : vector<16xi32>
      %gather3A_736 = tpu.vector_load_idx %arg5[%add3A_735] : memref<32768xf32, #tpu.memory_space<vmem>>[vector<16xi32>], vector<16xf32>,
      %neg3A_737 = arith.constant 0.000000e+00 : f32
      %neg3A_738 = vector.broadcast %neg3A_737 : f32 to vector<16xf32>
      %neg3A_739 = arith.subf %neg3A_738, %gather3A_736 : vector<16xf32>
      %add3A_740 = arith.constant 1096 : i32
      %add3A_741 = vector.broadcast %add3A_740 : i32 to vector<16xi32>
      %add3A_742 = arith.addi %add3A_706, %add3A_741 : vector<16xi32>
      %gather3A_743 = tpu.vector_load_idx %arg5[%add3A_742] : memref<32768xf32, #tpu.memory_space<vmem>>[vector<16xi32>], vector<16xf32>,
      %add3A_744 = arith.constant 1151 : i32
      %add3A_745 = vector.broadcast %add3A_744 : i32 to vector<16xi32>
      %add3A_746 = arith.addi %add3A_706, %add3A_745 : vector<16xi32>
      %gather3A_747 = tpu.vector_load_idx %arg5[%add3A_746] : memref<32768xf32, #tpu.memory_space<vmem>>[vector<16xi32>], vector<16xf32>,
      %neg3A_748 = arith.constant 0.000000e+00 : f32
      %neg3A_749 = vector.broadcast %neg3A_748 : f32 to vector<16xf32>
      %neg3A_750 = arith.subf %neg3A_749, %gather3A_747 : vector<16xf32>
      %max3A_751 = arith.maximumf %neg3A_713, %gather3A_717 : vector<16xf32>
      %max3A_752 = arith.maximumf %max3A_751, %neg3A_724 : vector<16xf32>
      %max3A_753 = arith.maximumf %max3A_752, %gather3A_728 : vector<16xf32>
      %max3A_754 = arith.maximumf %max3A_753, %gather3A_732 : vector<16xf32>
      %max3A_755 = arith.maximumf %max3A_754, %neg3A_739 : vector<16xf32>
      %max3A_756 = arith.maximumf %max3A_755, %gather3A_743 : vector<16xf32>
      %max3A_757 = arith.maximumf %max3A_756, %neg3A_750 : vector<16xf32>
      %sub3A_758 = arith.subf %neg3A_713, %max3A_757 : vector<16xf32>
      %exp3A_759 = math.exp %sub3A_758 : vector<16xf32>
      %sub3A_760 = arith.subf %gather3A_717, %max3A_757 : vector<16xf32>
      %exp3A_761 = math.exp %sub3A_760 : vector<16xf32>
      %sub3A_762 = arith.subf %neg3A_724, %max3A_757 : vector<16xf32>
      %exp3A_763 = math.exp %sub3A_762 : vector<16xf32>
      %sub3A_764 = arith.subf %gather3A_728, %max3A_757 : vector<16xf32>
      %exp3A_765 = math.exp %sub3A_764 : vector<16xf32>
      %sub3A_766 = arith.subf %gather3A_732, %max3A_757 : vector<16xf32>
      %exp3A_767 = math.exp %sub3A_766 : vector<16xf32>
      %sub3A_768 = arith.subf %neg3A_739, %max3A_757 : vector<16xf32>
      %exp3A_769 = math.exp %sub3A_768 : vector<16xf32>
      %sub3A_770 = arith.subf %gather3A_743, %max3A_757 : vector<16xf32>
      %exp3A_771 = math.exp %sub3A_770 : vector<16xf32>
      %sub3A_772 = arith.subf %neg3A_750, %max3A_757 : vector<16xf32>
      %exp3A_773 = math.exp %sub3A_772 : vector<16xf32>
      %add3A_774 = arith.addf %exp3A_759, %exp3A_761 : vector<16xf32>
      %add3A_775 = arith.addf %add3A_774, %exp3A_763 : vector<16xf32>
      %add3A_776 = arith.addf %add3A_775, %exp3A_765 : vector<16xf32>
      %add3A_777 = arith.addf %add3A_776, %exp3A_767 : vector<16xf32>
      %add3A_778 = arith.addf %add3A_777, %exp3A_769 : vector<16xf32>
      %add3A_779 = arith.addf %add3A_778, %exp3A_771 : vector<16xf32>
      %add3A_780 = arith.addf %add3A_779, %exp3A_773 : vector<16xf32>
      %div3A_781 = arith.divf %min3A_7, %add3A_780 : vector<16xf32>
      %mul3A_782 = arith.constant 1024 : i32
      %mul3A_783 = arith.muli %add3A_35, %mul3A_782 : i32
      %add3A_784 = arith.constant 80 : i32
      %add3A_785 = arith.addi %mul3A_783, %add3A_784 : i32
      %mul3A_786 = arith.mulf %exp3A_759, %div3A_781 : vector<16xf32>
      %neg3A_787 = arith.constant 0.000000e+00 : f32
      %neg3A_788 = vector.broadcast %neg3A_787 : f32 to vector<16xf32>
      %neg3A_789 = arith.subf %neg3A_788, %mul3A_786 : vector<16xf32>
      %add3A_790 = arith.constant 0 : i32
      %add3A_791 = arith.addi %add3A_785, %add3A_790 : i32
      %swap3A_792 = arith.index_cast %add3A_791 : i32 to index
      %swap3A_793 = tpu.vector_load %arg7[%swap3A_792] {strides = array<i32>} : memref<4096xf32, #tpu.memory_space<vmem>>, vector<16xf32>,
      tpu.vector_store %arg7[%swap3A_792], %neg3A_789 {strides = array<i32>} : memref<4096xf32, #tpu.memory_space<vmem>>, vector<16xf32>,
      %mul3A_794 = arith.mulf %exp3A_761, %div3A_781 : vector<16xf32>
      %add3A_795 = arith.constant 128 : i32
      %add3A_796 = arith.addi %add3A_785, %add3A_795 : i32
      %swap3A_797 = arith.index_cast %add3A_796 : i32 to index
      %swap3A_798 = tpu.vector_load %arg7[%swap3A_797] {strides = array<i32>} : memref<4096xf32, #tpu.memory_space<vmem>>, vector<16xf32>,
      tpu.vector_store %arg7[%swap3A_797], %mul3A_794 {strides = array<i32>} : memref<4096xf32, #tpu.memory_space<vmem>>, vector<16xf32>,
      %mul3A_799 = arith.mulf %exp3A_763, %div3A_781 : vector<16xf32>
      %neg3A_800 = arith.constant 0.000000e+00 : f32
      %neg3A_801 = vector.broadcast %neg3A_800 : f32 to vector<16xf32>
      %neg3A_802 = arith.subf %neg3A_801, %mul3A_799 : vector<16xf32>
      %add3A_803 = arith.constant 256 : i32
      %add3A_804 = arith.addi %add3A_785, %add3A_803 : i32
      %swap3A_805 = arith.index_cast %add3A_804 : i32 to index
      %swap3A_806 = tpu.vector_load %arg7[%swap3A_805] {strides = array<i32>} : memref<4096xf32, #tpu.memory_space<vmem>>, vector<16xf32>,
      tpu.vector_store %arg7[%swap3A_805], %neg3A_802 {strides = array<i32>} : memref<4096xf32, #tpu.memory_space<vmem>>, vector<16xf32>,
      %mul3A_807 = arith.mulf %exp3A_765, %div3A_781 : vector<16xf32>
      %add3A_808 = arith.constant 384 : i32
      %add3A_809 = arith.addi %add3A_785, %add3A_808 : i32
      %swap3A_810 = arith.index_cast %add3A_809 : i32 to index
      %swap3A_811 = tpu.vector_load %arg7[%swap3A_810] {strides = array<i32>} : memref<4096xf32, #tpu.memory_space<vmem>>, vector<16xf32>,
      tpu.vector_store %arg7[%swap3A_810], %mul3A_807 {strides = array<i32>} : memref<4096xf32, #tpu.memory_space<vmem>>, vector<16xf32>,
      %mul3A_812 = arith.mulf %exp3A_767, %div3A_781 : vector<16xf32>
      %add3A_813 = arith.constant 512 : i32
      %add3A_814 = arith.addi %add3A_785, %add3A_813 : i32
      %swap3A_815 = arith.index_cast %add3A_814 : i32 to index
      %swap3A_816 = tpu.vector_load %arg7[%swap3A_815] {strides = array<i32>} : memref<4096xf32, #tpu.memory_space<vmem>>, vector<16xf32>,
      tpu.vector_store %arg7[%swap3A_815], %mul3A_812 {strides = array<i32>} : memref<4096xf32, #tpu.memory_space<vmem>>, vector<16xf32>,
      %mul3A_817 = arith.mulf %exp3A_769, %div3A_781 : vector<16xf32>
      %neg3A_818 = arith.constant 0.000000e+00 : f32
      %neg3A_819 = vector.broadcast %neg3A_818 : f32 to vector<16xf32>
      %neg3A_820 = arith.subf %neg3A_819, %mul3A_817 : vector<16xf32>
      %add3A_821 = arith.constant 640 : i32
      %add3A_822 = arith.addi %add3A_785, %add3A_821 : i32
      %swap3A_823 = arith.index_cast %add3A_822 : i32 to index
      %swap3A_824 = tpu.vector_load %arg7[%swap3A_823] {strides = array<i32>} : memref<4096xf32, #tpu.memory_space<vmem>>, vector<16xf32>,
      tpu.vector_store %arg7[%swap3A_823], %neg3A_820 {strides = array<i32>} : memref<4096xf32, #tpu.memory_space<vmem>>, vector<16xf32>,
      %mul3A_825 = arith.mulf %exp3A_771, %div3A_781 : vector<16xf32>
      %add3A_826 = arith.constant 768 : i32
      %add3A_827 = arith.addi %add3A_785, %add3A_826 : i32
      %swap3A_828 = arith.index_cast %add3A_827 : i32 to index
      %swap3A_829 = tpu.vector_load %arg7[%swap3A_828] {strides = array<i32>} : memref<4096xf32, #tpu.memory_space<vmem>>, vector<16xf32>,
      tpu.vector_store %arg7[%swap3A_828], %mul3A_825 {strides = array<i32>} : memref<4096xf32, #tpu.memory_space<vmem>>, vector<16xf32>,
      %mul3A_830 = arith.mulf %exp3A_773, %div3A_781 : vector<16xf32>
      %neg3A_831 = arith.constant 0.000000e+00 : f32
      %neg3A_832 = vector.broadcast %neg3A_831 : f32 to vector<16xf32>
      %neg3A_833 = arith.subf %neg3A_832, %mul3A_830 : vector<16xf32>
      %add3A_834 = arith.constant 896 : i32
      %add3A_835 = arith.addi %add3A_785, %add3A_834 : i32
      %swap3A_836 = arith.index_cast %add3A_835 : i32 to index
      %swap3A_837 = tpu.vector_load %arg7[%swap3A_836] {strides = array<i32>} : memref<4096xf32, #tpu.memory_space<vmem>>, vector<16xf32>,
      tpu.vector_store %arg7[%swap3A_836], %neg3A_833 {strides = array<i32>} : memref<4096xf32, #tpu.memory_space<vmem>>, vector<16xf32>,
      %add3A_838 = arith.constant 24576 : i32
      %add3A_839 = vector.broadcast %add3A_838 : i32 to vector<16xi32>
      %add3A_840 = arith.addi %add3A_18, %add3A_839 : vector<16xi32>
      %add3A_841 = arith.constant 0 : i32
      %add3A_842 = vector.broadcast %add3A_841 : i32 to vector<16xi32>
      %add3A_843 = arith.addi %add3A_840, %add3A_842 : vector<16xi32>
      %gather3A_844 = tpu.vector_load_idx %arg5[%add3A_843] : memref<32768xf32, #tpu.memory_space<vmem>>[vector<16xi32>], vector<16xf32>,
      %neg3A_845 = arith.constant 0.000000e+00 : f32
      %neg3A_846 = vector.broadcast %neg3A_845 : f32 to vector<16xf32>
      %neg3A_847 = arith.subf %neg3A_846, %gather3A_844 : vector<16xf32>
      %add3A_848 = arith.constant 3 : i32
      %add3A_849 = vector.broadcast %add3A_848 : i32 to vector<16xi32>
      %add3A_850 = arith.addi %add3A_840, %add3A_849 : vector<16xi32>
      %gather3A_851 = tpu.vector_load_idx %arg5[%add3A_850] : memref<32768xf32, #tpu.memory_space<vmem>>[vector<16xi32>], vector<16xf32>,
      %add3A_852 = arith.constant 17 : i32
      %add3A_853 = vector.broadcast %add3A_852 : i32 to vector<16xi32>
      %add3A_854 = arith.addi %add3A_840, %add3A_853 : vector<16xi32>
      %gather3A_855 = tpu.vector_load_idx %arg5[%add3A_854] : memref<32768xf32, #tpu.memory_space<vmem>>[vector<16xi32>], vector<16xf32>,
      %neg3A_856 = arith.constant 0.000000e+00 : f32
      %neg3A_857 = vector.broadcast %neg3A_856 : f32 to vector<16xf32>
      %neg3A_858 = arith.subf %neg3A_857, %gather3A_855 : vector<16xf32>
      %add3A_859 = arith.constant 42 : i32
      %add3A_860 = vector.broadcast %add3A_859 : i32 to vector<16xi32>
      %add3A_861 = arith.addi %add3A_840, %add3A_860 : vector<16xi32>
      %gather3A_862 = tpu.vector_load_idx %arg5[%add3A_861] : memref<32768xf32, #tpu.memory_space<vmem>>[vector<16xi32>], vector<16xf32>,
      %add3A_863 = arith.constant 97 : i32
      %add3A_864 = vector.broadcast %add3A_863 : i32 to vector<16xi32>
      %add3A_865 = arith.addi %add3A_840, %add3A_864 : vector<16xi32>
      %gather3A_866 = tpu.vector_load_idx %arg5[%add3A_865] : memref<32768xf32, #tpu.memory_space<vmem>>[vector<16xi32>], vector<16xf32>,
      %add3A_867 = arith.constant 1024 : i32
      %add3A_868 = vector.broadcast %add3A_867 : i32 to vector<16xi32>
      %add3A_869 = arith.addi %add3A_840, %add3A_868 : vector<16xi32>
      %gather3A_870 = tpu.vector_load_idx %arg5[%add3A_869] : memref<32768xf32, #tpu.memory_space<vmem>>[vector<16xi32>], vector<16xf32>,
      %neg3A_871 = arith.constant 0.000000e+00 : f32
      %neg3A_872 = vector.broadcast %neg3A_871 : f32 to vector<16xf32>
      %neg3A_873 = arith.subf %neg3A_872, %gather3A_870 : vector<16xf32>
      %add3A_874 = arith.constant 1096 : i32
      %add3A_875 = vector.broadcast %add3A_874 : i32 to vector<16xi32>
      %add3A_876 = arith.addi %add3A_840, %add3A_875 : vector<16xi32>
      %gather3A_877 = tpu.vector_load_idx %arg5[%add3A_876] : memref<32768xf32, #tpu.memory_space<vmem>>[vector<16xi32>], vector<16xf32>,
      %add3A_878 = arith.constant 1151 : i32
      %add3A_879 = vector.broadcast %add3A_878 : i32 to vector<16xi32>
      %add3A_880 = arith.addi %add3A_840, %add3A_879 : vector<16xi32>
      %gather3A_881 = tpu.vector_load_idx %arg5[%add3A_880] : memref<32768xf32, #tpu.memory_space<vmem>>[vector<16xi32>], vector<16xf32>,
      %neg3A_882 = arith.constant 0.000000e+00 : f32
      %neg3A_883 = vector.broadcast %neg3A_882 : f32 to vector<16xf32>
      %neg3A_884 = arith.subf %neg3A_883, %gather3A_881 : vector<16xf32>
      %max3A_885 = arith.maximumf %neg3A_847, %gather3A_851 : vector<16xf32>
      %max3A_886 = arith.maximumf %max3A_885, %neg3A_858 : vector<16xf32>
      %max3A_887 = arith.maximumf %max3A_886, %gather3A_862 : vector<16xf32>
      %max3A_888 = arith.maximumf %max3A_887, %gather3A_866 : vector<16xf32>
      %max3A_889 = arith.maximumf %max3A_888, %neg3A_873 : vector<16xf32>
      %max3A_890 = arith.maximumf %max3A_889, %gather3A_877 : vector<16xf32>
      %max3A_891 = arith.maximumf %max3A_890, %neg3A_884 : vector<16xf32>
      %sub3A_892 = arith.subf %neg3A_847, %max3A_891 : vector<16xf32>
      %exp3A_893 = math.exp %sub3A_892 : vector<16xf32>
      %sub3A_894 = arith.subf %gather3A_851, %max3A_891 : vector<16xf32>
      %exp3A_895 = math.exp %sub3A_894 : vector<16xf32>
      %sub3A_896 = arith.subf %neg3A_858, %max3A_891 : vector<16xf32>
      %exp3A_897 = math.exp %sub3A_896 : vector<16xf32>
      %sub3A_898 = arith.subf %gather3A_862, %max3A_891 : vector<16xf32>
      %exp3A_899 = math.exp %sub3A_898 : vector<16xf32>
      %sub3A_900 = arith.subf %gather3A_866, %max3A_891 : vector<16xf32>
      %exp3A_901 = math.exp %sub3A_900 : vector<16xf32>
      %sub3A_902 = arith.subf %neg3A_873, %max3A_891 : vector<16xf32>
      %exp3A_903 = math.exp %sub3A_902 : vector<16xf32>
      %sub3A_904 = arith.subf %gather3A_877, %max3A_891 : vector<16xf32>
      %exp3A_905 = math.exp %sub3A_904 : vector<16xf32>
      %sub3A_906 = arith.subf %neg3A_884, %max3A_891 : vector<16xf32>
      %exp3A_907 = math.exp %sub3A_906 : vector<16xf32>
      %add3A_908 = arith.addf %exp3A_893, %exp3A_895 : vector<16xf32>
      %add3A_909 = arith.addf %add3A_908, %exp3A_897 : vector<16xf32>
      %add3A_910 = arith.addf %add3A_909, %exp3A_899 : vector<16xf32>
      %add3A_911 = arith.addf %add3A_910, %exp3A_901 : vector<16xf32>
      %add3A_912 = arith.addf %add3A_911, %exp3A_903 : vector<16xf32>
      %add3A_913 = arith.addf %add3A_912, %exp3A_905 : vector<16xf32>
      %add3A_914 = arith.addf %add3A_913, %exp3A_907 : vector<16xf32>
      %div3A_915 = arith.divf %min3A_7, %add3A_914 : vector<16xf32>
      %mul3A_916 = arith.constant 1024 : i32
      %mul3A_917 = arith.muli %add3A_35, %mul3A_916 : i32
      %add3A_918 = arith.constant 96 : i32
      %add3A_919 = arith.addi %mul3A_917, %add3A_918 : i32
      %mul3A_920 = arith.mulf %exp3A_893, %div3A_915 : vector<16xf32>
      %neg3A_921 = arith.constant 0.000000e+00 : f32
      %neg3A_922 = vector.broadcast %neg3A_921 : f32 to vector<16xf32>
      %neg3A_923 = arith.subf %neg3A_922, %mul3A_920 : vector<16xf32>
      %add3A_924 = arith.constant 0 : i32
      %add3A_925 = arith.addi %add3A_919, %add3A_924 : i32
      %swap3A_926 = arith.index_cast %add3A_925 : i32 to index
      %swap3A_927 = tpu.vector_load %arg7[%swap3A_926] {strides = array<i32>} : memref<4096xf32, #tpu.memory_space<vmem>>, vector<16xf32>,
      tpu.vector_store %arg7[%swap3A_926], %neg3A_923 {strides = array<i32>} : memref<4096xf32, #tpu.memory_space<vmem>>, vector<16xf32>,
      %mul3A_928 = arith.mulf %exp3A_895, %div3A_915 : vector<16xf32>
      %add3A_929 = arith.constant 128 : i32
      %add3A_930 = arith.addi %add3A_919, %add3A_929 : i32
      %swap3A_931 = arith.index_cast %add3A_930 : i32 to index
      %swap3A_932 = tpu.vector_load %arg7[%swap3A_931] {strides = array<i32>} : memref<4096xf32, #tpu.memory_space<vmem>>, vector<16xf32>,
      tpu.vector_store %arg7[%swap3A_931], %mul3A_928 {strides = array<i32>} : memref<4096xf32, #tpu.memory_space<vmem>>, vector<16xf32>,
      %mul3A_933 = arith.mulf %exp3A_897, %div3A_915 : vector<16xf32>
      %neg3A_934 = arith.constant 0.000000e+00 : f32
      %neg3A_935 = vector.broadcast %neg3A_934 : f32 to vector<16xf32>
      %neg3A_936 = arith.subf %neg3A_935, %mul3A_933 : vector<16xf32>
      %add3A_937 = arith.constant 256 : i32
      %add3A_938 = arith.addi %add3A_919, %add3A_937 : i32
      %swap3A_939 = arith.index_cast %add3A_938 : i32 to index
      %swap3A_940 = tpu.vector_load %arg7[%swap3A_939] {strides = array<i32>} : memref<4096xf32, #tpu.memory_space<vmem>>, vector<16xf32>,
      tpu.vector_store %arg7[%swap3A_939], %neg3A_936 {strides = array<i32>} : memref<4096xf32, #tpu.memory_space<vmem>>, vector<16xf32>,
      %mul3A_941 = arith.mulf %exp3A_899, %div3A_915 : vector<16xf32>
      %add3A_942 = arith.constant 384 : i32
      %add3A_943 = arith.addi %add3A_919, %add3A_942 : i32
      %swap3A_944 = arith.index_cast %add3A_943 : i32 to index
      %swap3A_945 = tpu.vector_load %arg7[%swap3A_944] {strides = array<i32>} : memref<4096xf32, #tpu.memory_space<vmem>>, vector<16xf32>,
      tpu.vector_store %arg7[%swap3A_944], %mul3A_941 {strides = array<i32>} : memref<4096xf32, #tpu.memory_space<vmem>>, vector<16xf32>,
      %mul3A_946 = arith.mulf %exp3A_901, %div3A_915 : vector<16xf32>
      %add3A_947 = arith.constant 512 : i32
      %add3A_948 = arith.addi %add3A_919, %add3A_947 : i32
      %swap3A_949 = arith.index_cast %add3A_948 : i32 to index
      %swap3A_950 = tpu.vector_load %arg7[%swap3A_949] {strides = array<i32>} : memref<4096xf32, #tpu.memory_space<vmem>>, vector<16xf32>,
      tpu.vector_store %arg7[%swap3A_949], %mul3A_946 {strides = array<i32>} : memref<4096xf32, #tpu.memory_space<vmem>>, vector<16xf32>,
      %mul3A_951 = arith.mulf %exp3A_903, %div3A_915 : vector<16xf32>
      %neg3A_952 = arith.constant 0.000000e+00 : f32
      %neg3A_953 = vector.broadcast %neg3A_952 : f32 to vector<16xf32>
      %neg3A_954 = arith.subf %neg3A_953, %mul3A_951 : vector<16xf32>
      %add3A_955 = arith.constant 640 : i32
      %add3A_956 = arith.addi %add3A_919, %add3A_955 : i32
      %swap3A_957 = arith.index_cast %add3A_956 : i32 to index
      %swap3A_958 = tpu.vector_load %arg7[%swap3A_957] {strides = array<i32>} : memref<4096xf32, #tpu.memory_space<vmem>>, vector<16xf32>,
      tpu.vector_store %arg7[%swap3A_957], %neg3A_954 {strides = array<i32>} : memref<4096xf32, #tpu.memory_space<vmem>>, vector<16xf32>,
      %mul3A_959 = arith.mulf %exp3A_905, %div3A_915 : vector<16xf32>
      %add3A_960 = arith.constant 768 : i32
      %add3A_961 = arith.addi %add3A_919, %add3A_960 : i32
      %swap3A_962 = arith.index_cast %add3A_961 : i32 to index
      %swap3A_963 = tpu.vector_load %arg7[%swap3A_962] {strides = array<i32>} : memref<4096xf32, #tpu.memory_space<vmem>>, vector<16xf32>,
      tpu.vector_store %arg7[%swap3A_962], %mul3A_959 {strides = array<i32>} : memref<4096xf32, #tpu.memory_space<vmem>>, vector<16xf32>,
      %mul3A_964 = arith.mulf %exp3A_907, %div3A_915 : vector<16xf32>
      %neg3A_965 = arith.constant 0.000000e+00 : f32
      %neg3A_966 = vector.broadcast %neg3A_965 : f32 to vector<16xf32>
      %neg3A_967 = arith.subf %neg3A_966, %mul3A_964 : vector<16xf32>
      %add3A_968 = arith.constant 896 : i32
      %add3A_969 = arith.addi %add3A_919, %add3A_968 : i32
      %swap3A_970 = arith.index_cast %add3A_969 : i32 to index
      %swap3A_971 = tpu.vector_load %arg7[%swap3A_970] {strides = array<i32>} : memref<4096xf32, #tpu.memory_space<vmem>>, vector<16xf32>,
      tpu.vector_store %arg7[%swap3A_970], %neg3A_967 {strides = array<i32>} : memref<4096xf32, #tpu.memory_space<vmem>>, vector<16xf32>,
      %add3A_972 = arith.constant 28672 : i32
      %add3A_973 = vector.broadcast %add3A_972 : i32 to vector<16xi32>
      %add3A_974 = arith.addi %add3A_18, %add3A_973 : vector<16xi32>
      %add3A_975 = arith.constant 0 : i32
      %add3A_976 = vector.broadcast %add3A_975 : i32 to vector<16xi32>
      %add3A_977 = arith.addi %add3A_974, %add3A_976 : vector<16xi32>
      %gather3A_978 = tpu.vector_load_idx %arg5[%add3A_977] : memref<32768xf32, #tpu.memory_space<vmem>>[vector<16xi32>], vector<16xf32>,
      %neg3A_979 = arith.constant 0.000000e+00 : f32
      %neg3A_980 = vector.broadcast %neg3A_979 : f32 to vector<16xf32>
      %neg3A_981 = arith.subf %neg3A_980, %gather3A_978 : vector<16xf32>
      %add3A_982 = arith.constant 3 : i32
      %add3A_983 = vector.broadcast %add3A_982 : i32 to vector<16xi32>
      %add3A_984 = arith.addi %add3A_974, %add3A_983 : vector<16xi32>
      %gather3A_985 = tpu.vector_load_idx %arg5[%add3A_984] : memref<32768xf32, #tpu.memory_space<vmem>>[vector<16xi32>], vector<16xf32>,
      %add3A_986 = arith.constant 17 : i32
      %add3A_987 = vector.broadcast %add3A_986 : i32 to vector<16xi32>
      %add3A_988 = arith.addi %add3A_974, %add3A_987 : vector<16xi32>
      %gather3A_989 = tpu.vector_load_idx %arg5[%add3A_988] : memref<32768xf32, #tpu.memory_space<vmem>>[vector<16xi32>], vector<16xf32>,
      %neg3A_990 = arith.constant 0.000000e+00 : f32
      %neg3A_991 = vector.broadcast %neg3A_990 : f32 to vector<16xf32>
      %neg3A_992 = arith.subf %neg3A_991, %gather3A_989 : vector<16xf32>
      %add3A_993 = arith.constant 42 : i32
      %add3A_994 = vector.broadcast %add3A_993 : i32 to vector<16xi32>
      %add3A_995 = arith.addi %add3A_974, %add3A_994 : vector<16xi32>
      %gather3A_996 = tpu.vector_load_idx %arg5[%add3A_995] : memref<32768xf32, #tpu.memory_space<vmem>>[vector<16xi32>], vector<16xf32>,
      %add3A_997 = arith.constant 97 : i32
      %add3A_998 = vector.broadcast %add3A_997 : i32 to vector<16xi32>
      %add3A_999 = arith.addi %add3A_974, %add3A_998 : vector<16xi32>
      %gather3A_1000 = tpu.vector_load_idx %arg5[%add3A_999] : memref<32768xf32, #tpu.memory_space<vmem>>[vector<16xi32>], vector<16xf32>,
      %add3A_1001 = arith.constant 1024 : i32
      %add3A_1002 = vector.broadcast %add3A_1001 : i32 to vector<16xi32>
      %add3A_1003 = arith.addi %add3A_974, %add3A_1002 : vector<16xi32>
      %gather3A_1004 = tpu.vector_load_idx %arg5[%add3A_1003] : memref<32768xf32, #tpu.memory_space<vmem>>[vector<16xi32>], vector<16xf32>,
      %neg3A_1005 = arith.constant 0.000000e+00 : f32
      %neg3A_1006 = vector.broadcast %neg3A_1005 : f32 to vector<16xf32>
      %neg3A_1007 = arith.subf %neg3A_1006, %gather3A_1004 : vector<16xf32>
      %add3A_1008 = arith.constant 1096 : i32
      %add3A_1009 = vector.broadcast %add3A_1008 : i32 to vector<16xi32>
      %add3A_1010 = arith.addi %add3A_974, %add3A_1009 : vector<16xi32>
      %gather3A_1011 = tpu.vector_load_idx %arg5[%add3A_1010] : memref<32768xf32, #tpu.memory_space<vmem>>[vector<16xi32>], vector<16xf32>,
      %add3A_1012 = arith.constant 1151 : i32
      %add3A_1013 = vector.broadcast %add3A_1012 : i32 to vector<16xi32>
      %add3A_1014 = arith.addi %add3A_974, %add3A_1013 : vector<16xi32>
      %gather3A_1015 = tpu.vector_load_idx %arg5[%add3A_1014] : memref<32768xf32, #tpu.memory_space<vmem>>[vector<16xi32>], vector<16xf32>,
      %neg3A_1016 = arith.constant 0.000000e+00 : f32
      %neg3A_1017 = vector.broadcast %neg3A_1016 : f32 to vector<16xf32>
      %neg3A_1018 = arith.subf %neg3A_1017, %gather3A_1015 : vector<16xf32>
      %max3A_1019 = arith.maximumf %neg3A_981, %gather3A_985 : vector<16xf32>
      %max3A_1020 = arith.maximumf %max3A_1019, %neg3A_992 : vector<16xf32>
      %max3A_1021 = arith.maximumf %max3A_1020, %gather3A_996 : vector<16xf32>
      %max3A_1022 = arith.maximumf %max3A_1021, %gather3A_1000 : vector<16xf32>
      %max3A_1023 = arith.maximumf %max3A_1022, %neg3A_1007 : vector<16xf32>
      %max3A_1024 = arith.maximumf %max3A_1023, %gather3A_1011 : vector<16xf32>
      %max3A_1025 = arith.maximumf %max3A_1024, %neg3A_1018 : vector<16xf32>
      %sub3A_1026 = arith.subf %neg3A_981, %max3A_1025 : vector<16xf32>
      %exp3A_1027 = math.exp %sub3A_1026 : vector<16xf32>
      %sub3A_1028 = arith.subf %gather3A_985, %max3A_1025 : vector<16xf32>
      %exp3A_1029 = math.exp %sub3A_1028 : vector<16xf32>
      %sub3A_1030 = arith.subf %neg3A_992, %max3A_1025 : vector<16xf32>
      %exp3A_1031 = math.exp %sub3A_1030 : vector<16xf32>
      %sub3A_1032 = arith.subf %gather3A_996, %max3A_1025 : vector<16xf32>
      %exp3A_1033 = math.exp %sub3A_1032 : vector<16xf32>
      %sub3A_1034 = arith.subf %gather3A_1000, %max3A_1025 : vector<16xf32>
      %exp3A_1035 = math.exp %sub3A_1034 : vector<16xf32>
      %sub3A_1036 = arith.subf %neg3A_1007, %max3A_1025 : vector<16xf32>
      %exp3A_1037 = math.exp %sub3A_1036 : vector<16xf32>
      %sub3A_1038 = arith.subf %gather3A_1011, %max3A_1025 : vector<16xf32>
      %exp3A_1039 = math.exp %sub3A_1038 : vector<16xf32>
      %sub3A_1040 = arith.subf %neg3A_1018, %max3A_1025 : vector<16xf32>
      %exp3A_1041 = math.exp %sub3A_1040 : vector<16xf32>
      %add3A_1042 = arith.addf %exp3A_1027, %exp3A_1029 : vector<16xf32>
      %add3A_1043 = arith.addf %add3A_1042, %exp3A_1031 : vector<16xf32>
      %add3A_1044 = arith.addf %add3A_1043, %exp3A_1033 : vector<16xf32>
      %add3A_1045 = arith.addf %add3A_1044, %exp3A_1035 : vector<16xf32>
      %add3A_1046 = arith.addf %add3A_1045, %exp3A_1037 : vector<16xf32>
      %add3A_1047 = arith.addf %add3A_1046, %exp3A_1039 : vector<16xf32>
      %add3A_1048 = arith.addf %add3A_1047, %exp3A_1041 : vector<16xf32>
      %div3A_1049 = arith.divf %min3A_7, %add3A_1048 : vector<16xf32>
      %mul3A_1050 = arith.constant 1024 : i32
      %mul3A_1051 = arith.muli %add3A_35, %mul3A_1050 : i32
      %add3A_1052 = arith.constant 112 : i32
      %add3A_1053 = arith.addi %mul3A_1051, %add3A_1052 : i32
      %mul3A_1054 = arith.mulf %exp3A_1027, %div3A_1049 : vector<16xf32>
      %neg3A_1055 = arith.constant 0.000000e+00 : f32
      %neg3A_1056 = vector.broadcast %neg3A_1055 : f32 to vector<16xf32>
      %neg3A_1057 = arith.subf %neg3A_1056, %mul3A_1054 : vector<16xf32>
      %add3A_1058 = arith.constant 0 : i32
      %add3A_1059 = arith.addi %add3A_1053, %add3A_1058 : i32
      %swap3A_1060 = arith.index_cast %add3A_1059 : i32 to index
      %swap3A_1061 = tpu.vector_load %arg7[%swap3A_1060] {strides = array<i32>} : memref<4096xf32, #tpu.memory_space<vmem>>, vector<16xf32>,
      tpu.vector_store %arg7[%swap3A_1060], %neg3A_1057 {strides = array<i32>} : memref<4096xf32, #tpu.memory_space<vmem>>, vector<16xf32>,
      %mul3A_1062 = arith.mulf %exp3A_1029, %div3A_1049 : vector<16xf32>
      %add3A_1063 = arith.constant 128 : i32
      %add3A_1064 = arith.addi %add3A_1053, %add3A_1063 : i32
      %swap3A_1065 = arith.index_cast %add3A_1064 : i32 to index
      %swap3A_1066 = tpu.vector_load %arg7[%swap3A_1065] {strides = array<i32>} : memref<4096xf32, #tpu.memory_space<vmem>>, vector<16xf32>,
      tpu.vector_store %arg7[%swap3A_1065], %mul3A_1062 {strides = array<i32>} : memref<4096xf32, #tpu.memory_space<vmem>>, vector<16xf32>,
      %mul3A_1067 = arith.mulf %exp3A_1031, %div3A_1049 : vector<16xf32>
      %neg3A_1068 = arith.constant 0.000000e+00 : f32
      %neg3A_1069 = vector.broadcast %neg3A_1068 : f32 to vector<16xf32>
      %neg3A_1070 = arith.subf %neg3A_1069, %mul3A_1067 : vector<16xf32>
      %add3A_1071 = arith.constant 256 : i32
      %add3A_1072 = arith.addi %add3A_1053, %add3A_1071 : i32
      %swap3A_1073 = arith.index_cast %add3A_1072 : i32 to index
      %swap3A_1074 = tpu.vector_load %arg7[%swap3A_1073] {strides = array<i32>} : memref<4096xf32, #tpu.memory_space<vmem>>, vector<16xf32>,
      tpu.vector_store %arg7[%swap3A_1073], %neg3A_1070 {strides = array<i32>} : memref<4096xf32, #tpu.memory_space<vmem>>, vector<16xf32>,
      %mul3A_1075 = arith.mulf %exp3A_1033, %div3A_1049 : vector<16xf32>
      %add3A_1076 = arith.constant 384 : i32
      %add3A_1077 = arith.addi %add3A_1053, %add3A_1076 : i32
      %swap3A_1078 = arith.index_cast %add3A_1077 : i32 to index
      %swap3A_1079 = tpu.vector_load %arg7[%swap3A_1078] {strides = array<i32>} : memref<4096xf32, #tpu.memory_space<vmem>>, vector<16xf32>,
      tpu.vector_store %arg7[%swap3A_1078], %mul3A_1075 {strides = array<i32>} : memref<4096xf32, #tpu.memory_space<vmem>>, vector<16xf32>,
      %mul3A_1080 = arith.mulf %exp3A_1035, %div3A_1049 : vector<16xf32>
      %add3A_1081 = arith.constant 512 : i32
      %add3A_1082 = arith.addi %add3A_1053, %add3A_1081 : i32
      %swap3A_1083 = arith.index_cast %add3A_1082 : i32 to index
      %swap3A_1084 = tpu.vector_load %arg7[%swap3A_1083] {strides = array<i32>} : memref<4096xf32, #tpu.memory_space<vmem>>, vector<16xf32>,
      tpu.vector_store %arg7[%swap3A_1083], %mul3A_1080 {strides = array<i32>} : memref<4096xf32, #tpu.memory_space<vmem>>, vector<16xf32>,
      %mul3A_1085 = arith.mulf %exp3A_1037, %div3A_1049 : vector<16xf32>
      %neg3A_1086 = arith.constant 0.000000e+00 : f32
      %neg3A_1087 = vector.broadcast %neg3A_1086 : f32 to vector<16xf32>
      %neg3A_1088 = arith.subf %neg3A_1087, %mul3A_1085 : vector<16xf32>
      %add3A_1089 = arith.constant 640 : i32
      %add3A_1090 = arith.addi %add3A_1053, %add3A_1089 : i32
      %swap3A_1091 = arith.index_cast %add3A_1090 : i32 to index
      %swap3A_1092 = tpu.vector_load %arg7[%swap3A_1091] {strides = array<i32>} : memref<4096xf32, #tpu.memory_space<vmem>>, vector<16xf32>,
      tpu.vector_store %arg7[%swap3A_1091], %neg3A_1088 {strides = array<i32>} : memref<4096xf32, #tpu.memory_space<vmem>>, vector<16xf32>,
      %mul3A_1093 = arith.mulf %exp3A_1039, %div3A_1049 : vector<16xf32>
      %add3A_1094 = arith.constant 768 : i32
      %add3A_1095 = arith.addi %add3A_1053, %add3A_1094 : i32
      %swap3A_1096 = arith.index_cast %add3A_1095 : i32 to index
      %swap3A_1097 = tpu.vector_load %arg7[%swap3A_1096] {strides = array<i32>} : memref<4096xf32, #tpu.memory_space<vmem>>, vector<16xf32>,
      tpu.vector_store %arg7[%swap3A_1096], %mul3A_1093 {strides = array<i32>} : memref<4096xf32, #tpu.memory_space<vmem>>, vector<16xf32>,
      %mul3A_1098 = arith.mulf %exp3A_1041, %div3A_1049 : vector<16xf32>
      %neg3A_1099 = arith.constant 0.000000e+00 : f32
      %neg3A_1100 = vector.broadcast %neg3A_1099 : f32 to vector<16xf32>
      %neg3A_1101 = arith.subf %neg3A_1100, %mul3A_1098 : vector<16xf32>
      %add3A_1102 = arith.constant 896 : i32
      %add3A_1103 = arith.addi %add3A_1053, %add3A_1102 : i32
      %swap3A_1104 = arith.index_cast %add3A_1103 : i32 to index
      %swap3A_1105 = tpu.vector_load %arg7[%swap3A_1104] {strides = array<i32>} : memref<4096xf32, #tpu.memory_space<vmem>>, vector<16xf32>,
      tpu.vector_store %arg7[%swap3A_1104], %neg3A_1101 {strides = array<i32>} : memref<4096xf32, #tpu.memory_space<vmem>>, vector<16xf32>,
      %lt3A = arith.constant 1 : i32
      %lt3A_1106 = arith.cmpi slt, %scan3A_31, %lt3A : i32
      %convert_element_type3A = arith.extui %lt3A_1106 : i1 to i32
      %cond3A = arith.constant 0 : i32
      %cond3A_1107 = arith.cmpi ne, %convert_element_type3A, %cond3A : i32
      scf.if %cond3A_1107 {
        %add3A_2194 = arith.constant 65536 : i32
        %add3A_2195 = arith.addi %add3A_38, %add3A_2194 : i32
        %dma_start3A_2196 = tpu.memref_slice %arg2[%add3A_2195] : memref<16777216xf32, #tpu.memory_space<hbm>> -> memref<32768xf32, #tpu.memory_space<hbm>>
        %dma_start3A_2197 = tpu.memref_slice %arg2[%add3A_2195] : memref<16777216xf32, #tpu.memory_space<hbm>> -> memref<32768xf32, #tpu.memory_space<hbm>>
        tpu.enqueue_dma source(%dma_start3A_2197 : memref<32768xf32, #tpu.memory_space<hbm>>) target(%arg5 : memref<32768xf32, #tpu.memory_space<vmem>>) target_semaphore(%arg9 : memref<!tpu.dma_semaphore, #tpu.memory_space<semaphore_mem>>)
      } else {
      }
      %mul3A_1108 = arith.constant 2 : i32
      %mul3A_1109 = arith.muli %mul3A_1108, %scan3A_31 : i32
      %add3A_1110 = arith.constant 1 : i32
      %add3A_1111 = arith.addi %mul3A_1109, %add3A_1110 : i32
      %mul3A_1112 = arith.constant 32768 : i32
      %mul3A_1113 = arith.muli %add3A_1111, %mul3A_1112 : i32
      %add3A_1114 = arith.addi %mul3A_2, %mul3A_1113 : i32
      %dma_wait3A_1115 = tpu.memref_slice %arg2[%add3A_1114] : memref<16777216xf32, #tpu.memory_space<hbm>> -> memref<32768xf32, #tpu.memory_space<hbm>>
      %dma_wait3A_1116 = tpu.memref_slice %arg2[%add3A_1114] : memref<16777216xf32, #tpu.memory_space<hbm>> -> memref<32768xf32, #tpu.memory_space<hbm>>
      tpu.wait_dma2 semaphore(%arg10 : memref<!tpu.dma_semaphore, #tpu.memory_space<semaphore_mem>>) src(%dma_wait3A_1116 : memref<32768xf32, #tpu.memory_space<hbm>>) dst(%arg6 : memref<32768xf32, #tpu.memory_space<vmem>>)
      %add3A_1117 = arith.constant 0 : i32
      %add3A_1118 = vector.broadcast %add3A_1117 : i32 to vector<16xi32>
      %add3A_1119 = arith.addi %add3A_18, %add3A_1118 : vector<16xi32>
      %add3A_1120 = arith.constant 0 : i32
      %add3A_1121 = vector.broadcast %add3A_1120 : i32 to vector<16xi32>
      %add3A_1122 = arith.addi %add3A_1119, %add3A_1121 : vector<16xi32>
      %gather3A_1123 = tpu.vector_load_idx %arg6[%add3A_1122] : memref<32768xf32, #tpu.memory_space<vmem>>[vector<16xi32>], vector<16xf32>,
      %neg3A_1124 = arith.constant 0.000000e+00 : f32
      %neg3A_1125 = vector.broadcast %neg3A_1124 : f32 to vector<16xf32>
      %neg3A_1126 = arith.subf %neg3A_1125, %gather3A_1123 : vector<16xf32>
      %add3A_1127 = arith.constant 3 : i32
      %add3A_1128 = vector.broadcast %add3A_1127 : i32 to vector<16xi32>
      %add3A_1129 = arith.addi %add3A_1119, %add3A_1128 : vector<16xi32>
      %gather3A_1130 = tpu.vector_load_idx %arg6[%add3A_1129] : memref<32768xf32, #tpu.memory_space<vmem>>[vector<16xi32>], vector<16xf32>,
      %add3A_1131 = arith.constant 17 : i32
      %add3A_1132 = vector.broadcast %add3A_1131 : i32 to vector<16xi32>
      %add3A_1133 = arith.addi %add3A_1119, %add3A_1132 : vector<16xi32>
      %gather3A_1134 = tpu.vector_load_idx %arg6[%add3A_1133] : memref<32768xf32, #tpu.memory_space<vmem>>[vector<16xi32>], vector<16xf32>,
      %neg3A_1135 = arith.constant 0.000000e+00 : f32
      %neg3A_1136 = vector.broadcast %neg3A_1135 : f32 to vector<16xf32>
      %neg3A_1137 = arith.subf %neg3A_1136, %gather3A_1134 : vector<16xf32>
      %add3A_1138 = arith.constant 42 : i32
      %add3A_1139 = vector.broadcast %add3A_1138 : i32 to vector<16xi32>
      %add3A_1140 = arith.addi %add3A_1119, %add3A_1139 : vector<16xi32>
      %gather3A_1141 = tpu.vector_load_idx %arg6[%add3A_1140] : memref<32768xf32, #tpu.memory_space<vmem>>[vector<16xi32>], vector<16xf32>,
      %add3A_1142 = arith.constant 97 : i32
      %add3A_1143 = vector.broadcast %add3A_1142 : i32 to vector<16xi32>
      %add3A_1144 = arith.addi %add3A_1119, %add3A_1143 : vector<16xi32>
      %gather3A_1145 = tpu.vector_load_idx %arg6[%add3A_1144] : memref<32768xf32, #tpu.memory_space<vmem>>[vector<16xi32>], vector<16xf32>,
      %add3A_1146 = arith.constant 1024 : i32
      %add3A_1147 = vector.broadcast %add3A_1146 : i32 to vector<16xi32>
      %add3A_1148 = arith.addi %add3A_1119, %add3A_1147 : vector<16xi32>
      %gather3A_1149 = tpu.vector_load_idx %arg6[%add3A_1148] : memref<32768xf32, #tpu.memory_space<vmem>>[vector<16xi32>], vector<16xf32>,
      %neg3A_1150 = arith.constant 0.000000e+00 : f32
      %neg3A_1151 = vector.broadcast %neg3A_1150 : f32 to vector<16xf32>
      %neg3A_1152 = arith.subf %neg3A_1151, %gather3A_1149 : vector<16xf32>
      %add3A_1153 = arith.constant 1096 : i32
      %add3A_1154 = vector.broadcast %add3A_1153 : i32 to vector<16xi32>
      %add3A_1155 = arith.addi %add3A_1119, %add3A_1154 : vector<16xi32>
      %gather3A_1156 = tpu.vector_load_idx %arg6[%add3A_1155] : memref<32768xf32, #tpu.memory_space<vmem>>[vector<16xi32>], vector<16xf32>,
      %add3A_1157 = arith.constant 1151 : i32
      %add3A_1158 = vector.broadcast %add3A_1157 : i32 to vector<16xi32>
      %add3A_1159 = arith.addi %add3A_1119, %add3A_1158 : vector<16xi32>
      %gather3A_1160 = tpu.vector_load_idx %arg6[%add3A_1159] : memref<32768xf32, #tpu.memory_space<vmem>>[vector<16xi32>], vector<16xf32>,
      %neg3A_1161 = arith.constant 0.000000e+00 : f32
      %neg3A_1162 = vector.broadcast %neg3A_1161 : f32 to vector<16xf32>
      %neg3A_1163 = arith.subf %neg3A_1162, %gather3A_1160 : vector<16xf32>
      %max3A_1164 = arith.maximumf %neg3A_1126, %gather3A_1130 : vector<16xf32>
      %max3A_1165 = arith.maximumf %max3A_1164, %neg3A_1137 : vector<16xf32>
      %max3A_1166 = arith.maximumf %max3A_1165, %gather3A_1141 : vector<16xf32>
      %max3A_1167 = arith.maximumf %max3A_1166, %gather3A_1145 : vector<16xf32>
      %max3A_1168 = arith.maximumf %max3A_1167, %neg3A_1152 : vector<16xf32>
      %max3A_1169 = arith.maximumf %max3A_1168, %gather3A_1156 : vector<16xf32>
      %max3A_1170 = arith.maximumf %max3A_1169, %neg3A_1163 : vector<16xf32>
      %sub3A_1171 = arith.subf %neg3A_1126, %max3A_1170 : vector<16xf32>
      %exp3A_1172 = math.exp %sub3A_1171 : vector<16xf32>
      %sub3A_1173 = arith.subf %gather3A_1130, %max3A_1170 : vector<16xf32>
      %exp3A_1174 = math.exp %sub3A_1173 : vector<16xf32>
      %sub3A_1175 = arith.subf %neg3A_1137, %max3A_1170 : vector<16xf32>
      %exp3A_1176 = math.exp %sub3A_1175 : vector<16xf32>
      %sub3A_1177 = arith.subf %gather3A_1141, %max3A_1170 : vector<16xf32>
      %exp3A_1178 = math.exp %sub3A_1177 : vector<16xf32>
      %sub3A_1179 = arith.subf %gather3A_1145, %max3A_1170 : vector<16xf32>
      %exp3A_1180 = math.exp %sub3A_1179 : vector<16xf32>
      %sub3A_1181 = arith.subf %neg3A_1152, %max3A_1170 : vector<16xf32>
      %exp3A_1182 = math.exp %sub3A_1181 : vector<16xf32>
      %sub3A_1183 = arith.subf %gather3A_1156, %max3A_1170 : vector<16xf32>
      %exp3A_1184 = math.exp %sub3A_1183 : vector<16xf32>
      %sub3A_1185 = arith.subf %neg3A_1163, %max3A_1170 : vector<16xf32>
      %exp3A_1186 = math.exp %sub3A_1185 : vector<16xf32>
      %add3A_1187 = arith.addf %exp3A_1172, %exp3A_1174 : vector<16xf32>
      %add3A_1188 = arith.addf %add3A_1187, %exp3A_1176 : vector<16xf32>
      %add3A_1189 = arith.addf %add3A_1188, %exp3A_1178 : vector<16xf32>
      %add3A_1190 = arith.addf %add3A_1189, %exp3A_1180 : vector<16xf32>
      %add3A_1191 = arith.addf %add3A_1190, %exp3A_1182 : vector<16xf32>
      %add3A_1192 = arith.addf %add3A_1191, %exp3A_1184 : vector<16xf32>
      %add3A_1193 = arith.addf %add3A_1192, %exp3A_1186 : vector<16xf32>
      %div3A_1194 = arith.divf %min3A_7, %add3A_1193 : vector<16xf32>
      %mul3A_1195 = arith.constant 1024 : i32
      %mul3A_1196 = arith.muli %add3A_1111, %mul3A_1195 : i32
      %add3A_1197 = arith.constant 0 : i32
      %add3A_1198 = arith.addi %mul3A_1196, %add3A_1197 : i32
      %mul3A_1199 = arith.mulf %exp3A_1172, %div3A_1194 : vector<16xf32>
      %neg3A_1200 = arith.constant 0.000000e+00 : f32
      %neg3A_1201 = vector.broadcast %neg3A_1200 : f32 to vector<16xf32>
      %neg3A_1202 = arith.subf %neg3A_1201, %mul3A_1199 : vector<16xf32>
      %add3A_1203 = arith.constant 0 : i32
      %add3A_1204 = arith.addi %add3A_1198, %add3A_1203 : i32
      %swap3A_1205 = arith.index_cast %add3A_1204 : i32 to index
      %swap3A_1206 = tpu.vector_load %arg7[%swap3A_1205] {strides = array<i32>} : memref<4096xf32, #tpu.memory_space<vmem>>, vector<16xf32>,
      tpu.vector_store %arg7[%swap3A_1205], %neg3A_1202 {strides = array<i32>} : memref<4096xf32, #tpu.memory_space<vmem>>, vector<16xf32>,
      %mul3A_1207 = arith.mulf %exp3A_1174, %div3A_1194 : vector<16xf32>
      %add3A_1208 = arith.constant 128 : i32
      %add3A_1209 = arith.addi %add3A_1198, %add3A_1208 : i32
      %swap3A_1210 = arith.index_cast %add3A_1209 : i32 to index
      %swap3A_1211 = tpu.vector_load %arg7[%swap3A_1210] {strides = array<i32>} : memref<4096xf32, #tpu.memory_space<vmem>>, vector<16xf32>,
      tpu.vector_store %arg7[%swap3A_1210], %mul3A_1207 {strides = array<i32>} : memref<4096xf32, #tpu.memory_space<vmem>>, vector<16xf32>,
      %mul3A_1212 = arith.mulf %exp3A_1176, %div3A_1194 : vector<16xf32>
      %neg3A_1213 = arith.constant 0.000000e+00 : f32
      %neg3A_1214 = vector.broadcast %neg3A_1213 : f32 to vector<16xf32>
      %neg3A_1215 = arith.subf %neg3A_1214, %mul3A_1212 : vector<16xf32>
      %add3A_1216 = arith.constant 256 : i32
      %add3A_1217 = arith.addi %add3A_1198, %add3A_1216 : i32
      %swap3A_1218 = arith.index_cast %add3A_1217 : i32 to index
      %swap3A_1219 = tpu.vector_load %arg7[%swap3A_1218] {strides = array<i32>} : memref<4096xf32, #tpu.memory_space<vmem>>, vector<16xf32>,
      tpu.vector_store %arg7[%swap3A_1218], %neg3A_1215 {strides = array<i32>} : memref<4096xf32, #tpu.memory_space<vmem>>, vector<16xf32>,
      %mul3A_1220 = arith.mulf %exp3A_1178, %div3A_1194 : vector<16xf32>
      %add3A_1221 = arith.constant 384 : i32
      %add3A_1222 = arith.addi %add3A_1198, %add3A_1221 : i32
      %swap3A_1223 = arith.index_cast %add3A_1222 : i32 to index
      %swap3A_1224 = tpu.vector_load %arg7[%swap3A_1223] {strides = array<i32>} : memref<4096xf32, #tpu.memory_space<vmem>>, vector<16xf32>,
      tpu.vector_store %arg7[%swap3A_1223], %mul3A_1220 {strides = array<i32>} : memref<4096xf32, #tpu.memory_space<vmem>>, vector<16xf32>,
      %mul3A_1225 = arith.mulf %exp3A_1180, %div3A_1194 : vector<16xf32>
      %add3A_1226 = arith.constant 512 : i32
      %add3A_1227 = arith.addi %add3A_1198, %add3A_1226 : i32
      %swap3A_1228 = arith.index_cast %add3A_1227 : i32 to index
      %swap3A_1229 = tpu.vector_load %arg7[%swap3A_1228] {strides = array<i32>} : memref<4096xf32, #tpu.memory_space<vmem>>, vector<16xf32>,
      tpu.vector_store %arg7[%swap3A_1228], %mul3A_1225 {strides = array<i32>} : memref<4096xf32, #tpu.memory_space<vmem>>, vector<16xf32>,
      %mul3A_1230 = arith.mulf %exp3A_1182, %div3A_1194 : vector<16xf32>
      %neg3A_1231 = arith.constant 0.000000e+00 : f32
      %neg3A_1232 = vector.broadcast %neg3A_1231 : f32 to vector<16xf32>
      %neg3A_1233 = arith.subf %neg3A_1232, %mul3A_1230 : vector<16xf32>
      %add3A_1234 = arith.constant 640 : i32
      %add3A_1235 = arith.addi %add3A_1198, %add3A_1234 : i32
      %swap3A_1236 = arith.index_cast %add3A_1235 : i32 to index
      %swap3A_1237 = tpu.vector_load %arg7[%swap3A_1236] {strides = array<i32>} : memref<4096xf32, #tpu.memory_space<vmem>>, vector<16xf32>,
      tpu.vector_store %arg7[%swap3A_1236], %neg3A_1233 {strides = array<i32>} : memref<4096xf32, #tpu.memory_space<vmem>>, vector<16xf32>,
      %mul3A_1238 = arith.mulf %exp3A_1184, %div3A_1194 : vector<16xf32>
      %add3A_1239 = arith.constant 768 : i32
      %add3A_1240 = arith.addi %add3A_1198, %add3A_1239 : i32
      %swap3A_1241 = arith.index_cast %add3A_1240 : i32 to index
      %swap3A_1242 = tpu.vector_load %arg7[%swap3A_1241] {strides = array<i32>} : memref<4096xf32, #tpu.memory_space<vmem>>, vector<16xf32>,
      tpu.vector_store %arg7[%swap3A_1241], %mul3A_1238 {strides = array<i32>} : memref<4096xf32, #tpu.memory_space<vmem>>, vector<16xf32>,
      %mul3A_1243 = arith.mulf %exp3A_1186, %div3A_1194 : vector<16xf32>
      %neg3A_1244 = arith.constant 0.000000e+00 : f32
      %neg3A_1245 = vector.broadcast %neg3A_1244 : f32 to vector<16xf32>
      %neg3A_1246 = arith.subf %neg3A_1245, %mul3A_1243 : vector<16xf32>
      %add3A_1247 = arith.constant 896 : i32
      %add3A_1248 = arith.addi %add3A_1198, %add3A_1247 : i32
      %swap3A_1249 = arith.index_cast %add3A_1248 : i32 to index
      %swap3A_1250 = tpu.vector_load %arg7[%swap3A_1249] {strides = array<i32>} : memref<4096xf32, #tpu.memory_space<vmem>>, vector<16xf32>,
      tpu.vector_store %arg7[%swap3A_1249], %neg3A_1246 {strides = array<i32>} : memref<4096xf32, #tpu.memory_space<vmem>>, vector<16xf32>,
      %add3A_1251 = arith.constant 4096 : i32
      %add3A_1252 = vector.broadcast %add3A_1251 : i32 to vector<16xi32>
      %add3A_1253 = arith.addi %add3A_18, %add3A_1252 : vector<16xi32>
      %add3A_1254 = arith.constant 0 : i32
      %add3A_1255 = vector.broadcast %add3A_1254 : i32 to vector<16xi32>
      %add3A_1256 = arith.addi %add3A_1253, %add3A_1255 : vector<16xi32>
      %gather3A_1257 = tpu.vector_load_idx %arg6[%add3A_1256] : memref<32768xf32, #tpu.memory_space<vmem>>[vector<16xi32>], vector<16xf32>,
      %neg3A_1258 = arith.constant 0.000000e+00 : f32
      %neg3A_1259 = vector.broadcast %neg3A_1258 : f32 to vector<16xf32>
      %neg3A_1260 = arith.subf %neg3A_1259, %gather3A_1257 : vector<16xf32>
      %add3A_1261 = arith.constant 3 : i32
      %add3A_1262 = vector.broadcast %add3A_1261 : i32 to vector<16xi32>
      %add3A_1263 = arith.addi %add3A_1253, %add3A_1262 : vector<16xi32>
      %gather3A_1264 = tpu.vector_load_idx %arg6[%add3A_1263] : memref<32768xf32, #tpu.memory_space<vmem>>[vector<16xi32>], vector<16xf32>,
      %add3A_1265 = arith.constant 17 : i32
      %add3A_1266 = vector.broadcast %add3A_1265 : i32 to vector<16xi32>
      %add3A_1267 = arith.addi %add3A_1253, %add3A_1266 : vector<16xi32>
      %gather3A_1268 = tpu.vector_load_idx %arg6[%add3A_1267] : memref<32768xf32, #tpu.memory_space<vmem>>[vector<16xi32>], vector<16xf32>,
      %neg3A_1269 = arith.constant 0.000000e+00 : f32
      %neg3A_1270 = vector.broadcast %neg3A_1269 : f32 to vector<16xf32>
      %neg3A_1271 = arith.subf %neg3A_1270, %gather3A_1268 : vector<16xf32>
      %add3A_1272 = arith.constant 42 : i32
      %add3A_1273 = vector.broadcast %add3A_1272 : i32 to vector<16xi32>
      %add3A_1274 = arith.addi %add3A_1253, %add3A_1273 : vector<16xi32>
      %gather3A_1275 = tpu.vector_load_idx %arg6[%add3A_1274] : memref<32768xf32, #tpu.memory_space<vmem>>[vector<16xi32>], vector<16xf32>,
      %add3A_1276 = arith.constant 97 : i32
      %add3A_1277 = vector.broadcast %add3A_1276 : i32 to vector<16xi32>
      %add3A_1278 = arith.addi %add3A_1253, %add3A_1277 : vector<16xi32>
      %gather3A_1279 = tpu.vector_load_idx %arg6[%add3A_1278] : memref<32768xf32, #tpu.memory_space<vmem>>[vector<16xi32>], vector<16xf32>,
      %add3A_1280 = arith.constant 1024 : i32
      %add3A_1281 = vector.broadcast %add3A_1280 : i32 to vector<16xi32>
      %add3A_1282 = arith.addi %add3A_1253, %add3A_1281 : vector<16xi32>
      %gather3A_1283 = tpu.vector_load_idx %arg6[%add3A_1282] : memref<32768xf32, #tpu.memory_space<vmem>>[vector<16xi32>], vector<16xf32>,
      %neg3A_1284 = arith.constant 0.000000e+00 : f32
      %neg3A_1285 = vector.broadcast %neg3A_1284 : f32 to vector<16xf32>
      %neg3A_1286 = arith.subf %neg3A_1285, %gather3A_1283 : vector<16xf32>
      %add3A_1287 = arith.constant 1096 : i32
      %add3A_1288 = vector.broadcast %add3A_1287 : i32 to vector<16xi32>
      %add3A_1289 = arith.addi %add3A_1253, %add3A_1288 : vector<16xi32>
      %gather3A_1290 = tpu.vector_load_idx %arg6[%add3A_1289] : memref<32768xf32, #tpu.memory_space<vmem>>[vector<16xi32>], vector<16xf32>,
      %add3A_1291 = arith.constant 1151 : i32
      %add3A_1292 = vector.broadcast %add3A_1291 : i32 to vector<16xi32>
      %add3A_1293 = arith.addi %add3A_1253, %add3A_1292 : vector<16xi32>
      %gather3A_1294 = tpu.vector_load_idx %arg6[%add3A_1293] : memref<32768xf32, #tpu.memory_space<vmem>>[vector<16xi32>], vector<16xf32>,
      %neg3A_1295 = arith.constant 0.000000e+00 : f32
      %neg3A_1296 = vector.broadcast %neg3A_1295 : f32 to vector<16xf32>
      %neg3A_1297 = arith.subf %neg3A_1296, %gather3A_1294 : vector<16xf32>
      %max3A_1298 = arith.maximumf %neg3A_1260, %gather3A_1264 : vector<16xf32>
      %max3A_1299 = arith.maximumf %max3A_1298, %neg3A_1271 : vector<16xf32>
      %max3A_1300 = arith.maximumf %max3A_1299, %gather3A_1275 : vector<16xf32>
      %max3A_1301 = arith.maximumf %max3A_1300, %gather3A_1279 : vector<16xf32>
      %max3A_1302 = arith.maximumf %max3A_1301, %neg3A_1286 : vector<16xf32>
      %max3A_1303 = arith.maximumf %max3A_1302, %gather3A_1290 : vector<16xf32>
      %max3A_1304 = arith.maximumf %max3A_1303, %neg3A_1297 : vector<16xf32>
      %sub3A_1305 = arith.subf %neg3A_1260, %max3A_1304 : vector<16xf32>
      %exp3A_1306 = math.exp %sub3A_1305 : vector<16xf32>
      %sub3A_1307 = arith.subf %gather3A_1264, %max3A_1304 : vector<16xf32>
      %exp3A_1308 = math.exp %sub3A_1307 : vector<16xf32>
      %sub3A_1309 = arith.subf %neg3A_1271, %max3A_1304 : vector<16xf32>
      %exp3A_1310 = math.exp %sub3A_1309 : vector<16xf32>
      %sub3A_1311 = arith.subf %gather3A_1275, %max3A_1304 : vector<16xf32>
      %exp3A_1312 = math.exp %sub3A_1311 : vector<16xf32>
      %sub3A_1313 = arith.subf %gather3A_1279, %max3A_1304 : vector<16xf32>
      %exp3A_1314 = math.exp %sub3A_1313 : vector<16xf32>
      %sub3A_1315 = arith.subf %neg3A_1286, %max3A_1304 : vector<16xf32>
      %exp3A_1316 = math.exp %sub3A_1315 : vector<16xf32>
      %sub3A_1317 = arith.subf %gather3A_1290, %max3A_1304 : vector<16xf32>
      %exp3A_1318 = math.exp %sub3A_1317 : vector<16xf32>
      %sub3A_1319 = arith.subf %neg3A_1297, %max3A_1304 : vector<16xf32>
      %exp3A_1320 = math.exp %sub3A_1319 : vector<16xf32>
      %add3A_1321 = arith.addf %exp3A_1306, %exp3A_1308 : vector<16xf32>
      %add3A_1322 = arith.addf %add3A_1321, %exp3A_1310 : vector<16xf32>
      %add3A_1323 = arith.addf %add3A_1322, %exp3A_1312 : vector<16xf32>
      %add3A_1324 = arith.addf %add3A_1323, %exp3A_1314 : vector<16xf32>
      %add3A_1325 = arith.addf %add3A_1324, %exp3A_1316 : vector<16xf32>
      %add3A_1326 = arith.addf %add3A_1325, %exp3A_1318 : vector<16xf32>
      %add3A_1327 = arith.addf %add3A_1326, %exp3A_1320 : vector<16xf32>
      %div3A_1328 = arith.divf %min3A_7, %add3A_1327 : vector<16xf32>
      %mul3A_1329 = arith.constant 1024 : i32
      %mul3A_1330 = arith.muli %add3A_1111, %mul3A_1329 : i32
      %add3A_1331 = arith.constant 16 : i32
      %add3A_1332 = arith.addi %mul3A_1330, %add3A_1331 : i32
      %mul3A_1333 = arith.mulf %exp3A_1306, %div3A_1328 : vector<16xf32>
      %neg3A_1334 = arith.constant 0.000000e+00 : f32
      %neg3A_1335 = vector.broadcast %neg3A_1334 : f32 to vector<16xf32>
      %neg3A_1336 = arith.subf %neg3A_1335, %mul3A_1333 : vector<16xf32>
      %add3A_1337 = arith.constant 0 : i32
      %add3A_1338 = arith.addi %add3A_1332, %add3A_1337 : i32
      %swap3A_1339 = arith.index_cast %add3A_1338 : i32 to index
      %swap3A_1340 = tpu.vector_load %arg7[%swap3A_1339] {strides = array<i32>} : memref<4096xf32, #tpu.memory_space<vmem>>, vector<16xf32>,
      tpu.vector_store %arg7[%swap3A_1339], %neg3A_1336 {strides = array<i32>} : memref<4096xf32, #tpu.memory_space<vmem>>, vector<16xf32>,
      %mul3A_1341 = arith.mulf %exp3A_1308, %div3A_1328 : vector<16xf32>
      %add3A_1342 = arith.constant 128 : i32
      %add3A_1343 = arith.addi %add3A_1332, %add3A_1342 : i32
      %swap3A_1344 = arith.index_cast %add3A_1343 : i32 to index
      %swap3A_1345 = tpu.vector_load %arg7[%swap3A_1344] {strides = array<i32>} : memref<4096xf32, #tpu.memory_space<vmem>>, vector<16xf32>,
      tpu.vector_store %arg7[%swap3A_1344], %mul3A_1341 {strides = array<i32>} : memref<4096xf32, #tpu.memory_space<vmem>>, vector<16xf32>,
      %mul3A_1346 = arith.mulf %exp3A_1310, %div3A_1328 : vector<16xf32>
      %neg3A_1347 = arith.constant 0.000000e+00 : f32
      %neg3A_1348 = vector.broadcast %neg3A_1347 : f32 to vector<16xf32>
      %neg3A_1349 = arith.subf %neg3A_1348, %mul3A_1346 : vector<16xf32>
      %add3A_1350 = arith.constant 256 : i32
      %add3A_1351 = arith.addi %add3A_1332, %add3A_1350 : i32
      %swap3A_1352 = arith.index_cast %add3A_1351 : i32 to index
      %swap3A_1353 = tpu.vector_load %arg7[%swap3A_1352] {strides = array<i32>} : memref<4096xf32, #tpu.memory_space<vmem>>, vector<16xf32>,
      tpu.vector_store %arg7[%swap3A_1352], %neg3A_1349 {strides = array<i32>} : memref<4096xf32, #tpu.memory_space<vmem>>, vector<16xf32>,
      %mul3A_1354 = arith.mulf %exp3A_1312, %div3A_1328 : vector<16xf32>
      %add3A_1355 = arith.constant 384 : i32
      %add3A_1356 = arith.addi %add3A_1332, %add3A_1355 : i32
      %swap3A_1357 = arith.index_cast %add3A_1356 : i32 to index
      %swap3A_1358 = tpu.vector_load %arg7[%swap3A_1357] {strides = array<i32>} : memref<4096xf32, #tpu.memory_space<vmem>>, vector<16xf32>,
      tpu.vector_store %arg7[%swap3A_1357], %mul3A_1354 {strides = array<i32>} : memref<4096xf32, #tpu.memory_space<vmem>>, vector<16xf32>,
      %mul3A_1359 = arith.mulf %exp3A_1314, %div3A_1328 : vector<16xf32>
      %add3A_1360 = arith.constant 512 : i32
      %add3A_1361 = arith.addi %add3A_1332, %add3A_1360 : i32
      %swap3A_1362 = arith.index_cast %add3A_1361 : i32 to index
      %swap3A_1363 = tpu.vector_load %arg7[%swap3A_1362] {strides = array<i32>} : memref<4096xf32, #tpu.memory_space<vmem>>, vector<16xf32>,
      tpu.vector_store %arg7[%swap3A_1362], %mul3A_1359 {strides = array<i32>} : memref<4096xf32, #tpu.memory_space<vmem>>, vector<16xf32>,
      %mul3A_1364 = arith.mulf %exp3A_1316, %div3A_1328 : vector<16xf32>
      %neg3A_1365 = arith.constant 0.000000e+00 : f32
      %neg3A_1366 = vector.broadcast %neg3A_1365 : f32 to vector<16xf32>
      %neg3A_1367 = arith.subf %neg3A_1366, %mul3A_1364 : vector<16xf32>
      %add3A_1368 = arith.constant 640 : i32
      %add3A_1369 = arith.addi %add3A_1332, %add3A_1368 : i32
      %swap3A_1370 = arith.index_cast %add3A_1369 : i32 to index
      %swap3A_1371 = tpu.vector_load %arg7[%swap3A_1370] {strides = array<i32>} : memref<4096xf32, #tpu.memory_space<vmem>>, vector<16xf32>,
      tpu.vector_store %arg7[%swap3A_1370], %neg3A_1367 {strides = array<i32>} : memref<4096xf32, #tpu.memory_space<vmem>>, vector<16xf32>,
      %mul3A_1372 = arith.mulf %exp3A_1318, %div3A_1328 : vector<16xf32>
      %add3A_1373 = arith.constant 768 : i32
      %add3A_1374 = arith.addi %add3A_1332, %add3A_1373 : i32
      %swap3A_1375 = arith.index_cast %add3A_1374 : i32 to index
      %swap3A_1376 = tpu.vector_load %arg7[%swap3A_1375] {strides = array<i32>} : memref<4096xf32, #tpu.memory_space<vmem>>, vector<16xf32>,
      tpu.vector_store %arg7[%swap3A_1375], %mul3A_1372 {strides = array<i32>} : memref<4096xf32, #tpu.memory_space<vmem>>, vector<16xf32>,
      %mul3A_1377 = arith.mulf %exp3A_1320, %div3A_1328 : vector<16xf32>
      %neg3A_1378 = arith.constant 0.000000e+00 : f32
      %neg3A_1379 = vector.broadcast %neg3A_1378 : f32 to vector<16xf32>
      %neg3A_1380 = arith.subf %neg3A_1379, %mul3A_1377 : vector<16xf32>
      %add3A_1381 = arith.constant 896 : i32
      %add3A_1382 = arith.addi %add3A_1332, %add3A_1381 : i32
      %swap3A_1383 = arith.index_cast %add3A_1382 : i32 to index
      %swap3A_1384 = tpu.vector_load %arg7[%swap3A_1383] {strides = array<i32>} : memref<4096xf32, #tpu.memory_space<vmem>>, vector<16xf32>,
      tpu.vector_store %arg7[%swap3A_1383], %neg3A_1380 {strides = array<i32>} : memref<4096xf32, #tpu.memory_space<vmem>>, vector<16xf32>,
      %add3A_1385 = arith.constant 8192 : i32
      %add3A_1386 = vector.broadcast %add3A_1385 : i32 to vector<16xi32>
      %add3A_1387 = arith.addi %add3A_18, %add3A_1386 : vector<16xi32>
      %add3A_1388 = arith.constant 0 : i32
      %add3A_1389 = vector.broadcast %add3A_1388 : i32 to vector<16xi32>
      %add3A_1390 = arith.addi %add3A_1387, %add3A_1389 : vector<16xi32>
      %gather3A_1391 = tpu.vector_load_idx %arg6[%add3A_1390] : memref<32768xf32, #tpu.memory_space<vmem>>[vector<16xi32>], vector<16xf32>,
      %neg3A_1392 = arith.constant 0.000000e+00 : f32
      %neg3A_1393 = vector.broadcast %neg3A_1392 : f32 to vector<16xf32>
      %neg3A_1394 = arith.subf %neg3A_1393, %gather3A_1391 : vector<16xf32>
      %add3A_1395 = arith.constant 3 : i32
      %add3A_1396 = vector.broadcast %add3A_1395 : i32 to vector<16xi32>
      %add3A_1397 = arith.addi %add3A_1387, %add3A_1396 : vector<16xi32>
      %gather3A_1398 = tpu.vector_load_idx %arg6[%add3A_1397] : memref<32768xf32, #tpu.memory_space<vmem>>[vector<16xi32>], vector<16xf32>,
      %add3A_1399 = arith.constant 17 : i32
      %add3A_1400 = vector.broadcast %add3A_1399 : i32 to vector<16xi32>
      %add3A_1401 = arith.addi %add3A_1387, %add3A_1400 : vector<16xi32>
      %gather3A_1402 = tpu.vector_load_idx %arg6[%add3A_1401] : memref<32768xf32, #tpu.memory_space<vmem>>[vector<16xi32>], vector<16xf32>,
      %neg3A_1403 = arith.constant 0.000000e+00 : f32
      %neg3A_1404 = vector.broadcast %neg3A_1403 : f32 to vector<16xf32>
      %neg3A_1405 = arith.subf %neg3A_1404, %gather3A_1402 : vector<16xf32>
      %add3A_1406 = arith.constant 42 : i32
      %add3A_1407 = vector.broadcast %add3A_1406 : i32 to vector<16xi32>
      %add3A_1408 = arith.addi %add3A_1387, %add3A_1407 : vector<16xi32>
      %gather3A_1409 = tpu.vector_load_idx %arg6[%add3A_1408] : memref<32768xf32, #tpu.memory_space<vmem>>[vector<16xi32>], vector<16xf32>,
      %add3A_1410 = arith.constant 97 : i32
      %add3A_1411 = vector.broadcast %add3A_1410 : i32 to vector<16xi32>
      %add3A_1412 = arith.addi %add3A_1387, %add3A_1411 : vector<16xi32>
      %gather3A_1413 = tpu.vector_load_idx %arg6[%add3A_1412] : memref<32768xf32, #tpu.memory_space<vmem>>[vector<16xi32>], vector<16xf32>,
      %add3A_1414 = arith.constant 1024 : i32
      %add3A_1415 = vector.broadcast %add3A_1414 : i32 to vector<16xi32>
      %add3A_1416 = arith.addi %add3A_1387, %add3A_1415 : vector<16xi32>
      %gather3A_1417 = tpu.vector_load_idx %arg6[%add3A_1416] : memref<32768xf32, #tpu.memory_space<vmem>>[vector<16xi32>], vector<16xf32>,
      %neg3A_1418 = arith.constant 0.000000e+00 : f32
      %neg3A_1419 = vector.broadcast %neg3A_1418 : f32 to vector<16xf32>
      %neg3A_1420 = arith.subf %neg3A_1419, %gather3A_1417 : vector<16xf32>
      %add3A_1421 = arith.constant 1096 : i32
      %add3A_1422 = vector.broadcast %add3A_1421 : i32 to vector<16xi32>
      %add3A_1423 = arith.addi %add3A_1387, %add3A_1422 : vector<16xi32>
      %gather3A_1424 = tpu.vector_load_idx %arg6[%add3A_1423] : memref<32768xf32, #tpu.memory_space<vmem>>[vector<16xi32>], vector<16xf32>,
      %add3A_1425 = arith.constant 1151 : i32
      %add3A_1426 = vector.broadcast %add3A_1425 : i32 to vector<16xi32>
      %add3A_1427 = arith.addi %add3A_1387, %add3A_1426 : vector<16xi32>
      %gather3A_1428 = tpu.vector_load_idx %arg6[%add3A_1427] : memref<32768xf32, #tpu.memory_space<vmem>>[vector<16xi32>], vector<16xf32>,
      %neg3A_1429 = arith.constant 0.000000e+00 : f32
      %neg3A_1430 = vector.broadcast %neg3A_1429 : f32 to vector<16xf32>
      %neg3A_1431 = arith.subf %neg3A_1430, %gather3A_1428 : vector<16xf32>
      %max3A_1432 = arith.maximumf %neg3A_1394, %gather3A_1398 : vector<16xf32>
      %max3A_1433 = arith.maximumf %max3A_1432, %neg3A_1405 : vector<16xf32>
      %max3A_1434 = arith.maximumf %max3A_1433, %gather3A_1409 : vector<16xf32>
      %max3A_1435 = arith.maximumf %max3A_1434, %gather3A_1413 : vector<16xf32>
      %max3A_1436 = arith.maximumf %max3A_1435, %neg3A_1420 : vector<16xf32>
      %max3A_1437 = arith.maximumf %max3A_1436, %gather3A_1424 : vector<16xf32>
      %max3A_1438 = arith.maximumf %max3A_1437, %neg3A_1431 : vector<16xf32>
      %sub3A_1439 = arith.subf %neg3A_1394, %max3A_1438 : vector<16xf32>
      %exp3A_1440 = math.exp %sub3A_1439 : vector<16xf32>
      %sub3A_1441 = arith.subf %gather3A_1398, %max3A_1438 : vector<16xf32>
      %exp3A_1442 = math.exp %sub3A_1441 : vector<16xf32>
      %sub3A_1443 = arith.subf %neg3A_1405, %max3A_1438 : vector<16xf32>
      %exp3A_1444 = math.exp %sub3A_1443 : vector<16xf32>
      %sub3A_1445 = arith.subf %gather3A_1409, %max3A_1438 : vector<16xf32>
      %exp3A_1446 = math.exp %sub3A_1445 : vector<16xf32>
      %sub3A_1447 = arith.subf %gather3A_1413, %max3A_1438 : vector<16xf32>
      %exp3A_1448 = math.exp %sub3A_1447 : vector<16xf32>
      %sub3A_1449 = arith.subf %neg3A_1420, %max3A_1438 : vector<16xf32>
      %exp3A_1450 = math.exp %sub3A_1449 : vector<16xf32>
      %sub3A_1451 = arith.subf %gather3A_1424, %max3A_1438 : vector<16xf32>
      %exp3A_1452 = math.exp %sub3A_1451 : vector<16xf32>
      %sub3A_1453 = arith.subf %neg3A_1431, %max3A_1438 : vector<16xf32>
      %exp3A_1454 = math.exp %sub3A_1453 : vector<16xf32>
      %add3A_1455 = arith.addf %exp3A_1440, %exp3A_1442 : vector<16xf32>
      %add3A_1456 = arith.addf %add3A_1455, %exp3A_1444 : vector<16xf32>
      %add3A_1457 = arith.addf %add3A_1456, %exp3A_1446 : vector<16xf32>
      %add3A_1458 = arith.addf %add3A_1457, %exp3A_1448 : vector<16xf32>
      %add3A_1459 = arith.addf %add3A_1458, %exp3A_1450 : vector<16xf32>
      %add3A_1460 = arith.addf %add3A_1459, %exp3A_1452 : vector<16xf32>
      %add3A_1461 = arith.addf %add3A_1460, %exp3A_1454 : vector<16xf32>
      %div3A_1462 = arith.divf %min3A_7, %add3A_1461 : vector<16xf32>
      %mul3A_1463 = arith.constant 1024 : i32
      %mul3A_1464 = arith.muli %add3A_1111, %mul3A_1463 : i32
      %add3A_1465 = arith.constant 32 : i32
      %add3A_1466 = arith.addi %mul3A_1464, %add3A_1465 : i32
      %mul3A_1467 = arith.mulf %exp3A_1440, %div3A_1462 : vector<16xf32>
      %neg3A_1468 = arith.constant 0.000000e+00 : f32
      %neg3A_1469 = vector.broadcast %neg3A_1468 : f32 to vector<16xf32>
      %neg3A_1470 = arith.subf %neg3A_1469, %mul3A_1467 : vector<16xf32>
      %add3A_1471 = arith.constant 0 : i32
      %add3A_1472 = arith.addi %add3A_1466, %add3A_1471 : i32
      %swap3A_1473 = arith.index_cast %add3A_1472 : i32 to index
      %swap3A_1474 = tpu.vector_load %arg7[%swap3A_1473] {strides = array<i32>} : memref<4096xf32, #tpu.memory_space<vmem>>, vector<16xf32>,
      tpu.vector_store %arg7[%swap3A_1473], %neg3A_1470 {strides = array<i32>} : memref<4096xf32, #tpu.memory_space<vmem>>, vector<16xf32>,
      %mul3A_1475 = arith.mulf %exp3A_1442, %div3A_1462 : vector<16xf32>
      %add3A_1476 = arith.constant 128 : i32
      %add3A_1477 = arith.addi %add3A_1466, %add3A_1476 : i32
      %swap3A_1478 = arith.index_cast %add3A_1477 : i32 to index
      %swap3A_1479 = tpu.vector_load %arg7[%swap3A_1478] {strides = array<i32>} : memref<4096xf32, #tpu.memory_space<vmem>>, vector<16xf32>,
      tpu.vector_store %arg7[%swap3A_1478], %mul3A_1475 {strides = array<i32>} : memref<4096xf32, #tpu.memory_space<vmem>>, vector<16xf32>,
      %mul3A_1480 = arith.mulf %exp3A_1444, %div3A_1462 : vector<16xf32>
      %neg3A_1481 = arith.constant 0.000000e+00 : f32
      %neg3A_1482 = vector.broadcast %neg3A_1481 : f32 to vector<16xf32>
      %neg3A_1483 = arith.subf %neg3A_1482, %mul3A_1480 : vector<16xf32>
      %add3A_1484 = arith.constant 256 : i32
      %add3A_1485 = arith.addi %add3A_1466, %add3A_1484 : i32
      %swap3A_1486 = arith.index_cast %add3A_1485 : i32 to index
      %swap3A_1487 = tpu.vector_load %arg7[%swap3A_1486] {strides = array<i32>} : memref<4096xf32, #tpu.memory_space<vmem>>, vector<16xf32>,
      tpu.vector_store %arg7[%swap3A_1486], %neg3A_1483 {strides = array<i32>} : memref<4096xf32, #tpu.memory_space<vmem>>, vector<16xf32>,
      %mul3A_1488 = arith.mulf %exp3A_1446, %div3A_1462 : vector<16xf32>
      %add3A_1489 = arith.constant 384 : i32
      %add3A_1490 = arith.addi %add3A_1466, %add3A_1489 : i32
      %swap3A_1491 = arith.index_cast %add3A_1490 : i32 to index
      %swap3A_1492 = tpu.vector_load %arg7[%swap3A_1491] {strides = array<i32>} : memref<4096xf32, #tpu.memory_space<vmem>>, vector<16xf32>,
      tpu.vector_store %arg7[%swap3A_1491], %mul3A_1488 {strides = array<i32>} : memref<4096xf32, #tpu.memory_space<vmem>>, vector<16xf32>,
      %mul3A_1493 = arith.mulf %exp3A_1448, %div3A_1462 : vector<16xf32>
      %add3A_1494 = arith.constant 512 : i32
      %add3A_1495 = arith.addi %add3A_1466, %add3A_1494 : i32
      %swap3A_1496 = arith.index_cast %add3A_1495 : i32 to index
      %swap3A_1497 = tpu.vector_load %arg7[%swap3A_1496] {strides = array<i32>} : memref<4096xf32, #tpu.memory_space<vmem>>, vector<16xf32>,
      tpu.vector_store %arg7[%swap3A_1496], %mul3A_1493 {strides = array<i32>} : memref<4096xf32, #tpu.memory_space<vmem>>, vector<16xf32>,
      %mul3A_1498 = arith.mulf %exp3A_1450, %div3A_1462 : vector<16xf32>
      %neg3A_1499 = arith.constant 0.000000e+00 : f32
      %neg3A_1500 = vector.broadcast %neg3A_1499 : f32 to vector<16xf32>
      %neg3A_1501 = arith.subf %neg3A_1500, %mul3A_1498 : vector<16xf32>
      %add3A_1502 = arith.constant 640 : i32
      %add3A_1503 = arith.addi %add3A_1466, %add3A_1502 : i32
      %swap3A_1504 = arith.index_cast %add3A_1503 : i32 to index
      %swap3A_1505 = tpu.vector_load %arg7[%swap3A_1504] {strides = array<i32>} : memref<4096xf32, #tpu.memory_space<vmem>>, vector<16xf32>,
      tpu.vector_store %arg7[%swap3A_1504], %neg3A_1501 {strides = array<i32>} : memref<4096xf32, #tpu.memory_space<vmem>>, vector<16xf32>,
      %mul3A_1506 = arith.mulf %exp3A_1452, %div3A_1462 : vector<16xf32>
      %add3A_1507 = arith.constant 768 : i32
      %add3A_1508 = arith.addi %add3A_1466, %add3A_1507 : i32
      %swap3A_1509 = arith.index_cast %add3A_1508 : i32 to index
      %swap3A_1510 = tpu.vector_load %arg7[%swap3A_1509] {strides = array<i32>} : memref<4096xf32, #tpu.memory_space<vmem>>, vector<16xf32>,
      tpu.vector_store %arg7[%swap3A_1509], %mul3A_1506 {strides = array<i32>} : memref<4096xf32, #tpu.memory_space<vmem>>, vector<16xf32>,
      %mul3A_1511 = arith.mulf %exp3A_1454, %div3A_1462 : vector<16xf32>
      %neg3A_1512 = arith.constant 0.000000e+00 : f32
      %neg3A_1513 = vector.broadcast %neg3A_1512 : f32 to vector<16xf32>
      %neg3A_1514 = arith.subf %neg3A_1513, %mul3A_1511 : vector<16xf32>
      %add3A_1515 = arith.constant 896 : i32
      %add3A_1516 = arith.addi %add3A_1466, %add3A_1515 : i32
      %swap3A_1517 = arith.index_cast %add3A_1516 : i32 to index
      %swap3A_1518 = tpu.vector_load %arg7[%swap3A_1517] {strides = array<i32>} : memref<4096xf32, #tpu.memory_space<vmem>>, vector<16xf32>,
      tpu.vector_store %arg7[%swap3A_1517], %neg3A_1514 {strides = array<i32>} : memref<4096xf32, #tpu.memory_space<vmem>>, vector<16xf32>,
      %add3A_1519 = arith.constant 12288 : i32
      %add3A_1520 = vector.broadcast %add3A_1519 : i32 to vector<16xi32>
      %add3A_1521 = arith.addi %add3A_18, %add3A_1520 : vector<16xi32>
      %add3A_1522 = arith.constant 0 : i32
      %add3A_1523 = vector.broadcast %add3A_1522 : i32 to vector<16xi32>
      %add3A_1524 = arith.addi %add3A_1521, %add3A_1523 : vector<16xi32>
      %gather3A_1525 = tpu.vector_load_idx %arg6[%add3A_1524] : memref<32768xf32, #tpu.memory_space<vmem>>[vector<16xi32>], vector<16xf32>,
      %neg3A_1526 = arith.constant 0.000000e+00 : f32
      %neg3A_1527 = vector.broadcast %neg3A_1526 : f32 to vector<16xf32>
      %neg3A_1528 = arith.subf %neg3A_1527, %gather3A_1525 : vector<16xf32>
      %add3A_1529 = arith.constant 3 : i32
      %add3A_1530 = vector.broadcast %add3A_1529 : i32 to vector<16xi32>
      %add3A_1531 = arith.addi %add3A_1521, %add3A_1530 : vector<16xi32>
      %gather3A_1532 = tpu.vector_load_idx %arg6[%add3A_1531] : memref<32768xf32, #tpu.memory_space<vmem>>[vector<16xi32>], vector<16xf32>,
      %add3A_1533 = arith.constant 17 : i32
      %add3A_1534 = vector.broadcast %add3A_1533 : i32 to vector<16xi32>
      %add3A_1535 = arith.addi %add3A_1521, %add3A_1534 : vector<16xi32>
      %gather3A_1536 = tpu.vector_load_idx %arg6[%add3A_1535] : memref<32768xf32, #tpu.memory_space<vmem>>[vector<16xi32>], vector<16xf32>,
      %neg3A_1537 = arith.constant 0.000000e+00 : f32
      %neg3A_1538 = vector.broadcast %neg3A_1537 : f32 to vector<16xf32>
      %neg3A_1539 = arith.subf %neg3A_1538, %gather3A_1536 : vector<16xf32>
      %add3A_1540 = arith.constant 42 : i32
      %add3A_1541 = vector.broadcast %add3A_1540 : i32 to vector<16xi32>
      %add3A_1542 = arith.addi %add3A_1521, %add3A_1541 : vector<16xi32>
      %gather3A_1543 = tpu.vector_load_idx %arg6[%add3A_1542] : memref<32768xf32, #tpu.memory_space<vmem>>[vector<16xi32>], vector<16xf32>,
      %add3A_1544 = arith.constant 97 : i32
      %add3A_1545 = vector.broadcast %add3A_1544 : i32 to vector<16xi32>
      %add3A_1546 = arith.addi %add3A_1521, %add3A_1545 : vector<16xi32>
      %gather3A_1547 = tpu.vector_load_idx %arg6[%add3A_1546] : memref<32768xf32, #tpu.memory_space<vmem>>[vector<16xi32>], vector<16xf32>,
      %add3A_1548 = arith.constant 1024 : i32
      %add3A_1549 = vector.broadcast %add3A_1548 : i32 to vector<16xi32>
      %add3A_1550 = arith.addi %add3A_1521, %add3A_1549 : vector<16xi32>
      %gather3A_1551 = tpu.vector_load_idx %arg6[%add3A_1550] : memref<32768xf32, #tpu.memory_space<vmem>>[vector<16xi32>], vector<16xf32>,
      %neg3A_1552 = arith.constant 0.000000e+00 : f32
      %neg3A_1553 = vector.broadcast %neg3A_1552 : f32 to vector<16xf32>
      %neg3A_1554 = arith.subf %neg3A_1553, %gather3A_1551 : vector<16xf32>
      %add3A_1555 = arith.constant 1096 : i32
      %add3A_1556 = vector.broadcast %add3A_1555 : i32 to vector<16xi32>
      %add3A_1557 = arith.addi %add3A_1521, %add3A_1556 : vector<16xi32>
      %gather3A_1558 = tpu.vector_load_idx %arg6[%add3A_1557] : memref<32768xf32, #tpu.memory_space<vmem>>[vector<16xi32>], vector<16xf32>,
      %add3A_1559 = arith.constant 1151 : i32
      %add3A_1560 = vector.broadcast %add3A_1559 : i32 to vector<16xi32>
      %add3A_1561 = arith.addi %add3A_1521, %add3A_1560 : vector<16xi32>
      %gather3A_1562 = tpu.vector_load_idx %arg6[%add3A_1561] : memref<32768xf32, #tpu.memory_space<vmem>>[vector<16xi32>], vector<16xf32>,
      %neg3A_1563 = arith.constant 0.000000e+00 : f32
      %neg3A_1564 = vector.broadcast %neg3A_1563 : f32 to vector<16xf32>
      %neg3A_1565 = arith.subf %neg3A_1564, %gather3A_1562 : vector<16xf32>
      %max3A_1566 = arith.maximumf %neg3A_1528, %gather3A_1532 : vector<16xf32>
      %max3A_1567 = arith.maximumf %max3A_1566, %neg3A_1539 : vector<16xf32>
      %max3A_1568 = arith.maximumf %max3A_1567, %gather3A_1543 : vector<16xf32>
      %max3A_1569 = arith.maximumf %max3A_1568, %gather3A_1547 : vector<16xf32>
      %max3A_1570 = arith.maximumf %max3A_1569, %neg3A_1554 : vector<16xf32>
      %max3A_1571 = arith.maximumf %max3A_1570, %gather3A_1558 : vector<16xf32>
      %max3A_1572 = arith.maximumf %max3A_1571, %neg3A_1565 : vector<16xf32>
      %sub3A_1573 = arith.subf %neg3A_1528, %max3A_1572 : vector<16xf32>
      %exp3A_1574 = math.exp %sub3A_1573 : vector<16xf32>
      %sub3A_1575 = arith.subf %gather3A_1532, %max3A_1572 : vector<16xf32>
      %exp3A_1576 = math.exp %sub3A_1575 : vector<16xf32>
      %sub3A_1577 = arith.subf %neg3A_1539, %max3A_1572 : vector<16xf32>
      %exp3A_1578 = math.exp %sub3A_1577 : vector<16xf32>
      %sub3A_1579 = arith.subf %gather3A_1543, %max3A_1572 : vector<16xf32>
      %exp3A_1580 = math.exp %sub3A_1579 : vector<16xf32>
      %sub3A_1581 = arith.subf %gather3A_1547, %max3A_1572 : vector<16xf32>
      %exp3A_1582 = math.exp %sub3A_1581 : vector<16xf32>
      %sub3A_1583 = arith.subf %neg3A_1554, %max3A_1572 : vector<16xf32>
      %exp3A_1584 = math.exp %sub3A_1583 : vector<16xf32>
      %sub3A_1585 = arith.subf %gather3A_1558, %max3A_1572 : vector<16xf32>
      %exp3A_1586 = math.exp %sub3A_1585 : vector<16xf32>
      %sub3A_1587 = arith.subf %neg3A_1565, %max3A_1572 : vector<16xf32>
      %exp3A_1588 = math.exp %sub3A_1587 : vector<16xf32>
      %add3A_1589 = arith.addf %exp3A_1574, %exp3A_1576 : vector<16xf32>
      %add3A_1590 = arith.addf %add3A_1589, %exp3A_1578 : vector<16xf32>
      %add3A_1591 = arith.addf %add3A_1590, %exp3A_1580 : vector<16xf32>
      %add3A_1592 = arith.addf %add3A_1591, %exp3A_1582 : vector<16xf32>
      %add3A_1593 = arith.addf %add3A_1592, %exp3A_1584 : vector<16xf32>
      %add3A_1594 = arith.addf %add3A_1593, %exp3A_1586 : vector<16xf32>
      %add3A_1595 = arith.addf %add3A_1594, %exp3A_1588 : vector<16xf32>
      %div3A_1596 = arith.divf %min3A_7, %add3A_1595 : vector<16xf32>
      %mul3A_1597 = arith.constant 1024 : i32
      %mul3A_1598 = arith.muli %add3A_1111, %mul3A_1597 : i32
      %add3A_1599 = arith.constant 48 : i32
      %add3A_1600 = arith.addi %mul3A_1598, %add3A_1599 : i32
      %mul3A_1601 = arith.mulf %exp3A_1574, %div3A_1596 : vector<16xf32>
      %neg3A_1602 = arith.constant 0.000000e+00 : f32
      %neg3A_1603 = vector.broadcast %neg3A_1602 : f32 to vector<16xf32>
      %neg3A_1604 = arith.subf %neg3A_1603, %mul3A_1601 : vector<16xf32>
      %add3A_1605 = arith.constant 0 : i32
      %add3A_1606 = arith.addi %add3A_1600, %add3A_1605 : i32
      %swap3A_1607 = arith.index_cast %add3A_1606 : i32 to index
      %swap3A_1608 = tpu.vector_load %arg7[%swap3A_1607] {strides = array<i32>} : memref<4096xf32, #tpu.memory_space<vmem>>, vector<16xf32>,
      tpu.vector_store %arg7[%swap3A_1607], %neg3A_1604 {strides = array<i32>} : memref<4096xf32, #tpu.memory_space<vmem>>, vector<16xf32>,
      %mul3A_1609 = arith.mulf %exp3A_1576, %div3A_1596 : vector<16xf32>
      %add3A_1610 = arith.constant 128 : i32
      %add3A_1611 = arith.addi %add3A_1600, %add3A_1610 : i32
      %swap3A_1612 = arith.index_cast %add3A_1611 : i32 to index
      %swap3A_1613 = tpu.vector_load %arg7[%swap3A_1612] {strides = array<i32>} : memref<4096xf32, #tpu.memory_space<vmem>>, vector<16xf32>,
      tpu.vector_store %arg7[%swap3A_1612], %mul3A_1609 {strides = array<i32>} : memref<4096xf32, #tpu.memory_space<vmem>>, vector<16xf32>,
      %mul3A_1614 = arith.mulf %exp3A_1578, %div3A_1596 : vector<16xf32>
      %neg3A_1615 = arith.constant 0.000000e+00 : f32
      %neg3A_1616 = vector.broadcast %neg3A_1615 : f32 to vector<16xf32>
      %neg3A_1617 = arith.subf %neg3A_1616, %mul3A_1614 : vector<16xf32>
      %add3A_1618 = arith.constant 256 : i32
      %add3A_1619 = arith.addi %add3A_1600, %add3A_1618 : i32
      %swap3A_1620 = arith.index_cast %add3A_1619 : i32 to index
      %swap3A_1621 = tpu.vector_load %arg7[%swap3A_1620] {strides = array<i32>} : memref<4096xf32, #tpu.memory_space<vmem>>, vector<16xf32>,
      tpu.vector_store %arg7[%swap3A_1620], %neg3A_1617 {strides = array<i32>} : memref<4096xf32, #tpu.memory_space<vmem>>, vector<16xf32>,
      %mul3A_1622 = arith.mulf %exp3A_1580, %div3A_1596 : vector<16xf32>
      %add3A_1623 = arith.constant 384 : i32
      %add3A_1624 = arith.addi %add3A_1600, %add3A_1623 : i32
      %swap3A_1625 = arith.index_cast %add3A_1624 : i32 to index
      %swap3A_1626 = tpu.vector_load %arg7[%swap3A_1625] {strides = array<i32>} : memref<4096xf32, #tpu.memory_space<vmem>>, vector<16xf32>,
      tpu.vector_store %arg7[%swap3A_1625], %mul3A_1622 {strides = array<i32>} : memref<4096xf32, #tpu.memory_space<vmem>>, vector<16xf32>,
      %mul3A_1627 = arith.mulf %exp3A_1582, %div3A_1596 : vector<16xf32>
      %add3A_1628 = arith.constant 512 : i32
      %add3A_1629 = arith.addi %add3A_1600, %add3A_1628 : i32
      %swap3A_1630 = arith.index_cast %add3A_1629 : i32 to index
      %swap3A_1631 = tpu.vector_load %arg7[%swap3A_1630] {strides = array<i32>} : memref<4096xf32, #tpu.memory_space<vmem>>, vector<16xf32>,
      tpu.vector_store %arg7[%swap3A_1630], %mul3A_1627 {strides = array<i32>} : memref<4096xf32, #tpu.memory_space<vmem>>, vector<16xf32>,
      %mul3A_1632 = arith.mulf %exp3A_1584, %div3A_1596 : vector<16xf32>
      %neg3A_1633 = arith.constant 0.000000e+00 : f32
      %neg3A_1634 = vector.broadcast %neg3A_1633 : f32 to vector<16xf32>
      %neg3A_1635 = arith.subf %neg3A_1634, %mul3A_1632 : vector<16xf32>
      %add3A_1636 = arith.constant 640 : i32
      %add3A_1637 = arith.addi %add3A_1600, %add3A_1636 : i32
      %swap3A_1638 = arith.index_cast %add3A_1637 : i32 to index
      %swap3A_1639 = tpu.vector_load %arg7[%swap3A_1638] {strides = array<i32>} : memref<4096xf32, #tpu.memory_space<vmem>>, vector<16xf32>,
      tpu.vector_store %arg7[%swap3A_1638], %neg3A_1635 {strides = array<i32>} : memref<4096xf32, #tpu.memory_space<vmem>>, vector<16xf32>,
      %mul3A_1640 = arith.mulf %exp3A_1586, %div3A_1596 : vector<16xf32>
      %add3A_1641 = arith.constant 768 : i32
      %add3A_1642 = arith.addi %add3A_1600, %add3A_1641 : i32
      %swap3A_1643 = arith.index_cast %add3A_1642 : i32 to index
      %swap3A_1644 = tpu.vector_load %arg7[%swap3A_1643] {strides = array<i32>} : memref<4096xf32, #tpu.memory_space<vmem>>, vector<16xf32>,
      tpu.vector_store %arg7[%swap3A_1643], %mul3A_1640 {strides = array<i32>} : memref<4096xf32, #tpu.memory_space<vmem>>, vector<16xf32>,
      %mul3A_1645 = arith.mulf %exp3A_1588, %div3A_1596 : vector<16xf32>
      %neg3A_1646 = arith.constant 0.000000e+00 : f32
      %neg3A_1647 = vector.broadcast %neg3A_1646 : f32 to vector<16xf32>
      %neg3A_1648 = arith.subf %neg3A_1647, %mul3A_1645 : vector<16xf32>
      %add3A_1649 = arith.constant 896 : i32
      %add3A_1650 = arith.addi %add3A_1600, %add3A_1649 : i32
      %swap3A_1651 = arith.index_cast %add3A_1650 : i32 to index
      %swap3A_1652 = tpu.vector_load %arg7[%swap3A_1651] {strides = array<i32>} : memref<4096xf32, #tpu.memory_space<vmem>>, vector<16xf32>,
      tpu.vector_store %arg7[%swap3A_1651], %neg3A_1648 {strides = array<i32>} : memref<4096xf32, #tpu.memory_space<vmem>>, vector<16xf32>,
      %add3A_1653 = arith.constant 16384 : i32
      %add3A_1654 = vector.broadcast %add3A_1653 : i32 to vector<16xi32>
      %add3A_1655 = arith.addi %add3A_18, %add3A_1654 : vector<16xi32>
      %add3A_1656 = arith.constant 0 : i32
      %add3A_1657 = vector.broadcast %add3A_1656 : i32 to vector<16xi32>
      %add3A_1658 = arith.addi %add3A_1655, %add3A_1657 : vector<16xi32>
      %gather3A_1659 = tpu.vector_load_idx %arg6[%add3A_1658] : memref<32768xf32, #tpu.memory_space<vmem>>[vector<16xi32>], vector<16xf32>,
      %neg3A_1660 = arith.constant 0.000000e+00 : f32
      %neg3A_1661 = vector.broadcast %neg3A_1660 : f32 to vector<16xf32>
      %neg3A_1662 = arith.subf %neg3A_1661, %gather3A_1659 : vector<16xf32>
      %add3A_1663 = arith.constant 3 : i32
      %add3A_1664 = vector.broadcast %add3A_1663 : i32 to vector<16xi32>
      %add3A_1665 = arith.addi %add3A_1655, %add3A_1664 : vector<16xi32>
      %gather3A_1666 = tpu.vector_load_idx %arg6[%add3A_1665] : memref<32768xf32, #tpu.memory_space<vmem>>[vector<16xi32>], vector<16xf32>,
      %add3A_1667 = arith.constant 17 : i32
      %add3A_1668 = vector.broadcast %add3A_1667 : i32 to vector<16xi32>
      %add3A_1669 = arith.addi %add3A_1655, %add3A_1668 : vector<16xi32>
      %gather3A_1670 = tpu.vector_load_idx %arg6[%add3A_1669] : memref<32768xf32, #tpu.memory_space<vmem>>[vector<16xi32>], vector<16xf32>,
      %neg3A_1671 = arith.constant 0.000000e+00 : f32
      %neg3A_1672 = vector.broadcast %neg3A_1671 : f32 to vector<16xf32>
      %neg3A_1673 = arith.subf %neg3A_1672, %gather3A_1670 : vector<16xf32>
      %add3A_1674 = arith.constant 42 : i32
      %add3A_1675 = vector.broadcast %add3A_1674 : i32 to vector<16xi32>
      %add3A_1676 = arith.addi %add3A_1655, %add3A_1675 : vector<16xi32>
      %gather3A_1677 = tpu.vector_load_idx %arg6[%add3A_1676] : memref<32768xf32, #tpu.memory_space<vmem>>[vector<16xi32>], vector<16xf32>,
      %add3A_1678 = arith.constant 97 : i32
      %add3A_1679 = vector.broadcast %add3A_1678 : i32 to vector<16xi32>
      %add3A_1680 = arith.addi %add3A_1655, %add3A_1679 : vector<16xi32>
      %gather3A_1681 = tpu.vector_load_idx %arg6[%add3A_1680] : memref<32768xf32, #tpu.memory_space<vmem>>[vector<16xi32>], vector<16xf32>,
      %add3A_1682 = arith.constant 1024 : i32
      %add3A_1683 = vector.broadcast %add3A_1682 : i32 to vector<16xi32>
      %add3A_1684 = arith.addi %add3A_1655, %add3A_1683 : vector<16xi32>
      %gather3A_1685 = tpu.vector_load_idx %arg6[%add3A_1684] : memref<32768xf32, #tpu.memory_space<vmem>>[vector<16xi32>], vector<16xf32>,
      %neg3A_1686 = arith.constant 0.000000e+00 : f32
      %neg3A_1687 = vector.broadcast %neg3A_1686 : f32 to vector<16xf32>
      %neg3A_1688 = arith.subf %neg3A_1687, %gather3A_1685 : vector<16xf32>
      %add3A_1689 = arith.constant 1096 : i32
      %add3A_1690 = vector.broadcast %add3A_1689 : i32 to vector<16xi32>
      %add3A_1691 = arith.addi %add3A_1655, %add3A_1690 : vector<16xi32>
      %gather3A_1692 = tpu.vector_load_idx %arg6[%add3A_1691] : memref<32768xf32, #tpu.memory_space<vmem>>[vector<16xi32>], vector<16xf32>,
      %add3A_1693 = arith.constant 1151 : i32
      %add3A_1694 = vector.broadcast %add3A_1693 : i32 to vector<16xi32>
      %add3A_1695 = arith.addi %add3A_1655, %add3A_1694 : vector<16xi32>
      %gather3A_1696 = tpu.vector_load_idx %arg6[%add3A_1695] : memref<32768xf32, #tpu.memory_space<vmem>>[vector<16xi32>], vector<16xf32>,
      %neg3A_1697 = arith.constant 0.000000e+00 : f32
      %neg3A_1698 = vector.broadcast %neg3A_1697 : f32 to vector<16xf32>
      %neg3A_1699 = arith.subf %neg3A_1698, %gather3A_1696 : vector<16xf32>
      %max3A_1700 = arith.maximumf %neg3A_1662, %gather3A_1666 : vector<16xf32>
      %max3A_1701 = arith.maximumf %max3A_1700, %neg3A_1673 : vector<16xf32>
      %max3A_1702 = arith.maximumf %max3A_1701, %gather3A_1677 : vector<16xf32>
      %max3A_1703 = arith.maximumf %max3A_1702, %gather3A_1681 : vector<16xf32>
      %max3A_1704 = arith.maximumf %max3A_1703, %neg3A_1688 : vector<16xf32>
      %max3A_1705 = arith.maximumf %max3A_1704, %gather3A_1692 : vector<16xf32>
      %max3A_1706 = arith.maximumf %max3A_1705, %neg3A_1699 : vector<16xf32>
      %sub3A_1707 = arith.subf %neg3A_1662, %max3A_1706 : vector<16xf32>
      %exp3A_1708 = math.exp %sub3A_1707 : vector<16xf32>
      %sub3A_1709 = arith.subf %gather3A_1666, %max3A_1706 : vector<16xf32>
      %exp3A_1710 = math.exp %sub3A_1709 : vector<16xf32>
      %sub3A_1711 = arith.subf %neg3A_1673, %max3A_1706 : vector<16xf32>
      %exp3A_1712 = math.exp %sub3A_1711 : vector<16xf32>
      %sub3A_1713 = arith.subf %gather3A_1677, %max3A_1706 : vector<16xf32>
      %exp3A_1714 = math.exp %sub3A_1713 : vector<16xf32>
      %sub3A_1715 = arith.subf %gather3A_1681, %max3A_1706 : vector<16xf32>
      %exp3A_1716 = math.exp %sub3A_1715 : vector<16xf32>
      %sub3A_1717 = arith.subf %neg3A_1688, %max3A_1706 : vector<16xf32>
      %exp3A_1718 = math.exp %sub3A_1717 : vector<16xf32>
      %sub3A_1719 = arith.subf %gather3A_1692, %max3A_1706 : vector<16xf32>
      %exp3A_1720 = math.exp %sub3A_1719 : vector<16xf32>
      %sub3A_1721 = arith.subf %neg3A_1699, %max3A_1706 : vector<16xf32>
      %exp3A_1722 = math.exp %sub3A_1721 : vector<16xf32>
      %add3A_1723 = arith.addf %exp3A_1708, %exp3A_1710 : vector<16xf32>
      %add3A_1724 = arith.addf %add3A_1723, %exp3A_1712 : vector<16xf32>
      %add3A_1725 = arith.addf %add3A_1724, %exp3A_1714 : vector<16xf32>
      %add3A_1726 = arith.addf %add3A_1725, %exp3A_1716 : vector<16xf32>
      %add3A_1727 = arith.addf %add3A_1726, %exp3A_1718 : vector<16xf32>
      %add3A_1728 = arith.addf %add3A_1727, %exp3A_1720 : vector<16xf32>
      %add3A_1729 = arith.addf %add3A_1728, %exp3A_1722 : vector<16xf32>
      %div3A_1730 = arith.divf %min3A_7, %add3A_1729 : vector<16xf32>
      %mul3A_1731 = arith.constant 1024 : i32
      %mul3A_1732 = arith.muli %add3A_1111, %mul3A_1731 : i32
      %add3A_1733 = arith.constant 64 : i32
      %add3A_1734 = arith.addi %mul3A_1732, %add3A_1733 : i32
      %mul3A_1735 = arith.mulf %exp3A_1708, %div3A_1730 : vector<16xf32>
      %neg3A_1736 = arith.constant 0.000000e+00 : f32
      %neg3A_1737 = vector.broadcast %neg3A_1736 : f32 to vector<16xf32>
      %neg3A_1738 = arith.subf %neg3A_1737, %mul3A_1735 : vector<16xf32>
      %add3A_1739 = arith.constant 0 : i32
      %add3A_1740 = arith.addi %add3A_1734, %add3A_1739 : i32
      %swap3A_1741 = arith.index_cast %add3A_1740 : i32 to index
      %swap3A_1742 = tpu.vector_load %arg7[%swap3A_1741] {strides = array<i32>} : memref<4096xf32, #tpu.memory_space<vmem>>, vector<16xf32>,
      tpu.vector_store %arg7[%swap3A_1741], %neg3A_1738 {strides = array<i32>} : memref<4096xf32, #tpu.memory_space<vmem>>, vector<16xf32>,
      %mul3A_1743 = arith.mulf %exp3A_1710, %div3A_1730 : vector<16xf32>
      %add3A_1744 = arith.constant 128 : i32
      %add3A_1745 = arith.addi %add3A_1734, %add3A_1744 : i32
      %swap3A_1746 = arith.index_cast %add3A_1745 : i32 to index
      %swap3A_1747 = tpu.vector_load %arg7[%swap3A_1746] {strides = array<i32>} : memref<4096xf32, #tpu.memory_space<vmem>>, vector<16xf32>,
      tpu.vector_store %arg7[%swap3A_1746], %mul3A_1743 {strides = array<i32>} : memref<4096xf32, #tpu.memory_space<vmem>>, vector<16xf32>,
      %mul3A_1748 = arith.mulf %exp3A_1712, %div3A_1730 : vector<16xf32>
      %neg3A_1749 = arith.constant 0.000000e+00 : f32
      %neg3A_1750 = vector.broadcast %neg3A_1749 : f32 to vector<16xf32>
      %neg3A_1751 = arith.subf %neg3A_1750, %mul3A_1748 : vector<16xf32>
      %add3A_1752 = arith.constant 256 : i32
      %add3A_1753 = arith.addi %add3A_1734, %add3A_1752 : i32
      %swap3A_1754 = arith.index_cast %add3A_1753 : i32 to index
      %swap3A_1755 = tpu.vector_load %arg7[%swap3A_1754] {strides = array<i32>} : memref<4096xf32, #tpu.memory_space<vmem>>, vector<16xf32>,
      tpu.vector_store %arg7[%swap3A_1754], %neg3A_1751 {strides = array<i32>} : memref<4096xf32, #tpu.memory_space<vmem>>, vector<16xf32>,
      %mul3A_1756 = arith.mulf %exp3A_1714, %div3A_1730 : vector<16xf32>
      %add3A_1757 = arith.constant 384 : i32
      %add3A_1758 = arith.addi %add3A_1734, %add3A_1757 : i32
      %swap3A_1759 = arith.index_cast %add3A_1758 : i32 to index
      %swap3A_1760 = tpu.vector_load %arg7[%swap3A_1759] {strides = array<i32>} : memref<4096xf32, #tpu.memory_space<vmem>>, vector<16xf32>,
      tpu.vector_store %arg7[%swap3A_1759], %mul3A_1756 {strides = array<i32>} : memref<4096xf32, #tpu.memory_space<vmem>>, vector<16xf32>,
      %mul3A_1761 = arith.mulf %exp3A_1716, %div3A_1730 : vector<16xf32>
      %add3A_1762 = arith.constant 512 : i32
      %add3A_1763 = arith.addi %add3A_1734, %add3A_1762 : i32
      %swap3A_1764 = arith.index_cast %add3A_1763 : i32 to index
      %swap3A_1765 = tpu.vector_load %arg7[%swap3A_1764] {strides = array<i32>} : memref<4096xf32, #tpu.memory_space<vmem>>, vector<16xf32>,
      tpu.vector_store %arg7[%swap3A_1764], %mul3A_1761 {strides = array<i32>} : memref<4096xf32, #tpu.memory_space<vmem>>, vector<16xf32>,
      %mul3A_1766 = arith.mulf %exp3A_1718, %div3A_1730 : vector<16xf32>
      %neg3A_1767 = arith.constant 0.000000e+00 : f32
      %neg3A_1768 = vector.broadcast %neg3A_1767 : f32 to vector<16xf32>
      %neg3A_1769 = arith.subf %neg3A_1768, %mul3A_1766 : vector<16xf32>
      %add3A_1770 = arith.constant 640 : i32
      %add3A_1771 = arith.addi %add3A_1734, %add3A_1770 : i32
      %swap3A_1772 = arith.index_cast %add3A_1771 : i32 to index
      %swap3A_1773 = tpu.vector_load %arg7[%swap3A_1772] {strides = array<i32>} : memref<4096xf32, #tpu.memory_space<vmem>>, vector<16xf32>,
      tpu.vector_store %arg7[%swap3A_1772], %neg3A_1769 {strides = array<i32>} : memref<4096xf32, #tpu.memory_space<vmem>>, vector<16xf32>,
      %mul3A_1774 = arith.mulf %exp3A_1720, %div3A_1730 : vector<16xf32>
      %add3A_1775 = arith.constant 768 : i32
      %add3A_1776 = arith.addi %add3A_1734, %add3A_1775 : i32
      %swap3A_1777 = arith.index_cast %add3A_1776 : i32 to index
      %swap3A_1778 = tpu.vector_load %arg7[%swap3A_1777] {strides = array<i32>} : memref<4096xf32, #tpu.memory_space<vmem>>, vector<16xf32>,
      tpu.vector_store %arg7[%swap3A_1777], %mul3A_1774 {strides = array<i32>} : memref<4096xf32, #tpu.memory_space<vmem>>, vector<16xf32>,
      %mul3A_1779 = arith.mulf %exp3A_1722, %div3A_1730 : vector<16xf32>
      %neg3A_1780 = arith.constant 0.000000e+00 : f32
      %neg3A_1781 = vector.broadcast %neg3A_1780 : f32 to vector<16xf32>
      %neg3A_1782 = arith.subf %neg3A_1781, %mul3A_1779 : vector<16xf32>
      %add3A_1783 = arith.constant 896 : i32
      %add3A_1784 = arith.addi %add3A_1734, %add3A_1783 : i32
      %swap3A_1785 = arith.index_cast %add3A_1784 : i32 to index
      %swap3A_1786 = tpu.vector_load %arg7[%swap3A_1785] {strides = array<i32>} : memref<4096xf32, #tpu.memory_space<vmem>>, vector<16xf32>,
      tpu.vector_store %arg7[%swap3A_1785], %neg3A_1782 {strides = array<i32>} : memref<4096xf32, #tpu.memory_space<vmem>>, vector<16xf32>,
      %add3A_1787 = arith.constant 20480 : i32
      %add3A_1788 = vector.broadcast %add3A_1787 : i32 to vector<16xi32>
      %add3A_1789 = arith.addi %add3A_18, %add3A_1788 : vector<16xi32>
      %add3A_1790 = arith.constant 0 : i32
      %add3A_1791 = vector.broadcast %add3A_1790 : i32 to vector<16xi32>
      %add3A_1792 = arith.addi %add3A_1789, %add3A_1791 : vector<16xi32>
      %gather3A_1793 = tpu.vector_load_idx %arg6[%add3A_1792] : memref<32768xf32, #tpu.memory_space<vmem>>[vector<16xi32>], vector<16xf32>,
      %neg3A_1794 = arith.constant 0.000000e+00 : f32
      %neg3A_1795 = vector.broadcast %neg3A_1794 : f32 to vector<16xf32>
      %neg3A_1796 = arith.subf %neg3A_1795, %gather3A_1793 : vector<16xf32>
      %add3A_1797 = arith.constant 3 : i32
      %add3A_1798 = vector.broadcast %add3A_1797 : i32 to vector<16xi32>
      %add3A_1799 = arith.addi %add3A_1789, %add3A_1798 : vector<16xi32>
      %gather3A_1800 = tpu.vector_load_idx %arg6[%add3A_1799] : memref<32768xf32, #tpu.memory_space<vmem>>[vector<16xi32>], vector<16xf32>,
      %add3A_1801 = arith.constant 17 : i32
      %add3A_1802 = vector.broadcast %add3A_1801 : i32 to vector<16xi32>
      %add3A_1803 = arith.addi %add3A_1789, %add3A_1802 : vector<16xi32>
      %gather3A_1804 = tpu.vector_load_idx %arg6[%add3A_1803] : memref<32768xf32, #tpu.memory_space<vmem>>[vector<16xi32>], vector<16xf32>,
      %neg3A_1805 = arith.constant 0.000000e+00 : f32
      %neg3A_1806 = vector.broadcast %neg3A_1805 : f32 to vector<16xf32>
      %neg3A_1807 = arith.subf %neg3A_1806, %gather3A_1804 : vector<16xf32>
      %add3A_1808 = arith.constant 42 : i32
      %add3A_1809 = vector.broadcast %add3A_1808 : i32 to vector<16xi32>
      %add3A_1810 = arith.addi %add3A_1789, %add3A_1809 : vector<16xi32>
      %gather3A_1811 = tpu.vector_load_idx %arg6[%add3A_1810] : memref<32768xf32, #tpu.memory_space<vmem>>[vector<16xi32>], vector<16xf32>,
      %add3A_1812 = arith.constant 97 : i32
      %add3A_1813 = vector.broadcast %add3A_1812 : i32 to vector<16xi32>
      %add3A_1814 = arith.addi %add3A_1789, %add3A_1813 : vector<16xi32>
      %gather3A_1815 = tpu.vector_load_idx %arg6[%add3A_1814] : memref<32768xf32, #tpu.memory_space<vmem>>[vector<16xi32>], vector<16xf32>,
      %add3A_1816 = arith.constant 1024 : i32
      %add3A_1817 = vector.broadcast %add3A_1816 : i32 to vector<16xi32>
      %add3A_1818 = arith.addi %add3A_1789, %add3A_1817 : vector<16xi32>
      %gather3A_1819 = tpu.vector_load_idx %arg6[%add3A_1818] : memref<32768xf32, #tpu.memory_space<vmem>>[vector<16xi32>], vector<16xf32>,
      %neg3A_1820 = arith.constant 0.000000e+00 : f32
      %neg3A_1821 = vector.broadcast %neg3A_1820 : f32 to vector<16xf32>
      %neg3A_1822 = arith.subf %neg3A_1821, %gather3A_1819 : vector<16xf32>
      %add3A_1823 = arith.constant 1096 : i32
      %add3A_1824 = vector.broadcast %add3A_1823 : i32 to vector<16xi32>
      %add3A_1825 = arith.addi %add3A_1789, %add3A_1824 : vector<16xi32>
      %gather3A_1826 = tpu.vector_load_idx %arg6[%add3A_1825] : memref<32768xf32, #tpu.memory_space<vmem>>[vector<16xi32>], vector<16xf32>,
      %add3A_1827 = arith.constant 1151 : i32
      %add3A_1828 = vector.broadcast %add3A_1827 : i32 to vector<16xi32>
      %add3A_1829 = arith.addi %add3A_1789, %add3A_1828 : vector<16xi32>
      %gather3A_1830 = tpu.vector_load_idx %arg6[%add3A_1829] : memref<32768xf32, #tpu.memory_space<vmem>>[vector<16xi32>], vector<16xf32>,
      %neg3A_1831 = arith.constant 0.000000e+00 : f32
      %neg3A_1832 = vector.broadcast %neg3A_1831 : f32 to vector<16xf32>
      %neg3A_1833 = arith.subf %neg3A_1832, %gather3A_1830 : vector<16xf32>
      %max3A_1834 = arith.maximumf %neg3A_1796, %gather3A_1800 : vector<16xf32>
      %max3A_1835 = arith.maximumf %max3A_1834, %neg3A_1807 : vector<16xf32>
      %max3A_1836 = arith.maximumf %max3A_1835, %gather3A_1811 : vector<16xf32>
      %max3A_1837 = arith.maximumf %max3A_1836, %gather3A_1815 : vector<16xf32>
      %max3A_1838 = arith.maximumf %max3A_1837, %neg3A_1822 : vector<16xf32>
      %max3A_1839 = arith.maximumf %max3A_1838, %gather3A_1826 : vector<16xf32>
      %max3A_1840 = arith.maximumf %max3A_1839, %neg3A_1833 : vector<16xf32>
      %sub3A_1841 = arith.subf %neg3A_1796, %max3A_1840 : vector<16xf32>
      %exp3A_1842 = math.exp %sub3A_1841 : vector<16xf32>
      %sub3A_1843 = arith.subf %gather3A_1800, %max3A_1840 : vector<16xf32>
      %exp3A_1844 = math.exp %sub3A_1843 : vector<16xf32>
      %sub3A_1845 = arith.subf %neg3A_1807, %max3A_1840 : vector<16xf32>
      %exp3A_1846 = math.exp %sub3A_1845 : vector<16xf32>
      %sub3A_1847 = arith.subf %gather3A_1811, %max3A_1840 : vector<16xf32>
      %exp3A_1848 = math.exp %sub3A_1847 : vector<16xf32>
      %sub3A_1849 = arith.subf %gather3A_1815, %max3A_1840 : vector<16xf32>
      %exp3A_1850 = math.exp %sub3A_1849 : vector<16xf32>
      %sub3A_1851 = arith.subf %neg3A_1822, %max3A_1840 : vector<16xf32>
      %exp3A_1852 = math.exp %sub3A_1851 : vector<16xf32>
      %sub3A_1853 = arith.subf %gather3A_1826, %max3A_1840 : vector<16xf32>
      %exp3A_1854 = math.exp %sub3A_1853 : vector<16xf32>
      %sub3A_1855 = arith.subf %neg3A_1833, %max3A_1840 : vector<16xf32>
      %exp3A_1856 = math.exp %sub3A_1855 : vector<16xf32>
      %add3A_1857 = arith.addf %exp3A_1842, %exp3A_1844 : vector<16xf32>
      %add3A_1858 = arith.addf %add3A_1857, %exp3A_1846 : vector<16xf32>
      %add3A_1859 = arith.addf %add3A_1858, %exp3A_1848 : vector<16xf32>
      %add3A_1860 = arith.addf %add3A_1859, %exp3A_1850 : vector<16xf32>
      %add3A_1861 = arith.addf %add3A_1860, %exp3A_1852 : vector<16xf32>
      %add3A_1862 = arith.addf %add3A_1861, %exp3A_1854 : vector<16xf32>
      %add3A_1863 = arith.addf %add3A_1862, %exp3A_1856 : vector<16xf32>
      %div3A_1864 = arith.divf %min3A_7, %add3A_1863 : vector<16xf32>
      %mul3A_1865 = arith.constant 1024 : i32
      %mul3A_1866 = arith.muli %add3A_1111, %mul3A_1865 : i32
      %add3A_1867 = arith.constant 80 : i32
      %add3A_1868 = arith.addi %mul3A_1866, %add3A_1867 : i32
      %mul3A_1869 = arith.mulf %exp3A_1842, %div3A_1864 : vector<16xf32>
      %neg3A_1870 = arith.constant 0.000000e+00 : f32
      %neg3A_1871 = vector.broadcast %neg3A_1870 : f32 to vector<16xf32>
      %neg3A_1872 = arith.subf %neg3A_1871, %mul3A_1869 : vector<16xf32>
      %add3A_1873 = arith.constant 0 : i32
      %add3A_1874 = arith.addi %add3A_1868, %add3A_1873 : i32
      %swap3A_1875 = arith.index_cast %add3A_1874 : i32 to index
      %swap3A_1876 = tpu.vector_load %arg7[%swap3A_1875] {strides = array<i32>} : memref<4096xf32, #tpu.memory_space<vmem>>, vector<16xf32>,
      tpu.vector_store %arg7[%swap3A_1875], %neg3A_1872 {strides = array<i32>} : memref<4096xf32, #tpu.memory_space<vmem>>, vector<16xf32>,
      %mul3A_1877 = arith.mulf %exp3A_1844, %div3A_1864 : vector<16xf32>
      %add3A_1878 = arith.constant 128 : i32
      %add3A_1879 = arith.addi %add3A_1868, %add3A_1878 : i32
      %swap3A_1880 = arith.index_cast %add3A_1879 : i32 to index
      %swap3A_1881 = tpu.vector_load %arg7[%swap3A_1880] {strides = array<i32>} : memref<4096xf32, #tpu.memory_space<vmem>>, vector<16xf32>,
      tpu.vector_store %arg7[%swap3A_1880], %mul3A_1877 {strides = array<i32>} : memref<4096xf32, #tpu.memory_space<vmem>>, vector<16xf32>,
      %mul3A_1882 = arith.mulf %exp3A_1846, %div3A_1864 : vector<16xf32>
      %neg3A_1883 = arith.constant 0.000000e+00 : f32
      %neg3A_1884 = vector.broadcast %neg3A_1883 : f32 to vector<16xf32>
      %neg3A_1885 = arith.subf %neg3A_1884, %mul3A_1882 : vector<16xf32>
      %add3A_1886 = arith.constant 256 : i32
      %add3A_1887 = arith.addi %add3A_1868, %add3A_1886 : i32
      %swap3A_1888 = arith.index_cast %add3A_1887 : i32 to index
      %swap3A_1889 = tpu.vector_load %arg7[%swap3A_1888] {strides = array<i32>} : memref<4096xf32, #tpu.memory_space<vmem>>, vector<16xf32>,
      tpu.vector_store %arg7[%swap3A_1888], %neg3A_1885 {strides = array<i32>} : memref<4096xf32, #tpu.memory_space<vmem>>, vector<16xf32>,
      %mul3A_1890 = arith.mulf %exp3A_1848, %div3A_1864 : vector<16xf32>
      %add3A_1891 = arith.constant 384 : i32
      %add3A_1892 = arith.addi %add3A_1868, %add3A_1891 : i32
      %swap3A_1893 = arith.index_cast %add3A_1892 : i32 to index
      %swap3A_1894 = tpu.vector_load %arg7[%swap3A_1893] {strides = array<i32>} : memref<4096xf32, #tpu.memory_space<vmem>>, vector<16xf32>,
      tpu.vector_store %arg7[%swap3A_1893], %mul3A_1890 {strides = array<i32>} : memref<4096xf32, #tpu.memory_space<vmem>>, vector<16xf32>,
      %mul3A_1895 = arith.mulf %exp3A_1850, %div3A_1864 : vector<16xf32>
      %add3A_1896 = arith.constant 512 : i32
      %add3A_1897 = arith.addi %add3A_1868, %add3A_1896 : i32
      %swap3A_1898 = arith.index_cast %add3A_1897 : i32 to index
      %swap3A_1899 = tpu.vector_load %arg7[%swap3A_1898] {strides = array<i32>} : memref<4096xf32, #tpu.memory_space<vmem>>, vector<16xf32>,
      tpu.vector_store %arg7[%swap3A_1898], %mul3A_1895 {strides = array<i32>} : memref<4096xf32, #tpu.memory_space<vmem>>, vector<16xf32>,
      %mul3A_1900 = arith.mulf %exp3A_1852, %div3A_1864 : vector<16xf32>
      %neg3A_1901 = arith.constant 0.000000e+00 : f32
      %neg3A_1902 = vector.broadcast %neg3A_1901 : f32 to vector<16xf32>
      %neg3A_1903 = arith.subf %neg3A_1902, %mul3A_1900 : vector<16xf32>
      %add3A_1904 = arith.constant 640 : i32
      %add3A_1905 = arith.addi %add3A_1868, %add3A_1904 : i32
      %swap3A_1906 = arith.index_cast %add3A_1905 : i32 to index
      %swap3A_1907 = tpu.vector_load %arg7[%swap3A_1906] {strides = array<i32>} : memref<4096xf32, #tpu.memory_space<vmem>>, vector<16xf32>,
      tpu.vector_store %arg7[%swap3A_1906], %neg3A_1903 {strides = array<i32>} : memref<4096xf32, #tpu.memory_space<vmem>>, vector<16xf32>,
      %mul3A_1908 = arith.mulf %exp3A_1854, %div3A_1864 : vector<16xf32>
      %add3A_1909 = arith.constant 768 : i32
      %add3A_1910 = arith.addi %add3A_1868, %add3A_1909 : i32
      %swap3A_1911 = arith.index_cast %add3A_1910 : i32 to index
      %swap3A_1912 = tpu.vector_load %arg7[%swap3A_1911] {strides = array<i32>} : memref<4096xf32, #tpu.memory_space<vmem>>, vector<16xf32>,
      tpu.vector_store %arg7[%swap3A_1911], %mul3A_1908 {strides = array<i32>} : memref<4096xf32, #tpu.memory_space<vmem>>, vector<16xf32>,
      %mul3A_1913 = arith.mulf %exp3A_1856, %div3A_1864 : vector<16xf32>
      %neg3A_1914 = arith.constant 0.000000e+00 : f32
      %neg3A_1915 = vector.broadcast %neg3A_1914 : f32 to vector<16xf32>
      %neg3A_1916 = arith.subf %neg3A_1915, %mul3A_1913 : vector<16xf32>
      %add3A_1917 = arith.constant 896 : i32
      %add3A_1918 = arith.addi %add3A_1868, %add3A_1917 : i32
      %swap3A_1919 = arith.index_cast %add3A_1918 : i32 to index
      %swap3A_1920 = tpu.vector_load %arg7[%swap3A_1919] {strides = array<i32>} : memref<4096xf32, #tpu.memory_space<vmem>>, vector<16xf32>,
      tpu.vector_store %arg7[%swap3A_1919], %neg3A_1916 {strides = array<i32>} : memref<4096xf32, #tpu.memory_space<vmem>>, vector<16xf32>,
      %add3A_1921 = arith.constant 24576 : i32
      %add3A_1922 = vector.broadcast %add3A_1921 : i32 to vector<16xi32>
      %add3A_1923 = arith.addi %add3A_18, %add3A_1922 : vector<16xi32>
      %add3A_1924 = arith.constant 0 : i32
      %add3A_1925 = vector.broadcast %add3A_1924 : i32 to vector<16xi32>
      %add3A_1926 = arith.addi %add3A_1923, %add3A_1925 : vector<16xi32>
      %gather3A_1927 = tpu.vector_load_idx %arg6[%add3A_1926] : memref<32768xf32, #tpu.memory_space<vmem>>[vector<16xi32>], vector<16xf32>,
      %neg3A_1928 = arith.constant 0.000000e+00 : f32
      %neg3A_1929 = vector.broadcast %neg3A_1928 : f32 to vector<16xf32>
      %neg3A_1930 = arith.subf %neg3A_1929, %gather3A_1927 : vector<16xf32>
      %add3A_1931 = arith.constant 3 : i32
      %add3A_1932 = vector.broadcast %add3A_1931 : i32 to vector<16xi32>
      %add3A_1933 = arith.addi %add3A_1923, %add3A_1932 : vector<16xi32>
      %gather3A_1934 = tpu.vector_load_idx %arg6[%add3A_1933] : memref<32768xf32, #tpu.memory_space<vmem>>[vector<16xi32>], vector<16xf32>,
      %add3A_1935 = arith.constant 17 : i32
      %add3A_1936 = vector.broadcast %add3A_1935 : i32 to vector<16xi32>
      %add3A_1937 = arith.addi %add3A_1923, %add3A_1936 : vector<16xi32>
      %gather3A_1938 = tpu.vector_load_idx %arg6[%add3A_1937] : memref<32768xf32, #tpu.memory_space<vmem>>[vector<16xi32>], vector<16xf32>,
      %neg3A_1939 = arith.constant 0.000000e+00 : f32
      %neg3A_1940 = vector.broadcast %neg3A_1939 : f32 to vector<16xf32>
      %neg3A_1941 = arith.subf %neg3A_1940, %gather3A_1938 : vector<16xf32>
      %add3A_1942 = arith.constant 42 : i32
      %add3A_1943 = vector.broadcast %add3A_1942 : i32 to vector<16xi32>
      %add3A_1944 = arith.addi %add3A_1923, %add3A_1943 : vector<16xi32>
      %gather3A_1945 = tpu.vector_load_idx %arg6[%add3A_1944] : memref<32768xf32, #tpu.memory_space<vmem>>[vector<16xi32>], vector<16xf32>,
      %add3A_1946 = arith.constant 97 : i32
      %add3A_1947 = vector.broadcast %add3A_1946 : i32 to vector<16xi32>
      %add3A_1948 = arith.addi %add3A_1923, %add3A_1947 : vector<16xi32>
      %gather3A_1949 = tpu.vector_load_idx %arg6[%add3A_1948] : memref<32768xf32, #tpu.memory_space<vmem>>[vector<16xi32>], vector<16xf32>,
      %add3A_1950 = arith.constant 1024 : i32
      %add3A_1951 = vector.broadcast %add3A_1950 : i32 to vector<16xi32>
      %add3A_1952 = arith.addi %add3A_1923, %add3A_1951 : vector<16xi32>
      %gather3A_1953 = tpu.vector_load_idx %arg6[%add3A_1952] : memref<32768xf32, #tpu.memory_space<vmem>>[vector<16xi32>], vector<16xf32>,
      %neg3A_1954 = arith.constant 0.000000e+00 : f32
      %neg3A_1955 = vector.broadcast %neg3A_1954 : f32 to vector<16xf32>
      %neg3A_1956 = arith.subf %neg3A_1955, %gather3A_1953 : vector<16xf32>
      %add3A_1957 = arith.constant 1096 : i32
      %add3A_1958 = vector.broadcast %add3A_1957 : i32 to vector<16xi32>
      %add3A_1959 = arith.addi %add3A_1923, %add3A_1958 : vector<16xi32>
      %gather3A_1960 = tpu.vector_load_idx %arg6[%add3A_1959] : memref<32768xf32, #tpu.memory_space<vmem>>[vector<16xi32>], vector<16xf32>,
      %add3A_1961 = arith.constant 1151 : i32
      %add3A_1962 = vector.broadcast %add3A_1961 : i32 to vector<16xi32>
      %add3A_1963 = arith.addi %add3A_1923, %add3A_1962 : vector<16xi32>
      %gather3A_1964 = tpu.vector_load_idx %arg6[%add3A_1963] : memref<32768xf32, #tpu.memory_space<vmem>>[vector<16xi32>], vector<16xf32>,
      %neg3A_1965 = arith.constant 0.000000e+00 : f32
      %neg3A_1966 = vector.broadcast %neg3A_1965 : f32 to vector<16xf32>
      %neg3A_1967 = arith.subf %neg3A_1966, %gather3A_1964 : vector<16xf32>
      %max3A_1968 = arith.maximumf %neg3A_1930, %gather3A_1934 : vector<16xf32>
      %max3A_1969 = arith.maximumf %max3A_1968, %neg3A_1941 : vector<16xf32>
      %max3A_1970 = arith.maximumf %max3A_1969, %gather3A_1945 : vector<16xf32>
      %max3A_1971 = arith.maximumf %max3A_1970, %gather3A_1949 : vector<16xf32>
      %max3A_1972 = arith.maximumf %max3A_1971, %neg3A_1956 : vector<16xf32>
      %max3A_1973 = arith.maximumf %max3A_1972, %gather3A_1960 : vector<16xf32>
      %max3A_1974 = arith.maximumf %max3A_1973, %neg3A_1967 : vector<16xf32>
      %sub3A_1975 = arith.subf %neg3A_1930, %max3A_1974 : vector<16xf32>
      %exp3A_1976 = math.exp %sub3A_1975 : vector<16xf32>
      %sub3A_1977 = arith.subf %gather3A_1934, %max3A_1974 : vector<16xf32>
      %exp3A_1978 = math.exp %sub3A_1977 : vector<16xf32>
      %sub3A_1979 = arith.subf %neg3A_1941, %max3A_1974 : vector<16xf32>
      %exp3A_1980 = math.exp %sub3A_1979 : vector<16xf32>
      %sub3A_1981 = arith.subf %gather3A_1945, %max3A_1974 : vector<16xf32>
      %exp3A_1982 = math.exp %sub3A_1981 : vector<16xf32>
      %sub3A_1983 = arith.subf %gather3A_1949, %max3A_1974 : vector<16xf32>
      %exp3A_1984 = math.exp %sub3A_1983 : vector<16xf32>
      %sub3A_1985 = arith.subf %neg3A_1956, %max3A_1974 : vector<16xf32>
      %exp3A_1986 = math.exp %sub3A_1985 : vector<16xf32>
      %sub3A_1987 = arith.subf %gather3A_1960, %max3A_1974 : vector<16xf32>
      %exp3A_1988 = math.exp %sub3A_1987 : vector<16xf32>
      %sub3A_1989 = arith.subf %neg3A_1967, %max3A_1974 : vector<16xf32>
      %exp3A_1990 = math.exp %sub3A_1989 : vector<16xf32>
      %add3A_1991 = arith.addf %exp3A_1976, %exp3A_1978 : vector<16xf32>
      %add3A_1992 = arith.addf %add3A_1991, %exp3A_1980 : vector<16xf32>
      %add3A_1993 = arith.addf %add3A_1992, %exp3A_1982 : vector<16xf32>
      %add3A_1994 = arith.addf %add3A_1993, %exp3A_1984 : vector<16xf32>
      %add3A_1995 = arith.addf %add3A_1994, %exp3A_1986 : vector<16xf32>
      %add3A_1996 = arith.addf %add3A_1995, %exp3A_1988 : vector<16xf32>
      %add3A_1997 = arith.addf %add3A_1996, %exp3A_1990 : vector<16xf32>
      %div3A_1998 = arith.divf %min3A_7, %add3A_1997 : vector<16xf32>
      %mul3A_1999 = arith.constant 1024 : i32
      %mul3A_2000 = arith.muli %add3A_1111, %mul3A_1999 : i32
      %add3A_2001 = arith.constant 96 : i32
      %add3A_2002 = arith.addi %mul3A_2000, %add3A_2001 : i32
      %mul3A_2003 = arith.mulf %exp3A_1976, %div3A_1998 : vector<16xf32>
      %neg3A_2004 = arith.constant 0.000000e+00 : f32
      %neg3A_2005 = vector.broadcast %neg3A_2004 : f32 to vector<16xf32>
      %neg3A_2006 = arith.subf %neg3A_2005, %mul3A_2003 : vector<16xf32>
      %add3A_2007 = arith.constant 0 : i32
      %add3A_2008 = arith.addi %add3A_2002, %add3A_2007 : i32
      %swap3A_2009 = arith.index_cast %add3A_2008 : i32 to index
      %swap3A_2010 = tpu.vector_load %arg7[%swap3A_2009] {strides = array<i32>} : memref<4096xf32, #tpu.memory_space<vmem>>, vector<16xf32>,
      tpu.vector_store %arg7[%swap3A_2009], %neg3A_2006 {strides = array<i32>} : memref<4096xf32, #tpu.memory_space<vmem>>, vector<16xf32>,
      %mul3A_2011 = arith.mulf %exp3A_1978, %div3A_1998 : vector<16xf32>
      %add3A_2012 = arith.constant 128 : i32
      %add3A_2013 = arith.addi %add3A_2002, %add3A_2012 : i32
      %swap3A_2014 = arith.index_cast %add3A_2013 : i32 to index
      %swap3A_2015 = tpu.vector_load %arg7[%swap3A_2014] {strides = array<i32>} : memref<4096xf32, #tpu.memory_space<vmem>>, vector<16xf32>,
      tpu.vector_store %arg7[%swap3A_2014], %mul3A_2011 {strides = array<i32>} : memref<4096xf32, #tpu.memory_space<vmem>>, vector<16xf32>,
      %mul3A_2016 = arith.mulf %exp3A_1980, %div3A_1998 : vector<16xf32>
      %neg3A_2017 = arith.constant 0.000000e+00 : f32
      %neg3A_2018 = vector.broadcast %neg3A_2017 : f32 to vector<16xf32>
      %neg3A_2019 = arith.subf %neg3A_2018, %mul3A_2016 : vector<16xf32>
      %add3A_2020 = arith.constant 256 : i32
      %add3A_2021 = arith.addi %add3A_2002, %add3A_2020 : i32
      %swap3A_2022 = arith.index_cast %add3A_2021 : i32 to index
      %swap3A_2023 = tpu.vector_load %arg7[%swap3A_2022] {strides = array<i32>} : memref<4096xf32, #tpu.memory_space<vmem>>, vector<16xf32>,
      tpu.vector_store %arg7[%swap3A_2022], %neg3A_2019 {strides = array<i32>} : memref<4096xf32, #tpu.memory_space<vmem>>, vector<16xf32>,
      %mul3A_2024 = arith.mulf %exp3A_1982, %div3A_1998 : vector<16xf32>
      %add3A_2025 = arith.constant 384 : i32
      %add3A_2026 = arith.addi %add3A_2002, %add3A_2025 : i32
      %swap3A_2027 = arith.index_cast %add3A_2026 : i32 to index
      %swap3A_2028 = tpu.vector_load %arg7[%swap3A_2027] {strides = array<i32>} : memref<4096xf32, #tpu.memory_space<vmem>>, vector<16xf32>,
      tpu.vector_store %arg7[%swap3A_2027], %mul3A_2024 {strides = array<i32>} : memref<4096xf32, #tpu.memory_space<vmem>>, vector<16xf32>,
      %mul3A_2029 = arith.mulf %exp3A_1984, %div3A_1998 : vector<16xf32>
      %add3A_2030 = arith.constant 512 : i32
      %add3A_2031 = arith.addi %add3A_2002, %add3A_2030 : i32
      %swap3A_2032 = arith.index_cast %add3A_2031 : i32 to index
      %swap3A_2033 = tpu.vector_load %arg7[%swap3A_2032] {strides = array<i32>} : memref<4096xf32, #tpu.memory_space<vmem>>, vector<16xf32>,
      tpu.vector_store %arg7[%swap3A_2032], %mul3A_2029 {strides = array<i32>} : memref<4096xf32, #tpu.memory_space<vmem>>, vector<16xf32>,
      %mul3A_2034 = arith.mulf %exp3A_1986, %div3A_1998 : vector<16xf32>
      %neg3A_2035 = arith.constant 0.000000e+00 : f32
      %neg3A_2036 = vector.broadcast %neg3A_2035 : f32 to vector<16xf32>
      %neg3A_2037 = arith.subf %neg3A_2036, %mul3A_2034 : vector<16xf32>
      %add3A_2038 = arith.constant 640 : i32
      %add3A_2039 = arith.addi %add3A_2002, %add3A_2038 : i32
      %swap3A_2040 = arith.index_cast %add3A_2039 : i32 to index
      %swap3A_2041 = tpu.vector_load %arg7[%swap3A_2040] {strides = array<i32>} : memref<4096xf32, #tpu.memory_space<vmem>>, vector<16xf32>,
      tpu.vector_store %arg7[%swap3A_2040], %neg3A_2037 {strides = array<i32>} : memref<4096xf32, #tpu.memory_space<vmem>>, vector<16xf32>,
      %mul3A_2042 = arith.mulf %exp3A_1988, %div3A_1998 : vector<16xf32>
      %add3A_2043 = arith.constant 768 : i32
      %add3A_2044 = arith.addi %add3A_2002, %add3A_2043 : i32
      %swap3A_2045 = arith.index_cast %add3A_2044 : i32 to index
      %swap3A_2046 = tpu.vector_load %arg7[%swap3A_2045] {strides = array<i32>} : memref<4096xf32, #tpu.memory_space<vmem>>, vector<16xf32>,
      tpu.vector_store %arg7[%swap3A_2045], %mul3A_2042 {strides = array<i32>} : memref<4096xf32, #tpu.memory_space<vmem>>, vector<16xf32>,
      %mul3A_2047 = arith.mulf %exp3A_1990, %div3A_1998 : vector<16xf32>
      %neg3A_2048 = arith.constant 0.000000e+00 : f32
      %neg3A_2049 = vector.broadcast %neg3A_2048 : f32 to vector<16xf32>
      %neg3A_2050 = arith.subf %neg3A_2049, %mul3A_2047 : vector<16xf32>
      %add3A_2051 = arith.constant 896 : i32
      %add3A_2052 = arith.addi %add3A_2002, %add3A_2051 : i32
      %swap3A_2053 = arith.index_cast %add3A_2052 : i32 to index
      %swap3A_2054 = tpu.vector_load %arg7[%swap3A_2053] {strides = array<i32>} : memref<4096xf32, #tpu.memory_space<vmem>>, vector<16xf32>,
      tpu.vector_store %arg7[%swap3A_2053], %neg3A_2050 {strides = array<i32>} : memref<4096xf32, #tpu.memory_space<vmem>>, vector<16xf32>,
      %add3A_2055 = arith.constant 28672 : i32
      %add3A_2056 = vector.broadcast %add3A_2055 : i32 to vector<16xi32>
      %add3A_2057 = arith.addi %add3A_18, %add3A_2056 : vector<16xi32>
      %add3A_2058 = arith.constant 0 : i32
      %add3A_2059 = vector.broadcast %add3A_2058 : i32 to vector<16xi32>
      %add3A_2060 = arith.addi %add3A_2057, %add3A_2059 : vector<16xi32>
      %gather3A_2061 = tpu.vector_load_idx %arg6[%add3A_2060] : memref<32768xf32, #tpu.memory_space<vmem>>[vector<16xi32>], vector<16xf32>,
      %neg3A_2062 = arith.constant 0.000000e+00 : f32
      %neg3A_2063 = vector.broadcast %neg3A_2062 : f32 to vector<16xf32>
      %neg3A_2064 = arith.subf %neg3A_2063, %gather3A_2061 : vector<16xf32>
      %add3A_2065 = arith.constant 3 : i32
      %add3A_2066 = vector.broadcast %add3A_2065 : i32 to vector<16xi32>
      %add3A_2067 = arith.addi %add3A_2057, %add3A_2066 : vector<16xi32>
      %gather3A_2068 = tpu.vector_load_idx %arg6[%add3A_2067] : memref<32768xf32, #tpu.memory_space<vmem>>[vector<16xi32>], vector<16xf32>,
      %add3A_2069 = arith.constant 17 : i32
      %add3A_2070 = vector.broadcast %add3A_2069 : i32 to vector<16xi32>
      %add3A_2071 = arith.addi %add3A_2057, %add3A_2070 : vector<16xi32>
      %gather3A_2072 = tpu.vector_load_idx %arg6[%add3A_2071] : memref<32768xf32, #tpu.memory_space<vmem>>[vector<16xi32>], vector<16xf32>,
      %neg3A_2073 = arith.constant 0.000000e+00 : f32
      %neg3A_2074 = vector.broadcast %neg3A_2073 : f32 to vector<16xf32>
      %neg3A_2075 = arith.subf %neg3A_2074, %gather3A_2072 : vector<16xf32>
      %add3A_2076 = arith.constant 42 : i32
      %add3A_2077 = vector.broadcast %add3A_2076 : i32 to vector<16xi32>
      %add3A_2078 = arith.addi %add3A_2057, %add3A_2077 : vector<16xi32>
      %gather3A_2079 = tpu.vector_load_idx %arg6[%add3A_2078] : memref<32768xf32, #tpu.memory_space<vmem>>[vector<16xi32>], vector<16xf32>,
      %add3A_2080 = arith.constant 97 : i32
      %add3A_2081 = vector.broadcast %add3A_2080 : i32 to vector<16xi32>
      %add3A_2082 = arith.addi %add3A_2057, %add3A_2081 : vector<16xi32>
      %gather3A_2083 = tpu.vector_load_idx %arg6[%add3A_2082] : memref<32768xf32, #tpu.memory_space<vmem>>[vector<16xi32>], vector<16xf32>,
      %add3A_2084 = arith.constant 1024 : i32
      %add3A_2085 = vector.broadcast %add3A_2084 : i32 to vector<16xi32>
      %add3A_2086 = arith.addi %add3A_2057, %add3A_2085 : vector<16xi32>
      %gather3A_2087 = tpu.vector_load_idx %arg6[%add3A_2086] : memref<32768xf32, #tpu.memory_space<vmem>>[vector<16xi32>], vector<16xf32>,
      %neg3A_2088 = arith.constant 0.000000e+00 : f32
      %neg3A_2089 = vector.broadcast %neg3A_2088 : f32 to vector<16xf32>
      %neg3A_2090 = arith.subf %neg3A_2089, %gather3A_2087 : vector<16xf32>
      %add3A_2091 = arith.constant 1096 : i32
      %add3A_2092 = vector.broadcast %add3A_2091 : i32 to vector<16xi32>
      %add3A_2093 = arith.addi %add3A_2057, %add3A_2092 : vector<16xi32>
      %gather3A_2094 = tpu.vector_load_idx %arg6[%add3A_2093] : memref<32768xf32, #tpu.memory_space<vmem>>[vector<16xi32>], vector<16xf32>,
      %add3A_2095 = arith.constant 1151 : i32
      %add3A_2096 = vector.broadcast %add3A_2095 : i32 to vector<16xi32>
      %add3A_2097 = arith.addi %add3A_2057, %add3A_2096 : vector<16xi32>
      %gather3A_2098 = tpu.vector_load_idx %arg6[%add3A_2097] : memref<32768xf32, #tpu.memory_space<vmem>>[vector<16xi32>], vector<16xf32>,
      %neg3A_2099 = arith.constant 0.000000e+00 : f32
      %neg3A_2100 = vector.broadcast %neg3A_2099 : f32 to vector<16xf32>
      %neg3A_2101 = arith.subf %neg3A_2100, %gather3A_2098 : vector<16xf32>
      %max3A_2102 = arith.maximumf %neg3A_2064, %gather3A_2068 : vector<16xf32>
      %max3A_2103 = arith.maximumf %max3A_2102, %neg3A_2075 : vector<16xf32>
      %max3A_2104 = arith.maximumf %max3A_2103, %gather3A_2079 : vector<16xf32>
      %max3A_2105 = arith.maximumf %max3A_2104, %gather3A_2083 : vector<16xf32>
      %max3A_2106 = arith.maximumf %max3A_2105, %neg3A_2090 : vector<16xf32>
      %max3A_2107 = arith.maximumf %max3A_2106, %gather3A_2094 : vector<16xf32>
      %max3A_2108 = arith.maximumf %max3A_2107, %neg3A_2101 : vector<16xf32>
      %sub3A_2109 = arith.subf %neg3A_2064, %max3A_2108 : vector<16xf32>
      %exp3A_2110 = math.exp %sub3A_2109 : vector<16xf32>
      %sub3A_2111 = arith.subf %gather3A_2068, %max3A_2108 : vector<16xf32>
      %exp3A_2112 = math.exp %sub3A_2111 : vector<16xf32>
      %sub3A_2113 = arith.subf %neg3A_2075, %max3A_2108 : vector<16xf32>
      %exp3A_2114 = math.exp %sub3A_2113 : vector<16xf32>
      %sub3A_2115 = arith.subf %gather3A_2079, %max3A_2108 : vector<16xf32>
      %exp3A_2116 = math.exp %sub3A_2115 : vector<16xf32>
      %sub3A_2117 = arith.subf %gather3A_2083, %max3A_2108 : vector<16xf32>
      %exp3A_2118 = math.exp %sub3A_2117 : vector<16xf32>
      %sub3A_2119 = arith.subf %neg3A_2090, %max3A_2108 : vector<16xf32>
      %exp3A_2120 = math.exp %sub3A_2119 : vector<16xf32>
      %sub3A_2121 = arith.subf %gather3A_2094, %max3A_2108 : vector<16xf32>
      %exp3A_2122 = math.exp %sub3A_2121 : vector<16xf32>
      %sub3A_2123 = arith.subf %neg3A_2101, %max3A_2108 : vector<16xf32>
      %exp3A_2124 = math.exp %sub3A_2123 : vector<16xf32>
      %add3A_2125 = arith.addf %exp3A_2110, %exp3A_2112 : vector<16xf32>
      %add3A_2126 = arith.addf %add3A_2125, %exp3A_2114 : vector<16xf32>
      %add3A_2127 = arith.addf %add3A_2126, %exp3A_2116 : vector<16xf32>
      %add3A_2128 = arith.addf %add3A_2127, %exp3A_2118 : vector<16xf32>
      %add3A_2129 = arith.addf %add3A_2128, %exp3A_2120 : vector<16xf32>
      %add3A_2130 = arith.addf %add3A_2129, %exp3A_2122 : vector<16xf32>
      %add3A_2131 = arith.addf %add3A_2130, %exp3A_2124 : vector<16xf32>
      %div3A_2132 = arith.divf %min3A_7, %add3A_2131 : vector<16xf32>
      %mul3A_2133 = arith.constant 1024 : i32
      %mul3A_2134 = arith.muli %add3A_1111, %mul3A_2133 : i32
      %add3A_2135 = arith.constant 112 : i32
      %add3A_2136 = arith.addi %mul3A_2134, %add3A_2135 : i32
      %mul3A_2137 = arith.mulf %exp3A_2110, %div3A_2132 : vector<16xf32>
      %neg3A_2138 = arith.constant 0.000000e+00 : f32
      %neg3A_2139 = vector.broadcast %neg3A_2138 : f32 to vector<16xf32>
      %neg3A_2140 = arith.subf %neg3A_2139, %mul3A_2137 : vector<16xf32>
      %add3A_2141 = arith.constant 0 : i32
      %add3A_2142 = arith.addi %add3A_2136, %add3A_2141 : i32
      %swap3A_2143 = arith.index_cast %add3A_2142 : i32 to index
      %swap3A_2144 = tpu.vector_load %arg7[%swap3A_2143] {strides = array<i32>} : memref<4096xf32, #tpu.memory_space<vmem>>, vector<16xf32>,
      tpu.vector_store %arg7[%swap3A_2143], %neg3A_2140 {strides = array<i32>} : memref<4096xf32, #tpu.memory_space<vmem>>, vector<16xf32>,
      %mul3A_2145 = arith.mulf %exp3A_2112, %div3A_2132 : vector<16xf32>
      %add3A_2146 = arith.constant 128 : i32
      %add3A_2147 = arith.addi %add3A_2136, %add3A_2146 : i32
      %swap3A_2148 = arith.index_cast %add3A_2147 : i32 to index
      %swap3A_2149 = tpu.vector_load %arg7[%swap3A_2148] {strides = array<i32>} : memref<4096xf32, #tpu.memory_space<vmem>>, vector<16xf32>,
      tpu.vector_store %arg7[%swap3A_2148], %mul3A_2145 {strides = array<i32>} : memref<4096xf32, #tpu.memory_space<vmem>>, vector<16xf32>,
      %mul3A_2150 = arith.mulf %exp3A_2114, %div3A_2132 : vector<16xf32>
      %neg3A_2151 = arith.constant 0.000000e+00 : f32
      %neg3A_2152 = vector.broadcast %neg3A_2151 : f32 to vector<16xf32>
      %neg3A_2153 = arith.subf %neg3A_2152, %mul3A_2150 : vector<16xf32>
      %add3A_2154 = arith.constant 256 : i32
      %add3A_2155 = arith.addi %add3A_2136, %add3A_2154 : i32
      %swap3A_2156 = arith.index_cast %add3A_2155 : i32 to index
      %swap3A_2157 = tpu.vector_load %arg7[%swap3A_2156] {strides = array<i32>} : memref<4096xf32, #tpu.memory_space<vmem>>, vector<16xf32>,
      tpu.vector_store %arg7[%swap3A_2156], %neg3A_2153 {strides = array<i32>} : memref<4096xf32, #tpu.memory_space<vmem>>, vector<16xf32>,
      %mul3A_2158 = arith.mulf %exp3A_2116, %div3A_2132 : vector<16xf32>
      %add3A_2159 = arith.constant 384 : i32
      %add3A_2160 = arith.addi %add3A_2136, %add3A_2159 : i32
      %swap3A_2161 = arith.index_cast %add3A_2160 : i32 to index
      %swap3A_2162 = tpu.vector_load %arg7[%swap3A_2161] {strides = array<i32>} : memref<4096xf32, #tpu.memory_space<vmem>>, vector<16xf32>,
      tpu.vector_store %arg7[%swap3A_2161], %mul3A_2158 {strides = array<i32>} : memref<4096xf32, #tpu.memory_space<vmem>>, vector<16xf32>,
      %mul3A_2163 = arith.mulf %exp3A_2118, %div3A_2132 : vector<16xf32>
      %add3A_2164 = arith.constant 512 : i32
      %add3A_2165 = arith.addi %add3A_2136, %add3A_2164 : i32
      %swap3A_2166 = arith.index_cast %add3A_2165 : i32 to index
      %swap3A_2167 = tpu.vector_load %arg7[%swap3A_2166] {strides = array<i32>} : memref<4096xf32, #tpu.memory_space<vmem>>, vector<16xf32>,
      tpu.vector_store %arg7[%swap3A_2166], %mul3A_2163 {strides = array<i32>} : memref<4096xf32, #tpu.memory_space<vmem>>, vector<16xf32>,
      %mul3A_2168 = arith.mulf %exp3A_2120, %div3A_2132 : vector<16xf32>
      %neg3A_2169 = arith.constant 0.000000e+00 : f32
      %neg3A_2170 = vector.broadcast %neg3A_2169 : f32 to vector<16xf32>
      %neg3A_2171 = arith.subf %neg3A_2170, %mul3A_2168 : vector<16xf32>
      %add3A_2172 = arith.constant 640 : i32
      %add3A_2173 = arith.addi %add3A_2136, %add3A_2172 : i32
      %swap3A_2174 = arith.index_cast %add3A_2173 : i32 to index
      %swap3A_2175 = tpu.vector_load %arg7[%swap3A_2174] {strides = array<i32>} : memref<4096xf32, #tpu.memory_space<vmem>>, vector<16xf32>,
      tpu.vector_store %arg7[%swap3A_2174], %neg3A_2171 {strides = array<i32>} : memref<4096xf32, #tpu.memory_space<vmem>>, vector<16xf32>,
      %mul3A_2176 = arith.mulf %exp3A_2122, %div3A_2132 : vector<16xf32>
      %add3A_2177 = arith.constant 768 : i32
      %add3A_2178 = arith.addi %add3A_2136, %add3A_2177 : i32
      %swap3A_2179 = arith.index_cast %add3A_2178 : i32 to index
      %swap3A_2180 = tpu.vector_load %arg7[%swap3A_2179] {strides = array<i32>} : memref<4096xf32, #tpu.memory_space<vmem>>, vector<16xf32>,
      tpu.vector_store %arg7[%swap3A_2179], %mul3A_2176 {strides = array<i32>} : memref<4096xf32, #tpu.memory_space<vmem>>, vector<16xf32>,
      %mul3A_2181 = arith.mulf %exp3A_2124, %div3A_2132 : vector<16xf32>
      %neg3A_2182 = arith.constant 0.000000e+00 : f32
      %neg3A_2183 = vector.broadcast %neg3A_2182 : f32 to vector<16xf32>
      %neg3A_2184 = arith.subf %neg3A_2183, %mul3A_2181 : vector<16xf32>
      %add3A_2185 = arith.constant 896 : i32
      %add3A_2186 = arith.addi %add3A_2136, %add3A_2185 : i32
      %swap3A_2187 = arith.index_cast %add3A_2186 : i32 to index
      %swap3A_2188 = tpu.vector_load %arg7[%swap3A_2187] {strides = array<i32>} : memref<4096xf32, #tpu.memory_space<vmem>>, vector<16xf32>,
      tpu.vector_store %arg7[%swap3A_2187], %neg3A_2184 {strides = array<i32>} : memref<4096xf32, #tpu.memory_space<vmem>>, vector<16xf32>,
      %lt3A_2189 = arith.constant 1 : i32
      %lt3A_2190 = arith.cmpi slt, %scan3A_31, %lt3A_2189 : i32
      %convert_element_type3A_2191 = arith.extui %lt3A_2190 : i1 to i32
      %cond3A_2192 = arith.constant 0 : i32
      %cond3A_2193 = arith.cmpi ne, %convert_element_type3A_2191, %cond3A_2192 : i32
      scf.if %cond3A_2193 {
        %add3A_2194 = arith.constant 65536 : i32
        %add3A_2195 = arith.addi %add3A_1114, %add3A_2194 : i32
        %dma_start3A_2196 = tpu.memref_slice %arg2[%add3A_2195] : memref<16777216xf32, #tpu.memory_space<hbm>> -> memref<32768xf32, #tpu.memory_space<hbm>>
        %dma_start3A_2197 = tpu.memref_slice %arg2[%add3A_2195] : memref<16777216xf32, #tpu.memory_space<hbm>> -> memref<32768xf32, #tpu.memory_space<hbm>>
        tpu.enqueue_dma source(%dma_start3A_2197 : memref<32768xf32, #tpu.memory_space<hbm>>) target(%arg6 : memref<32768xf32, #tpu.memory_space<vmem>>) target_semaphore(%arg10 : memref<!tpu.dma_semaphore, #tpu.memory_space<semaphore_mem>>)
      } else {
      }
    }
    %scan3A_28 = arith.constant 2 : i32
    %mul3A_29 = arith.constant 4096 : i32
    %mul3A_30 = arith.muli %add3A, %mul3A_29 : i32
    "tpu.region"() ({
      %run_scoped3A = tpu.sem_alloc : memref<!tpu.dma_semaphore, #tpu.memory_space<semaphore_mem>>
      %dma_start3A_31 = tpu.memref_slice %arg4[%mul3A_30] : memref<131072xf32, #tpu.memory_space<hbm>> -> memref<4096xf32, #tpu.memory_space<hbm>>
      %dma_start3A_32 = tpu.memref_slice %arg4[%mul3A_30] : memref<131072xf32, #tpu.memory_space<hbm>> -> memref<4096xf32, #tpu.memory_space<hbm>>
      tpu.enqueue_dma source(%arg7 : memref<4096xf32, #tpu.memory_space<vmem>>) target(%dma_start3A_32 : memref<4096xf32, #tpu.memory_space<hbm>>) target_semaphore(%run_scoped3A : memref<!tpu.dma_semaphore, #tpu.memory_space<semaphore_mem>>)
      %dma_wait3A = tpu.memref_slice %arg4[%mul3A_30] : memref<131072xf32, #tpu.memory_space<hbm>> -> memref<4096xf32, #tpu.memory_space<hbm>>
      %dma_wait3A_33 = tpu.memref_slice %arg4[%mul3A_30] : memref<131072xf32, #tpu.memory_space<hbm>> -> memref<4096xf32, #tpu.memory_space<hbm>>
      tpu.wait_dma2 semaphore(%run_scoped3A : memref<!tpu.dma_semaphore, #tpu.memory_space<semaphore_mem>>) src(%arg7 : memref<4096xf32, #tpu.memory_space<vmem>>) dst(%dma_wait3A_33 : memref<4096xf32, #tpu.memory_space<hbm>>)
      tpu.yield
    }) : () -> ()
    return
  }
}

module attributes {stable_mosaic.version = 14 : i64} {
  func.func @_tc_body(%arg0: i32, %arg1: memref<1x1xf32, #tpu.memory_space<smem>>, %arg2: memref<8192x256xf32, #tpu.memory_space<vmem>>, %arg3: memref<8x256xf32, #tpu.memory_space<vmem>>, %arg4: memref<8x8192xf32, #tpu.memory_space<vmem>>) attributes {dimension_semantics = [#tpu.dimension_semantics<arbitrary>], iteration_bounds = array<i64: 6>, scalar_prefetch = 0 : i64, scratch_operands = 0 : i64, tpu.core_type = #tpu.core_type<tc>, window_params = [{transform_indices = @transform_0, window_bounds = array<i64: 1, 1>}, {transform_indices = @transform_1, window_bounds = array<i64: 8192, 256>}, {pipeline_mode = #tpu.pipeline_mode<synchronous>, transform_indices = @transform_2, window_bounds = array<i64: 8, 256>}, {transform_indices = @transform_3, window_bounds = array<i64: 8, 8192>}]} {
    %get3A = arith.constant 0 : index
    %get3A_0 = arith.constant 0 : index
    %get3A_1 = vector.load %arg2[%get3A, %get3A_0] : memref<8192x256xf32, #tpu.memory_space<vmem>>, vector<8192x256xf32>
    %get3A_2 = arith.constant 0 : index
    %get3A_3 = arith.constant 0 : index
    %get3A_4 = vector.load %arg3[%get3A_2, %get3A_3] : memref<8x256xf32, #tpu.memory_space<vmem>>, vector<8x256xf32>
    %dot_general3A = arith.constant dense<0.000000e+00> : vector<8x8192xf32>
    %dot_general3A_5 = tpu.matmul %get3A_4, %get3A_1, %dot_general3A {dimension_numbers = #tpu.dot_dimension_numbers<[1], [1], [0], [0], [0, 0, 1, 0], [], []>, transpose_lhs_hint = false} : vector<8x256xf32>, vector<8192x256xf32>, vector<8x8192xf32> -> vector<8x8192xf32>
    %reduce_max3A = arith.constant dense<0xFF800000> : vector<8192xf32>
    %reduce_max3A_6 = vector.multi_reduction <maximumf>, %dot_general3A_5, %reduce_max3A [0] : vector<8x8192xf32> to vector<8192xf32>
    %broadcast_in_dim3A = vector.shape_cast %reduce_max3A_6 : vector<8192xf32> to vector<1x8192xf32>
    %sub3A = vector.broadcast %broadcast_in_dim3A : vector<1x8192xf32> to vector<8x8192xf32>
    %sub3A_7 = arith.subf %dot_general3A_5, %sub3A : vector<8x8192xf32>
    %exp3A = math.exp %sub3A_7 : vector<8x8192xf32>
    %reduce_sum3A = arith.constant dense<0.000000e+00> : vector<8192xf32>
    %reduce_sum3A_8 = vector.multi_reduction <add>, %exp3A, %reduce_sum3A [0] : vector<8x8192xf32> to vector<8192xf32>
    %broadcast_in_dim3A_9 = vector.shape_cast %reduce_sum3A_8 : vector<8192xf32> to vector<1x8192xf32>
    %get3A_10 = arith.constant 0 : index
    %get3A_11 = arith.constant 0 : index
    %get3A_12 = memref.load %arg1[%get3A_10, %get3A_11] : memref<1x1xf32, #tpu.memory_space<smem>>
    %max3A = arith.constant 0.000000e+00 : f32
    %max3A_13 = arith.maximumf %get3A_12, %max3A : f32
    %min3A = arith.constant 5.000000e+02 : f32
    %min3A_14 = arith.minimumf %max3A_13, %min3A : f32
    %iota3A = tpu.iota {dimensions = array<i32: 0>} : vector<8x1xi32>
    %eq3A = arith.constant 0 : i32
    %eq3A_15 = vector.broadcast %eq3A : i32 to vector<8x1xi32>
    %eq3A_16 = arith.cmpi eq, %iota3A, %eq3A_15 : vector<8x1xi32>
    %or3A = arith.constant false
    %or3A_17 = vector.broadcast %or3A : i1 to vector<8x1xi1>
    %or3A_18 = arith.ori %or3A_17, %eq3A_16 : vector<8x1xi1>
    %eq3A_19 = arith.constant 2 : i32
    %eq3A_20 = vector.broadcast %eq3A_19 : i32 to vector<8x1xi32>
    %eq3A_21 = arith.cmpi eq, %iota3A, %eq3A_20 : vector<8x1xi32>
    %or3A_22 = arith.ori %or3A_18, %eq3A_21 : vector<8x1xi1>
    %eq3A_23 = arith.constant 5 : i32
    %eq3A_24 = vector.broadcast %eq3A_23 : i32 to vector<8x1xi32>
    %eq3A_25 = arith.cmpi eq, %iota3A, %eq3A_24 : vector<8x1xi32>
    %or3A_26 = arith.ori %or3A_22, %eq3A_25 : vector<8x1xi1>
    %eq3A_27 = arith.constant 7 : i32
    %eq3A_28 = vector.broadcast %eq3A_27 : i32 to vector<8x1xi32>
    %eq3A_29 = arith.cmpi eq, %iota3A, %eq3A_28 : vector<8x1xi32>
    %or3A_30 = arith.ori %or3A_26, %eq3A_29 : vector<8x1xi1>
    %jit3A = arith.constant -1.000000e+00 : f32
    %jit3A_31 = arith.constant 1.000000e+00 : f32
    %broadcast_in_dim3A_32 = vector.broadcast %jit3A : f32 to vector<8x1xf32>
    %broadcast_in_dim3A_33 = vector.broadcast %jit3A_31 : f32 to vector<8x1xf32>
    %select_n3A = arith.select %or3A_30, %broadcast_in_dim3A_32, %broadcast_in_dim3A_33 : vector<8x1xi1>, vector<8x1xf32>
    %div3A = vector.broadcast %min3A_14 : f32 to vector<1x8192xf32>
    %div3A_34 = arith.divf %div3A, %broadcast_in_dim3A_9 : vector<1x8192xf32>
    %mul3A = vector.broadcast %div3A_34 : vector<1x8192xf32> to vector<8x8192xf32>
    %mul3A_35 = arith.mulf %exp3A, %mul3A : vector<8x8192xf32>
    %mul3A_36 = vector.broadcast %select_n3A : vector<8x1xf32> to vector<8x8192xf32>
    %mul3A_37 = arith.mulf %mul3A_35, %mul3A_36 : vector<8x8192xf32>
    %swap3A = arith.constant 0 : index
    %swap3A_38 = arith.constant 0 : index
    %swap3A_39 = vector.load %arg4[%swap3A, %swap3A_38] : memref<8x8192xf32, #tpu.memory_space<vmem>>, vector<8x8192xf32>
    tpu.vector_store %arg4[%swap3A, %swap3A_38], %mul3A_37 {strides = array<i32>} : memref<8x8192xf32, #tpu.memory_space<vmem>>, vector<8x8192xf32>,
    return
  }
  func.func @transform_0(%arg0: i32) -> (i32, i32) {
    %c0_i32 = arith.constant 0 : i32
    %c0_i32_0 = arith.constant 0 : i32
    %c0_i32_1 = arith.constant 0 : i32
    return %c0_i32, %c0_i32_0 : i32, i32
  }
  func.func @transform_1(%arg0: i32) -> (i32, i32) {
    %add3A = arith.constant 2 : i32
    %add3A_0 = arith.addi %arg0, %add3A : i32
    %c0_i32 = arith.constant 0 : i32
    %c0_i32_1 = arith.constant 0 : i32
    return %add3A_0, %c0_i32 : i32, i32
  }
  func.func @transform_2(%arg0: i32) -> (i32, i32) {
    %c0_i32 = arith.constant 0 : i32
    %c0_i32_0 = arith.constant 0 : i32
    %c0_i32_1 = arith.constant 0 : i32
    return %c0_i32, %c0_i32_0 : i32, i32
  }
  func.func @transform_3(%arg0: i32) -> (i32, i32) {
    %c0_i32 = arith.constant 0 : i32
    %c0_i32_0 = arith.constant 0 : i32
    return %c0_i32, %arg0 : i32, i32
  }
}

</mosaic_0001>

<sc_bundles>
// kernel: _delta.4.cloned.1.call-start
scs
__scs_entry_jumppad:
0x0: {  	(pc) =	sbr.rel $0x88, $3  }
0x1: {  	(tag) =	ssettag $0x0;
	lr =	simm.s32 $0x1  }
0x2: {  	[smem:$0x3F9E] =	sst lr;
	_ =	strace $0xD0000000  }
0x3: {  	_ = 	snop  }
0x4: {  	_ = 	snop  }
0x5: {  	_ = 	snop  }
0x6: {  	_ = 	snop  }
0x7: {  	_ = 	snop  }
__scs_overlays_trampoline_lowered:
0x8: {  	[smem:$0x3FAD] =	sst s0  }
0x9: {  	[smem:$0x3FAE] =	sst s1  }
0xa: {  	[smem:$0x3FAF] =	sst s2  }
0xb: {  	[smem:$0x3FB0] =	sst s3  }
0xc: {  	[smem:$0x3FB1] =	sst s4  }
0xd: {  	[smem:$0x3FB2] =	sst s5  }
0xe: {  	[smem:$0x3FB3] =	sst s6  }
0xf: {  	[smem:$0x3FB4] =	sst s7  }
0x10: {  	[smem:$0x3FB5] =	sst s8  }
0x11: {  	[smem:$0x3FB6] =	sst s9;
	s0 =	simm.s32 @!p0 $0x0  }
0x12: {  	s1 =	sld [smem:$0x3F9C];
	s0 =	simm.s32 @p0 $0x1  }
0x13: {  	[smem:$0x3FB7] =	sst s0;
	s0 =	simm.s32 @!p1 $0x0  }
0x14: {  	s2 =	sld [smem:$0x3F9B];
	s0 =	simm.s32 @p1 $0x1  }
0x15: {  	[smem:$0x3FB8] =	sst s0;
	s0 =	simm.s32 @!p2 $0x0  }
0x16: {  	s3 =	sld [smem:$0x3FDB];
	s0 =	simm.s32 @p2 $0x1  }
0x17: {  	s4 =	simm.s32 $0x1BF5;
	[smem:$0x3FBA] =	sst s0  }
0x18: {  	s0 =	sld [smem:$0x3F9D];
	_ =	swait.ge [sflag:s4], $0x0  }
0x19: {  	s7 =	sld [smem:$0x3F9E]  }
0x1a: {  	s8 =	sadd.s32 $0xFFFFE003, lr  }
0x1b: {  	s9 =	sadd.s32 $0xFFFFFEF7, lr;
	s5 =	simm.s32 $0xFFFFFFFF;
	p2 =	slt.u32 s8, $0xFFFFF086  }
0x1c: {  	p1 =	slt.u32 s9, $0xF7A;
	s5 =	simm.s32 @!p2 $0x0  }
0x1d: {  	s5 =	simm.s32 @p1 $0x1;
	p0 =	seq.s32 s7, s2  }
0x1e: {  	s7 =	smul.u32 @!p0 $0xF7A, s2;
	p2 =	seq.s32 @!p0 s5, $0x0  }
0x1f: {  	s9 =	smul.u32 $0xF7A, s1;
	s8 =	simm.s32 @!p0 $0x1BF5;
	p2 =	por !p2, p0  }
0x20: {  	[sflag:s8] =	ssyncset.s32 @!p0 $0xFFFFF086;
	s6 =	sadd.s32 @!p0 s3, s7;
	s7 =	simm.s32 @!p0 $0x108  }
0x21: {  	s3 =	sadd.s32 s3, s9;
	s6 =	sadd.s32 @!p0 $0x88, s6;
	s7 =	simm.s32 @p2 $0x1082  }
0x22: {  	[simem:s7], [sflag:s8] =	dma.local @!p0 [hbm:s6], $0xF7A  }
0x23: {  	s9 =	sor.u32 $0xD0000000, s2;
	s6 =	simm.s32 $0x108;
	_ =	swait.ge @!p0 [sflag:s8], $0x0  }
0x24: {  	s3 =	sadd.s32 $0x88, s3;
	s6 =	simm.s32 @!p1 $0x1082;
	[sflag:s4] =	ssyncset.s32 $0xFFFFF086  }
0x25: {  	[simem:s6], [sflag:s4] =	dma.local [hbm:s3], $0xF7A  }
0x26: {  	[smem:$0x3F9E] =	sst s1;
	(tag) =	ssettag s2;
	_ =	strace s9  }
0x27: {  	s1 =	sld [smem:$0x3FAE]  }
0x28: {  	s2 =	sld [smem:$0x3FAF]  }
0x29: {  	s4 =	sld [smem:$0x3FB1]  }
0x2a: {  	p0 =	seq.s32 s5, $0x0;
	s5 =	sld [smem:$0x3FB2]  }
0x2b: {  	s6 =	sld [smem:$0x3FB3]  }
0x2c: {  	s7 =	sld [smem:$0x3FB4]  }
0x2d: {  	s3 =	simm.s32 $0x108;
	s8 =	sld [smem:$0x3FB5]  }
0x2e: {  	s3 =	simm.s32 @!p0 $0x1082;
	s9 =	sld [smem:$0x3FB6]  }
0x2f: {  	lr =	sadd.s32 s0, s3;
	s0 =	sld [smem:$0x3FAD]  }
0x30: {  	s3 =	sld [smem:$0x3FB0]  }
0x31: {  	[smem:$0x3FB9] =	sst s10  }
0x32: {  	s10 =	sld [smem:$0x3FB7];
	_ =	sdelay $0x3  }
0x33: {  	p0 =	seq.s32 s10, $0x1;
	s10 =	sld [smem:$0x3FB9];
	_ =	sdelay $0x3  }
0x34: {  	[smem:$0x3FB9] =	sst s10  }
0x35: {  	s10 =	sld [smem:$0x3FB8];
	_ =	sdelay $0x3  }
0x36: {  	p1 =	seq.s32 s10, $0x1;
	s10 =	sld [smem:$0x3FB9];
	_ =	sdelay $0x3  }
0x37: {  	[smem:$0x3FB9] =	sst s10  }
0x38: {  	s10 =	sld [smem:$0x3FBA]  }
0x39: {  	_ = 	snop;
	(pc) =	sbr.ind lr, $3  }
0x3a: {  	_ = 	snop  }
0x3b: {  	_ = 	snop  }
0x3c: {  	p2 =	seq.s32 s10, $0x1;
	s10 =	sld [smem:$0x3FB9]  }
0x3d: {  	_ =	shalt  }
0x3e: {  	_ =	shalt  }
0x3f: {  	_ =	shalt  }
0x40: {  	_ =	shalt  }
0x41: {  	_ =	shalt  }
0x42: {  	_ =	shalt  }
0x43: {  	_ =	shalt  }
0x44: {  	_ =	shalt  }
0x45: {  	_ =	shalt  }
0x46: {  	_ =	shalt  }
0x47: {  	_ =	shalt  }
0x48: {  	_ =	shalt  }
0x49: {  	_ =	shalt  }
0x4a: {  	_ =	shalt  }
0x4b: {  	_ =	shalt  }
0x4c: {  	_ =	shalt  }
0x4d: {  	_ =	shalt  }
0x4e: {  	_ =	shalt  }
0x4f: {  	_ =	shalt  }
0x50: {  	_ =	shalt  }
0x51: {  	_ =	shalt  }
0x52: {  	_ =	shalt  }
0x53: {  	_ =	shalt  }
0x54: {  	_ =	shalt  }
0x55: {  	_ =	shalt  }
0x56: {  	_ =	shalt  }
0x57: {  	_ =	shalt  }
0x58: {  	_ =	shalt  }
0x59: {  	_ =	shalt  }
0x5a: {  	_ =	shalt  }
0x5b: {  	_ =	shalt  }
0x5c: {  	_ =	shalt  }
0x5d: {  	_ =	shalt  }
0x5e: {  	_ =	shalt  }
0x5f: {  	_ =	shalt  }
0x60: {  	_ =	shalt  }
0x61: {  	_ =	shalt  }
0x62: {  	_ =	shalt  }
0x63: {  	_ =	shalt  }
0x64: {  	_ =	shalt  }
0x65: {  	_ =	shalt  }
0x66: {  	_ =	shalt  }
0x67: {  	_ =	shalt  }
0x68: {  	_ =	shalt  }
0x69: {  	_ =	shalt  }
0x6a: {  	_ =	shalt  }
0x6b: {  	_ =	shalt  }
0x6c: {  	_ =	shalt  }
0x6d: {  	_ =	shalt  }
0x6e: {  	_ =	shalt  }
0x6f: {  	_ =	shalt  }
0x70: {  	_ =	shalt  }
0x71: {  	_ =	shalt  }
0x72: {  	_ =	shalt  }
0x73: {  	_ =	shalt  }
0x74: {  	_ =	shalt  }
0x75: {  	_ =	shalt  }
0x76: {  	_ =	shalt  }
0x77: {  	_ =	shalt  }
0x78: {  	_ =	shalt  }
0x79: {  	_ =	shalt  }
0x7a: {  	_ =	shalt  }
0x7b: {  	_ =	shalt  }
0x7c: {  	_ =	shalt  }
0x7d: {  	_ =	shalt  }
0x7e: {  	_ =	shalt  }
0x7f: {  	_ =	shalt  }
0x80: {  	_ =	shalt  }
0x81: {  	_ =	shalt  }
0x82: {  	_ =	shalt  }
0x83: {  	_ =	shalt  }
0x84: {  	_ =	shalt  }
0x85: {  	_ =	shalt  }
0x86: {  	_ =	shalt  }
0x87: {  	_ =	shalt  }
.Lfunc_end0:
.L_simem_size_0:
called_computation_lowered:
.L_overlay_start_0:
0x88: {  	s2 =	sld [smem:$0x3FD9]  }
0x89: {  	s3 =	sld [smem:$0x3FFE];
	_ =	sdelay $0x1  }
0x8a: {  	s1 =	srdreg.scid  }
0x8b: {  	s0 =	sand.u32 $0x1, s1  }
0x8c: {  	s17 =	sshll.u32 s0, $0xA;
	s2 =	sadd.s32 s3, s2  }
0x8d: {  	s2 =	sadd.s32 s2, s17  }
0x8e: {  	[smem:$0x3FC5] =	sst s2  }
0x8f: {  	_ = 	snop  }
0x90: {  	s2 =	sld [smem:$0x3FC9]  }
0x91: {  	s18 =	sld [smem:$0x3FC8];
	(tm) =	ssettm $0x1  }
0x92: {  	s4 =	sld [smem:$0x3FFB];
	_ =	sdelay $0x3  }
0x93: {  	_ =	strace s4  }
0x94: {  	s4 =	sld [smem:$0x3FFC];
	_ =	sdelay $0x3  }
0x95: {  	_ =	strace s4  }
0x96: {  	s4 =	sld [smem:$0x3FFD];
	_ =	sdelay $0x3  }
0x97: {  	_ =	strace s4  }
0x98: {  	_ =	strace $0x8FFFFFFF  }
0x99: {  	s19 =	sld [smem:$0x3FDB];
	_ =	sdelay $0x1  }
0x9a: {  	s5 =	simm.s32 $_scs_section_size  }
0x9b: {  	s6 =	simm.s32 $_size__tile_overlayer_lowered;
	s7 =	simm.s32 $_tile_overlayer_lowered  }
0x9c: {  	s22 =	simm.s32 $0x1BFF;
	s21 =	sshll.u32 s7, $0x1;
	s4 =	sadd.s32 s5, s19  }
0x9d: {  	s8 =	simm.s32 $0x0;
	s20 =	sshll.u32 s6, $0x1;
	s6 =	sadd.s32 s21, s4  }
0x9e: {  	[timem:s8], [sflag:s22] =	dma.local [hbm:s6], s20  }
0x9f: {  	_ =	swait.ge [sflag:s22], s20  }
0xa0: {  	s5 =	ssub.s32 $0x0, s20;
	[sflag:s22] =	ssyncset.done $0x0  }
0xa1: {  	[sflag:s22] =	ssyncadd.s32 s5;
	_ =	sdelay $0x1  }
0xa2: {  	s23 =	simm.s32 $0x1B8B  }
0xa3: {  	_ =	swait.ge [sflag:s23], $0x1  }
0xa4: {  	[sflag:s23] =	ssyncset.done $0x0  }
0xa5: {  	s25 =	simm.s32 $0x1B8E;
	s24 =	sld [smem:$0x3FFE];
	[sflag:s23] =	ssyncadd.s32 $0xFFFFFFFF  }
0xa6: {  	s26 =	simm.s32 $execute0_lowered;
	[smem:$0x3FD2] =	sst s25  }
0xa7: {  	s6 =	sshll.u32 s26, $0x1;
	_ =	strace $0x80000046;
	[dreg:$0x1] =	wrdreg $0xFFFFFFFF  }
0xa8: {  	s28 =	simm.s32 $_size_execute0_lowered;
	s4 =	sadd.s32 s4, s6;
	[dreg:$0x0] =	wrdreg $0x0  }
0xa9: {  	s6 =	sshll.u32 s28, $0x1;
	[dreg:$0x2] =	wrdreg s4  }
0xaa: {  	[dreg:$0x3] =	wrdreg s6  }
0xab: {  	[dreg:$0x4] =	wrdreg $0xC0  }
0xac: {  	_ =	task [dreg:s8], $0x5FFFF  }
0xad: {  	[dreg:$0x1] =	wrdreg $0xFFFFFFFF  }
0xae: {  	[dreg:$0x0] =	wrdreg $0x60  }
0xaf: {  	[dreg:$0x2] =	wrdreg s2  }
0xb0: {  	[dreg:$0x3] =	wrdreg s18  }
0xb1: {  	[dreg:$0x4] =	wrdreg s24  }
0xb2: {  	[dreg:$0x5] =	wrdreg $0x9  }
0xb3: {  	_ =	task.clear_ibuf [dreg:s8], $0x6FFFF;
	_ =	strace $0x90000046  }
0xb4: {  	s29 =	simm.s32 $0x9;
	_ =	strace $0x80000048  }
0xb5: {  	_ =	swait.ge [sflag:s29], $0x1  }
0xb6: {  	[sflag:s29] =	ssyncadd.s32 $0xFFFFFFFF  }
0xb7: {  	_ =	strace $0x90000048  }
0xb8: {  	_ =	sfence  }
0xb9: {  	s30 =	sld [smem:$0x0];
	_ =	sdelay $0x2  }
0xba: {  	s31 =	sshll.u32 s1, $0xD;
	s1 =	sshrl.u32 s1, $0x2  }
0xbb: {  	s3 =	sand.u32 $0x4000, s31;
	s1 =	sadd.s32 s1, s30  }
0xbc: {  	s0 =	sor.u32 s3, s0;
	s1 =	sshll.u32 s1, $0x11  }
0xbd: {  	s0 =	sor.u32 s1, s0  }
0xbe: {  	s0 =	sadd.s32 $0x8F2B, s0  }
0xbf: {  	[sflag:s0] =	ssyncadd.remote.s32 $0x1  }
0xc0: {  	_ =	sfence.sel $0xFFFF  }
0xc1: {  	[dreg:$0x0] =	wrdreg $0xFFFFFFFF;
	(pc) =	sbr.abs _section_cstart, $3  }
0xc2: {  	[dreg:$0x1] =	wrdreg $0xFFFFFFFF  }
0xc3: {  	_ =	task.clear_ibuf [dreg:s8], $0x2FFFF;
	_ =	strace $0x9FFFFFFF  }
0xc4: {  	(tm) =	ssettm $0x7FFFFFFF  }
0xc5: {  	_ =	shalt  }
tec
execute0_lowered:
.L_overlay_start_1:
0x0: {  	(tag) =	ssettag $0x1  }
0x1: {  	v0 =	vimm.s32 $0xB80;
	vm14 =	vcmask $0x300  }
0x2: {  	vm13 =	vcmask $0x704;
	vm12 =	vcmask $0xB08;
	vm11 =	vcmask $0xF0C  }
0x3: {  	vm10 =	vcmask $0x1310;
	vm9 =	vcmask $0x1714;
	vm8 =	vcmask $0x1B18  }
0x4: {  	vm7 =	vcmask $0x1F1C;
	vm6 =	vcmask $0x2320;
	vm5 =	vcmask $0x2724  }
0x5: {  	vm4 =	vcmask $0x2B28;
	vm3 =	vcmask $0x2F2C;
	vm2 =	vcmask $0x3330  }
0x6: {  	vm1 =	vcmask $0x3734;
	vm0 =	vcmask $0x3B38;
	v39 =	vimm.s32 $0xB83  }
0x7: {  	v1 =	vimm.s32 $0xB91;
	v2 =	vimm.s32 $0xBAA;
	v41 =	vimm.s32 $0xBE1  }
0x8: {  	v42 =	vimm.s32 $0xF80;
	v5 =	vimm.s32 $0xFC8;
	v44 =	vimm.s32 $0xFFF  }
0x9: {  	v45 =	vimm.s32 $0x1B80;
	v8 =	vimm.s32 $0x1B83;
	v48 =	vimm.s32 $0x1B91  }
0xa: {  	v49 =	vimm.s32 $0x1BAA;
	v11 =	vimm.s32 $0x1BE1;
	v52 =	vimm.s32 $0x1F80  }
0xb: {  	v53 =	vimm.s32 $0x1FC8;
	v14 =	vimm.s32 $0x1FFF;
	v56 =	vimm.s32 $0x2B80  }
0xc: {  	v57 =	vimm.s32 $0x2B83;
	v17 =	vimm.s32 $0x2B91;
	v60 =	vimm.s32 $0x2BAA  }
0xd: {  	v61 =	vimm.s32 $0x2BE1;
	v20 =	vimm.s32 $0x2F80;
	v23 =	vimm.s32 $0x3B80  }
0xe: {  	v26 =	vimm.s32 $0x3BAA;
	v29 =	vimm.s32 $0x3FC8;
	v32 =	vimm.s32 $0x4B83  }
0xf: {  	v35 =	vimm.s32 $0x4BE1;
	v38 =	vimm.s32 $0x4FFF;
	v0 =	vsel vm14, $0x0, v0  }
0x10: {  	v1 =	vsel vm14, $0x11, v1;
	v2 =	vsel vm14, $0x2A, v2;
	v5 =	vsel vm14, $0x448, v5  }
0x11: {  	v8 =	vsel vm14, $0x1003, v8;
	v11 =	vsel vm14, $0x1061, v11;
	v14 =	vsel vm14, $0x147F, v14  }
0x12: {  	v17 =	vsel vm14, $0x2011, v17;
	v20 =	vsel vm14, $0x2400, v20;
	v23 =	vsel vm14, $0x3000, v23  }
0x13: {  	v26 =	vsel vm14, $0x302A, v26;
	v29 =	vsel vm14, $0x3448, v29;
	v32 =	vsel vm14, $0x4003, v32  }
0x14: {  	v35 =	vsel vm14, $0x4061, v35;
	v38 =	vsel vm14, $0x447F, v38;
	v0 =	vsel vm13, $0x80, v0  }
0x15: {  	v1 =	vsel vm13, $0x91, v1;
	v2 =	vsel vm13, $0xAA, v2;
	v5 =	vsel vm13, $0x4C8, v5  }
0x16: {  	v8 =	vsel vm13, $0x1083, v8;
	v11 =	vsel vm13, $0x10E1, v11;
	v14 =	vsel vm13, $0x14FF, v14  }
0x17: {  	v17 =	vsel vm13, $0x2091, v17;
	v20 =	vsel vm13, $0x2480, v20;
	v0 =	vsel vm12, $0x100, v0  }
0x18: {  	v23 =	vsel vm13, $0x3080, v23;
	v26 =	vsel vm13, $0x30AA, v26;
	v0 =	vsel vm11, $0x180, v0  }
0x19: {  	v29 =	vsel vm13, $0x34C8, v29;
	v32 =	vsel vm13, $0x4083, v32;
	v0 =	vsel vm10, $0x200, v0  }
0x1a: {  	v35 =	vsel vm13, $0x40E1, v35;
	v38 =	vsel vm13, $0x44FF, v38;
	v0 =	vsel vm9, $0x280, v0  }
0x1b: {  	v1 =	vsel vm12, $0x111, v1;
	v2 =	vsel vm12, $0x12A, v2;
	v0 =	vsel vm8, $0x300, v0  }
0x1c: {  	v5 =	vsel vm12, $0x548, v5;
	v8 =	vsel vm12, $0x1103, v8;
	v0 =	vsel vm7, $0x380, v0  }
0x1d: {  	v11 =	vsel vm12, $0x1161, v11;
	v14 =	vsel vm12, $0x157F, v14;
	v0 =	vsel vm6, $0x800, v0  }
0x1e: {  	v17 =	vsel vm12, $0x2111, v17;
	v20 =	vsel vm12, $0x2500, v20;
	v0 =	vsel vm5, $0x880, v0  }
0x1f: {  	v23 =	vsel vm12, $0x3100, v23;
	v26 =	vsel vm12, $0x312A, v26;
	v0 =	vsel vm4, $0x900, v0  }
0x20: {  	v29 =	vsel vm12, $0x3548, v29;
	v32 =	vsel vm12, $0x4103, v32;
	v0 =	vsel vm3, $0x980, v0  }
0x21: {  	v35 =	vsel vm12, $0x4161, v35;
	v38 =	vsel vm12, $0x457F, v38;
	v0 =	vsel vm2, $0xA00, v0  }
0x22: {  	v1 =	vsel vm11, $0x191, v1;
	v2 =	vsel vm11, $0x1AA, v2;
	v0 =	vsel vm1, $0xA80, v0  }
0x23: {  	v5 =	vsel vm11, $0x5C8, v5;
	v8 =	vsel vm11, $0x1183, v8;
	v0 =	vsel vm0, $0xB00, v0  }
0x24: {  	v11 =	vsel vm11, $0x11E1, v11;
	v14 =	vsel vm11, $0x15FF, v14;
	[tilespmem:$0x1FC00] =	vst v0;
	v0 =	vsel vm14, $0x3, v39  }
0x25: {  	v17 =	vsel vm11, $0x2191, v17;
	v20 =	vsel vm11, $0x2580, v20;
	v0 =	vsel vm13, $0x83, v0  }
0x26: {  	v23 =	vsel vm11, $0x3180, v23;
	v26 =	vsel vm11, $0x31AA, v26;
	v0 =	vsel vm12, $0x103, v0  }
0x27: {  	v29 =	vsel vm11, $0x35C8, v29;
	v32 =	vsel vm11, $0x4183, v32;
	v0 =	vsel vm11, $0x183, v0  }
0x28: {  	v35 =	vsel vm11, $0x41E1, v35;
	v38 =	vsel vm11, $0x45FF, v38;
	v0 =	vsel vm10, $0x203, v0  }
0x29: {  	v1 =	vsel vm10, $0x211, v1;
	v2 =	vsel vm10, $0x22A, v2;
	v0 =	vsel vm9, $0x283, v0  }
0x2a: {  	v5 =	vsel vm10, $0x648, v5;
	v8 =	vsel vm10, $0x1203, v8;
	v0 =	vsel vm8, $0x303, v0  }
0x2b: {  	v11 =	vsel vm10, $0x1261, v11;
	v14 =	vsel vm10, $0x167F, v14;
	v0 =	vsel vm7, $0x383, v0  }
0x2c: {  	v17 =	vsel vm10, $0x2211, v17;
	v20 =	vsel vm10, $0x2600, v20;
	v0 =	vsel vm6, $0x803, v0  }
0x2d: {  	v23 =	vsel vm10, $0x3200, v23;
	v26 =	vsel vm10, $0x322A, v26;
	v0 =	vsel vm5, $0x883, v0  }
0x2e: {  	v29 =	vsel vm10, $0x3648, v29;
	v32 =	vsel vm10, $0x4203, v32;
	v0 =	vsel vm4, $0x903, v0  }
0x2f: {  	v35 =	vsel vm10, $0x4261, v35;
	v38 =	vsel vm10, $0x467F, v38;
	v0 =	vsel vm3, $0x983, v0  }
0x30: {  	v1 =	vsel vm9, $0x291, v1;
	v2 =	vsel vm9, $0x2AA, v2;
	v0 =	vsel vm2, $0xA03, v0  }
0x31: {  	v5 =	vsel vm9, $0x6C8, v5;
	v8 =	vsel vm9, $0x1283, v8;
	v0 =	vsel vm1, $0xA83, v0  }
0x32: {  	v11 =	vsel vm9, $0x12E1, v11;
	v14 =	vsel vm9, $0x16FF, v14;
	v0 =	vsel vm0, $0xB03, v0  }
0x33: {  	v17 =	vsel vm9, $0x2291, v17;
	v20 =	vsel vm9, $0x2680, v20;
	[tilespmem:$0x1FC10] =	vst v0;
	v0 =	vsel vm14, $0x61, v41  }
0x34: {  	v23 =	vsel vm9, $0x3280, v23;
	v26 =	vsel vm9, $0x32AA, v26;
	v0 =	vsel vm13, $0xE1, v0  }
0x35: {  	v29 =	vsel vm9, $0x36C8, v29;
	v32 =	vsel vm9, $0x4283, v32;
	v0 =	vsel vm12, $0x161, v0  }
0x36: {  	v35 =	vsel vm9, $0x42E1, v35;
	v38 =	vsel vm9, $0x46FF, v38;
	v0 =	vsel vm11, $0x1E1, v0  }
0x37: {  	v1 =	vsel vm8, $0x311, v1;
	v2 =	vsel vm8, $0x32A, v2;
	v0 =	vsel vm10, $0x261, v0  }
0x38: {  	v5 =	vsel vm8, $0x748, v5;
	v8 =	vsel vm8, $0x1303, v8;
	v0 =	vsel vm9, $0x2E1, v0  }
0x39: {  	v11 =	vsel vm8, $0x1361, v11;
	v14 =	vsel vm8, $0x177F, v14;
	v0 =	vsel vm8, $0x361, v0  }
0x3a: {  	v17 =	vsel vm8, $0x2311, v17;
	v20 =	vsel vm8, $0x2700, v20;
	v0 =	vsel vm7, $0x3E1, v0  }
0x3b: {  	v23 =	vsel vm8, $0x3300, v23;
	v26 =	vsel vm8, $0x332A, v26;
	v0 =	vsel vm6, $0x861, v0  }
0x3c: {  	v29 =	vsel vm8, $0x3748, v29;
	v5 =	vsel vm7, $0x7C8, v5;
	v0 =	vsel vm5, $0x8E1, v0  }
0x3d: {  	v32 =	vsel vm8, $0x4303, v32;
	v5 =	vsel vm6, $0xC48, v5;
	v0 =	vsel vm4, $0x961, v0  }
0x3e: {  	v35 =	vsel vm8, $0x4361, v35;
	v5 =	vsel vm5, $0xCC8, v5;
	v0 =	vsel vm3, $0x9E1, v0  }
0x3f: {  	v38 =	vsel vm8, $0x477F, v38;
	v5 =	vsel vm4, $0xD48, v5;
	v0 =	vsel vm2, $0xA61, v0  }
0x40: {  	v1 =	vsel vm7, $0x391, v1;
	v5 =	vsel vm3, $0xDC8, v5;
	v0 =	vsel vm1, $0xAE1, v0  }
0x41: {  	v2 =	vsel vm7, $0x3AA, v2;
	v5 =	vsel vm2, $0xE48, v5;
	v0 =	vsel vm0, $0xB61, v0  }
0x42: {  	v8 =	vsel vm7, $0x1383, v8;
	v7 =	vsel vm1, $0xEC8, v5;
	[tilespmem:$0x1FC30] =	vst v0;
	v0 =	vsel vm14, $0x47F, v44  }
0x43: {  	v43 =	vsel vm0, $0xF48, v7;
	v7 =	vsel vm14, $0x1000, v45;
	v0 =	vsel vm13, $0x4FF, v0  }
0x44: {  	v11 =	vsel vm7, $0x13E1, v11;
	v7 =	vsel vm13, $0x1080, v7;
	v0 =	vsel vm12, $0x57F, v0  }
0x45: {  	v14 =	vsel vm7, $0x17FF, v14;
	v7 =	vsel vm12, $0x1100, v7;
	v0 =	vsel vm11, $0x5FF, v0  }
0x46: {  	v17 =	vsel vm7, $0x2391, v17;
	v7 =	vsel vm11, $0x1180, v7;
	v0 =	vsel vm10, $0x67F, v0  }
0x47: {  	v20 =	vsel vm7, $0x2780, v20;
	v7 =	vsel vm10, $0x1200, v7;
	v0 =	vsel vm9, $0x6FF, v0  }
0x48: {  	v23 =	vsel vm7, $0x3380, v23;
	v7 =	vsel vm9, $0x1280, v7;
	v0 =	vsel vm8, $0x77F, v0  }
0x49: {  	v26 =	vsel vm7, $0x33AA, v26;
	v7 =	vsel vm8, $0x1300, v7;
	v0 =	vsel vm7, $0x7FF, v0  }
0x4a: {  	v29 =	vsel vm7, $0x37C8, v29;
	v7 =	vsel vm7, $0x1380, v7;
	v0 =	vsel vm6, $0xC7F, v0  }
0x4b: {  	v32 =	vsel vm7, $0x4383, v32;
	v7 =	vsel vm6, $0x1800, v7;
	v0 =	vsel vm5, $0xCFF, v0  }
0x4c: {  	v35 =	vsel vm7, $0x43E1, v35;
	v7 =	vsel vm5, $0x1880, v7;
	v0 =	vsel vm4, $0xD7F, v0  }
0x4d: {  	v38 =	vsel vm7, $0x47FF, v38;
	v7 =	vsel vm4, $0x1900, v7;
	v0 =	vsel vm3, $0xDFF, v0  }
0x4e: {  	v1 =	vsel vm6, $0x811, v1;
	v7 =	vsel vm3, $0x1980, v7;
	v0 =	vsel vm2, $0xE7F, v0  }
0x4f: {  	v2 =	vsel vm6, $0x82A, v2;
	v7 =	vsel vm2, $0x1A00, v7;
	v0 =	vsel vm1, $0xEFF, v0  }
0x50: {  	v9 =	vsel vm1, $0x1A80, v7;
	v7 =	vsel vm0, $0xF7F, v0;
	v0 =	vsel vm14, $0x1011, v48  }
0x51: {  	v8 =	vsel vm6, $0x1803, v8;
	v11 =	vsel vm6, $0x1861, v11;
	v0 =	vsel vm13, $0x1091, v0  }
0x52: {  	v14 =	vsel vm6, $0x1C7F, v14;
	v17 =	vsel vm6, $0x2811, v17;
	v0 =	vsel vm12, $0x1111, v0  }
0x53: {  	v20 =	vsel vm6, $0x2C00, v20;
	v23 =	vsel vm6, $0x3800, v23;
	v0 =	vsel vm11, $0x1191, v0  }
0x54: {  	v26 =	vsel vm6, $0x382A, v26;
	v29 =	vsel vm6, $0x3C48, v29;
	v0 =	vsel vm10, $0x1211, v0  }
0x55: {  	v32 =	vsel vm6, $0x4803, v32;
	v35 =	vsel vm6, $0x4861, v35;
	v0 =	vsel vm9, $0x1291, v0  }
0x56: {  	v38 =	vsel vm6, $0x4C7F, v38;
	v1 =	vsel vm5, $0x891, v1;
	v0 =	vsel vm8, $0x1311, v0  }
0x57: {  	v2 =	vsel vm5, $0x8AA, v2;
	v8 =	vsel vm5, $0x1883, v8;
	v0 =	vsel vm7, $0x1391, v0  }
0x58: {  	v11 =	vsel vm5, $0x18E1, v11;
	v14 =	vsel vm5, $0x1CFF, v14;
	v0 =	vsel vm6, $0x1811, v0  }
0x59: {  	v17 =	vsel vm5, $0x2891, v17;
	v20 =	vsel vm5, $0x2C80, v20;
	v0 =	vsel vm5, $0x1891, v0  }
0x5a: {  	v23 =	vsel vm5, $0x3880, v23;
	v26 =	vsel vm5, $0x38AA, v26;
	v0 =	vsel vm4, $0x1911, v0  }
0x5b: {  	v29 =	vsel vm5, $0x3CC8, v29;
	v32 =	vsel vm5, $0x4883, v32;
	v0 =	vsel vm3, $0x1991, v0  }
0x5c: {  	v35 =	vsel vm5, $0x48E1, v35;
	v38 =	vsel vm5, $0x4CFF, v38;
	v0 =	vsel vm2, $0x1A11, v0  }
0x5d: {  	v1 =	vsel vm4, $0x911, v1;
	v2 =	vsel vm4, $0x92A, v2;
	v0 =	vsel vm1, $0x1A91, v0  }
0x5e: {  	v8 =	vsel vm4, $0x1903, v8;
	v11 =	vsel vm4, $0x1961, v11;
	v0 =	vsel vm0, $0x1B11, v0  }
0x5f: {  	v14 =	vsel vm4, $0x1D7F, v14;
	v17 =	vsel vm4, $0x2911, v17;
	[tilespmem:$0x1FC70] =	vst v0;
	v0 =	vsel vm14, $0x1400, v52  }
0x60: {  	v20 =	vsel vm4, $0x2D00, v20;
	v23 =	vsel vm4, $0x3900, v23;
	v0 =	vsel vm13, $0x1480, v0  }
0x61: {  	v26 =	vsel vm4, $0x392A, v26;
	v29 =	vsel vm4, $0x3D48, v29;
	v0 =	vsel vm12, $0x1500, v0  }
0x62: {  	v32 =	vsel vm4, $0x4903, v32;
	v35 =	vsel vm4, $0x4961, v35;
	v0 =	vsel vm11, $0x1580, v0  }
0x63: {  	v38 =	vsel vm4, $0x4D7F, v38;
	v1 =	vsel vm3, $0x991, v1;
	v0 =	vsel vm10, $0x1600, v0  }
0x64: {  	v2 =	vsel vm3, $0x9AA, v2;
	v8 =	vsel vm3, $0x1983, v8;
	v0 =	vsel vm9, $0x1680, v0  }
0x65: {  	v11 =	vsel vm3, $0x19E1, v11;
	v14 =	vsel vm3, $0x1DFF, v14;
	v0 =	vsel vm8, $0x1700, v0  }
0x66: {  	v17 =	vsel vm3, $0x2991, v17;
	v20 =	vsel vm3, $0x2D80, v20;
	v0 =	vsel vm7, $0x1780, v0  }
0x67: {  	v23 =	vsel vm3, $0x3980, v23;
	v26 =	vsel vm3, $0x39AA, v26;
	v0 =	vsel vm6, $0x1C00, v0  }
0x68: {  	v29 =	vsel vm3, $0x3DC8, v29;
	v32 =	vsel vm3, $0x4983, v32;
	v0 =	vsel vm5, $0x1C80, v0  }
0x69: {  	v35 =	vsel vm3, $0x49E1, v35;
	v38 =	vsel vm3, $0x4DFF, v38;
	v0 =	vsel vm4, $0x1D00, v0  }
0x6a: {  	v1 =	vsel vm2, $0xA11, v1;
	v2 =	vsel vm2, $0xA2A, v2;
	v0 =	vsel vm3, $0x1D80, v0  }
0x6b: {  	v8 =	vsel vm2, $0x1A03, v8;
	v11 =	vsel vm2, $0x1A61, v11;
	v0 =	vsel vm2, $0x1E00, v0  }
0x6c: {  	v14 =	vsel vm2, $0x1E7F, v14;
	v17 =	vsel vm2, $0x2A11, v17;
	v0 =	vsel vm1, $0x1E80, v0  }
0x6d: {  	v20 =	vsel vm2, $0x2E00, v20;
	v23 =	vsel vm2, $0x3A00, v23;
	v0 =	vsel vm0, $0x1F00, v0  }
0x6e: {  	v26 =	vsel vm2, $0x3A2A, v26;
	v29 =	vsel vm2, $0x3E48, v29;
	[tilespmem:$0x1FCA0] =	vst v0;
	v0 =	vsel vm14, $0x2000, v56  }
0x6f: {  	v32 =	vsel vm2, $0x4A03, v32;
	v35 =	vsel vm2, $0x4A61, v35;
	v0 =	vsel vm13, $0x2080, v0  }
0x70: {  	v38 =	vsel vm2, $0x4E7F, v38;
	v4 =	vsel vm1, $0xAAA, v2;
	v0 =	vsel vm12, $0x2100, v0  }
0x71: {  	v10 =	vsel vm1, $0x1A83, v8;
	v13 =	vsel vm1, $0x1AE1, v11;
	v0 =	vsel vm11, $0x2180, v0  }
0x72: {  	v16 =	vsel vm1, $0x1EFF, v14;
	v19 =	vsel vm1, $0x2A91, v17;
	v0 =	vsel vm10, $0x2200, v0  }
0x73: {  	v22 =	vsel vm1, $0x2E80, v20;
	v25 =	vsel vm1, $0x3A80, v23;
	v0 =	vsel vm9, $0x2280, v0  }
0x74: {  	v11 =	vimm.s32 $0x3B91;
	v28 =	vsel vm1, $0x3AAA, v26;
	v0 =	vsel vm8, $0x2300, v0  }
0x75: {  	v14 =	vimm.s32 $0x3BE1;
	v31 =	vsel vm1, $0x3EC8, v29;
	v0 =	vsel vm7, $0x2380, v0  }
0x76: {  	v34 =	vsel vm1, $0x4A83, v32;
	v23 =	vimm.s32 $0x4BAA;
	v0 =	vsel vm6, $0x2800, v0  }
0x77: {  	v37 =	vsel vm1, $0x4AE1, v35;
	v26 =	vimm.s32 $0x4F80;
	v0 =	vsel vm5, $0x2880, v0  }
0x78: {  	v35 =	vimm.s32 $0x5BE1;
	v40 =	vsel vm0, $0xB2A, v4;
	v0 =	vsel vm4, $0x2900, v0  }
0x79: {  	v4 =	vsel vm14, $0x400, v42;
	v47 =	vsel vm0, $0x1B03, v10;
	v0 =	vsel vm3, $0x2980, v0  }
0x7a: {  	v10 =	vsel vm14, $0x102A, v49;
	v51 =	vsel vm0, $0x1B61, v13;
	v0 =	vsel vm2, $0x2A00, v0  }
0x7b: {  	v13 =	vsel vm14, $0x1448, v53;
	v55 =	vsel vm0, $0x1F7F, v16;
	v0 =	vsel vm1, $0x2A80, v0  }
0x7c: {  	v16 =	vsel vm14, $0x2003, v57;
	v59 =	vsel vm0, $0x2B11, v19;
	v0 =	vsel vm0, $0x2B00, v0  }
0x7d: {  	v19 =	vsel vm14, $0x2061, v61;
	v63 =	vsel vm0, $0x2F00, v22;
	[tilespmem:$0x1FCD0] =	vst v0;
	v0 =	vsel vm14, $0x202A, v60  }
0x7e: {  	v17 =	vsel vm0, $0x3F48, v31;
	v53 =	vimm.s32 $0x6FC8;
	v0 =	vsel vm13, $0x20AA, v0  }
0x7f: {  	v4 =	vsel vm13, $0x480, v4;
	v10 =	vsel vm13, $0x10AA, v10;
	v0 =	vsel vm12, $0x212A, v0  }
0x80: {  	v13 =	vsel vm13, $0x14C8, v13;
	v4 =	vsel vm12, $0x500, v4;
	v0 =	vsel vm11, $0x21AA, v0  }
0x81: {  	v16 =	vsel vm13, $0x2083, v16;
	v4 =	vsel vm11, $0x580, v4;
	v0 =	vsel vm10, $0x222A, v0  }
0x82: {  	v19 =	vsel vm13, $0x20E1, v19;
	v4 =	vsel vm10, $0x600, v4;
	v0 =	vsel vm9, $0x22AA, v0  }
0x83: {  	[tilespmem:$0x1FC20] =	vst v40;
	v40 =	vsel vm1, $0x4EFF, v38;
	v4 =	vsel vm9, $0x680, v4;
	v0 =	vsel vm8, $0x232A, v0  }
0x84: {  	v38 =	vimm.s32 $0x5FC8;
	v4 =	vsel vm8, $0x700, v4;
	v0 =	vsel vm7, $0x23AA, v0  }
0x85: {  	[tilespmem:$0x1FC60] =	vst v47;
	v47 =	vimm.s32 $0x6B80;
	v4 =	vsel vm7, $0x780, v4;
	v0 =	vsel vm6, $0x282A, v0  }
0x86: {  	v53 =	vsel vm14, $0x6448, v53;
	v4 =	vsel vm6, $0xC00, v4;
	v0 =	vsel vm5, $0x28AA, v0  }
0x87: {  	[tilespmem:$0x1FCF0] =	vst v59;
	v59 =	vimm.s32 $0x7BE1;
	v4 =	vsel vm5, $0xC80, v4;
	v0 =	vsel vm4, $0x292A, v0  }
0x88: {  	v10 =	vsel vm12, $0x112A, v10;
	v4 =	vsel vm4, $0xD00, v4;
	v0 =	vsel vm3, $0x29AA, v0  }
0x89: {  	v13 =	vsel vm12, $0x1548, v13;
	v4 =	vsel vm3, $0xD80, v4;
	v0 =	vsel vm2, $0x2A2A, v0  }
0x8a: {  	v16 =	vsel vm12, $0x2103, v16;
	v4 =	vsel vm2, $0xE00, v4;
	v0 =	vsel vm1, $0x2AAA, v0  }
0x8b: {  	v6 =	vsel vm1, $0xE80, v4;
	v4 =	vimm.s32 $0x2FC8;
	v0 =	vsel vm0, $0x2B2A, v0  }
0x8c: {  	v19 =	vsel vm12, $0x2161, v19;
	v29 =	vsel vm0, $0x4F7F, v40;
	[tilespmem:$0x1FD00] =	vst v0;
	v0 =	vsel vm14, $0x2448, v4  }
0x8d: {  	v47 =	vsel vm14, $0x6000, v47;
	v53 =	vsel vm13, $0x64C8, v53;
	v0 =	vsel vm13, $0x24C8, v0  }
0x8e: {  	v59 =	vsel vm14, $0x7061, v59;
	v10 =	vsel vm11, $0x11AA, v10;
	v0 =	vsel vm12, $0x2548, v0  }
0x8f: {  	v13 =	vsel vm11, $0x15C8, v13;
	v16 =	vsel vm11, $0x2183, v16;
	v0 =	vsel vm11, $0x25C8, v0  }
0x90: {  	v19 =	vsel vm11, $0x21E1, v19;
	v47 =	vsel vm13, $0x6080, v47;
	v0 =	vsel vm10, $0x2648, v0  }
0x91: {  	v53 =	vsel vm12, $0x6548, v53;
	v10 =	vsel vm10, $0x122A, v10;
	v0 =	vsel vm9, $0x26C8, v0  }
0x92: {  	v59 =	vsel vm13, $0x70E1, v59;
	v10 =	vsel vm9, $0x12AA, v10;
	v0 =	vsel vm8, $0x2748, v0  }
0x93: {  	v13 =	vsel vm10, $0x1648, v13;
	v10 =	vsel vm8, $0x132A, v10;
	v0 =	vsel vm7, $0x27C8, v0  }
0x94: {  	v16 =	vsel vm10, $0x2203, v16;
	v10 =	vsel vm7, $0x13AA, v10;
	v0 =	vsel vm6, $0x2C48, v0  }
0x95: {  	v19 =	vsel vm10, $0x2261, v19;
	v10 =	vsel vm6, $0x182A, v10;
	v0 =	vsel vm5, $0x2CC8, v0  }
0x96: {  	v47 =	vsel vm12, $0x6100, v47;
	v10 =	vsel vm5, $0x18AA, v10;
	v0 =	vsel vm4, $0x2D48, v0  }
0x97: {  	v53 =	vsel vm11, $0x65C8, v53;
	v10 =	vsel vm4, $0x192A, v10;
	v0 =	vsel vm3, $0x2DC8, v0  }
0x98: {  	v59 =	vsel vm12, $0x7161, v59;
	v10 =	vsel vm3, $0x19AA, v10;
	v0 =	vsel vm2, $0x2E48, v0  }
0x99: {  	v13 =	vsel vm9, $0x16C8, v13;
	v10 =	vsel vm2, $0x1A2A, v10;
	v0 =	vsel vm1, $0x2EC8, v0  }
0x9a: {  	v12 =	vsel vm1, $0x1AAA, v10;
	v10 =	vimm.s32 $0x3B83;
	v0 =	vsel vm0, $0x2F48, v0  }
0x9b: {  	v16 =	vsel vm9, $0x2283, v16;
	v19 =	vsel vm9, $0x22E1, v19;
	[tilespmem:$0x1FD30] =	vst v0;
	v0 =	vsel vm14, $0x3003, v10  }
0x9c: {  	v47 =	vsel vm11, $0x6180, v47;
	v53 =	vsel vm10, $0x6648, v53;
	v0 =	vsel vm13, $0x3083, v0  }
0x9d: {  	v59 =	vsel vm11, $0x71E1, v59;
	v13 =	vsel vm8, $0x1748, v13;
	v0 =	vsel vm12, $0x3103, v0  }
0x9e: {  	v16 =	vsel vm8, $0x2303, v16;
	v19 =	vsel vm8, $0x2361, v19;
	v0 =	vsel vm11, $0x3183, v0  }
0x9f: {  	v47 =	vsel vm10, $0x6200, v47;
	v53 =	vsel vm9, $0x66C8, v53;
	v0 =	vsel vm10, $0x3203, v0  }
0xa0: {  	v59 =	vsel vm10, $0x7261, v59;
	v13 =	vsel vm7, $0x17C8, v13;
	v0 =	vsel vm9, $0x3283, v0  }
0xa1: {  	v16 =	vsel vm7, $0x2383, v16;
	v19 =	vsel vm7, $0x23E1, v19;
	v0 =	vsel vm8, $0x3303, v0  }
0xa2: {  	v47 =	vsel vm9, $0x6280, v47;
	v53 =	vsel vm8, $0x6748, v53;
	v0 =	vsel vm7, $0x3383, v0  }
0xa3: {  	v59 =	vsel vm9, $0x72E1, v59;
	v13 =	vsel vm6, $0x1C48, v13;
	v0 =	vsel vm6, $0x3803, v0  }
0xa4: {  	v16 =	vsel vm6, $0x2803, v16;
	v19 =	vsel vm6, $0x2861, v19;
	v0 =	vsel vm5, $0x3883, v0  }
0xa5: {  	v47 =	vsel vm8, $0x6300, v47;
	v53 =	vsel vm7, $0x67C8, v53;
	v0 =	vsel vm4, $0x3903, v0  }
0xa6: {  	v59 =	vsel vm8, $0x7361, v59;
	v13 =	vsel vm5, $0x1CC8, v13;
	v0 =	vsel vm3, $0x3983, v0  }
0xa7: {  	v16 =	vsel vm5, $0x2883, v16;
	v19 =	vsel vm5, $0x28E1, v19;
	v0 =	vsel vm2, $0x3A03, v0  }
0xa8: {  	v47 =	vsel vm7, $0x6380, v47;
	v53 =	vsel vm6, $0x6C48, v53;
	v0 =	vsel vm1, $0x3A83, v0  }
0xa9: {  	v59 =	vsel vm7, $0x73E1, v59;
	v13 =	vsel vm4, $0x1D48, v13;
	v0 =	vsel vm0, $0x3B03, v0  }
0xaa: {  	v16 =	vsel vm4, $0x2903, v16;
	v19 =	vsel vm4, $0x2961, v19;
	[tilespmem:$0x1FD60] =	vst v0;
	v0 =	vsel vm14, $0x3061, v14  }
0xab: {  	v47 =	vsel vm6, $0x6800, v47;
	v53 =	vsel vm5, $0x6CC8, v53;
	v0 =	vsel vm13, $0x30E1, v0  }
0xac: {  	v59 =	vsel vm6, $0x7861, v59;
	v13 =	vsel vm3, $0x1DC8, v13;
	v0 =	vsel vm12, $0x3161, v0  }
0xad: {  	v16 =	vsel vm3, $0x2983, v16;
	v19 =	vsel vm3, $0x29E1, v19;
	v0 =	vsel vm11, $0x31E1, v0  }
0xae: {  	v47 =	vsel vm5, $0x6880, v47;
	v53 =	vsel vm4, $0x6D48, v53;
	v0 =	vsel vm10, $0x3261, v0  }
0xaf: {  	v59 =	vsel vm5, $0x78E1, v59;
	v13 =	vsel vm2, $0x1E48, v13;
	v0 =	vsel vm9, $0x32E1, v0  }
0xb0: {  	v16 =	vsel vm2, $0x2A03, v16;
	v19 =	vsel vm2, $0x2A61, v19;
	v0 =	vsel vm8, $0x3361, v0  }
0xb1: {  	v47 =	vsel vm4, $0x6900, v47;
	v53 =	vsel vm3, $0x6DC8, v53;
	v0 =	vsel vm7, $0x33E1, v0  }
0xb2: {  	v59 =	vsel vm4, $0x7961, v59;
	v15 =	vsel vm1, $0x1EC8, v13;
	v0 =	vsel vm6, $0x3861, v0  }
0xb3: {  	v18 =	vsel vm1, $0x2A83, v16;
	v21 =	vsel vm1, $0x2AE1, v19;
	v0 =	vsel vm5, $0x38E1, v0  }
0xb4: {  	v13 =	vsel vm0, $0x3B2A, v28;
	v19 =	vimm.s32 $0x4B80;
	v0 =	vsel vm4, $0x3961, v0  }
0xb5: {  	v47 =	vsel vm3, $0x6980, v47;
	v53 =	vsel vm2, $0x6E48, v53;
	v0 =	vsel vm3, $0x39E1, v0  }
0xb6: {  	v59 =	vsel vm3, $0x79E1, v59;
	v5 =	vsel vm0, $0xF00, v6;
	v0 =	vsel vm2, $0x3A61, v0  }
0xb7: {  	v46 =	vsel vm0, $0x1B00, v9;
	v50 =	vsel vm0, $0x1B2A, v12;
	v0 =	vsel vm1, $0x3AE1, v0  }
0xb8: {  	v58 =	vsel vm0, $0x2B03, v18;
	v18 =	vimm.s32 $0x3FFF;
	v0 =	vsel vm0, $0x3B61, v0  }
0xb9: {  	v54 =	vsel vm0, $0x1F48, v15;
	v6 =	vimm.s32 $0x2FFF;
	[tilespmem:$0x1FD90] =	vst v0;
	v0 =	vsel vm14, $0x347F, v18  }
0xba: {  	v62 =	vsel vm0, $0x2B61, v21;
	v22 =	vsel vm14, $0x247F, v6;
	v0 =	vsel vm13, $0x34FF, v0  }
0xbb: {  	v9 =	vsel vm0, $0x3B00, v25;
	v22 =	vsel vm13, $0x24FF, v22;
	v0 =	vsel vm12, $0x357F, v0  }
0xbc: {  	v25 =	vsel vm14, $0x3011, v11;
	v22 =	vsel vm12, $0x257F, v22;
	v0 =	vsel vm11, $0x35FF, v0  }
0xbd: {  	v15 =	vimm.s32 $0x3F80;
	v22 =	vsel vm11, $0x25FF, v22;
	v0 =	vsel vm10, $0x367F, v0  }
0xbe: {  	v31 =	vsel vm14, $0x4000, v19;
	v22 =	vsel vm10, $0x267F, v22;
	v0 =	vsel vm9, $0x36FF, v0  }
0xbf: {  	v21 =	vsel vm0, $0x4B03, v34;
	v22 =	vsel vm9, $0x26FF, v22;
	v0 =	vsel vm8, $0x377F, v0  }
0xc0: {  	v34 =	vsel vm14, $0x402A, v23;
	v22 =	vsel vm8, $0x277F, v22;
	v0 =	vsel vm7, $0x37FF, v0  }
0xc1: {  	v47 =	vsel vm2, $0x6A00, v47;
	v22 =	vsel vm7, $0x27FF, v22;
	v0 =	vsel vm6, $0x3C7F, v0  }
0xc2: {  	[tilespmem:$0x1FCC0] =	vst v55;
	v55 =	vsel vm1, $0x6EC8, v53;
	v22 =	vsel vm6, $0x2C7F, v22;
	v0 =	vsel vm5, $0x3CFF, v0  }
0xc3: {  	v59 =	vsel vm2, $0x7A61, v59;
	v22 =	vsel vm5, $0x2CFF, v22;
	v0 =	vsel vm4, $0x3D7F, v0  }
0xc4: {  	v25 =	vsel vm13, $0x3091, v25;
	v22 =	vsel vm4, $0x2D7F, v22;
	v0 =	vsel vm3, $0x3DFF, v0  }
0xc5: {  	v28 =	vsel vm14, $0x3400, v15;
	v22 =	vsel vm3, $0x2DFF, v22;
	v0 =	vsel vm2, $0x3E7F, v0  }
0xc6: {  	v31 =	vsel vm13, $0x4080, v31;
	v22 =	vsel vm2, $0x2E7F, v22;
	v0 =	vsel vm1, $0x3EFF, v0  }
0xc7: {  	v24 =	vsel vm1, $0x2EFF, v22;
	v22 =	vimm.s32 $0x4B91;
	v0 =	vsel vm0, $0x3F7F, v0  }
0xc8: {  	v34 =	vsel vm13, $0x40AA, v34;
	v49 =	vsel vm1, $0x6A80, v47;
	[tilespmem:$0x1FDC0] =	vst v0;
	v0 =	vsel vm14, $0x4011, v22  }
0xc9: {  	[tilespmem:$0x1FC80] =	vst v50;
	v50 =	vimm.s32 $0x6BAA;
	v47 =	vimm.s32 $0x6F80;
	v0 =	vsel vm13, $0x4091, v0  }
0xca: {  	v61 =	vsel vm1, $0x7AE1, v59;
	v59 =	vimm.s32 $0x7FC8;
	v0 =	vsel vm12, $0x4111, v0  }
0xcb: {  	[tilespmem:$0x1FD10] =	vst v62;
	v62 =	vimm.s32 $0x7FFF;
	v25 =	vsel vm12, $0x3111, v25;
	v0 =	vsel vm11, $0x4191, v0  }
0xcc: {  	v28 =	vsel vm13, $0x3480, v28;
	v31 =	vsel vm12, $0x4100, v31;
	v0 =	vsel vm10, $0x4211, v0  }
0xcd: {  	v34 =	vsel vm12, $0x412A, v34;
	v41 =	vimm.s32 $0x5B91;
	v0 =	vsel vm9, $0x4291, v0  }
0xce: {  	v50 =	vsel vm14, $0x602A, v50;
	v25 =	vsel vm11, $0x3191, v25;
	v0 =	vsel vm8, $0x4311, v0  }
0xcf: {  	v28 =	vsel vm12, $0x3500, v28;
	v31 =	vsel vm11, $0x4180, v31;
	v0 =	vsel vm7, $0x4391, v0  }
0xd0: {  	v34 =	vsel vm11, $0x41AA, v34;
	v41 =	vsel vm14, $0x5011, v41;
	v0 =	vsel vm6, $0x4811, v0  }
0xd1: {  	v50 =	vsel vm13, $0x60AA, v50;
	v25 =	vsel vm10, $0x3211, v25;
	v0 =	vsel vm5, $0x4891, v0  }
0xd2: {  	v28 =	vsel vm11, $0x3580, v28;
	v31 =	vsel vm10, $0x4200, v31;
	v0 =	vsel vm4, $0x4911, v0  }
0xd3: {  	v34 =	vsel vm10, $0x422A, v34;
	v41 =	vsel vm13, $0x5091, v41;
	v0 =	vsel vm3, $0x4991, v0  }
0xd4: {  	v50 =	vsel vm12, $0x612A, v50;
	v25 =	vsel vm9, $0x3291, v25;
	v0 =	vsel vm2, $0x4A11, v0  }
0xd5: {  	v28 =	vsel vm10, $0x3600, v28;
	v31 =	vsel vm9, $0x4280, v31;
	v0 =	vsel vm1, $0x4A91, v0  }
0xd6: {  	v34 =	vsel vm9, $0x42AA, v34;
	v41 =	vsel vm12, $0x5111, v41;
	v0 =	vsel vm0, $0x4B11, v0  }
0xd7: {  	v50 =	vsel vm11, $0x61AA, v50;
	v25 =	vsel vm8, $0x3311, v25;
	[tilespmem:$0x1FDF0] =	vst v0;
	v0 =	vsel vm14, $0x4400, v26  }
0xd8: {  	v28 =	vsel vm9, $0x3680, v28;
	v31 =	vsel vm8, $0x4300, v31;
	v0 =	vsel vm13, $0x4480, v0  }
0xd9: {  	v34 =	vsel vm8, $0x432A, v34;
	v41 =	vsel vm11, $0x5191, v41;
	v0 =	vsel vm12, $0x4500, v0  }
0xda: {  	v50 =	vsel vm10, $0x622A, v50;
	v25 =	vsel vm7, $0x3391, v25;
	v0 =	vsel vm11, $0x4580, v0  }
0xdb: {  	v28 =	vsel vm8, $0x3700, v28;
	v31 =	vsel vm7, $0x4380, v31;
	v0 =	vsel vm10, $0x4600, v0  }
0xdc: {  	v34 =	vsel vm7, $0x43AA, v34;
	v41 =	vsel vm10, $0x5211, v41;
	v0 =	vsel vm9, $0x4680, v0  }
0xdd: {  	v50 =	vsel vm9, $0x62AA, v50;
	v25 =	vsel vm6, $0x3811, v25;
	v0 =	vsel vm8, $0x4700, v0  }
0xde: {  	v28 =	vsel vm7, $0x3780, v28;
	v31 =	vsel vm6, $0x4800, v31;
	v0 =	vsel vm7, $0x4780, v0  }
0xdf: {  	v34 =	vsel vm6, $0x482A, v34;
	v28 =	vsel vm6, $0x3C00, v28;
	v0 =	vsel vm6, $0x4C00, v0  }
0xe0: {  	v41 =	vsel vm9, $0x5291, v41;
	v28 =	vsel vm5, $0x3C80, v28;
	v0 =	vsel vm5, $0x4C80, v0  }
0xe1: {  	v50 =	vsel vm8, $0x632A, v50;
	v28 =	vsel vm4, $0x3D00, v28;
	v0 =	vsel vm4, $0x4D00, v0  }
0xe2: {  	v25 =	vsel vm5, $0x3891, v25;
	v28 =	vsel vm3, $0x3D80, v28;
	v0 =	vsel vm3, $0x4D80, v0  }
0xe3: {  	v31 =	vsel vm5, $0x4880, v31;
	v28 =	vsel vm2, $0x3E00, v28;
	v0 =	vsel vm2, $0x4E00, v0  }
0xe4: {  	v34 =	vsel vm5, $0x48AA, v34;
	v30 =	vsel vm1, $0x3E80, v28;
	v0 =	vsel vm1, $0x4E80, v0  }
0xe5: {  	v16 =	vsel vm0, $0x3F00, v30;
	v30 =	vimm.s32 $0x5B80;
	v0 =	vsel vm0, $0x4F00, v0  }
0xe6: {  	v41 =	vsel vm8, $0x5311, v41;
	v50 =	vsel vm7, $0x63AA, v50;
	[tilespmem:$0x1FE20] =	vst v0;
	v0 =	vsel vm14, $0x5000, v30  }
0xe7: {  	v25 =	vsel vm4, $0x3911, v25;
	v31 =	vsel vm4, $0x4900, v31;
	v0 =	vsel vm13, $0x5080, v0  }
0xe8: {  	v34 =	vsel vm4, $0x492A, v34;
	v41 =	vsel vm7, $0x5391, v41;
	v0 =	vsel vm12, $0x5100, v0  }
0xe9: {  	v50 =	vsel vm6, $0x682A, v50;
	v25 =	vsel vm3, $0x3991, v25;
	v0 =	vsel vm11, $0x5180, v0  }
0xea: {  	v31 =	vsel vm3, $0x4980, v31;
	v34 =	vsel vm3, $0x49AA, v34;
	v0 =	vsel vm10, $0x5200, v0  }
0xeb: {  	v41 =	vsel vm6, $0x5811, v41;
	v50 =	vsel vm5, $0x68AA, v50;
	v0 =	vsel vm9, $0x5280, v0  }
0xec: {  	v25 =	vsel vm2, $0x3A11, v25;
	v31 =	vsel vm2, $0x4A00, v31;
	v0 =	vsel vm8, $0x5300, v0  }
0xed: {  	v34 =	vsel vm2, $0x4A2A, v34;
	v41 =	vsel vm5, $0x5891, v41;
	v0 =	vsel vm7, $0x5380, v0  }
0xee: {  	v50 =	vsel vm4, $0x692A, v50;
	v27 =	vsel vm1, $0x3A91, v25;
	v0 =	vsel vm6, $0x5800, v0  }
0xef: {  	v33 =	vsel vm1, $0x4A80, v31;
	v36 =	vsel vm1, $0x4AAA, v34;
	v0 =	vsel vm5, $0x5880, v0  }
0xf0: {  	v25 =	vsel vm0, $0x4B61, v37;
	v31 =	vimm.s32 $0x5B83;
	v0 =	vsel vm4, $0x5900, v0  }
0xf1: {  	v41 =	vsel vm4, $0x5911, v41;
	v34 =	vimm.s32 $0x5BAA;
	v0 =	vsel vm3, $0x5980, v0  }
0xf2: {  	v50 =	vsel vm3, $0x69AA, v50;
	v12 =	vsel vm0, $0x3B11, v27;
	v0 =	vsel vm2, $0x5A00, v0  }
0xf3: {  	v20 =	vsel vm0, $0x4B00, v33;
	v27 =	vimm.s32 $0x4FC8;
	v0 =	vsel vm1, $0x5A80, v0  }
0xf4: {  	v40 =	vsel vm14, $0x5003, v31;
	v41 =	vsel vm3, $0x5991, v41;
	v0 =	vsel vm0, $0x5B00, v0  }
0xf5: {  	v37 =	vsel vm14, $0x4448, v27;
	v40 =	vsel vm13, $0x5083, v40;
	[tilespmem:$0x1FE50] =	vst v0;
	v0 =	vsel vm14, $0x502A, v34  }
0xf6: {  	v41 =	vsel vm2, $0x5A11, v41;
	v37 =	vsel vm13, $0x44C8, v37;
	v0 =	vsel vm13, $0x50AA, v0  }
0xf7: {  	[tilespmem:$0x1FC40] =	vst v43;
	v40 =	vsel vm12, $0x5103, v40;
	v43 =	vsel vm1, $0x5A91, v41;
	v0 =	vsel vm12, $0x512A, v0  }
0xf8: {  	v41 =	vsel vm0, $0x6B00, v49;
	v37 =	vsel vm12, $0x4548, v37;
	v0 =	vsel vm11, $0x51AA, v0  }
0xf9: {  	v40 =	vsel vm11, $0x5183, v40;
	v33 =	vsel vm0, $0x5B11, v43;
	v0 =	vsel vm10, $0x522A, v0  }
0xfa: {  	v44 =	vimm.s32 $0x5F80;
	v43 =	vsel vm14, $0x5061, v35;
	v0 =	vsel vm9, $0x52AA, v0  }
0xfb: {  	v37 =	vsel vm11, $0x45C8, v37;
	v40 =	vsel vm10, $0x5203, v40;
	v0 =	vsel vm8, $0x532A, v0  }
0xfc: {  	v44 =	vsel vm14, $0x5400, v44;
	v43 =	vsel vm13, $0x50E1, v43;
	v0 =	vsel vm7, $0x53AA, v0  }
0xfd: {  	v37 =	vsel vm10, $0x4648, v37;
	v40 =	vsel vm9, $0x5283, v40;
	v0 =	vsel vm6, $0x582A, v0  }
0xfe: {  	v44 =	vsel vm13, $0x5480, v44;
	v43 =	vsel vm12, $0x5161, v43;
	v0 =	vsel vm5, $0x58AA, v0  }
0xff: {  	v37 =	vsel vm9, $0x46C8, v37;
	v40 =	vsel vm8, $0x5303, v40;
	v0 =	vsel vm4, $0x592A, v0  }
0x100: {  	v44 =	vsel vm12, $0x5500, v44;
	v43 =	vsel vm11, $0x51E1, v43;
	v0 =	vsel vm3, $0x59AA, v0  }
0x101: {  	v37 =	vsel vm8, $0x4748, v37;
	v40 =	vsel vm7, $0x5383, v40;
	v0 =	vsel vm2, $0x5A2A, v0  }
0x102: {  	v44 =	vsel vm11, $0x5580, v44;
	v43 =	vsel vm10, $0x5261, v43;
	v0 =	vsel vm1, $0x5AAA, v0  }
0x103: {  	v37 =	vsel vm7, $0x47C8, v37;
	v40 =	vsel vm6, $0x5803, v40;
	v0 =	vsel vm0, $0x5B2A, v0  }
0x104: {  	v44 =	vsel vm10, $0x5600, v44;
	v43 =	vsel vm9, $0x52E1, v43;
	[tilespmem:$0x1FE80] =	vst v0;
	v0 =	vsel vm14, $0x5448, v38  }
0x105: {  	v37 =	vsel vm6, $0x4C48, v37;
	v40 =	vsel vm5, $0x5883, v40;
	v0 =	vsel vm13, $0x54C8, v0  }
0x106: {  	v44 =	vsel vm9, $0x5680, v44;
	v43 =	vsel vm8, $0x5361, v43;
	v0 =	vsel vm12, $0x5548, v0  }
0x107: {  	v37 =	vsel vm5, $0x4CC8, v37;
	v40 =	vsel vm4, $0x5903, v40;
	v0 =	vsel vm11, $0x55C8, v0  }
0x108: {  	v44 =	vsel vm8, $0x5700, v44;
	v43 =	vsel vm7, $0x53E1, v43;
	v0 =	vsel vm10, $0x5648, v0  }
0x109: {  	v37 =	vsel vm4, $0x4D48, v37;
	v40 =	vsel vm3, $0x5983, v40;
	v0 =	vsel vm9, $0x56C8, v0  }
0x10a: {  	v44 =	vsel vm7, $0x5780, v44;
	v43 =	vsel vm6, $0x5861, v43;
	v0 =	vsel vm8, $0x5748, v0  }
0x10b: {  	v37 =	vsel vm3, $0x4DC8, v37;
	v40 =	vsel vm2, $0x5A03, v40;
	v0 =	vsel vm7, $0x57C8, v0  }
0x10c: {  	v44 =	vsel vm6, $0x5C00, v44;
	v43 =	vsel vm5, $0x58E1, v43;
	v0 =	vsel vm6, $0x5C48, v0  }
0x10d: {  	v37 =	vsel vm2, $0x4E48, v37;
	v42 =	vsel vm1, $0x5A83, v40;
	v0 =	vsel vm5, $0x5CC8, v0  }
0x10e: {  	v44 =	vsel vm5, $0x5C80, v44;
	v43 =	vsel vm4, $0x5961, v43;
	v0 =	vsel vm4, $0x5D48, v0  }
0x10f: {  	v39 =	vsel vm1, $0x4EC8, v37;
	v32 =	vsel vm0, $0x5B03, v42;
	v0 =	vsel vm3, $0x5DC8, v0  }
0x110: {  	v44 =	vsel vm4, $0x5D00, v44;
	v43 =	vsel vm3, $0x59E1, v43;
	v0 =	vsel vm2, $0x5E48, v0  }
0x111: {  	v42 =	vimm.s32 $0x6B83;
	v44 =	vsel vm3, $0x5D80, v44;
	v0 =	vsel vm1, $0x5EC8, v0  }
0x112: {  	[tilespmem:$0x1FC50] =	vst v46;
	v28 =	vsel vm0, $0x4F48, v39;
	v44 =	vsel vm2, $0x5E00, v44;
	v0 =	vsel vm0, $0x5F48, v0  }
0x113: {  	v39 =	vimm.s32 $0x5FFF;
	v46 =	vsel vm1, $0x5E80, v44;
	[tilespmem:$0x1FEB0] =	vst v0;
	v0 =	vsel vm14, $0x6003, v42  }
0x114: {  	v37 =	vsel vm0, $0x5F00, v46;
	v46 =	vsel vm14, $0x547F, v39;
	v0 =	vsel vm13, $0x6083, v0  }
0x115: {  	v43 =	vsel vm2, $0x5A61, v43;
	v46 =	vsel vm13, $0x54FF, v46;
	v0 =	vsel vm12, $0x6103, v0  }
0x116: {  	v45 =	vsel vm1, $0x5AE1, v43;
	v46 =	vsel vm12, $0x557F, v46;
	v0 =	vsel vm11, $0x6183, v0  }
0x117: {  	v43 =	vimm.s32 $0x6B91;
	v46 =	vsel vm11, $0x55FF, v46;
	v0 =	vsel vm10, $0x6203, v0  }
0x118: {  	v49 =	vsel vm14, $0x6011, v43;
	v46 =	vsel vm10, $0x567F, v46;
	v0 =	vsel vm9, $0x6283, v0  }
0x119: {  	v49 =	vsel vm13, $0x6091, v49;
	v46 =	vsel vm9, $0x56FF, v46;
	v0 =	vsel vm8, $0x6303, v0  }
0x11a: {  	v49 =	vsel vm12, $0x6111, v49;
	v46 =	vsel vm8, $0x577F, v46;
	v0 =	vsel vm7, $0x6383, v0  }
0x11b: {  	v49 =	vsel vm11, $0x6191, v49;
	v46 =	vsel vm7, $0x57FF, v46;
	v0 =	vsel vm6, $0x6803, v0  }
0x11c: {  	v49 =	vsel vm10, $0x6211, v49;
	v46 =	vsel vm6, $0x5C7F, v46;
	v0 =	vsel vm5, $0x6883, v0  }
0x11d: {  	v49 =	vsel vm9, $0x6291, v49;
	v46 =	vsel vm5, $0x5CFF, v46;
	v0 =	vsel vm4, $0x6903, v0  }
0x11e: {  	v49 =	vsel vm8, $0x6311, v49;
	v46 =	vsel vm4, $0x5D7F, v46;
	v0 =	vsel vm3, $0x6983, v0  }
0x11f: {  	v49 =	vsel vm7, $0x6391, v49;
	v46 =	vsel vm3, $0x5DFF, v46;
	v0 =	vsel vm2, $0x6A03, v0  }
0x120: {  	v49 =	vsel vm6, $0x6811, v49;
	v46 =	vsel vm2, $0x5E7F, v46;
	v0 =	vsel vm1, $0x6A83, v0  }
0x121: {  	v48 =	vsel vm1, $0x5EFF, v46;
	v46 =	vimm.s32 $0x6BE1;
	v0 =	vsel vm0, $0x6B03, v0  }
0x122: {  	v50 =	vsel vm2, $0x6A2A, v50;
	v49 =	vsel vm5, $0x6891, v49;
	[tilespmem:$0x1FEE0] =	vst v0;
	v0 =	vsel vm14, $0x6061, v46  }
0x123: {  	v8 =	vsel vm0, $0x2F7F, v24;
	v49 =	vsel vm4, $0x6911, v49;
	v0 =	vsel vm13, $0x60E1, v0  }
0x124: {  	v24 =	vsel vm0, $0x4B2A, v36;
	v49 =	vsel vm3, $0x6991, v49;
	v0 =	vsel vm12, $0x6161, v0  }
0x125: {  	v36 =	vsel vm0, $0x5B61, v45;
	v49 =	vsel vm2, $0x6A11, v49;
	v0 =	vsel vm11, $0x61E1, v0  }
0x126: {  	[tilespmem:$0x1FC90] =	vst v51;
	v51 =	vsel vm1, $0x6A91, v49;
	v49 =	vsel vm0, $0x6F48, v55;
	v0 =	vsel vm10, $0x6261, v0  }
0x127: {  	v44 =	vsel vm0, $0x6B11, v51;
	v51 =	vimm.s32 $0x7B80;
	v0 =	vsel vm9, $0x62E1, v0  }
0x128: {  	v40 =	vsel vm0, $0x5F7F, v48;
	v52 =	vsel vm1, $0x6AAA, v50;
	v0 =	vsel vm8, $0x6361, v0  }
0x129: {  	v50 =	vimm.s32 $0x6FFF;
	v55 =	vsel vm14, $0x7000, v51;
	v0 =	vsel vm7, $0x63E1, v0  }
0x12a: {  	v45 =	vsel vm0, $0x6B2A, v52;
	v52 =	vsel vm14, $0x6400, v47;
	v0 =	vsel vm6, $0x6861, v0  }
0x12b: {  	v55 =	vsel vm13, $0x7080, v55;
	v52 =	vsel vm13, $0x6480, v52;
	v0 =	vsel vm5, $0x68E1, v0  }
0x12c: {  	v55 =	vsel vm12, $0x7100, v55;
	v52 =	vsel vm12, $0x6500, v52;
	v0 =	vsel vm4, $0x6961, v0  }
0x12d: {  	v55 =	vsel vm11, $0x7180, v55;
	v52 =	vsel vm11, $0x6580, v52;
	v0 =	vsel vm3, $0x69E1, v0  }
0x12e: {  	v55 =	vsel vm10, $0x7200, v55;
	v52 =	vsel vm10, $0x6600, v52;
	v0 =	vsel vm2, $0x6A61, v0  }
0x12f: {  	v55 =	vsel vm9, $0x7280, v55;
	v52 =	vsel vm9, $0x6680, v52;
	v0 =	vsel vm1, $0x6AE1, v0  }
0x130: {  	v55 =	vsel vm8, $0x7300, v55;
	v52 =	vsel vm8, $0x6700, v52;
	v0 =	vsel vm0, $0x6B61, v0  }
0x131: {  	v55 =	vsel vm7, $0x7380, v55;
	v52 =	vsel vm7, $0x6780, v52;
	[tilespmem:$0x1FF10] =	vst v0;
	v0 =	vsel vm14, $0x647F, v50  }
0x132: {  	v55 =	vsel vm6, $0x7800, v55;
	v56 =	vimm.s32 $0x7B83;
	v0 =	vsel vm13, $0x64FF, v0  }
0x133: {  	v52 =	vsel vm6, $0x6C00, v52;
	v56 =	vsel vm14, $0x7003, v56;
	v0 =	vsel vm12, $0x657F, v0  }
0x134: {  	v55 =	vsel vm5, $0x7880, v55;
	v56 =	vsel vm13, $0x7083, v56;
	v0 =	vsel vm11, $0x65FF, v0  }
0x135: {  	v52 =	vsel vm5, $0x6C80, v52;
	v56 =	vsel vm12, $0x7103, v56;
	v0 =	vsel vm10, $0x667F, v0  }
0x136: {  	v55 =	vsel vm4, $0x7900, v55;
	v56 =	vsel vm11, $0x7183, v56;
	v0 =	vsel vm9, $0x66FF, v0  }
0x137: {  	v52 =	vsel vm4, $0x6D00, v52;
	v56 =	vsel vm10, $0x7203, v56;
	v0 =	vsel vm8, $0x677F, v0  }
0x138: {  	v55 =	vsel vm3, $0x7980, v55;
	v56 =	vsel vm9, $0x7283, v56;
	v0 =	vsel vm7, $0x67FF, v0  }
0x139: {  	v52 =	vsel vm3, $0x6D80, v52;
	v56 =	vsel vm8, $0x7303, v56;
	v0 =	vsel vm6, $0x6C7F, v0  }
0x13a: {  	[tilespmem:$0x1FD20] =	vst v63;
	v55 =	vsel vm2, $0x7A00, v55;
	v56 =	vsel vm7, $0x7383, v56;
	v0 =	vsel vm5, $0x6CFF, v0  }
0x13b: {  	[tilespmem:$0x1FDB0] =	vst v17;
	v52 =	vsel vm2, $0x6E00, v52;
	v56 =	vsel vm6, $0x7803, v56;
	v0 =	vsel vm4, $0x6D7F, v0  }
0x13c: {  	[tilespmem:$0x1FE40] =	vst v29;
	v57 =	vsel vm1, $0x7A80, v55;
	v56 =	vsel vm5, $0x7883, v56;
	v0 =	vsel vm3, $0x6DFF, v0  }
0x13d: {  	[tilespmem:$0x1FCB0] =	vst v54;
	v54 =	vsel vm1, $0x6E80, v52;
	v56 =	vsel vm4, $0x7903, v56;
	v0 =	vsel vm2, $0x6E7F, v0  }
0x13e: {  	[tilespmem:$0x1FD80] =	vst v13;
	v48 =	vsel vm0, $0x6F00, v54;
	v56 =	vsel vm3, $0x7983, v56;
	v0 =	vsel vm1, $0x6EFF, v0  }
0x13f: {  	[tilespmem:$0x1FCE0] =	vst v58;
	v54 =	vimm.s32 $0x7B91;
	v56 =	vsel vm2, $0x7A03, v56;
	v0 =	vsel vm0, $0x6F7F, v0  }
0x140: {  	v55 =	vimm.s32 $0x7BAA;
	v58 =	vsel vm1, $0x7A83, v56;
	[tilespmem:$0x1FF40] =	vst v0;
	v0 =	vsel vm14, $0x7011, v54  }
0x141: {  	[tilespmem:$0x1FD50] =	vst v9;
	v53 =	vsel vm0, $0x7B03, v58;
	v58 =	vsel vm14, $0x702A, v55;
	v0 =	vsel vm13, $0x7091, v0  }
0x142: {  	[tilespmem:$0x1FDE0] =	vst v21;
	v62 =	vsel vm14, $0x747F, v62;
	v58 =	vsel vm13, $0x70AA, v58;
	v0 =	vsel vm12, $0x7111, v0  }
0x143: {  	v62 =	vsel vm13, $0x74FF, v62;
	[tilespmem:$0x1FE10] =	vst v25;
	v58 =	vsel vm12, $0x712A, v58;
	v0 =	vsel vm11, $0x7191, v0  }
0x144: {  	v62 =	vsel vm12, $0x757F, v62;
	[tilespmem:$0x1FD70] =	vst v12;
	v58 =	vsel vm11, $0x71AA, v58;
	v0 =	vsel vm10, $0x7211, v0  }
0x145: {  	v62 =	vsel vm11, $0x75FF, v62;
	[tilespmem:$0x1FDD0] =	vst v20;
	v58 =	vsel vm10, $0x722A, v58;
	v0 =	vsel vm9, $0x7291, v0  }
0x146: {  	v62 =	vsel vm10, $0x767F, v62;
	[tilespmem:$0x1FD40] =	vst v8;
	v58 =	vsel vm9, $0x72AA, v58;
	v0 =	vsel vm8, $0x7311, v0  }
0x147: {  	[tilespmem:$0x1FDA0] =	vst v16;
	v52 =	vsel vm0, $0x7B00, v57;
	v58 =	vsel vm8, $0x732A, v58;
	v0 =	vsel vm7, $0x7391, v0  }
0x148: {  	[tilespmem:$0x1FE00] =	vst v24;
	v57 =	vsel vm0, $0x7B61, v61;
	v58 =	vsel vm7, $0x73AA, v58;
	v0 =	vsel vm6, $0x7811, v0  }
0x149: {  	[tilespmem:$0x1FED0] =	vst v41;
	v61 =	vsel vm14, $0x7448, v59;
	v58 =	vsel vm6, $0x782A, v58;
	v0 =	vsel vm5, $0x7891, v0  }
0x14a: {  	[tilespmem:$0x1FE70] =	vst v33;
	v61 =	vsel vm13, $0x74C8, v61;
	v58 =	vsel vm5, $0x78AA, v58;
	v0 =	vsel vm4, $0x7911, v0  }
0x14b: {  	[tilespmem:$0x1FE60] =	vst v32;
	v61 =	vsel vm12, $0x7548, v61;
	v58 =	vsel vm4, $0x792A, v58;
	v0 =	vsel vm3, $0x7991, v0  }
0x14c: {  	[tilespmem:$0x1FE30] =	vst v28;
	v61 =	vsel vm11, $0x75C8, v61;
	v58 =	vsel vm3, $0x79AA, v58;
	v0 =	vsel vm2, $0x7A11, v0  }
0x14d: {  	[tilespmem:$0x1FE90] =	vst v36;
	v61 =	vsel vm10, $0x7648, v61;
	v58 =	vsel vm2, $0x7A2A, v58;
	v0 =	vsel vm1, $0x7A91, v0  }
0x14e: {  	[tilespmem:$0x1FEA0] =	vst v37;
	v60 =	vsel vm1, $0x7AAA, v58;
	v58 =	vimm.s32 $0x7F80;
	v0 =	vsel vm0, $0x7B11, v0  }
0x14f: {  	v62 =	vsel vm9, $0x76FF, v62;
	v61 =	vsel vm9, $0x76C8, v61;
	[tilespmem:$0x1FF70] =	vst v0;
	v0 =	vsel vm14, $0x7400, v58  }
0x150: {  	v62 =	vsel vm8, $0x777F, v62;
	[tilespmem:$0x1FF30] =	vst v49;
	v61 =	vsel vm8, $0x7748, v61;
	v0 =	vsel vm13, $0x7480, v0  }
0x151: {  	v62 =	vsel vm7, $0x77FF, v62;
	[tilespmem:$0x1FEF0] =	vst v44;
	v61 =	vsel vm7, $0x77C8, v61;
	v0 =	vsel vm12, $0x7500, v0  }
0x152: {  	v62 =	vsel vm6, $0x7C7F, v62;
	[tilespmem:$0x1FEC0] =	vst v40;
	v61 =	vsel vm6, $0x7C48, v61;
	v0 =	vsel vm11, $0x7580, v0  }
0x153: {  	s4 =	rddreg [dreg:$0x0];
	v62 =	vsel vm5, $0x7CFF, v62;
	[tilespmem:$0x1FF00] =	vst v45;
	v61 =	vsel vm5, $0x7CC8, v61;
	v0 =	vsel vm10, $0x7600, v0  }
0x154: {  	s0 =	rddreg [dreg:$0x1];
	v62 =	vsel vm4, $0x7D7F, v62;
	[tilespmem:$0x1FF50] =	vst v52;
	v61 =	vsel vm4, $0x7D48, v61;
	v0 =	vsel vm9, $0x7680, v0  }
0x155: {  	s5 =	rddreg [dreg:$0x2];
	v62 =	vsel vm3, $0x7DFF, v62;
	[tilespmem:$0x1FF90] =	vst v57;
	v61 =	vsel vm3, $0x7DC8, v61;
	v0 =	vsel vm8, $0x7700, v0  }
0x156: {  	s1 =	rddreg [dreg:$0x3];
	s3 =	simm.s32 $0x0;
	s6 =	srdreg.scid;
	v62 =	vsel vm2, $0x7E7F, v62;
	[tilespmem:$0x1FF20] =	vst v48;
	v61 =	vsel vm2, $0x7E48, v61;
	v0 =	vsel vm7, $0x7780, v0  }
0x157: {  	s2 =	stileid.u32;
	s10 =	simm.s32 $0x3;
	s11 =	simm.s32 $0x8000;
	v63 =	vsel vm1, $0x7EC8, v61;
	[tilespmem:$0x1FF60] =	vst v53;
	v56 =	vsel vm0, $0x7B2A, v60;
	v0 =	vsel vm6, $0x7C00, v0  }
0x158: {  	s12 =	simm.s32 $0x1;
	s13 =	simm.s32 $0x2;
	[smem:$0x7FF] =	sst s3;
	v61 =	vsel vm1, $0x7EFF, v62;
	v62 =	vsel vm0, $0x7F48, v63;
	[tilespmem:$0x1FF80] =	vst v56;
	v0 =	vsel vm5, $0x7C80, v0  }
0x159: {  	s6 =	sand.u32 $0x1, s6;
	s7 =	sshll.u32 s2, $0x1;
	v3 =	vsel vm1, $0xA91, v1;
	v63 =	vsel vm0, $0x7F7F, v61;
	_ =	strace $0x80000047;
	[tilespmem:$0x1FFB0] =	vst v62;
	v0 =	vsel vm4, $0x7D00, v0  }
0x15a: {  	s14 =	simm.s32 $0x10000;
	s15 =	simm.s32 $0x0;
	s7 =	sor.u32 s6, s7;
	v2 =	vsel vm0, $0xB11, v3;
	[tilespmem:$0x1FFC0] =	vst v63;
	v0 =	vsel vm3, $0x7D80, v0  }
0x15b: {  	s6 =	ssub.s32 $0x2, s6;
	s8 =	sshll.u32 s7, $0x9;
	s7 =	sshll.u32 s7, $0xE;
	[tilespmem:$0x1FFD0] =	vst v2;
	v0 =	vsel vm2, $0x7E00, v0  }
0x15c: {  	s31 =	sshrl.u32 s6, $0x1;
	s8 =	sadd.s32 s8, s5;
	s4 =	sadd.s32 s4, s7;
	[tilespmem:$0x1FFE0] =	vst v5;
	v0 =	vsel vm1, $0x7E80, v0  }
0x15d: {  	s9 =	ssub.s32 s6, s31;
	s5 =	sadd.s32 $0x1000, s4;
	s6 =	sadd.s32 $0x2000, s4;
	[tilespmem:$0x1FFF0] =	vst v7;
	v0 =	vsel vm0, $0x7F00, v0  }
0x15e: {  	s7 =	sadd.s32 $0x600, s8;
	s8 =	smax.u32 s9, $0x1;
	s9 =	simm.s32 $0x11000;
	[tilespmem:$0x1FFA0] =	vst v0  }
.LBB2_1:
0x15f: {  	[tilespmem:s9], [sflag:$0x3] =	stream.linear.gather [hbm4b:s0+s3], $0x10, $0x38;
	[tilespmem:$0x11010] =	vst v63  }
0x160: {  	_ =	swait.ge [sflag:s10], $0x10  }
0x161: {  	[sflag:s10] =	ssyncset.done $0x0  }
0x162: {  	[sflag:s10] =	ssyncadd.s32 $0xFFFFFFF0  }
0x163: {  	v0 =	vld [tilespmem:$0x11000];
	_ =	sdelay $0x4  }
0x164: {  	p1 =	por $0x0, $0x0;
	s17 =	smov.u32 s5;
	s16 =	simm.s32 $0x0;
	v0 =	vmax.f32 v0, $0.0e+00  }
0x165: {  	[tilespmem:s3], [sflag:$0x1] =	stream.linear.gather [hbm4b:s4+s3], $0x8000, $0x38;
	v0 =	vmin.f32 v0, $5.000000000e+02;
	[tilespmem:$0x11010] =	vst v63  }
.LBB2_2:
0x166: {  	[tilespmem:s11], [sflag:$0x2] =	stream.linear.gather [hbm4b:s17+s3], $0x8000, $0x38;
	[tilespmem:$0x11010] =	vst v63  }
0x167: {  	_ =	swait.ge [sflag:s12], $0x8000  }
0x168: {  	v23 =	vld [tilespmem:$0x1FC00]  }
0x169: {  	v2 =	vld [tilespmem:$0x1FFD0]  }
0x16a: {  	v24 =	vld [tilespmem:$0x1FC10]  }
0x16b: {  	v25 =	vld [tilespmem:$0x1FC20]  }
0x16c: {  	v5 =	vld [tilespmem:$0x1FFE0]  }
0x16d: {  	v26 =	vld [tilespmem:$0x1FC30]  }
0x16e: {  	[sflag:s12] =	ssyncset.done $0x0;
	v7 =	vld [tilespmem:$0x1FFF0]  }
0x16f: {  	v27 =	vld [tilespmem:$0x1FC40];
	[sflag:s12] =	ssyncadd.s32 $0xFFFF8000  }
0x170: {  	v1 =	vld.idx.msk [tilespmem:v23+s3+$0x0], $0xffff  }
0x171: {  	v2 =	vld.idx.msk [tilespmem:v2+s3+$0x0], $0xffff  }
0x172: {  	v3 =	vld.idx.msk [tilespmem:v24+s3+$0x0], $0xffff  }
0x173: {  	v4 =	vld.idx.msk [tilespmem:v25+s3+$0x0], $0xffff  }
0x174: {  	v5 =	vld.idx.msk [tilespmem:v5+s3+$0x0], $0xffff  }
0x175: {  	v6 =	vld.idx.msk [tilespmem:v26+s3+$0x0], $0xffff;
	v1 =	vsub.f32 $0.0e+00, v1  }
0x176: {  	v7 =	vld.idx.msk [tilespmem:v7+s3+$0x0], $0xffff;
	v2 =	vsub.f32 $0.0e+00, v2  }
0x177: {  	v8 =	vld.idx.msk [tilespmem:v27+s3+$0x0], $0xffff;
	v9 =	vmax.f32 v1, v3  }
0x178: {  	v9 =	vmax.f32 v9, v2  }
0x179: {  	v5 =	vsub.f32 $0.0e+00, v5;
	v9 =	vmax.f32 v9, v4  }
0x17a: {  	v9 =	vmax.f32 v9, v6  }
0x17b: {  	v7 =	vsub.f32 $0.0e+00, v7;
	v9 =	vmax.f32 v9, v5  }
0x17c: {  	v9 =	vmax.f32 v9, v8  }
0x17d: {  	v9 =	vmax.f32 v9, v7  }
0x17e: {  	v1 =	vsub.f32 v1, v9  }
0x17f: {  	v3 =	vsub.f32 v3, v9  }
0x180: {  	v1 =	vmul.f32 $1.442695020e+00, v1  }
0x181: {  	v2 =	vsub.f32 v2, v9;
	v3 =	vmul.f32 $1.442695020e+00, v3  }
0x182: {  	(erf) = vpow2.f32 v1  }
0x183: {  	v1 =	vmul.f32 $1.442695020e+00, v2;
	v2 =	vsub.f32 v4, v9;
	(erf) = vpow2.f32 v3;
	_ =	sdelay $0x1  }
0x184: {  	(erf) = vpow2.f32 v1;
	v1 =	vmul.f32 $1.442695020e+00, v2;
	v2 =	vsub.f32 v6, v9;
	_ =	sdelay $0x1  }
0x185: {  	(erf) = vpow2.f32 v1;
	v1 =	vmul.f32 $1.442695020e+00, v2;
	v2 =	vsub.f32 v5, v9;
	_ =	sdelay $0x1  }
0x186: {  	(erf) = vpow2.f32 v1;
	v1 =	vmul.f32 $1.442695020e+00, v2;
	v2 =	vsub.f32 v8, v9;
	_ =	sdelay $0x1  }
0x187: {  	v3 =	vpop (erf);
	(erf) = vpow2.f32 v1;
	v1 =	vmul.f32 $1.442695020e+00, v2;
	v2 =	vsub.f32 v7, v9  }
0x188: {  	v48 =	vpop (erf)  }
0x189: {  	(erf) = vpow2.f32 v1;
	v1 =	vmul.f32 $1.442695020e+00, v2;
	v2 =	vadd.f32 v48, v3;
	_ =	sdelay $0x1  }
0x18a: {  	v49 =	vpop (erf)  }
0x18b: {  	(erf) = vpow2.f32 v1;
	v1 =	vadd.f32 v2, v49  }
0x18c: {  	v2 =	vpop (erf)  }
0x18d: {  	v1 =	vadd.f32 v1, v2  }
0x18e: {  	v50 =	vpop (erf)  }
0x18f: {  	v1 =	vadd.f32 v1, v50  }
0x190: {  	v51 =	vpop (erf)  }
0x191: {  	v1 =	vadd.f32 v1, v51  }
0x192: {  	v52 =	vpop (erf)  }
0x193: {  	v1 =	vadd.f32 v1, v52  }
0x194: {  	v53 =	vpop (erf)  }
0x195: {  	v1 =	vadd.f32 v1, v53;
	_ =	sdelay $0x1  }
0x196: {  	(erf) = vrcp.f32 v1;
	_ =	sdelay $0x8  }
0x197: {  	v1 =	vpop (erf)  }
0x198: {  	v1 =	vmul.f32 v1, v0;
	_ =	sdelay $0x1  }
0x199: {  	v3 =	vmul.f32 v1, v3;
	v4 =	vmul.f32 v1, v48  }
0x19a: {  	s29 =	sshra.s32 s16, $0x2;
	v2 =	vmul.f32 v1, v2;
	v54 =	vmul.f32 v1, v51  }
0x19b: {  	v28 =	vld [tilespmem:$0x1FC50];
	v5 =	vmul.f32 v1, v49;
	v3 =	vsub.f32 $0.0e+00, v3;
	[tilespmem:s29+$0x10080] =	vst v4  }
0x19c: {  	v30 =	vld [tilespmem:$0x1FC70];
	v55 =	vmul.f32 v1, v53;
	[tilespmem:s29+$0x10180] =	vst v2;
	v2 =	vsub.f32 $0.0e+00, v54  }
0x19d: {  	v29 =	vld [tilespmem:$0x1FC60];
	[tilespmem:s29+$0x10000] =	vst v3;
	v3 =	vsub.f32 $0.0e+00, v5  }
0x19e: {  	v31 =	vld [tilespmem:$0x1FC80];
	[tilespmem:s29+$0x10280] =	vst v2;
	v2 =	vsub.f32 $0.0e+00, v55  }
0x19f: {  	v33 =	vld [tilespmem:$0x1FCA0];
	[tilespmem:s29+$0x10100] =	vst v3;
	v3 =	vmul.f32 v1, v50  }
0x1a0: {  	v32 =	vld [tilespmem:$0x1FC90];
	v1 =	vmul.f32 v1, v52;
	[tilespmem:s29+$0x10380] =	vst v2  }
0x1a1: {  	v35 =	vld [tilespmem:$0x1FCC0];
	[tilespmem:s29+$0x10200] =	vst v3  }
0x1a2: {  	v34 =	vld [tilespmem:$0x1FCB0];
	[tilespmem:s29+$0x10300] =	vst v1  }
0x1a3: {  	v1 =	vld.idx.msk [tilespmem:v28+s3+$0x0], $0xffff  }
0x1a4: {  	v2 =	vld.idx.msk [tilespmem:v30+s3+$0x0], $0xffff  }
0x1a5: {  	v3 =	vld.idx.msk [tilespmem:v29+s3+$0x0], $0xffff  }
0x1a6: {  	v56 =	vld.idx.msk [tilespmem:v31+s3+$0x0], $0xffff  }
0x1a7: {  	v57 =	vld.idx.msk [tilespmem:v33+s3+$0x0], $0xffff  }
0x1a8: {  	v58 =	vld.idx.msk [tilespmem:v32+s3+$0x0], $0xffff;
	v1 =	vsub.f32 $0.0e+00, v1  }
0x1a9: {  	v59 =	vld.idx.msk [tilespmem:v35+s3+$0x0], $0xffff;
	v2 =	vsub.f32 $0.0e+00, v2  }
0x1aa: {  	v60 =	vld.idx.msk [tilespmem:v34+s3+$0x0], $0xffff;
	v61 =	vmax.f32 v1, v3  }
0x1ab: {  	v9 =	vmax.f32 v61, v2  }
0x1ac: {  	v5 =	vsub.f32 $0.0e+00, v57;
	v9 =	vmax.f32 v9, v56  }
0x1ad: {  	v9 =	vmax.f32 v9, v58  }
0x1ae: {  	v7 =	vsub.f32 $0.0e+00, v59;
	v9 =	vmax.f32 v9, v5  }
0x1af: {  	v9 =	vmax.f32 v9, v60  }
0x1b0: {  	v9 =	vmax.f32 v9, v7  }
0x1b1: {  	v1 =	vsub.f32 v1, v9  }
0x1b2: {  	v3 =	vsub.f32 v3, v9  }
0x1b3: {  	v2 =	vsub.f32 v2, v9;
	v1 =	vmul.f32 $1.442695020e+00, v1  }
0x1b4: {  	v3 =	vmul.f32 $1.442695020e+00, v3  }
0x1b5: {  	(erf) = vpow2.f32 v1;
	v1 =	vmul.f32 $1.442695020e+00, v2  }
0x1b6: {  	(erf) = vpow2.f32 v3  }
0x1b7: {  	(erf) = vpow2.f32 v1;
	v1 =	vsub.f32 v56, v9;
	_ =	sdelay $0x1  }
0x1b8: {  	v62 =	vsub.f32 v58, v9;
	v1 =	vmul.f32 $1.442695020e+00, v1;
	_ =	sdelay $0x1  }
0x1b9: {  	v11 =	vsub.f32 v5, v9;
	(erf) = vpow2.f32 v1;
	v1 =	vmul.f32 $1.442695020e+00, v62;
	_ =	sdelay $0x1  }
0x1ba: {  	v12 =	vsub.f32 v60, v9;
	(erf) = vpow2.f32 v1;
	v1 =	vmul.f32 $1.442695020e+00, v11;
	_ =	sdelay $0x1  }
0x1bb: {  	v13 =	vsub.f32 v7, v9;
	v2 =	vpop (erf);
	(erf) = vpow2.f32 v1;
	v1 =	vmul.f32 $1.442695020e+00, v12  }
0x1bc: {  	v3 =	vpop (erf)  }
0x1bd: {  	v14 =	vadd.f32 v3, v2;
	(erf) = vpow2.f32 v1;
	v1 =	vmul.f32 $1.442695020e+00, v13  }
0x1be: {  	v63 =	vpop (erf)  }
0x1bf: {  	(erf) = vpow2.f32 v1;
	v1 =	vadd.f32 v14, v63  }
0x1c0: {  	v15 =	vpop (erf)  }
0x1c1: {  	v1 =	vadd.f32 v1, v15  }
0x1c2: {  	v16 =	vpop (erf)  }
0x1c3: {  	v1 =	vadd.f32 v1, v16  }
0x1c4: {  	v17 =	vpop (erf)  }
0x1c5: {  	v1 =	vadd.f32 v1, v17  }
0x1c6: {  	v18 =	vpop (erf)  }
0x1c7: {  	v1 =	vadd.f32 v1, v18  }
0x1c8: {  	v19 =	vpop (erf)  }
0x1c9: {  	v1 =	vadd.f32 v1, v19;
	_ =	sdelay $0x1  }
0x1ca: {  	(erf) = vrcp.f32 v1;
	_ =	sdelay $0x8  }
0x1cb: {  	v1 =	vpop (erf)  }
0x1cc: {  	v1 =	vmul.f32 v1, v0;
	_ =	sdelay $0x1  }
0x1cd: {  	v2 =	vmul.f32 v1, v2  }
0x1ce: {  	v3 =	vmul.f32 v1, v3  }
0x1cf: {  	v6 =	vmul.f32 v1, v63;
	v2 =	vsub.f32 $0.0e+00, v2  }
0x1d0: {  	v36 =	vld [tilespmem:$0x1FCD0];
	v20 =	vmul.f32 v1, v17;
	[tilespmem:s29+$0x10090] =	vst v3;
	v3 =	vmul.f32 v1, v15  }
0x1d1: {  	v38 =	vld [tilespmem:$0x1FCF0];
	[tilespmem:s29+$0x10010] =	vst v2;
	v2 =	vsub.f32 $0.0e+00, v6  }
0x1d2: {  	v37 =	vld [tilespmem:$0x1FCE0];
	[tilespmem:s29+$0x10190] =	vst v3;
	v3 =	vsub.f32 $0.0e+00, v20  }
0x1d3: {  	v39 =	vld [tilespmem:$0x1FD00];
	v21 =	vmul.f32 v1, v19;
	[tilespmem:s29+$0x10110] =	vst v2;
	v2 =	vmul.f32 v1, v16  }
0x1d4: {  	v41 =	vld [tilespmem:$0x1FD20];
	v1 =	vmul.f32 v1, v18;
	[tilespmem:s29+$0x10290] =	vst v3  }
0x1d5: {  	v40 =	vld [tilespmem:$0x1FD10];
	[tilespmem:s29+$0x10210] =	vst v2;
	v2 =	vsub.f32 $0.0e+00, v21  }
0x1d6: {  	v43 =	vld [tilespmem:$0x1FD40];
	[tilespmem:s29+$0x10310] =	vst v1  }
0x1d7: {  	v42 =	vld [tilespmem:$0x1FD30];
	[tilespmem:s29+$0x10390] =	vst v2  }
0x1d8: {  	v1 =	vld.idx.msk [tilespmem:v36+s3+$0x0], $0xffff  }
0x1d9: {  	v2 =	vld.idx.msk [tilespmem:v38+s3+$0x0], $0xffff  }
0x1da: {  	v3 =	vld.idx.msk [tilespmem:v37+s3+$0x0], $0xffff  }
0x1db: {  	v22 =	vld.idx.msk [tilespmem:v39+s3+$0x0], $0xffff  }
0x1dc: {  	v45 =	vld.idx.msk [tilespmem:v41+s3+$0x0], $0xffff  }
0x1dd: {  	v46 =	vld.idx.msk [tilespmem:v40+s3+$0x0], $0xffff;
	v1 =	vsub.f32 $0.0e+00, v1  }
0x1de: {  	v47 =	vld.idx.msk [tilespmem:v43+s3+$0x0], $0xffff;
	v2 =	vsub.f32 $0.0e+00, v2  }
0x1df: {  	v48 =	vld.idx.msk [tilespmem:v42+s3+$0x0], $0xffff;
	v49 =	vmax.f32 v1, v3  }
0x1e0: {  	v9 =	vmax.f32 v49, v2  }
0x1e1: {  	v5 =	vsub.f32 $0.0e+00, v45;
	v9 =	vmax.f32 v9, v22  }
0x1e2: {  	v9 =	vmax.f32 v9, v46  }
0x1e3: {  	v7 =	vsub.f32 $0.0e+00, v47;
	v9 =	vmax.f32 v9, v5  }
0x1e4: {  	v9 =	vmax.f32 v9, v48  }
0x1e5: {  	v9 =	vmax.f32 v9, v7  }
0x1e6: {  	v1 =	vsub.f32 v1, v9  }
0x1e7: {  	v3 =	vsub.f32 v3, v9  }
0x1e8: {  	v1 =	vmul.f32 $1.442695020e+00, v1  }
0x1e9: {  	v2 =	vsub.f32 v2, v9;
	v3 =	vmul.f32 $1.442695020e+00, v3  }
0x1ea: {  	(erf) = vpow2.f32 v1  }
0x1eb: {  	v1 =	vmul.f32 $1.442695020e+00, v2;
	v2 =	vsub.f32 v22, v9;
	(erf) = vpow2.f32 v3;
	_ =	sdelay $0x1  }
0x1ec: {  	(erf) = vpow2.f32 v1;
	v1 =	vmul.f32 $1.442695020e+00, v2;
	v2 =	vsub.f32 v46, v9;
	_ =	sdelay $0x1  }
0x1ed: {  	(erf) = vpow2.f32 v1;
	v1 =	vmul.f32 $1.442695020e+00, v2;
	v2 =	vsub.f32 v5, v9;
	_ =	sdelay $0x1  }
0x1ee: {  	(erf) = vpow2.f32 v1;
	v1 =	vmul.f32 $1.442695020e+00, v2;
	v2 =	vsub.f32 v48, v9;
	_ =	sdelay $0x1  }
0x1ef: {  	v3 =	vpop (erf);
	(erf) = vpow2.f32 v1;
	v1 =	vmul.f32 $1.442695020e+00, v2;
	v2 =	vsub.f32 v7, v9  }
0x1f0: {  	v50 =	vpop (erf)  }
0x1f1: {  	(erf) = vpow2.f32 v1;
	v1 =	vmul.f32 $1.442695020e+00, v2;
	v2 =	vadd.f32 v50, v3;
	_ =	sdelay $0x1  }
0x1f2: {  	v51 =	vpop (erf)  }
0x1f3: {  	(erf) = vpow2.f32 v1;
	v1 =	vadd.f32 v2, v51  }
0x1f4: {  	v2 =	vpop (erf)  }
0x1f5: {  	v1 =	vadd.f32 v1, v2  }
0x1f6: {  	v52 =	vpop (erf)  }
0x1f7: {  	v1 =	vadd.f32 v1, v52  }
0x1f8: {  	v53 =	vpop (erf)  }
0x1f9: {  	v1 =	vadd.f32 v1, v53  }
0x1fa: {  	v54 =	vpop (erf)  }
0x1fb: {  	v1 =	vadd.f32 v1, v54  }
0x1fc: {  	v55 =	vpop (erf)  }
0x1fd: {  	v1 =	vadd.f32 v1, v55;
	_ =	sdelay $0x1  }
0x1fe: {  	(erf) = vrcp.f32 v1;
	_ =	sdelay $0x8  }
0x1ff: {  	v1 =	vpop (erf)  }
0x200: {  	v1 =	vmul.f32 v1, v0;
	_ =	sdelay $0x1  }
0x201: {  	v3 =	vmul.f32 v1, v3;
	_ =	sdelay $0x1  }
0x202: {  	v5 =	vmul.f32 v1, v51;
	v3 =	vsub.f32 $0.0e+00, v3  }
0x203: {  	v4 =	vmul.f32 v1, v50  }
0x204: {  	[tilespmem:s29+$0x10020] =	vst v3;
	v3 =	vsub.f32 $0.0e+00, v5  }
0x205: {  	v2 =	vmul.f32 v1, v2;
	[tilespmem:s29+$0x100A0] =	vst v4  }
0x206: {  	[tilespmem:s29+$0x10120] =	vst v3  }
0x207: {  	[tilespmem:s29+$0x101A0] =	vst v2  }
0x208: {  	v44 =	vld [tilespmem:$0x1FD50]  }
0x209: {  	v56 =	vmul.f32 v1, v53;
	v46 =	vld [tilespmem:$0x1FD70]  }
0x20a: {  	v3 =	vmul.f32 v1, v52;
	v45 =	vld [tilespmem:$0x1FD60]  }
0x20b: {  	v57 =	vmul.f32 v1, v55;
	v2 =	vsub.f32 $0.0e+00, v56;
	v47 =	vld [tilespmem:$0x1FD80]  }
0x20c: {  	v1 =	vmul.f32 v1, v54;
	v49 =	vld [tilespmem:$0x1FDA0];
	[tilespmem:s29+$0x10220] =	vst v3  }
0x20d: {  	v48 =	vld [tilespmem:$0x1FD90];
	[tilespmem:s29+$0x102A0] =	vst v2;
	v2 =	vsub.f32 $0.0e+00, v57  }
0x20e: {  	v51 =	vld [tilespmem:$0x1FDC0];
	[tilespmem:s29+$0x10320] =	vst v1  }
0x20f: {  	v50 =	vld [tilespmem:$0x1FDB0];
	[tilespmem:s29+$0x103A0] =	vst v2  }
0x210: {  	v1 =	vld.idx.msk [tilespmem:v44+s3+$0x0], $0xffff  }
0x211: {  	v2 =	vld.idx.msk [tilespmem:v46+s3+$0x0], $0xffff  }
0x212: {  	v3 =	vld.idx.msk [tilespmem:v45+s3+$0x0], $0xffff  }
0x213: {  	v58 =	vld.idx.msk [tilespmem:v47+s3+$0x0], $0xffff  }
0x214: {  	v59 =	vld.idx.msk [tilespmem:v49+s3+$0x0], $0xffff  }
0x215: {  	v60 =	vld.idx.msk [tilespmem:v48+s3+$0x0], $0xffff;
	v1 =	vsub.f32 $0.0e+00, v1  }
0x216: {  	v61 =	vld.idx.msk [tilespmem:v51+s3+$0x0], $0xffff;
	v2 =	vsub.f32 $0.0e+00, v2  }
0x217: {  	v62 =	vld.idx.msk [tilespmem:v50+s3+$0x0], $0xffff;
	v63 =	vmax.f32 v1, v3  }
0x218: {  	v9 =	vmax.f32 v63, v2  }
0x219: {  	v5 =	vsub.f32 $0.0e+00, v59;
	v9 =	vmax.f32 v9, v58  }
0x21a: {  	v9 =	vmax.f32 v9, v60  }
0x21b: {  	v7 =	vsub.f32 $0.0e+00, v61;
	v9 =	vmax.f32 v9, v5  }
0x21c: {  	v9 =	vmax.f32 v9, v62  }
0x21d: {  	v9 =	vmax.f32 v9, v7  }
0x21e: {  	v1 =	vsub.f32 v1, v9  }
0x21f: {  	v3 =	vsub.f32 v3, v9  }
0x220: {  	v1 =	vmul.f32 $1.442695020e+00, v1  }
0x221: {  	v2 =	vsub.f32 v2, v9;
	v3 =	vmul.f32 $1.442695020e+00, v3  }
0x222: {  	(erf) = vpow2.f32 v1  }
0x223: {  	v1 =	vmul.f32 $1.442695020e+00, v2;
	v2 =	vsub.f32 v58, v9;
	(erf) = vpow2.f32 v3;
	_ =	sdelay $0x1  }
0x224: {  	(erf) = vpow2.f32 v1;
	v1 =	vmul.f32 $1.442695020e+00, v2;
	v2 =	vsub.f32 v60, v9;
	_ =	sdelay $0x1  }
0x225: {  	(erf) = vpow2.f32 v1;
	v1 =	vmul.f32 $1.442695020e+00, v2;
	v2 =	vsub.f32 v5, v9;
	_ =	sdelay $0x1  }
0x226: {  	(erf) = vpow2.f32 v1;
	v1 =	vmul.f32 $1.442695020e+00, v2;
	v2 =	vsub.f32 v62, v9;
	_ =	sdelay $0x1  }
0x227: {  	v3 =	vpop (erf);
	(erf) = vpow2.f32 v1;
	v1 =	vmul.f32 $1.442695020e+00, v2;
	v2 =	vsub.f32 v7, v9  }
0x228: {  	v12 =	vpop (erf)  }
0x229: {  	(erf) = vpow2.f32 v1;
	v1 =	vmul.f32 $1.442695020e+00, v2;
	v2 =	vadd.f32 v12, v3;
	_ =	sdelay $0x1  }
0x22a: {  	v13 =	vpop (erf)  }
0x22b: {  	(erf) = vpow2.f32 v1;
	v1 =	vadd.f32 v2, v13  }
0x22c: {  	v2 =	vpop (erf)  }
0x22d: {  	v1 =	vadd.f32 v1, v2  }
0x22e: {  	v14 =	vpop (erf)  }
0x22f: {  	v1 =	vadd.f32 v1, v14  }
0x230: {  	v15 =	vpop (erf)  }
0x231: {  	v1 =	vadd.f32 v1, v15  }
0x232: {  	v16 =	vpop (erf)  }
0x233: {  	v1 =	vadd.f32 v1, v16  }
0x234: {  	v17 =	vpop (erf)  }
0x235: {  	v1 =	vadd.f32 v1, v17;
	_ =	sdelay $0x1  }
0x236: {  	(erf) = vrcp.f32 v1;
	_ =	sdelay $0x8  }
0x237: {  	v1 =	vpop (erf)  }
0x238: {  	v1 =	vmul.f32 v1, v0;
	_ =	sdelay $0x1  }
0x239: {  	v3 =	vmul.f32 v1, v3;
	v4 =	vmul.f32 v1, v12  }
0x23a: {  	v2 =	vmul.f32 v1, v2;
	v18 =	vmul.f32 v1, v15  }
0x23b: {  	v52 =	vld [tilespmem:$0x1FDD0];
	v5 =	vmul.f32 v1, v13;
	v3 =	vsub.f32 $0.0e+00, v3;
	[tilespmem:s29+$0x100B0] =	vst v4  }
0x23c: {  	v54 =	vld [tilespmem:$0x1FDF0];
	v19 =	vmul.f32 v1, v17;
	[tilespmem:s29+$0x101B0] =	vst v2;
	v2 =	vsub.f32 $0.0e+00, v18  }
0x23d: {  	v53 =	vld [tilespmem:$0x1FDE0];
	[tilespmem:s29+$0x10030] =	vst v3;
	v3 =	vsub.f32 $0.0e+00, v5  }
0x23e: {  	v55 =	vld [tilespmem:$0x1FE00];
	[tilespmem:s29+$0x102B0] =	vst v2;
	v2 =	vsub.f32 $0.0e+00, v19  }
0x23f: {  	v57 =	vld [tilespmem:$0x1FE20];
	[tilespmem:s29+$0x10130] =	vst v3;
	v3 =	vmul.f32 v1, v14  }
0x240: {  	v56 =	vld [tilespmem:$0x1FE10];
	v1 =	vmul.f32 v1, v16;
	[tilespmem:s29+$0x103B0] =	vst v2  }
0x241: {  	v59 =	vld [tilespmem:$0x1FE40];
	[tilespmem:s29+$0x10230] =	vst v3  }
0x242: {  	v58 =	vld [tilespmem:$0x1FE30];
	[tilespmem:s29+$0x10330] =	vst v1  }
0x243: {  	v1 =	vld.idx.msk [tilespmem:v52+s3+$0x0], $0xffff  }
0x244: {  	v2 =	vld.idx.msk [tilespmem:v54+s3+$0x0], $0xffff  }
0x245: {  	v3 =	vld.idx.msk [tilespmem:v53+s3+$0x0], $0xffff  }
0x246: {  	v20 =	vld.idx.msk [tilespmem:v55+s3+$0x0], $0xffff  }
0x247: {  	v21 =	vld.idx.msk [tilespmem:v57+s3+$0x0], $0xffff  }
0x248: {  	v22 =	vld.idx.msk [tilespmem:v56+s3+$0x0], $0xffff;
	v1 =	vsub.f32 $0.0e+00, v1  }
0x249: {  	v60 =	vld.idx.msk [tilespmem:v59+s3+$0x0], $0xffff;
	v2 =	vsub.f32 $0.0e+00, v2  }
0x24a: {  	v61 =	vld.idx.msk [tilespmem:v58+s3+$0x0], $0xffff;
	v62 =	vmax.f32 v1, v3  }
0x24b: {  	v9 =	vmax.f32 v62, v2  }
0x24c: {  	v5 =	vsub.f32 $0.0e+00, v21;
	v9 =	vmax.f32 v9, v20  }
0x24d: {  	v9 =	vmax.f32 v9, v22  }
0x24e: {  	v7 =	vsub.f32 $0.0e+00, v60;
	v9 =	vmax.f32 v9, v5  }
0x24f: {  	v9 =	vmax.f32 v9, v61  }
0x250: {  	v9 =	vmax.f32 v9, v7  }
0x251: {  	v1 =	vsub.f32 v1, v9  }
0x252: {  	v3 =	vsub.f32 v3, v9  }
0x253: {  	v1 =	vmul.f32 $1.442695020e+00, v1  }
0x254: {  	v2 =	vsub.f32 v2, v9;
	v3 =	vmul.f32 $1.442695020e+00, v3  }
0x255: {  	(erf) = vpow2.f32 v1  }
0x256: {  	v1 =	vmul.f32 $1.442695020e+00, v2;
	v2 =	vsub.f32 v20, v9;
	(erf) = vpow2.f32 v3;
	_ =	sdelay $0x1  }
0x257: {  	(erf) = vpow2.f32 v1;
	v1 =	vmul.f32 $1.442695020e+00, v2;
	v2 =	vsub.f32 v22, v9;
	_ =	sdelay $0x1  }
0x258: {  	(erf) = vpow2.f32 v1;
	v1 =	vmul.f32 $1.442695020e+00, v2;
	v2 =	vsub.f32 v5, v9;
	_ =	sdelay $0x1  }
0x259: {  	(erf) = vpow2.f32 v1;
	v1 =	vmul.f32 $1.442695020e+00, v2;
	v2 =	vsub.f32 v61, v9;
	_ =	sdelay $0x1  }
0x25a: {  	v3 =	vpop (erf);
	(erf) = vpow2.f32 v1;
	v1 =	vmul.f32 $1.442695020e+00, v2;
	v2 =	vsub.f32 v7, v9  }
0x25b: {  	v63 =	vpop (erf)  }
0x25c: {  	(erf) = vpow2.f32 v1;
	v1 =	vmul.f32 $1.442695020e+00, v2;
	v2 =	vadd.f32 v63, v3;
	_ =	sdelay $0x1  }
0x25d: {  	v12 =	vpop (erf)  }
0x25e: {  	(erf) = vpow2.f32 v1;
	v1 =	vadd.f32 v2, v12  }
0x25f: {  	v2 =	vpop (erf)  }
0x260: {  	v1 =	vadd.f32 v1, v2  }
0x261: {  	v13 =	vpop (erf)  }
0x262: {  	v1 =	vadd.f32 v1, v13  }
0x263: {  	v14 =	vpop (erf)  }
0x264: {  	v1 =	vadd.f32 v1, v14  }
0x265: {  	v15 =	vpop (erf)  }
0x266: {  	v1 =	vadd.f32 v1, v15  }
0x267: {  	v16 =	vpop (erf)  }
0x268: {  	v1 =	vadd.f32 v1, v16;
	_ =	sdelay $0x1  }
0x269: {  	(erf) = vrcp.f32 v1;
	_ =	sdelay $0x8  }
0x26a: {  	v1 =	vpop (erf)  }
0x26b: {  	v1 =	vmul.f32 v1, v0;
	_ =	sdelay $0x1  }
0x26c: {  	v3 =	vmul.f32 v1, v3;
	v4 =	vmul.f32 v1, v63  }
0x26d: {  	v2 =	vmul.f32 v1, v2;
	v17 =	vmul.f32 v1, v14  }
0x26e: {  	v60 =	vld [tilespmem:$0x1FE50];
	v5 =	vmul.f32 v1, v12;
	v3 =	vsub.f32 $0.0e+00, v3;
	[tilespmem:s29+$0x100C0] =	vst v4  }
0x26f: {  	v62 =	vld [tilespmem:$0x1FE70];
	v18 =	vmul.f32 v1, v16;
	[tilespmem:s29+$0x101C0] =	vst v2;
	v2 =	vsub.f32 $0.0e+00, v17  }
0x270: {  	v61 =	vld [tilespmem:$0x1FE60];
	[tilespmem:s29+$0x10040] =	vst v3;
	v3 =	vsub.f32 $0.0e+00, v5  }
0x271: {  	v63 =	vld [tilespmem:$0x1FE80];
	[tilespmem:s29+$0x102C0] =	vst v2;
	v2 =	vsub.f32 $0.0e+00, v18  }
0x272: {  	v11 =	vld [tilespmem:$0x1FEA0];
	[tilespmem:s29+$0x10140] =	vst v3;
	v3 =	vmul.f32 v1, v13  }
0x273: {  	v10 =	vld [tilespmem:$0x1FE90];
	v1 =	vmul.f32 v1, v15;
	[tilespmem:s29+$0x103C0] =	vst v2  }
0x274: {  	v14 =	vld [tilespmem:$0x1FEC0];
	[tilespmem:s29+$0x10240] =	vst v3  }
0x275: {  	v13 =	vld [tilespmem:$0x1FEB0];
	[tilespmem:s29+$0x10340] =	vst v1  }
0x276: {  	v1 =	vld.idx.msk [tilespmem:v60+s3+$0x0], $0xffff  }
0x277: {  	v2 =	vld.idx.msk [tilespmem:v62+s3+$0x0], $0xffff  }
0x278: {  	v3 =	vld.idx.msk [tilespmem:v61+s3+$0x0], $0xffff  }
0x279: {  	v19 =	vld.idx.msk [tilespmem:v63+s3+$0x0], $0xffff  }
0x27a: {  	v20 =	vld.idx.msk [tilespmem:v11+s3+$0x0], $0xffff  }
0x27b: {  	v21 =	vld.idx.msk [tilespmem:v10+s3+$0x0], $0xffff;
	v1 =	vsub.f32 $0.0e+00, v1  }
0x27c: {  	v22 =	vld.idx.msk [tilespmem:v14+s3+$0x0], $0xffff;
	v2 =	vsub.f32 $0.0e+00, v2  }
0x27d: {  	v16 =	vld.idx.msk [tilespmem:v13+s3+$0x0], $0xffff;
	v17 =	vmax.f32 v1, v3  }
0x27e: {  	v9 =	vmax.f32 v17, v2  }
0x27f: {  	v5 =	vsub.f32 $0.0e+00, v20;
	v9 =	vmax.f32 v9, v19  }
0x280: {  	v9 =	vmax.f32 v9, v21  }
0x281: {  	v7 =	vsub.f32 $0.0e+00, v22;
	v9 =	vmax.f32 v9, v5  }
0x282: {  	v9 =	vmax.f32 v9, v16  }
0x283: {  	v9 =	vmax.f32 v9, v7  }
0x284: {  	v1 =	vsub.f32 v1, v9  }
0x285: {  	v3 =	vsub.f32 v3, v9  }
0x286: {  	v1 =	vmul.f32 $1.442695020e+00, v1  }
0x287: {  	v2 =	vsub.f32 v2, v9;
	v3 =	vmul.f32 $1.442695020e+00, v3  }
0x288: {  	(erf) = vpow2.f32 v1  }
0x289: {  	v1 =	vmul.f32 $1.442695020e+00, v2;
	v2 =	vsub.f32 v19, v9;
	(erf) = vpow2.f32 v3;
	_ =	sdelay $0x1  }
0x28a: {  	(erf) = vpow2.f32 v1;
	v1 =	vmul.f32 $1.442695020e+00, v2;
	v2 =	vsub.f32 v21, v9;
	_ =	sdelay $0x1  }
0x28b: {  	(erf) = vpow2.f32 v1;
	v1 =	vmul.f32 $1.442695020e+00, v2;
	v2 =	vsub.f32 v5, v9;
	_ =	sdelay $0x1  }
0x28c: {  	(erf) = vpow2.f32 v1;
	v1 =	vmul.f32 $1.442695020e+00, v2;
	v2 =	vsub.f32 v16, v9;
	_ =	sdelay $0x1  }
0x28d: {  	v3 =	vpop (erf);
	(erf) = vpow2.f32 v1;
	v1 =	vmul.f32 $1.442695020e+00, v2;
	v2 =	vsub.f32 v7, v9  }
0x28e: {  	v18 =	vpop (erf)  }
0x28f: {  	(erf) = vpow2.f32 v1;
	v1 =	vmul.f32 $1.442695020e+00, v2;
	v2 =	vadd.f32 v18, v3;
	_ =	sdelay $0x1  }
0x290: {  	v19 =	vpop (erf)  }
0x291: {  	(erf) = vpow2.f32 v1;
	v1 =	vadd.f32 v2, v19  }
0x292: {  	v2 =	vpop (erf)  }
0x293: {  	v1 =	vadd.f32 v1, v2  }
0x294: {  	v20 =	vpop (erf)  }
0x295: {  	v1 =	vadd.f32 v1, v20  }
0x296: {  	v21 =	vpop (erf)  }
0x297: {  	v1 =	vadd.f32 v1, v21  }
0x298: {  	v22 =	vpop (erf)  }
0x299: {  	v1 =	vadd.f32 v1, v22  }
0x29a: {  	v12 =	vpop (erf)  }
0x29b: {  	v1 =	vadd.f32 v1, v12;
	_ =	sdelay $0x1  }
0x29c: {  	(erf) = vrcp.f32 v1;
	_ =	sdelay $0x8  }
0x29d: {  	v1 =	vpop (erf)  }
0x29e: {  	v1 =	vmul.f32 v1, v0;
	_ =	sdelay $0x1  }
0x29f: {  	v2 =	vmul.f32 v1, v2;
	v15 =	vmul.f32 v1, v21  }
0x2a0: {  	v3 =	vmul.f32 v1, v3  }
0x2a1: {  	v16 =	vmul.f32 v1, v12;
	[tilespmem:s29+$0x101D0] =	vst v2;
	v2 =	vsub.f32 $0.0e+00, v15  }
0x2a2: {  	v5 =	vmul.f32 v1, v19;
	v3 =	vsub.f32 $0.0e+00, v3  }
0x2a3: {  	[tilespmem:s29+$0x102D0] =	vst v2;
	v2 =	vsub.f32 $0.0e+00, v16;
	v16 =	vld [tilespmem:$0x1FED0]  }
0x2a4: {  	v19 =	vld [tilespmem:$0x1FEF0];
	[tilespmem:s29+$0x10050] =	vst v3;
	v3 =	vsub.f32 $0.0e+00, v5  }
0x2a5: {  	v4 =	vmul.f32 v1, v18;
	v18 =	vld [tilespmem:$0x1FEE0]  }
0x2a6: {  	[tilespmem:s29+$0x10150] =	vst v3;
	v3 =	vmul.f32 v1, v20;
	v20 =	vld [tilespmem:$0x1FF00]  }
0x2a7: {  	[tilespmem:s29+$0x100D0] =	vst v4;
	v1 =	vmul.f32 v1, v22;
	v22 =	vld [tilespmem:$0x1FF20]  }
0x2a8: {  	v21 =	vld [tilespmem:$0x1FF10];
	[tilespmem:s29+$0x103D0] =	vst v2  }
0x2a9: {  	v15 =	vld [tilespmem:$0x1FF40];
	[tilespmem:s29+$0x10250] =	vst v3  }
0x2aa: {  	v12 =	vld [tilespmem:$0x1FF30];
	[tilespmem:s29+$0x10350] =	vst v1  }
0x2ab: {  	v1 =	vld.idx.msk [tilespmem:v16+s3+$0x0], $0xffff  }
0x2ac: {  	v2 =	vld.idx.msk [tilespmem:v19+s3+$0x0], $0xffff  }
0x2ad: {  	v3 =	vld.idx.msk [tilespmem:v18+s3+$0x0], $0xffff  }
0x2ae: {  	v4 =	vld.idx.msk [tilespmem:v20+s3+$0x0], $0xffff  }
0x2af: {  	v5 =	vld.idx.msk [tilespmem:v22+s3+$0x0], $0xffff  }
0x2b0: {  	v6 =	vld.idx.msk [tilespmem:v21+s3+$0x0], $0xffff;
	v1 =	vsub.f32 $0.0e+00, v1  }
0x2b1: {  	v7 =	vld.idx.msk [tilespmem:v15+s3+$0x0], $0xffff;
	v2 =	vsub.f32 $0.0e+00, v2  }
0x2b2: {  	v8 =	vld.idx.msk [tilespmem:v12+s3+$0x0], $0xffff;
	v17 =	vmax.f32 v1, v3  }
0x2b3: {  	v9 =	vmax.f32 v17, v2  }
0x2b4: {  	v5 =	vsub.f32 $0.0e+00, v5;
	v9 =	vmax.f32 v9, v4  }
0x2b5: {  	v9 =	vmax.f32 v9, v6  }
0x2b6: {  	v7 =	vsub.f32 $0.0e+00, v7;
	v9 =	vmax.f32 v9, v5  }
0x2b7: {  	v9 =	vmax.f32 v9, v8  }
0x2b8: {  	v9 =	vmax.f32 v9, v7  }
0x2b9: {  	v1 =	vsub.f32 v1, v9  }
0x2ba: {  	v3 =	vsub.f32 v3, v9  }
0x2bb: {  	v1 =	vmul.f32 $1.442695020e+00, v1  }
0x2bc: {  	v2 =	vsub.f32 v2, v9;
	v3 =	vmul.f32 $1.442695020e+00, v3  }
0x2bd: {  	(erf) = vpow2.f32 v1  }
0x2be: {  	v1 =	vmul.f32 $1.442695020e+00, v2;
	v2 =	vsub.f32 v4, v9;
	(erf) = vpow2.f32 v3;
	_ =	sdelay $0x1  }
0x2bf: {  	(erf) = vpow2.f32 v1;
	v1 =	vmul.f32 $1.442695020e+00, v2;
	v2 =	vsub.f32 v6, v9;
	_ =	sdelay $0x1  }
0x2c0: {  	(erf) = vpow2.f32 v1;
	v1 =	vmul.f32 $1.442695020e+00, v2;
	v2 =	vsub.f32 v5, v9;
	_ =	sdelay $0x1  }
0x2c1: {  	(erf) = vpow2.f32 v1;
	v1 =	vmul.f32 $1.442695020e+00, v2;
	v2 =	vsub.f32 v8, v9;
	_ =	sdelay $0x1  }
0x2c2: {  	v3 =	vpop (erf);
	(erf) = vpow2.f32 v1;
	v1 =	vmul.f32 $1.442695020e+00, v2;
	v2 =	vsub.f32 v7, v9  }
0x2c3: {  	v4 =	vpop (erf)  }
0x2c4: {  	(erf) = vpow2.f32 v1;
	v1 =	vmul.f32 $1.442695020e+00, v2;
	v2 =	vadd.f32 v4, v3;
	_ =	sdelay $0x1  }
0x2c5: {  	v5 =	vpop (erf)  }
0x2c6: {  	(erf) = vpow2.f32 v1;
	v1 =	vadd.f32 v2, v5  }
0x2c7: {  	v2 =	vpop (erf)  }
0x2c8: {  	v1 =	vadd.f32 v1, v2  }
0x2c9: {  	v6 =	vpop (erf)  }
0x2ca: {  	v1 =	vadd.f32 v1, v6  }
0x2cb: {  	v17 =	vpop (erf)  }
0x2cc: {  	v1 =	vadd.f32 v1, v17  }
0x2cd: {  	v8 =	vpop (erf)  }
0x2ce: {  	v1 =	vadd.f32 v1, v8  }
0x2cf: {  	v9 =	vpop (erf)  }
0x2d0: {  	v1 =	vadd.f32 v1, v9;
	_ =	sdelay $0x1  }
0x2d1: {  	(erf) = vrcp.f32 v1;
	_ =	sdelay $0x8  }
0x2d2: {  	v1 =	vpop (erf)  }
0x2d3: {  	v1 =	vmul.f32 v1, v0;
	_ =	sdelay $0x1  }
0x2d4: {  	v3 =	vmul.f32 v1, v3  }
0x2d5: {  	v2 =	vmul.f32 v1, v2;
	v17 =	vmul.f32 v1, v17  }
0x2d6: {  	v5 =	vmul.f32 v1, v5;
	v4 =	vmul.f32 v1, v4  }
0x2d7: {  	v3 =	vsub.f32 $0.0e+00, v3;
	[tilespmem:s29+$0x101E0] =	vst v2;
	v2 =	vsub.f32 $0.0e+00, v17;
	v17 =	vmul.f32 v1, v9;
	v9 =	vld [tilespmem:$0x1FF80]  }
0x2d8: {  	[tilespmem:s29+$0x100E0] =	vst v4  }
0x2d9: {  	[tilespmem:s29+$0x10060] =	vst v3;
	v3 =	vsub.f32 $0.0e+00, v5  }
0x2da: {  	[tilespmem:s29+$0x102E0] =	vst v2;
	v2 =	vsub.f32 $0.0e+00, v17  }
0x2db: {  	[tilespmem:s29+$0x10160] =	vst v3;
	v3 =	vmul.f32 v1, v6  }
0x2dc: {  	v1 =	vmul.f32 v1, v8;
	[tilespmem:s29+$0x103E0] =	vst v2  }
0x2dd: {  	[tilespmem:s29+$0x10260] =	vst v3  }
0x2de: {  	v8 =	vld [tilespmem:$0x1FFA0];
	[tilespmem:s29+$0x10360] =	vst v1  }
0x2df: {  	v4 =	vld.idx.msk [tilespmem:v9+s3+$0x0], $0xffff  }
0x2e0: {  	v9 =	vld [tilespmem:$0x1FF90];
	_ =	sdelay $0x2  }
0x2e1: {  	v17 =	vld [tilespmem:$0x1FF50]  }
0x2e2: {  	v2 =	vld [tilespmem:$0x1FF70]  }
0x2e3: {  	v3 =	vld [tilespmem:$0x1FF60];
	_ =	sdelay $0x1  }
0x2e4: {  	v5 =	vld.idx.msk [tilespmem:v8+s3+$0x0], $0xffff  }
0x2e5: {  	v6 =	vld.idx.msk [tilespmem:v9+s3+$0x0], $0xffff  }
0x2e6: {  	v9 =	vld [tilespmem:$0x1FFC0]  }
0x2e7: {  	v8 =	vld [tilespmem:$0x1FFB0]  }
0x2e8: {  	v1 =	vld.idx.msk [tilespmem:v17+s3+$0x0], $0xffff  }
0x2e9: {  	v2 =	vld.idx.msk [tilespmem:v2+s3+$0x0], $0xffff  }
0x2ea: {  	v3 =	vld.idx.msk [tilespmem:v3+s3+$0x0], $0xffff;
	_ =	sdelay $0x2  }
0x2eb: {  	v1 =	vsub.f32 $0.0e+00, v1  }
0x2ec: {  	v2 =	vsub.f32 $0.0e+00, v2;
	v7 =	vld.idx.msk [tilespmem:v9+s3+$0x0], $0xffff  }
0x2ed: {  	v8 =	vld.idx.msk [tilespmem:v8+s3+$0x0], $0xffff;
	v9 =	vmax.f32 v1, v3  }
0x2ee: {  	v9 =	vmax.f32 v9, v2  }
0x2ef: {  	v5 =	vsub.f32 $0.0e+00, v5;
	v9 =	vmax.f32 v9, v4  }
0x2f0: {  	v9 =	vmax.f32 v9, v6  }
0x2f1: {  	v9 =	vmax.f32 v9, v5;
	v7 =	vsub.f32 $0.0e+00, v7  }
0x2f2: {  	v9 =	vmax.f32 v9, v8  }
0x2f3: {  	v9 =	vmax.f32 v9, v7  }
0x2f4: {  	v1 =	vsub.f32 v1, v9  }
0x2f5: {  	v3 =	vsub.f32 v3, v9  }
0x2f6: {  	v1 =	vmul.f32 $1.442695020e+00, v1  }
0x2f7: {  	v2 =	vsub.f32 v2, v9;
	v3 =	vmul.f32 $1.442695020e+00, v3  }
0x2f8: {  	(erf) = vpow2.f32 v1  }
0x2f9: {  	v1 =	vmul.f32 $1.442695020e+00, v2;
	v2 =	vsub.f32 v4, v9;
	(erf) = vpow2.f32 v3;
	_ =	sdelay $0x1  }
0x2fa: {  	(erf) = vpow2.f32 v1;
	v1 =	vmul.f32 $1.442695020e+00, v2;
	v2 =	vsub.f32 v6, v9;
	_ =	sdelay $0x1  }
0x2fb: {  	(erf) = vpow2.f32 v1;
	v1 =	vmul.f32 $1.442695020e+00, v2;
	v2 =	vsub.f32 v5, v9;
	_ =	sdelay $0x1  }
0x2fc: {  	(erf) = vpow2.f32 v1;
	v1 =	vmul.f32 $1.442695020e+00, v2;
	v2 =	vsub.f32 v8, v9;
	_ =	sdelay $0x1  }
0x2fd: {  	v3 =	vpop (erf);
	(erf) = vpow2.f32 v1;
	v1 =	vmul.f32 $1.442695020e+00, v2;
	v2 =	vsub.f32 v7, v9  }
0x2fe: {  	v4 =	vpop (erf)  }
0x2ff: {  	(erf) = vpow2.f32 v1;
	v1 =	vmul.f32 $1.442695020e+00, v2;
	v2 =	vadd.f32 v4, v3;
	_ =	sdelay $0x1  }
0x300: {  	v5 =	vpop (erf)  }
0x301: {  	(erf) = vpow2.f32 v1;
	v1 =	vadd.f32 v2, v5  }
0x302: {  	v2 =	vpop (erf)  }
0x303: {  	v1 =	vadd.f32 v1, v2  }
0x304: {  	v6 =	vpop (erf)  }
0x305: {  	v1 =	vadd.f32 v1, v6  }
0x306: {  	v7 =	vpop (erf)  }
0x307: {  	v1 =	vadd.f32 v1, v7  }
0x308: {  	v8 =	vpop (erf)  }
0x309: {  	v1 =	vadd.f32 v1, v8  }
0x30a: {  	v9 =	vpop (erf)  }
0x30b: {  	v1 =	vadd.f32 v1, v9;
	_ =	sdelay $0x1  }
0x30c: {  	(erf) = vrcp.f32 v1;
	_ =	sdelay $0x8  }
0x30d: {  	v1 =	vpop (erf)  }
0x30e: {  	v1 =	vmul.f32 v1, v0;
	_ =	sdelay $0x1  }
0x30f: {  	v3 =	vmul.f32 v1, v3  }
0x310: {  	v4 =	vmul.f32 v1, v4  }
0x311: {  	v5 =	vmul.f32 v1, v5;
	v3 =	vsub.f32 $0.0e+00, v3  }
0x312: {  	v2 =	vmul.f32 v1, v2;
	[tilespmem:s29+$0x100F0] =	vst v4;
	v4 =	vmul.f32 v1, v7  }
0x313: {  	[tilespmem:s29+$0x10070] =	vst v3;
	v3 =	vsub.f32 $0.0e+00, v5  }
0x314: {  	[tilespmem:s29+$0x101F0] =	vst v2;
	v2 =	vsub.f32 $0.0e+00, v4  }
0x315: {  	v9 =	vmul.f32 v1, v9;
	[tilespmem:s29+$0x10170] =	vst v3;
	v3 =	vmul.f32 v1, v6  }
0x316: {  	v1 =	vmul.f32 v1, v8;
	[tilespmem:s29+$0x102F0] =	vst v2  }
0x317: {  	v2 =	vsub.f32 $0.0e+00, v9;
	[tilespmem:s29+$0x10270] =	vst v3  }
0x318: {  	[tilespmem:s29+$0x10370] =	vst v1  }
0x319: {  	s17 =	simm.s32 @!p1 $0x0;
	[tilespmem:s29+$0x103F0] =	vst v2  }
0x31a: {  	[tilespmem:s17], [sflag:$0x1] =	stream.linear.gather @!p1 [hbm4b:s6+s17], $0x8000, $0x38;
	[tilespmem:$0x11010] =	vst v63  }
0x31b: {  	_ =	swait.ge [sflag:s13], $0x8000  }
0x31c: {  	[sflag:s13] =	ssyncset.done $0x0;
	v2 =	vld [tilespmem:$0x1FFD0]  }
0x31d: {  	[sflag:s13] =	ssyncadd.s32 $0xFFFF8000  }
0x31e: {  	v4 =	vld.idx.msk [tilespmem:v25+s11+$0x0], $0xffff  }
0x31f: {  	v25 =	vld [tilespmem:$0x1FFE0]  }
0x320: {  	v1 =	vld.idx.msk [tilespmem:v23+s11+$0x0], $0xffff  }
0x321: {  	v23 =	vld [tilespmem:$0x1FFF0];
	_ =	sdelay $0x2  }
0x322: {  	v2 =	vld.idx.msk [tilespmem:v2+s11+$0x0], $0xffff  }
0x323: {  	v3 =	vld.idx.msk [tilespmem:v24+s11+$0x0], $0xffff;
	_ =	sdelay $0x1  }
0x324: {  	v5 =	vld.idx.msk [tilespmem:v25+s11+$0x0], $0xffff  }
0x325: {  	v26 =	vld.idx.msk [tilespmem:v26+s11+$0x0], $0xffff;
	v1 =	vsub.f32 $0.0e+00, v1  }
0x326: {  	v7 =	vld.idx.msk [tilespmem:v23+s11+$0x0], $0xffff;
	v2 =	vsub.f32 $0.0e+00, v2  }
0x327: {  	v24 =	vld.idx.msk [tilespmem:v27+s11+$0x0], $0xffff;
	v25 =	vmax.f32 v1, v3  }
0x328: {  	v9 =	vmax.f32 v25, v2  }
0x329: {  	v5 =	vsub.f32 $0.0e+00, v5;
	v9 =	vmax.f32 v9, v4  }
0x32a: {  	v9 =	vmax.f32 v9, v26  }
0x32b: {  	v7 =	vsub.f32 $0.0e+00, v7;
	v9 =	vmax.f32 v9, v5  }
0x32c: {  	v9 =	vmax.f32 v9, v24  }
0x32d: {  	v9 =	vmax.f32 v9, v7  }
0x32e: {  	v1 =	vsub.f32 v1, v9  }
0x32f: {  	v3 =	vsub.f32 v3, v9  }
0x330: {  	v1 =	vmul.f32 $1.442695020e+00, v1  }
0x331: {  	v2 =	vsub.f32 v2, v9;
	v3 =	vmul.f32 $1.442695020e+00, v3  }
0x332: {  	(erf) = vpow2.f32 v1  }
0x333: {  	v1 =	vmul.f32 $1.442695020e+00, v2;
	v2 =	vsub.f32 v4, v9;
	(erf) = vpow2.f32 v3;
	_ =	sdelay $0x1  }
0x334: {  	(erf) = vpow2.f32 v1;
	v1 =	vmul.f32 $1.442695020e+00, v2;
	v2 =	vsub.f32 v26, v9;
	_ =	sdelay $0x1  }
0x335: {  	(erf) = vpow2.f32 v1;
	v1 =	vmul.f32 $1.442695020e+00, v2;
	v2 =	vsub.f32 v5, v9;
	_ =	sdelay $0x1  }
0x336: {  	(erf) = vpow2.f32 v1;
	v1 =	vmul.f32 $1.442695020e+00, v2;
	v2 =	vsub.f32 v24, v9;
	_ =	sdelay $0x1  }
0x337: {  	v3 =	vpop (erf);
	(erf) = vpow2.f32 v1;
	v1 =	vmul.f32 $1.442695020e+00, v2;
	v2 =	vsub.f32 v7, v9  }
0x338: {  	v4 =	vpop (erf)  }
0x339: {  	(erf) = vpow2.f32 v1;
	v1 =	vmul.f32 $1.442695020e+00, v2;
	v2 =	vadd.f32 v4, v3;
	_ =	sdelay $0x1  }
0x33a: {  	v26 =	vpop (erf)  }
0x33b: {  	(erf) = vpow2.f32 v1;
	v1 =	vadd.f32 v2, v26  }
0x33c: {  	v2 =	vpop (erf)  }
0x33d: {  	v1 =	vadd.f32 v1, v2  }
0x33e: {  	v27 =	vpop (erf)  }
0x33f: {  	v1 =	vadd.f32 v1, v27  }
0x340: {  	v23 =	vpop (erf)  }
0x341: {  	v1 =	vadd.f32 v1, v23  }
0x342: {  	v24 =	vpop (erf)  }
0x343: {  	v1 =	vadd.f32 v1, v24  }
0x344: {  	v25 =	vpop (erf)  }
0x345: {  	v1 =	vadd.f32 v1, v25;
	_ =	sdelay $0x1  }
0x346: {  	(erf) = vrcp.f32 v1;
	_ =	sdelay $0x8  }
0x347: {  	v1 =	vpop (erf)  }
0x348: {  	v1 =	vmul.f32 v1, v0;
	_ =	sdelay $0x1  }
0x349: {  	v3 =	vmul.f32 v1, v3  }
0x34a: {  	s30 =	sor.u32 $0x1000, s16;
	v4 =	vmul.f32 v1, v4  }
0x34b: {  	s31 =	sshra.s32 s30, $0x2;
	v5 =	vmul.f32 v1, v26;
	v3 =	vsub.f32 $0.0e+00, v3  }
0x34c: {  	v2 =	vmul.f32 v1, v2;
	v26 =	vmul.f32 v1, v23;
	[tilespmem:s31+$0x10080] =	vst v4  }
0x34d: {  	[tilespmem:s31+$0x10000] =	vst v3;
	v3 =	vsub.f32 $0.0e+00, v5  }
0x34e: {  	[tilespmem:s31+$0x10180] =	vst v2;
	v2 =	vsub.f32 $0.0e+00, v26  }
0x34f: {  	[tilespmem:s31+$0x10100] =	vst v3;
	v3 =	vmul.f32 v1, v27;
	v27 =	vmul.f32 v1, v25  }
0x350: {  	[tilespmem:s31+$0x10280] =	vst v2;
	v1 =	vmul.f32 v1, v24  }
0x351: {  	[tilespmem:s31+$0x10200] =	vst v3;
	v2 =	vsub.f32 $0.0e+00, v27  }
0x352: {  	[tilespmem:s31+$0x10300] =	vst v1  }
0x353: {  	[tilespmem:s31+$0x10380] =	vst v2  }
0x354: {  	v1 =	vld.idx.msk [tilespmem:v28+s11+$0x0], $0xffff  }
0x355: {  	v2 =	vld.idx.msk [tilespmem:v30+s11+$0x0], $0xffff  }
0x356: {  	v3 =	vld.idx.msk [tilespmem:v29+s11+$0x0], $0xffff  }
0x357: {  	v31 =	vld.idx.msk [tilespmem:v31+s11+$0x0], $0xffff  }
0x358: {  	v23 =	vld.idx.msk [tilespmem:v33+s11+$0x0], $0xffff  }
0x359: {  	v24 =	vld.idx.msk [tilespmem:v32+s11+$0x0], $0xffff;
	v1 =	vsub.f32 $0.0e+00, v1  }
0x35a: {  	v25 =	vld.idx.msk [tilespmem:v35+s11+$0x0], $0xffff;
	v2 =	vsub.f32 $0.0e+00, v2  }
0x35b: {  	v26 =	vld.idx.msk [tilespmem:v34+s11+$0x0], $0xffff;
	v27 =	vmax.f32 v1, v3  }
0x35c: {  	v9 =	vmax.f32 v27, v2  }
0x35d: {  	v5 =	vsub.f32 $0.0e+00, v23;
	v9 =	vmax.f32 v9, v31  }
0x35e: {  	v9 =	vmax.f32 v9, v24  }
0x35f: {  	v7 =	vsub.f32 $0.0e+00, v25;
	v9 =	vmax.f32 v9, v5  }
0x360: {  	v9 =	vmax.f32 v9, v26  }
0x361: {  	v9 =	vmax.f32 v9, v7  }
0x362: {  	v1 =	vsub.f32 v1, v9  }
0x363: {  	v3 =	vsub.f32 v3, v9  }
0x364: {  	v1 =	vmul.f32 $1.442695020e+00, v1  }
0x365: {  	v2 =	vsub.f32 v2, v9;
	v3 =	vmul.f32 $1.442695020e+00, v3  }
0x366: {  	(erf) = vpow2.f32 v1  }
0x367: {  	v1 =	vmul.f32 $1.442695020e+00, v2;
	v2 =	vsub.f32 v31, v9;
	(erf) = vpow2.f32 v3;
	_ =	sdelay $0x1  }
0x368: {  	(erf) = vpow2.f32 v1;
	v1 =	vmul.f32 $1.442695020e+00, v2;
	v2 =	vsub.f32 v24, v9;
	_ =	sdelay $0x1  }
0x369: {  	(erf) = vpow2.f32 v1;
	v1 =	vmul.f32 $1.442695020e+00, v2;
	v2 =	vsub.f32 v5, v9;
	_ =	sdelay $0x1  }
0x36a: {  	(erf) = vpow2.f32 v1;
	v1 =	vmul.f32 $1.442695020e+00, v2;
	v2 =	vsub.f32 v26, v9;
	_ =	sdelay $0x1  }
0x36b: {  	v3 =	vpop (erf);
	(erf) = vpow2.f32 v1;
	v1 =	vmul.f32 $1.442695020e+00, v2;
	v2 =	vsub.f32 v7, v9  }
0x36c: {  	v28 =	vpop (erf)  }
0x36d: {  	(erf) = vpow2.f32 v1;
	v1 =	vmul.f32 $1.442695020e+00, v2;
	v2 =	vadd.f32 v28, v3;
	_ =	sdelay $0x1  }
0x36e: {  	v29 =	vpop (erf)  }
0x36f: {  	(erf) = vpow2.f32 v1;
	v1 =	vadd.f32 v2, v29  }
0x370: {  	v2 =	vpop (erf)  }
0x371: {  	v1 =	vadd.f32 v1, v2  }
0x372: {  	v30 =	vpop (erf)  }
0x373: {  	v1 =	vadd.f32 v1, v30  }
0x374: {  	v31 =	vpop (erf)  }
0x375: {  	v1 =	vadd.f32 v1, v31  }
0x376: {  	v32 =	vpop (erf)  }
0x377: {  	v1 =	vadd.f32 v1, v32  }
0x378: {  	v33 =	vpop (erf)  }
0x379: {  	v1 =	vadd.f32 v1, v33;
	_ =	sdelay $0x1  }
0x37a: {  	(erf) = vrcp.f32 v1;
	_ =	sdelay $0x8  }
0x37b: {  	v1 =	vpop (erf)  }
0x37c: {  	v1 =	vmul.f32 v1, v0;
	_ =	sdelay $0x1  }
0x37d: {  	v3 =	vmul.f32 v1, v3;
	v4 =	vmul.f32 v1, v28  }
0x37e: {  	v2 =	vmul.f32 v1, v2;
	v34 =	vmul.f32 v1, v31  }
0x37f: {  	v5 =	vmul.f32 v1, v29;
	v3 =	vsub.f32 $0.0e+00, v3;
	[tilespmem:s31+$0x10090] =	vst v4  }
0x380: {  	v35 =	vmul.f32 v1, v33;
	[tilespmem:s31+$0x10190] =	vst v2;
	v2 =	vsub.f32 $0.0e+00, v34  }
0x381: {  	[tilespmem:s31+$0x10010] =	vst v3;
	v3 =	vsub.f32 $0.0e+00, v5  }
0x382: {  	[tilespmem:s31+$0x10290] =	vst v2;
	v2 =	vsub.f32 $0.0e+00, v35  }
0x383: {  	[tilespmem:s31+$0x10110] =	vst v3;
	v3 =	vmul.f32 v1, v30  }
0x384: {  	v1 =	vmul.f32 v1, v32;
	[tilespmem:s31+$0x10390] =	vst v2  }
0x385: {  	[tilespmem:s31+$0x10210] =	vst v3  }
0x386: {  	[tilespmem:s31+$0x10310] =	vst v1  }
0x387: {  	v1 =	vld.idx.msk [tilespmem:v36+s11+$0x0], $0xffff  }
0x388: {  	v2 =	vld.idx.msk [tilespmem:v38+s11+$0x0], $0xffff  }
0x389: {  	v3 =	vld.idx.msk [tilespmem:v37+s11+$0x0], $0xffff  }
0x38a: {  	v38 =	vld.idx.msk [tilespmem:v39+s11+$0x0], $0xffff  }
0x38b: {  	v39 =	vld.idx.msk [tilespmem:v41+s11+$0x0], $0xffff  }
0x38c: {  	v40 =	vld.idx.msk [tilespmem:v40+s11+$0x0], $0xffff;
	v1 =	vsub.f32 $0.0e+00, v1  }
0x38d: {  	v41 =	vld.idx.msk [tilespmem:v43+s11+$0x0], $0xffff;
	v2 =	vsub.f32 $0.0e+00, v2  }
0x38e: {  	v43 =	vld.idx.msk [tilespmem:v42+s11+$0x0], $0xffff;
	v23 =	vmax.f32 v1, v3  }
0x38f: {  	v9 =	vmax.f32 v23, v2  }
0x390: {  	v5 =	vsub.f32 $0.0e+00, v39;
	v9 =	vmax.f32 v9, v38  }
0x391: {  	v9 =	vmax.f32 v9, v40  }
0x392: {  	v7 =	vsub.f32 $0.0e+00, v41;
	v9 =	vmax.f32 v9, v5  }
0x393: {  	v9 =	vmax.f32 v9, v43  }
0x394: {  	v9 =	vmax.f32 v9, v7  }
0x395: {  	v1 =	vsub.f32 v1, v9  }
0x396: {  	v3 =	vsub.f32 v3, v9  }
0x397: {  	v1 =	vmul.f32 $1.442695020e+00, v1  }
0x398: {  	v2 =	vsub.f32 v2, v9;
	v3 =	vmul.f32 $1.442695020e+00, v3  }
0x399: {  	(erf) = vpow2.f32 v1  }
0x39a: {  	v1 =	vmul.f32 $1.442695020e+00, v2;
	v2 =	vsub.f32 v38, v9;
	(erf) = vpow2.f32 v3;
	_ =	sdelay $0x1  }
0x39b: {  	(erf) = vpow2.f32 v1;
	v1 =	vmul.f32 $1.442695020e+00, v2;
	v2 =	vsub.f32 v40, v9;
	_ =	sdelay $0x1  }
0x39c: {  	(erf) = vpow2.f32 v1;
	v1 =	vmul.f32 $1.442695020e+00, v2;
	v2 =	vsub.f32 v5, v9;
	_ =	sdelay $0x1  }
0x39d: {  	(erf) = vpow2.f32 v1;
	v1 =	vmul.f32 $1.442695020e+00, v2;
	v2 =	vsub.f32 v43, v9;
	_ =	sdelay $0x1  }
0x39e: {  	v3 =	vpop (erf);
	(erf) = vpow2.f32 v1;
	v1 =	vmul.f32 $1.442695020e+00, v2;
	v2 =	vsub.f32 v7, v9  }
0x39f: {  	v24 =	vpop (erf)  }
0x3a0: {  	(erf) = vpow2.f32 v1;
	v1 =	vmul.f32 $1.442695020e+00, v2;
	v2 =	vadd.f32 v24, v3;
	_ =	sdelay $0x1  }
0x3a1: {  	v25 =	vpop (erf)  }
0x3a2: {  	(erf) = vpow2.f32 v1;
	v1 =	vadd.f32 v2, v25  }
0x3a3: {  	v2 =	vpop (erf)  }
0x3a4: {  	v1 =	vadd.f32 v1, v2  }
0x3a5: {  	v26 =	vpop (erf)  }
0x3a6: {  	v1 =	vadd.f32 v1, v26  }
0x3a7: {  	v27 =	vpop (erf)  }
0x3a8: {  	v1 =	vadd.f32 v1, v27  }
0x3a9: {  	v28 =	vpop (erf)  }
0x3aa: {  	v1 =	vadd.f32 v1, v28  }
0x3ab: {  	v29 =	vpop (erf)  }
0x3ac: {  	v1 =	vadd.f32 v1, v29;
	_ =	sdelay $0x1  }
0x3ad: {  	(erf) = vrcp.f32 v1;
	_ =	sdelay $0x8  }
0x3ae: {  	v1 =	vpop (erf)  }
0x3af: {  	v1 =	vmul.f32 v1, v0;
	_ =	sdelay $0x1  }
0x3b0: {  	v3 =	vmul.f32 v1, v3;
	v4 =	vmul.f32 v1, v24  }
0x3b1: {  	v2 =	vmul.f32 v1, v2;
	v30 =	vmul.f32 v1, v27  }
0x3b2: {  	v5 =	vmul.f32 v1, v25;
	v3 =	vsub.f32 $0.0e+00, v3;
	[tilespmem:s31+$0x100A0] =	vst v4  }
0x3b3: {  	v31 =	vmul.f32 v1, v29;
	[tilespmem:s31+$0x101A0] =	vst v2;
	v2 =	vsub.f32 $0.0e+00, v30  }
0x3b4: {  	[tilespmem:s31+$0x10020] =	vst v3;
	v3 =	vsub.f32 $0.0e+00, v5  }
0x3b5: {  	[tilespmem:s31+$0x102A0] =	vst v2;
	v2 =	vsub.f32 $0.0e+00, v31  }
0x3b6: {  	[tilespmem:s31+$0x10120] =	vst v3;
	v3 =	vmul.f32 v1, v26  }
0x3b7: {  	v1 =	vmul.f32 v1, v28;
	[tilespmem:s31+$0x103A0] =	vst v2  }
0x3b8: {  	[tilespmem:s31+$0x10220] =	vst v3  }
0x3b9: {  	[tilespmem:s31+$0x10320] =	vst v1  }
0x3ba: {  	v1 =	vld.idx.msk [tilespmem:v44+s11+$0x0], $0xffff  }
0x3bb: {  	v2 =	vld.idx.msk [tilespmem:v46+s11+$0x0], $0xffff  }
0x3bc: {  	v3 =	vld.idx.msk [tilespmem:v45+s11+$0x0], $0xffff  }
0x3bd: {  	v32 =	vld.idx.msk [tilespmem:v47+s11+$0x0], $0xffff  }
0x3be: {  	v33 =	vld.idx.msk [tilespmem:v49+s11+$0x0], $0xffff  }
0x3bf: {  	v34 =	vld.idx.msk [tilespmem:v48+s11+$0x0], $0xffff;
	v1 =	vsub.f32 $0.0e+00, v1  }
0x3c0: {  	v35 =	vld.idx.msk [tilespmem:v51+s11+$0x0], $0xffff;
	v2 =	vsub.f32 $0.0e+00, v2  }
0x3c1: {  	v36 =	vld.idx.msk [tilespmem:v50+s11+$0x0], $0xffff;
	v37 =	vmax.f32 v1, v3  }
0x3c2: {  	v9 =	vmax.f32 v37, v2  }
0x3c3: {  	v5 =	vsub.f32 $0.0e+00, v33;
	v9 =	vmax.f32 v9, v32  }
0x3c4: {  	v9 =	vmax.f32 v9, v34  }
0x3c5: {  	v7 =	vsub.f32 $0.0e+00, v35;
	v9 =	vmax.f32 v9, v5  }
0x3c6: {  	v9 =	vmax.f32 v9, v36  }
0x3c7: {  	v9 =	vmax.f32 v9, v7  }
0x3c8: {  	v1 =	vsub.f32 v1, v9  }
0x3c9: {  	v3 =	vsub.f32 v3, v9  }
0x3ca: {  	v1 =	vmul.f32 $1.442695020e+00, v1  }
0x3cb: {  	v2 =	vsub.f32 v2, v9;
	v3 =	vmul.f32 $1.442695020e+00, v3  }
0x3cc: {  	(erf) = vpow2.f32 v1  }
0x3cd: {  	v1 =	vmul.f32 $1.442695020e+00, v2;
	v2 =	vsub.f32 v32, v9;
	(erf) = vpow2.f32 v3;
	_ =	sdelay $0x1  }
0x3ce: {  	(erf) = vpow2.f32 v1;
	v1 =	vmul.f32 $1.442695020e+00, v2;
	v2 =	vsub.f32 v34, v9;
	_ =	sdelay $0x1  }
0x3cf: {  	(erf) = vpow2.f32 v1;
	v1 =	vmul.f32 $1.442695020e+00, v2;
	v2 =	vsub.f32 v5, v9;
	_ =	sdelay $0x1  }
0x3d0: {  	(erf) = vpow2.f32 v1;
	v1 =	vmul.f32 $1.442695020e+00, v2;
	v2 =	vsub.f32 v36, v9;
	_ =	sdelay $0x1  }
0x3d1: {  	v3 =	vpop (erf);
	(erf) = vpow2.f32 v1;
	v1 =	vmul.f32 $1.442695020e+00, v2;
	v2 =	vsub.f32 v7, v9  }
0x3d2: {  	v38 =	vpop (erf)  }
0x3d3: {  	(erf) = vpow2.f32 v1;
	v1 =	vmul.f32 $1.442695020e+00, v2;
	v2 =	vadd.f32 v38, v3;
	_ =	sdelay $0x1  }
0x3d4: {  	v39 =	vpop (erf)  }
0x3d5: {  	(erf) = vpow2.f32 v1;
	v1 =	vadd.f32 v2, v39  }
0x3d6: {  	v2 =	vpop (erf)  }
0x3d7: {  	v1 =	vadd.f32 v1, v2  }
0x3d8: {  	v40 =	vpop (erf)  }
0x3d9: {  	v1 =	vadd.f32 v1, v40  }
0x3da: {  	v41 =	vpop (erf)  }
0x3db: {  	v1 =	vadd.f32 v1, v41  }
0x3dc: {  	v42 =	vpop (erf)  }
0x3dd: {  	v1 =	vadd.f32 v1, v42  }
0x3de: {  	v43 =	vpop (erf)  }
0x3df: {  	v1 =	vadd.f32 v1, v43;
	_ =	sdelay $0x1  }
0x3e0: {  	(erf) = vrcp.f32 v1;
	_ =	sdelay $0x8  }
0x3e1: {  	v1 =	vpop (erf)  }
0x3e2: {  	v1 =	vmul.f32 v1, v0;
	_ =	sdelay $0x1  }
0x3e3: {  	v3 =	vmul.f32 v1, v3;
	v4 =	vmul.f32 v1, v38  }
0x3e4: {  	v2 =	vmul.f32 v1, v2;
	v44 =	vmul.f32 v1, v41  }
0x3e5: {  	v5 =	vmul.f32 v1, v39;
	v3 =	vsub.f32 $0.0e+00, v3;
	[tilespmem:s31+$0x100B0] =	vst v4  }
0x3e6: {  	v45 =	vmul.f32 v1, v43;
	[tilespmem:s31+$0x101B0] =	vst v2;
	v2 =	vsub.f32 $0.0e+00, v44  }
0x3e7: {  	[tilespmem:s31+$0x10030] =	vst v3;
	v3 =	vsub.f32 $0.0e+00, v5  }
0x3e8: {  	[tilespmem:s31+$0x102B0] =	vst v2;
	v2 =	vsub.f32 $0.0e+00, v45  }
0x3e9: {  	[tilespmem:s31+$0x10130] =	vst v3;
	v3 =	vmul.f32 v1, v40  }
0x3ea: {  	v1 =	vmul.f32 v1, v42;
	[tilespmem:s31+$0x103B0] =	vst v2  }
0x3eb: {  	[tilespmem:s31+$0x10230] =	vst v3  }
0x3ec: {  	[tilespmem:s31+$0x10330] =	vst v1  }
0x3ed: {  	v1 =	vld.idx.msk [tilespmem:v52+s11+$0x0], $0xffff  }
0x3ee: {  	v2 =	vld.idx.msk [tilespmem:v54+s11+$0x0], $0xffff  }
0x3ef: {  	v3 =	vld.idx.msk [tilespmem:v53+s11+$0x0], $0xffff  }
0x3f0: {  	v46 =	vld.idx.msk [tilespmem:v55+s11+$0x0], $0xffff  }
0x3f1: {  	v47 =	vld.idx.msk [tilespmem:v57+s11+$0x0], $0xffff  }
0x3f2: {  	v48 =	vld.idx.msk [tilespmem:v56+s11+$0x0], $0xffff;
	v1 =	vsub.f32 $0.0e+00, v1  }
0x3f3: {  	v49 =	vld.idx.msk [tilespmem:v59+s11+$0x0], $0xffff;
	v2 =	vsub.f32 $0.0e+00, v2  }
0x3f4: {  	v50 =	vld.idx.msk [tilespmem:v58+s11+$0x0], $0xffff;
	v51 =	vmax.f32 v1, v3  }
0x3f5: {  	v9 =	vmax.f32 v51, v2  }
0x3f6: {  	v5 =	vsub.f32 $0.0e+00, v47;
	v9 =	vmax.f32 v9, v46  }
0x3f7: {  	v9 =	vmax.f32 v9, v48  }
0x3f8: {  	v7 =	vsub.f32 $0.0e+00, v49;
	v9 =	vmax.f32 v9, v5  }
0x3f9: {  	v9 =	vmax.f32 v9, v50  }
0x3fa: {  	v9 =	vmax.f32 v9, v7  }
0x3fb: {  	v1 =	vsub.f32 v1, v9  }
0x3fc: {  	v3 =	vsub.f32 v3, v9  }
0x3fd: {  	v1 =	vmul.f32 $1.442695020e+00, v1  }
0x3fe: {  	v2 =	vsub.f32 v2, v9;
	v3 =	vmul.f32 $1.442695020e+00, v3  }
0x3ff: {  	(erf) = vpow2.f32 v1  }
0x400: {  	v1 =	vmul.f32 $1.442695020e+00, v2;
	v2 =	vsub.f32 v46, v9;
	(erf) = vpow2.f32 v3;
	_ =	sdelay $0x1  }
0x401: {  	(erf) = vpow2.f32 v1;
	v1 =	vmul.f32 $1.442695020e+00, v2;
	v2 =	vsub.f32 v48, v9;
	_ =	sdelay $0x1  }
0x402: {  	(erf) = vpow2.f32 v1;
	v1 =	vmul.f32 $1.442695020e+00, v2;
	v2 =	vsub.f32 v5, v9;
	_ =	sdelay $0x1  }
0x403: {  	(erf) = vpow2.f32 v1;
	v1 =	vmul.f32 $1.442695020e+00, v2;
	v2 =	vsub.f32 v50, v9;
	_ =	sdelay $0x1  }
0x404: {  	v3 =	vpop (erf);
	(erf) = vpow2.f32 v1;
	v1 =	vmul.f32 $1.442695020e+00, v2;
	v2 =	vsub.f32 v7, v9  }
0x405: {  	v52 =	vpop (erf)  }
0x406: {  	(erf) = vpow2.f32 v1;
	v1 =	vmul.f32 $1.442695020e+00, v2;
	v2 =	vadd.f32 v52, v3;
	_ =	sdelay $0x1  }
0x407: {  	v53 =	vpop (erf)  }
0x408: {  	(erf) = vpow2.f32 v1;
	v1 =	vadd.f32 v2, v53  }
0x409: {  	v2 =	vpop (erf)  }
0x40a: {  	v1 =	vadd.f32 v1, v2  }
0x40b: {  	v54 =	vpop (erf)  }
0x40c: {  	v1 =	vadd.f32 v1, v54  }
0x40d: {  	v55 =	vpop (erf)  }
0x40e: {  	v1 =	vadd.f32 v1, v55  }
0x40f: {  	v56 =	vpop (erf)  }
0x410: {  	v1 =	vadd.f32 v1, v56  }
0x411: {  	v57 =	vpop (erf)  }
0x412: {  	v1 =	vadd.f32 v1, v57;
	_ =	sdelay $0x1  }
0x413: {  	(erf) = vrcp.f32 v1;
	_ =	sdelay $0x8  }
0x414: {  	v1 =	vpop (erf)  }
0x415: {  	v1 =	vmul.f32 v1, v0;
	_ =	sdelay $0x1  }
0x416: {  	v3 =	vmul.f32 v1, v3;
	v4 =	vmul.f32 v1, v52  }
0x417: {  	v2 =	vmul.f32 v1, v2;
	v58 =	vmul.f32 v1, v55  }
0x418: {  	v5 =	vmul.f32 v1, v53;
	v3 =	vsub.f32 $0.0e+00, v3;
	[tilespmem:s31+$0x100C0] =	vst v4  }
0x419: {  	v59 =	vmul.f32 v1, v57;
	[tilespmem:s31+$0x101C0] =	vst v2;
	v2 =	vsub.f32 $0.0e+00, v58  }
0x41a: {  	[tilespmem:s31+$0x10040] =	vst v3;
	v3 =	vsub.f32 $0.0e+00, v5  }
0x41b: {  	[tilespmem:s31+$0x102C0] =	vst v2;
	v2 =	vsub.f32 $0.0e+00, v59  }
0x41c: {  	[tilespmem:s31+$0x10140] =	vst v3;
	v3 =	vmul.f32 v1, v54  }
0x41d: {  	v1 =	vmul.f32 v1, v56;
	[tilespmem:s31+$0x103C0] =	vst v2  }
0x41e: {  	[tilespmem:s31+$0x10240] =	vst v3  }
0x41f: {  	[tilespmem:s31+$0x10340] =	vst v1  }
0x420: {  	v1 =	vld.idx.msk [tilespmem:v60+s11+$0x0], $0xffff  }
0x421: {  	v2 =	vld.idx.msk [tilespmem:v62+s11+$0x0], $0xffff  }
0x422: {  	v3 =	vld.idx.msk [tilespmem:v61+s11+$0x0], $0xffff  }
0x423: {  	v63 =	vld.idx.msk [tilespmem:v63+s11+$0x0], $0xffff  }
0x424: {  	v23 =	vld.idx.msk [tilespmem:v11+s11+$0x0], $0xffff  }
0x425: {  	v24 =	vld.idx.msk [tilespmem:v10+s11+$0x0], $0xffff;
	v1 =	vsub.f32 $0.0e+00, v1  }
0x426: {  	v25 =	vld.idx.msk [tilespmem:v14+s11+$0x0], $0xffff;
	v2 =	vsub.f32 $0.0e+00, v2  }
0x427: {  	v26 =	vld.idx.msk [tilespmem:v13+s11+$0x0], $0xffff;
	v27 =	vmax.f32 v1, v3  }
0x428: {  	v9 =	vmax.f32 v27, v2  }
0x429: {  	v5 =	vsub.f32 $0.0e+00, v23;
	v9 =	vmax.f32 v9, v63  }
0x42a: {  	v9 =	vmax.f32 v9, v24  }
0x42b: {  	v7 =	vsub.f32 $0.0e+00, v25;
	v9 =	vmax.f32 v9, v5  }
0x42c: {  	v9 =	vmax.f32 v9, v26  }
0x42d: {  	v9 =	vmax.f32 v9, v7  }
0x42e: {  	v1 =	vsub.f32 v1, v9  }
0x42f: {  	v3 =	vsub.f32 v3, v9  }
0x430: {  	v1 =	vmul.f32 $1.442695020e+00, v1  }
0x431: {  	v2 =	vsub.f32 v2, v9;
	v3 =	vmul.f32 $1.442695020e+00, v3  }
0x432: {  	(erf) = vpow2.f32 v1  }
0x433: {  	v1 =	vmul.f32 $1.442695020e+00, v2;
	v2 =	vsub.f32 v63, v9;
	(erf) = vpow2.f32 v3;
	_ =	sdelay $0x1  }
0x434: {  	(erf) = vpow2.f32 v1;
	v1 =	vmul.f32 $1.442695020e+00, v2;
	v2 =	vsub.f32 v24, v9;
	_ =	sdelay $0x1  }
0x435: {  	(erf) = vpow2.f32 v1;
	v1 =	vmul.f32 $1.442695020e+00, v2;
	v2 =	vsub.f32 v5, v9;
	_ =	sdelay $0x1  }
0x436: {  	(erf) = vpow2.f32 v1;
	v1 =	vmul.f32 $1.442695020e+00, v2;
	v2 =	vsub.f32 v26, v9;
	_ =	sdelay $0x1  }
0x437: {  	v3 =	vpop (erf);
	(erf) = vpow2.f32 v1;
	v1 =	vmul.f32 $1.442695020e+00, v2;
	v2 =	vsub.f32 v7, v9  }
0x438: {  	v28 =	vpop (erf)  }
0x439: {  	(erf) = vpow2.f32 v1;
	v1 =	vmul.f32 $1.442695020e+00, v2;
	v2 =	vadd.f32 v28, v3;
	_ =	sdelay $0x1  }
0x43a: {  	v29 =	vpop (erf)  }
0x43b: {  	(erf) = vpow2.f32 v1;
	v1 =	vadd.f32 v2, v29  }
0x43c: {  	v2 =	vpop (erf)  }
0x43d: {  	v1 =	vadd.f32 v1, v2  }
0x43e: {  	v30 =	vpop (erf)  }
0x43f: {  	v1 =	vadd.f32 v1, v30  }
0x440: {  	v31 =	vpop (erf)  }
0x441: {  	v1 =	vadd.f32 v1, v31  }
0x442: {  	v32 =	vpop (erf)  }
0x443: {  	v1 =	vadd.f32 v1, v32  }
0x444: {  	v33 =	vpop (erf)  }
0x445: {  	v1 =	vadd.f32 v1, v33;
	_ =	sdelay $0x1  }
0x446: {  	(erf) = vrcp.f32 v1;
	_ =	sdelay $0x8  }
0x447: {  	v1 =	vpop (erf)  }
0x448: {  	v1 =	vmul.f32 v1, v0;
	_ =	sdelay $0x1  }
0x449: {  	v3 =	vmul.f32 v1, v3;
	v4 =	vmul.f32 v1, v28  }
0x44a: {  	v2 =	vmul.f32 v1, v2;
	v34 =	vmul.f32 v1, v31  }
0x44b: {  	v5 =	vmul.f32 v1, v29;
	v3 =	vsub.f32 $0.0e+00, v3;
	[tilespmem:s31+$0x100D0] =	vst v4  }
0x44c: {  	v35 =	vmul.f32 v1, v33;
	[tilespmem:s31+$0x101D0] =	vst v2;
	v2 =	vsub.f32 $0.0e+00, v34  }
0x44d: {  	[tilespmem:s31+$0x10050] =	vst v3;
	v3 =	vsub.f32 $0.0e+00, v5  }
0x44e: {  	[tilespmem:s31+$0x102D0] =	vst v2;
	v2 =	vsub.f32 $0.0e+00, v35  }
0x44f: {  	[tilespmem:s31+$0x10150] =	vst v3;
	v3 =	vmul.f32 v1, v30  }
0x450: {  	v1 =	vmul.f32 v1, v32;
	[tilespmem:s31+$0x103D0] =	vst v2  }
0x451: {  	[tilespmem:s31+$0x10250] =	vst v3  }
0x452: {  	[tilespmem:s31+$0x10350] =	vst v1  }
0x453: {  	v1 =	vld.idx.msk [tilespmem:v16+s11+$0x0], $0xffff  }
0x454: {  	v2 =	vld.idx.msk [tilespmem:v19+s11+$0x0], $0xffff  }
0x455: {  	v3 =	vld.idx.msk [tilespmem:v18+s11+$0x0], $0xffff  }
0x456: {  	v36 =	vld.idx.msk [tilespmem:v20+s11+$0x0], $0xffff  }
0x457: {  	v37 =	vld.idx.msk [tilespmem:v22+s11+$0x0], $0xffff  }
0x458: {  	v38 =	vld.idx.msk [tilespmem:v21+s11+$0x0], $0xffff;
	v1 =	vsub.f32 $0.0e+00, v1  }
0x459: {  	v39 =	vld.idx.msk [tilespmem:v15+s11+$0x0], $0xffff;
	v2 =	vsub.f32 $0.0e+00, v2  }
0x45a: {  	v40 =	vld.idx.msk [tilespmem:v12+s11+$0x0], $0xffff;
	v41 =	vmax.f32 v1, v3  }
0x45b: {  	v9 =	vmax.f32 v41, v2  }
0x45c: {  	v5 =	vsub.f32 $0.0e+00, v37;
	v9 =	vmax.f32 v9, v36  }
0x45d: {  	v9 =	vmax.f32 v9, v38  }
0x45e: {  	v7 =	vsub.f32 $0.0e+00, v39;
	v9 =	vmax.f32 v9, v5  }
0x45f: {  	v9 =	vmax.f32 v9, v40  }
0x460: {  	v9 =	vmax.f32 v9, v7  }
0x461: {  	v1 =	vsub.f32 v1, v9  }
0x462: {  	v3 =	vsub.f32 v3, v9  }
0x463: {  	v1 =	vmul.f32 $1.442695020e+00, v1  }
0x464: {  	v2 =	vsub.f32 v2, v9;
	v3 =	vmul.f32 $1.442695020e+00, v3  }
0x465: {  	(erf) = vpow2.f32 v1  }
0x466: {  	v1 =	vmul.f32 $1.442695020e+00, v2;
	v2 =	vsub.f32 v36, v9;
	(erf) = vpow2.f32 v3;
	_ =	sdelay $0x1  }
0x467: {  	(erf) = vpow2.f32 v1;
	v1 =	vmul.f32 $1.442695020e+00, v2;
	v2 =	vsub.f32 v38, v9;
	_ =	sdelay $0x1  }
0x468: {  	(erf) = vpow2.f32 v1;
	v1 =	vmul.f32 $1.442695020e+00, v2;
	v2 =	vsub.f32 v5, v9;
	_ =	sdelay $0x1  }
0x469: {  	(erf) = vpow2.f32 v1;
	v1 =	vmul.f32 $1.442695020e+00, v2;
	v2 =	vsub.f32 v40, v9;
	_ =	sdelay $0x1  }
0x46a: {  	v3 =	vpop (erf);
	(erf) = vpow2.f32 v1;
	v1 =	vmul.f32 $1.442695020e+00, v2;
	v2 =	vsub.f32 v7, v9  }
0x46b: {  	v42 =	vpop (erf)  }
0x46c: {  	(erf) = vpow2.f32 v1;
	v1 =	vmul.f32 $1.442695020e+00, v2;
	v2 =	vadd.f32 v42, v3;
	_ =	sdelay $0x1  }
0x46d: {  	v43 =	vpop (erf)  }
0x46e: {  	(erf) = vpow2.f32 v1;
	v1 =	vadd.f32 v2, v43  }
0x46f: {  	v2 =	vpop (erf)  }
0x470: {  	v1 =	vadd.f32 v1, v2  }
0x471: {  	v44 =	vpop (erf)  }
0x472: {  	v1 =	vadd.f32 v1, v44  }
0x473: {  	v45 =	vpop (erf)  }
0x474: {  	v1 =	vadd.f32 v1, v45  }
0x475: {  	v46 =	vpop (erf)  }
0x476: {  	v1 =	vadd.f32 v1, v46  }
0x477: {  	v47 =	vpop (erf)  }
0x478: {  	v1 =	vadd.f32 v1, v47;
	_ =	sdelay $0x1  }
0x479: {  	(erf) = vrcp.f32 v1;
	_ =	sdelay $0x8  }
0x47a: {  	v1 =	vpop (erf)  }
0x47b: {  	v1 =	vmul.f32 v1, v0;
	_ =	sdelay $0x1  }
0x47c: {  	v3 =	vmul.f32 v1, v3  }
0x47d: {  	v2 =	vmul.f32 v1, v2;
	v48 =	vmul.f32 v1, v45  }
0x47e: {  	v5 =	vmul.f32 v1, v43;
	v3 =	vsub.f32 $0.0e+00, v3  }
0x47f: {  	v49 =	vmul.f32 v1, v47;
	[tilespmem:s31+$0x101E0] =	vst v2;
	v2 =	vsub.f32 $0.0e+00, v48  }
0x480: {  	[tilespmem:s31+$0x10060] =	vst v3;
	v3 =	vsub.f32 $0.0e+00, v5  }
0x481: {  	[tilespmem:s31+$0x102E0] =	vst v2;
	v2 =	vsub.f32 $0.0e+00, v49  }
0x482: {  	[tilespmem:s31+$0x10160] =	vst v3;
	v3 =	vmul.f32 v1, v44  }
0x483: {  	[tilespmem:s31+$0x103E0] =	vst v2;
	v2 =	vld [tilespmem:$0x1FF70]  }
0x484: {  	[tilespmem:s31+$0x10260] =	vst v3;
	v3 =	vld [tilespmem:$0x1FF60]  }
0x485: {  	v50 =	vld [tilespmem:$0x1FF80]  }
0x486: {  	v51 =	vld [tilespmem:$0x1FFA0];
	v4 =	vmul.f32 v1, v42  }
0x487: {  	v52 =	vld [tilespmem:$0x1FF90];
	v1 =	vmul.f32 v1, v46  }
0x488: {  	v53 =	vld [tilespmem:$0x1FFC0];
	[tilespmem:s31+$0x100E0] =	vst v4  }
0x489: {  	v54 =	vld [tilespmem:$0x1FFB0];
	[tilespmem:s31+$0x10360] =	vst v1  }
0x48a: {  	v1 =	vld.idx.msk [tilespmem:v17+s11+$0x0], $0xffff  }
0x48b: {  	v2 =	vld.idx.msk [tilespmem:v2+s11+$0x0], $0xffff  }
0x48c: {  	v3 =	vld.idx.msk [tilespmem:v3+s11+$0x0], $0xffff  }
0x48d: {  	v4 =	vld.idx.msk [tilespmem:v50+s11+$0x0], $0xffff  }
0x48e: {  	v5 =	vld.idx.msk [tilespmem:v51+s11+$0x0], $0xffff  }
0x48f: {  	v6 =	vld.idx.msk [tilespmem:v52+s11+$0x0], $0xffff;
	v1 =	vsub.f32 $0.0e+00, v1  }
0x490: {  	v7 =	vld.idx.msk [tilespmem:v53+s11+$0x0], $0xffff;
	v2 =	vsub.f32 $0.0e+00, v2  }
0x491: {  	v8 =	vld.idx.msk [tilespmem:v54+s11+$0x0], $0xffff;
	v55 =	vmax.f32 v1, v3  }
0x492: {  	v9 =	vmax.f32 v55, v2  }
0x493: {  	v5 =	vsub.f32 $0.0e+00, v5;
	v9 =	vmax.f32 v9, v4  }
0x494: {  	v9 =	vmax.f32 v9, v6  }
0x495: {  	v7 =	vsub.f32 $0.0e+00, v7;
	v9 =	vmax.f32 v9, v5  }
0x496: {  	v9 =	vmax.f32 v9, v8  }
0x497: {  	v9 =	vmax.f32 v9, v7  }
0x498: {  	v1 =	vsub.f32 v1, v9  }
0x499: {  	v3 =	vsub.f32 v3, v9  }
0x49a: {  	v1 =	vmul.f32 $1.442695020e+00, v1  }
0x49b: {  	v2 =	vsub.f32 v2, v9;
	v3 =	vmul.f32 $1.442695020e+00, v3  }
0x49c: {  	(erf) = vpow2.f32 v1  }
0x49d: {  	v1 =	vmul.f32 $1.442695020e+00, v2;
	v2 =	vsub.f32 v4, v9;
	(erf) = vpow2.f32 v3;
	_ =	sdelay $0x1  }
0x49e: {  	(erf) = vpow2.f32 v1;
	v1 =	vmul.f32 $1.442695020e+00, v2;
	v2 =	vsub.f32 v6, v9;
	_ =	sdelay $0x1  }
0x49f: {  	(erf) = vpow2.f32 v1;
	v1 =	vmul.f32 $1.442695020e+00, v2;
	v2 =	vsub.f32 v5, v9;
	_ =	sdelay $0x1  }
0x4a0: {  	(erf) = vpow2.f32 v1;
	v1 =	vmul.f32 $1.442695020e+00, v2;
	v2 =	vsub.f32 v8, v9;
	_ =	sdelay $0x1  }
0x4a1: {  	v3 =	vpop (erf);
	(erf) = vpow2.f32 v1;
	v1 =	vmul.f32 $1.442695020e+00, v2;
	v2 =	vsub.f32 v7, v9  }
0x4a2: {  	v56 =	vpop (erf)  }
0x4a3: {  	(erf) = vpow2.f32 v1;
	v1 =	vmul.f32 $1.442695020e+00, v2;
	v2 =	vadd.f32 v56, v3;
	_ =	sdelay $0x1  }
0x4a4: {  	v57 =	vpop (erf)  }
0x4a5: {  	(erf) = vpow2.f32 v1;
	v1 =	vadd.f32 v2, v57  }
0x4a6: {  	v2 =	vpop (erf)  }
0x4a7: {  	v1 =	vadd.f32 v1, v2  }
0x4a8: {  	v58 =	vpop (erf)  }
0x4a9: {  	v1 =	vadd.f32 v1, v58  }
0x4aa: {  	v59 =	vpop (erf)  }
0x4ab: {  	v1 =	vadd.f32 v1, v59  }
0x4ac: {  	v60 =	vpop (erf)  }
0x4ad: {  	v1 =	vadd.f32 v1, v60  }
0x4ae: {  	v61 =	vpop (erf)  }
0x4af: {  	v1 =	vadd.f32 v1, v61;
	_ =	sdelay $0x1  }
0x4b0: {  	(erf) = vrcp.f32 v1;
	_ =	sdelay $0x8  }
0x4b1: {  	v1 =	vpop (erf)  }
0x4b2: {  	v1 =	vmul.f32 v1, v0;
	_ =	sdelay $0x1  }
0x4b3: {  	v3 =	vmul.f32 v1, v3;
	v4 =	vmul.f32 v1, v56  }
0x4b4: {  	v2 =	vmul.f32 v1, v2;
	v62 =	vmul.f32 v1, v59  }
0x4b5: {  	v5 =	vmul.f32 v1, v57;
	v3 =	vsub.f32 $0.0e+00, v3;
	[tilespmem:s31+$0x100F0] =	vst v4  }
0x4b6: {  	v63 =	vmul.f32 v1, v61;
	[tilespmem:s31+$0x101F0] =	vst v2;
	v2 =	vsub.f32 $0.0e+00, v62  }
0x4b7: {  	p0 =	por p1, p1;
	[tilespmem:s31+$0x10070] =	vst v3;
	v3 =	vsub.f32 $0.0e+00, v5  }
.Ltmp0:
0x4b8: {  	[tilespmem:s31+$0x102F0] =	vst v2;
	v2 =	vsub.f32 $0.0e+00, v63;
	(pc) =	sbr.rel @!p0 .LBB2_2-.Ltmp0, $4  }
0x4b9: {  	[tilespmem:s31+$0x10170] =	vst v3;
	v3 =	vmul.f32 v1, v58  }
0x4ba: {  	v1 =	vmul.f32 v1, v60;
	[tilespmem:s31+$0x103F0] =	vst v2  }
0x4bb: {  	[tilespmem:s31+$0x10270] =	vst v3  }
0x4bc: {  	s16 =	simm.s32 $0x2000;
	s17 =	sadd.s32 s30, s6;
	p1 =	por $0x1, $0x1;
	[tilespmem:s31+$0x10370] =	vst v1  }
0x4bd: {  	s15 =	sadd.s32 $0x1, s15  }
0x4be: {  	p0 =	sne.s32 s15, s8  }
.Ltmp1:
0x4bf: {  	_ = 	snop;
	(pc) =	sbr.rel @p0 .LBB2_1-.Ltmp1, $4  }
0x4c0: {  	[hbm4b:s7+s3] =	stream.linear.scatter [tilespmem:s14], [sflag:$0x3], $0x1000, $0x38;
	[tilespmem:$0x11010] =	vst v63  }
0x4c1: {  	_ =	swait.ge [sflag:s10], $0x1000  }
0x4c2: {  	[sflag:s10] =	ssyncset.done $0x0  }
0x4c3: {  	[sflag:s10] =	ssyncadd.s32 $0xFFFFF000  }
0x4c4: {  	_ =	sfence.sel $0x180000  }
0x4c5: {  	[bflag:$0x0] =	sbarrier.arrive $0xFFFF  }
0x4c6: {  	p0 =	sne.s32 s2, $0x0;
	_ =	strace $0x90000047  }
0x4c7: {  	s0 =	sadd.s32 @!p0 $0x100000, s1;
	[bflag:$0x2] =	sbarrier.arrive $0xFFFF  }
0x4c8: {  	[sflag:s0] =	ssyncadd.tile.s32 @!p0 $0x1;
	_ =	shalt  }
.Lfunc_end2:
_tile_overlayer_lowered:
.L_overlay_start_2:
0x4c9: {  	(tag) =	ssettag $0x2  }
0x4ca: {  	s0 =	rddreg [dreg:$0x0];
	s2 =	stileid.u32  }
0x4cb: {  	s1 =	rddreg [dreg:$0x1];
	p0 =	sne.s32 s2, $0x0  }
0x4cc: {  	s3 =	rddreg [dreg:$0x2];
	[bflag:$0x3] =	sbarrier.arrive $0xFFFF;
	s2 =	simm.s32 @!p0 $0x1C03  }
0x4cd: {  	[timem:s3], [sflag:s2] =	dma.local @!p0 [hbm:s0], s1  }
0x4ce: {  	s0 =	simm.s32 @!p0 $0x3  }
0x4cf: {  	_ =	swait.ge @!p0 [sflag:s0], s1  }
0x4d0: {  	s1 =	ssub.s32 @!p0 $0x0, s1;
	[sflag:s0] =	ssyncset.done @!p0 $0x0  }
0x4d1: {  	[sflag:s0] =	ssyncadd.s32 @!p0 s1  }
0x4d2: {  	[bflag:$0x3] =	sbarrier.arrive $0xFFFF  }
0x4d3: {  	_ =	shalt  }

</sc_bundles>
